<compile_context>
chip_gen: v7x
topology: tpu7x:2x2x1
jax: 0.10.2.dev20260603
libtpu: 0.0.44.dev20260713+nightly
codegen_flags: <defaults>
</compile_context>

<pallas_src>
import jax
import jax.numpy as jnp
from jax import lax
from jax.experimental import pallas as pl
from jax.experimental.pallas import tpu as pltpu
from jax.experimental.pallas import tpu_sc as plsc

_N = 10000
_E = 320000
_D = 128
_H = 128
_OUT = 2
_EPS = 1e-5

_NC = 2
_NS = 16
_NW = _NC * _NS
_BB = 80
_GB = 25
_NG = 5
_SCRAP = 16
_RPTA = 640
_ZCH = 64
_ZTAIL = _N % _ZCH
_CCH = 80
_DEGW = 16
_LANE = 16


def _make_agg():
  mesh = plsc.VectorSubcoreMesh(core_axis_name="c", subcore_axis_name="s")
  scratch = [
      pltpu.VMEM((_GB, _BB), jnp.int32),
      pltpu.VMEM((_GB, _BB), jnp.int32),
      pltpu.VMEM((_BB, _H), jnp.float32),
      pltpu.VMEM((_BB, _H), jnp.float32),
      pltpu.VMEM((_ZCH, _H), jnp.float32),
      pltpu.VMEM_SHARED((_N + _SCRAP, _H), jnp.float32),
      pltpu.SemaphoreType.DMA,
      pltpu.SemaphoreType.DMA,
  ]

  def body(h_hbm, src_hbm, dst_hbm, out_s, srcv, dstv, rowsa, rowsb, zbuf,
           acc, sema, semb):
    c = lax.axis_index("c")
    s = lax.axis_index("s")
    wid = c * _NS + s
    z16 = jnp.zeros((_LANE,), jnp.float32)

    def zrow(k, carry):
      i = k // (_H // _LANE)
      j = k - i * (_H // _LANE)
      zbuf[i, pl.ds(j * _LANE, _LANE)] = z16
      return carry

    lax.fori_loop(0, _ZCH * (_H // _LANE), zrow, 0)

    rbase = s * _RPTA
    for t in range(_RPTA // _ZCH):
      r = rbase + t * _ZCH

      @pl.when(r + _ZCH <= _N)
      def _():
        pltpu.sync_copy(zbuf, acc.at[pl.ds(r, _ZCH)])

      @pl.when(jnp.logical_and(r < _N, r + _ZCH > _N))
      def _():
        pltpu.sync_copy(zbuf.at[pl.ds(0, _ZTAIL)], acc.at[pl.ds(r, _ZTAIL)])

    plsc.subcore_barrier()

    def group(g, carry):
      pltpu.sync_copy(src_hbm.at[wid, g], srcv)
      pltpu.sync_copy(dst_hbm.at[wid, g], dstv)
      pltpu.async_copy(h_hbm.at[srcv.at[0]], rowsa, sema)

      def pair(p, carry2):
        j0 = 2 * p
        pltpu.async_copy(h_hbm.at[srcv.at[j0 + 1]], rowsb, semb)
        pltpu.make_async_copy(h_hbm.at[srcv.at[j0]], rowsa, sema).wait()
        pltpu.sync_copy(rowsa, acc.at[dstv.at[j0]], add=True)
        pltpu.async_copy(h_hbm.at[srcv.at[j0 + 2]], rowsa, sema)
        pltpu.make_async_copy(h_hbm.at[srcv.at[j0 + 1]], rowsb, semb).wait()
        pltpu.sync_copy(rowsb, acc.at[dstv.at[j0 + 1]], add=True)
        return carry2

      lax.fori_loop(0, _GB // 2, pair, 0)
      pltpu.make_async_copy(h_hbm.at[srcv.at[_GB - 1]], rowsa, sema).wait()
      pltpu.sync_copy(rowsa, acc.at[dstv.at[_GB - 1]], add=True)
      return carry

    lax.fori_loop(0, _NG, group, 0)

    plsc.subcore_barrier()

    def copy_out(j, carry):
      r = rbase + j * _CCH

      @pl.when(r < _N)
      def _():
        pltpu.sync_copy(acc.at[pl.ds(r, _CCH)], out_s.at[c, pl.ds(r, _CCH)])

      return carry

    lax.fori_loop(0, _RPTA // _CCH, copy_out, 0)

  return pl.kernel(
      body,
      out_type=jax.ShapeDtypeStruct((_NC, _N, _H), jnp.float32),
      mesh=mesh,
      scratch_types=scratch,
  )


def _make_deg():
  mesh = plsc.VectorSubcoreMesh(core_axis_name="c", subcore_axis_name="s")
  scratch = [
      pltpu.VMEM((_GB, _BB), jnp.int32),
      pltpu.VMEM((_BB, _H), jnp.float32),
      pltpu.VMEM((_ZCH, _H), jnp.float32),
      pltpu.VMEM_SHARED((_N + _SCRAP, _H), jnp.float32),
  ]

  def body(dst_hbm, out_d, dstv, onesv, zbuf, accd):
    c = lax.axis_index("c")
    s = lax.axis_index("s")
    wid = c * _NS + s
    z16 = jnp.zeros((_LANE,), jnp.float32)
    one16 = jnp.ones((_LANE,), jnp.float32)

    def fillrow(k, carry):
      i = k // (_H // _LANE)
      j = k - i * (_H // _LANE)
      onesv[i, pl.ds(j * _LANE, _LANE)] = one16
      return carry

    lax.fori_loop(0, _BB * (_H // _LANE), fillrow, 0)

    def zrow(k, carry):
      i = k // (_H // _LANE)
      j = k - i * (_H // _LANE)
      zbuf[i, pl.ds(j * _LANE, _LANE)] = z16
      return carry

    lax.fori_loop(0, _ZCH * (_H // _LANE), zrow, 0)

    rbase = s * _RPTA
    for t in range(_RPTA // _ZCH):
      r = rbase + t * _ZCH

      @pl.when(r + _ZCH <= _N)
      def _():
        pltpu.sync_copy(zbuf, accd.at[pl.ds(r, _ZCH)])

      @pl.when(jnp.logical_and(r < _N, r + _ZCH > _N))
      def _():
        pltpu.sync_copy(zbuf.at[pl.ds(0, _ZTAIL)], accd.at[pl.ds(r, _ZTAIL)])

    plsc.subcore_barrier()

    def group(g, carry):
      pltpu.sync_copy(dst_hbm.at[wid, g], dstv)

      def step(j, carry2):
        pltpu.sync_copy(onesv, accd.at[dstv.at[j]], add=True)
        return carry2

      lax.fori_loop(0, _GB, step, 0)
      return carry

    lax.fori_loop(0, _NG, group, 0)

    plsc.subcore_barrier()

    def copy_out(j, carry):
      r = rbase + j * _CCH

      @pl.when(r < _N)
      def _():
        pltpu.sync_copy(accd.at[pl.ds(r, _CCH)], out_d.at[c, pl.ds(r, _CCH)])

      return carry

    lax.fori_loop(0, _RPTA // _CCH, copy_out, 0)

  return pl.kernel(
      body,
      out_type=jax.ShapeDtypeStruct((_NC, _N, _H), jnp.float32),
      mesh=mesh,
      scratch_types=scratch,
  )


_sc_cache = {}


def _agg(h, src, dst):
  if "agg" not in _sc_cache:
    _sc_cache["agg"] = _make_agg()
  return _sc_cache["agg"](h, src, dst)


def _deg(dst):
  if "deg" not in _sc_cache:
    _sc_cache["deg"] = _make_deg()
  return _sc_cache["deg"](dst)


_NBLK = 1000


def _deg_inv(d):
  dsum = jnp.sum(d[...], axis=-1, keepdims=True) * (1.0 / _DEGW)
  return 1.0 / jnp.maximum(dsum, 1.0)


def _layer_body(s0, s1, d, h, wl, wr, cc, out):
  agg = (s0[0] + s1[0]) * _deg_inv(d)
  z = (jnp.dot(agg, wl[...], preferred_element_type=jnp.float32)
       + jnp.dot(h[...], wr[...], preferred_element_type=jnp.float32)
       + cc[...])
  out[...] = jnp.maximum(z, 0.0)


def _layer2_body(s0, s1, d, h, wl, wr, cc, wc, bc, out_h, out_o):
  agg = (s0[0] + s1[0]) * _deg_inv(d)
  z = (jnp.dot(agg, wl[...], preferred_element_type=jnp.float32)
       + jnp.dot(h[...], wr[...], preferred_element_type=jnp.float32)
       + cc[...])
  out_h[...] = z
  out_o[...] = jnp.dot(z, wc[...], preferred_element_type=jnp.float32) + bc[...]


def _common_specs():
  return [
      pl.BlockSpec((1, _NBLK, _H), lambda i: (0, i, 0)),
      pl.BlockSpec((1, _NBLK, _H), lambda i: (1, i, 0)),
      pl.BlockSpec((_NBLK, _NC * _DEGW), lambda i: (i, 0)),
      pl.BlockSpec((_NBLK, _H), lambda i: (i, 0)),
      pl.BlockSpec((_H, _H), lambda i: (0, 0)),
      pl.BlockSpec((_H, _H), lambda i: (0, 0)),
      pl.BlockSpec((1, _H), lambda i: (0, 0)),
  ]


def _run_layer(s, degt, h, wl, wr, cc):
  return pl.pallas_call(
      _layer_body,
      grid=(_N // _NBLK,),
      in_specs=_common_specs(),
      out_specs=pl.BlockSpec((_NBLK, _H), lambda i: (i, 0)),
      out_shape=jax.ShapeDtypeStruct((_N, _H), jnp.float32),
  )(s, s, degt, h, wl, wr, cc)


def _run_layer2(s, degt, h, wl, wr, cc, wc, bc):
  return pl.pallas_call(
      _layer2_body,
      grid=(_N // _NBLK,),
      in_specs=_common_specs() + [
          pl.BlockSpec((_H, _H), lambda i: (0, 0)),
          pl.BlockSpec((1, _H), lambda i: (0, 0)),
      ],
      out_specs=[
          pl.BlockSpec((_NBLK, _H), lambda i: (i, 0)),
          pl.BlockSpec((_NBLK, _H), lambda i: (i, 0)),
      ],
      out_shape=[
          jax.ShapeDtypeStruct((_N, _H), jnp.float32),
          jax.ShapeDtypeStruct((_N, _H), jnp.float32),
      ],
  )(s, s, degt, h, wl, wr, cc, wc, bc)


def kernel(x, edge_index, Wl0, bl0, Wr0, g0, b0, Wl1, bl1, Wr1, g1, b1,
           Wl2, bl2, Wr2, g2, b2, Wc, bc):
  src = edge_index[0].reshape(_NW, _NG, _GB, _BB)
  dst = edge_index[1].reshape(_NW, _NG, _GB, _BB)
  bn_scale = 1.0 / jnp.sqrt(1.0 + _EPS)

  def fold(Wl, bl, Wr, g, b):
    sc = g * bn_scale
    return Wl * sc[None, :], Wr * sc[None, :], (bl * sc + b).reshape(1, _H)

  wl0, wr0, c0 = fold(Wl0, bl0, Wr0, g0, b0)
  wl1, wr1, c1 = fold(Wl1, bl1, Wr1, g1, b1)
  wl2, wr2, c2 = fold(Wl2, bl2, Wr2, g2, b2)
  wcp = jnp.pad(Wc, ((0, 0), (0, _H - _OUT)))
  bcp = jnp.pad(bc, (0, _H - _OUT)).reshape(1, _H)

  deg = _deg(dst)
  degt = jnp.concatenate([deg[0, :, :_DEGW], deg[1, :, :_DEGW]], axis=-1)
  s0 = _agg(x, src, dst)
  h1 = _run_layer(s0, degt, x, wl0, wr0, c0)
  s1 = _agg(h1, src, dst)
  h2 = _run_layer(s1, degt, h1, wl1, wr1, c1)
  s2 = _agg(h2, src, dst)
  h3, outp = _run_layer2(s2, degt, h2, wl2, wr2, c2, wcp, bcp)
  return outp[:, :_OUT], h3

# --- scband reference (transcript-rebuilt; emitter-appended) ---
"""Pipeline reference for scband-graph-sage-51891794870978 (READ-ONLY COPY).

The authoritative reference and input builder live on the scoring server;
editing this copy changes nothing except your own understanding.
"""

import jax, jax.numpy as jnp
import numpy as np

N = 10000
E = 320000
D = 128
H = 128
OUT = 2
EPS = 1e-5


def _lin(k, fan_in, fan_out):
    bound = 1.0 / np.sqrt(fan_in)
    return jax.random.uniform(k, (fan_in, fan_out), minval=-bound, maxval=bound, dtype=jnp.float32)


def _bias(k, fan_in, fan_out):
    bound = 1.0 / np.sqrt(fan_in)
    return jax.random.uniform(k, (fan_out,), minval=-bound, maxval=bound, dtype=jnp.float32)


def setup_inputs(seed: int = 0):
    key = jax.random.key(seed)
    ks = jax.random.split(key, 16)
    x = jax.random.normal(ks[0], (N, D), dtype=jnp.float32)
    edge_index = jax.random.randint(ks[1], (2, E), 0, N, dtype=jnp.int32)
    inp = {"x": x, "edge_index": edge_index}
    # SAGEConv layer 0: D -> H (lin_l with bias, lin_r without bias)
    inp["Wl0"] = _lin(ks[2], D, H)
    inp["bl0"] = _bias(ks[3], D, H)
    inp["Wr0"] = _lin(ks[4], D, H)
    inp["g0"] = jnp.ones((H,), jnp.float32)
    inp["b0"] = jnp.zeros((H,), jnp.float32)
    # SAGEConv layer 1: H -> H
    inp["Wl1"] = _lin(ks[5], H, H)
    inp["bl1"] = _bias(ks[6], H, H)
    inp["Wr1"] = _lin(ks[7], H, H)
    inp["g1"] = jnp.ones((H,), jnp.float32)
    inp["b1"] = jnp.zeros((H,), jnp.float32)
    # SAGEConv layer 2: H -> H
    inp["Wl2"] = _lin(ks[8], H, H)
    inp["bl2"] = _bias(ks[9], H, H)
    inp["Wr2"] = _lin(ks[10], H, H)
    inp["g2"] = jnp.ones((H,), jnp.float32)
    inp["b2"] = jnp.zeros((H,), jnp.float32)
    # classifier H -> OUT
    inp["Wc"] = _lin(ks[11], H, OUT)
    inp["bc"] = _bias(ks[12], H, OUT)
    return inp


def _sage_conv(x, src, dst, Wl, bl, Wr):
    # PyG SAGEConv, aggr='mean': out = lin_l(mean_{j in N(i)} x_j) + lin_r(x_i)
    msg = jnp.take(x, src, axis=0)
    agg = jax.ops.segment_sum(msg, dst, num_segments=N)
    deg = jax.ops.segment_sum(jnp.ones((src.shape[0],), jnp.float32), dst, num_segments=N)
    agg = agg / jnp.clip(deg, 1.0)[:, None]
    return agg @ Wl + bl + x @ Wr


def _bn_eval(x, g, b):
    # BatchNorm1d eval mode with default running stats (mean=0, var=1)
    return (x - 0.0) / jnp.sqrt(1.0 + EPS) * g + b


def reference(x, edge_index, Wl0, bl0, Wr0, g0, b0, Wl1, bl1, Wr1, g1, b1, Wl2, bl2, Wr2, g2, b2, Wc, bc):
    src = edge_index[0]
    dst = edge_index[1]
    h = _sage_conv(x, src, dst, Wl0, bl0, Wr0)
    h = _bn_eval(h, g0, b0)
    h = jax.nn.relu(h)
    # dropout is identity in eval mode
    h = _sage_conv(h, src, dst, Wl1, bl1, Wr1)
    h = _bn_eval(h, g1, b1)
    h = jax.nn.relu(h)
    h = _sage_conv(h, src, dst, Wl2, bl2, Wr2)
    h = _bn_eval(h, g2, b2)
    embeddings = h
    out = h @ Wc + bc
    return (out, embeddings)

if __name__ == "__main__":
    import jax
    _d = setup_inputs()
    print(jax.jit(kernel)(*tuple(_d.values())))

</pallas_src>

<mosaic_0001>
#map = affine_map<(d0, d1) -> (0, 0)>
#map1 = affine_map<(d0, d1) -> (0, 0, 0, 0)>
#map2 = affine_map<(d0, d1) -> (0, 0, 0)>
module attributes {stable_mosaic.version = 14 : i64} {
  func.func @body(%arg0: i32, %arg1: i32, %arg2: memref<10000x128xf32, #tpu.memory_space<hbm>>, %arg3: memref<32x5x25x80xi32, #tpu.memory_space<hbm>>, %arg4: memref<32x5x25x80xi32, #tpu.memory_space<hbm>>, %arg5: memref<2x10000x128xf32, #tpu.memory_space<hbm>>, %arg6: memref<25x80xi32, #tpu.memory_space<vmem>>, %arg7: memref<25x80xi32, #tpu.memory_space<vmem>>, %arg8: memref<80x128xf32, #tpu.memory_space<vmem>>, %arg9: memref<80x128xf32, #tpu.memory_space<vmem>>, %arg10: memref<64x128xf32, #tpu.memory_space<vmem>>, %arg11: memref<10016x128xf32, #tpu.memory_space<vmem_shared>>, %arg12: memref<!tpu.dma_semaphore, #tpu.memory_space<semaphore_mem>>, %arg13: memref<!tpu.dma_semaphore, #tpu.memory_space<semaphore_mem>>) attributes {dimension_semantics = [#tpu.dimension_semantics<core_parallel>, #tpu.dimension_semantics<subcore_parallel>], iteration_bounds = array<i64: 2, 16>, scalar_prefetch = 0 : i64, scratch_operands = 8 : i64, tpu.core_type = #tpu.core_type<sc_vector_subcore>, window_params = [{transform_indices = #map}, {transform_indices = #map1}, {transform_indices = #map1}, {transform_indices = #map2}]} {
    %mul3A = arith.constant 16 : i32
    %mul3A_0 = arith.muli %arg0, %mul3A : i32
    %add3A = arith.addi %mul3A_0, %arg1 : i32
    %broadcast_in_dim3A = arith.constant 0.000000e+00 : f32
    %broadcast_in_dim3A_1 = vector.broadcast %broadcast_in_dim3A : f32 to vector<16xf32>
    %scan3A = arith.constant 0 : i32
    %scan3A_2 = arith.constant 0 : i32
    %scan3A_3 = arith.constant 512 : i32
    %scan3A_4 = arith.addi %scan3A_2, %scan3A_3 : i32
    %scan3A_5 = arith.constant 1 : i32
    scf.for %scan3A_206 = %scan3A_2 to %scan3A_4 step %scan3A_5  : i32 {
      %jit3A = arith.constant 8 : i32
      %div3A = arith.divsi %scan3A_206, %jit3A : i32
      %sign3A = arith.constant 0 : i32
      %sign3A_207 = arith.cmpi sgt, %scan3A_206, %sign3A : i32
      %sign3A_208 = arith.extui %sign3A_207 : i1 to i32
      %sign3A_209 = arith.constant 0 : i32
      %sign3A_210 = arith.cmpi slt, %scan3A_206, %sign3A_209 : i32
      %sign3A_211 = arith.extui %sign3A_210 : i1 to i32
      %sign3A_212 = arith.subi %sign3A_208, %sign3A_211 : i32
      %sign3A_213 = arith.constant 0 : i32
      %sign3A_214 = arith.cmpi sgt, %jit3A, %sign3A_213 : i32
      %sign3A_215 = arith.extui %sign3A_214 : i1 to i32
      %sign3A_216 = arith.constant 0 : i32
      %sign3A_217 = arith.cmpi slt, %jit3A, %sign3A_216 : i32
      %sign3A_218 = arith.extui %sign3A_217 : i1 to i32
      %sign3A_219 = arith.subi %sign3A_215, %sign3A_218 : i32
      %ne3A = arith.cmpi ne, %sign3A_212, %sign3A_219 : i32
      %rem3A = arith.remsi %scan3A_206, %jit3A : i32
      %ne3A_220 = arith.constant 0 : i32
      %ne3A_221 = arith.cmpi ne, %rem3A, %ne3A_220 : i32
      %and3A_222 = arith.andi %ne3A, %ne3A_221 : i1
      %sub3A = arith.constant 1 : i32
      %sub3A_223 = arith.subi %div3A, %sub3A : i32
      %select_n3A = arith.select %and3A_222, %sub3A_223, %div3A : i32
      %mul3A_224 = arith.constant 8 : i32
      %mul3A_225 = arith.muli %select_n3A, %mul3A_224 : i32
      %sub3A_226 = arith.subi %scan3A_206, %mul3A_225 : i32
      %mul3A_227 = arith.constant 16 : i32
      %mul3A_228 = arith.muli %sub3A_226, %mul3A_227 : i32
      %swap3A = arith.index_cast %select_n3A : i32 to index
      %swap3A_229 = arith.index_cast %mul3A_228 : i32 to index
      %swap3A_230 = tpu.vector_load %arg10[%swap3A, %swap3A_229] {strides = array<i32>} : memref<64x128xf32, #tpu.memory_space<vmem>>, vector<1x16xf32>,
      %swap3A_231 = vector.shape_cast %swap3A_230 : vector<1x16xf32> to vector<16xf32>
      %swap3A_232 = vector.shape_cast %broadcast_in_dim3A_1 : vector<16xf32> to vector<1x16xf32>
      tpu.vector_store %arg10[%swap3A, %swap3A_229], %swap3A_232 {strides = array<i32>} : memref<64x128xf32, #tpu.memory_space<vmem>>, vector<1x16xf32>,
    }
    %scan3A_6 = arith.constant 512 : i32
    %mul3A_7 = arith.constant 640 : i32
    %mul3A_8 = arith.muli %arg1, %mul3A_7 : i32
    %add3A_9 = arith.constant 0 : i32
    %add3A_10 = arith.addi %mul3A_8, %add3A_9 : i32
    %add3A_11 = arith.constant 64 : i32
    %add3A_12 = arith.addi %add3A_10, %add3A_11 : i32
    %le3A = arith.constant 10000 : i32
    %le3A_13 = arith.cmpi sle, %add3A_12, %le3A : i32
    %convert_element_type3A = arith.extui %le3A_13 : i1 to i32
    %cond3A = arith.constant 0 : i32
    %cond3A_14 = arith.cmpi ne, %convert_element_type3A, %cond3A : i32
    scf.if %cond3A_14 {
      "tpu.region"() ({
        %run_scoped3A = tpu.sem_alloc : memref<!tpu.dma_semaphore, #tpu.memory_space<semaphore_mem>>
        %dma_start3A = arith.constant 0 : i32
        %dma_start3A_206 = tpu.memref_slice %arg11[%add3A_10, %dma_start3A] : memref<10016x128xf32, #tpu.memory_space<vmem_shared>> -> memref<64x128xf32, #tpu.memory_space<vmem_shared>>
        %dma_start3A_207 = arith.constant 0 : i32
        %dma_start3A_208 = tpu.memref_slice %arg11[%add3A_10, %dma_start3A_207] : memref<10016x128xf32, #tpu.memory_space<vmem_shared>> -> memref<64x128xf32, #tpu.memory_space<vmem_shared>>
        tpu.enqueue_dma source(%arg10 : memref<64x128xf32, #tpu.memory_space<vmem>>) target(%dma_start3A_208 : memref<64x128xf32, #tpu.memory_space<vmem_shared>>) target_semaphore(%run_scoped3A : memref<!tpu.dma_semaphore, #tpu.memory_space<semaphore_mem>>)
        %dma_wait3A = arith.constant 0 : i32
        %dma_wait3A_209 = tpu.memref_slice %arg11[%add3A_10, %dma_wait3A] : memref<10016x128xf32, #tpu.memory_space<vmem_shared>> -> memref<64x128xf32, #tpu.memory_space<vmem_shared>>
        %dma_wait3A_210 = arith.constant 0 : i32
        %dma_wait3A_211 = tpu.memref_slice %arg11[%add3A_10, %dma_wait3A_210] : memref<10016x128xf32, #tpu.memory_space<vmem_shared>> -> memref<64x128xf32, #tpu.memory_space<vmem_shared>>
        tpu.wait_dma2 semaphore(%run_scoped3A : memref<!tpu.dma_semaphore, #tpu.memory_space<semaphore_mem>>) src(%arg10 : memref<64x128xf32, #tpu.memory_space<vmem>>) dst(%dma_wait3A_211 : memref<64x128xf32, #tpu.memory_space<vmem_shared>>)
        tpu.yield
      }) : () -> ()
    } else {
    }
    %lt3A = arith.constant 10000 : i32
    %lt3A_15 = arith.cmpi slt, %add3A_10, %lt3A : i32
    %add3A_16 = arith.constant 64 : i32
    %add3A_17 = arith.addi %add3A_10, %add3A_16 : i32
    %gt3A = arith.constant 10000 : i32
    %gt3A_18 = arith.cmpi sgt, %add3A_17, %gt3A : i32
    %and3A = arith.andi %lt3A_15, %gt3A_18 : i1
    %convert_element_type3A_19 = arith.extui %and3A : i1 to i32
    %cond3A_20 = arith.constant 0 : i32
    %cond3A_21 = arith.cmpi ne, %convert_element_type3A_19, %cond3A_20 : i32
    scf.if %cond3A_21 {
      "tpu.region"() ({
        %run_scoped3A = tpu.sem_alloc : memref<!tpu.dma_semaphore, #tpu.memory_space<semaphore_mem>>
        %dma_start3A = arith.constant 0 : i32
        %dma_start3A_206 = arith.constant 0 : i32
        %dma_start3A_207 = tpu.memref_slice %arg10[%dma_start3A, %dma_start3A_206] : memref<64x128xf32, #tpu.memory_space<vmem>> -> memref<16x128xf32, #tpu.memory_space<vmem>>
        %dma_start3A_208 = arith.constant 0 : i32
        %dma_start3A_209 = tpu.memref_slice %arg11[%add3A_10, %dma_start3A_208] : memref<10016x128xf32, #tpu.memory_space<vmem_shared>> -> memref<16x128xf32, #tpu.memory_space<vmem_shared>>
        %dma_start3A_210 = arith.constant 0 : i32
        %dma_start3A_211 = tpu.memref_slice %arg11[%add3A_10, %dma_start3A_210] : memref<10016x128xf32, #tpu.memory_space<vmem_shared>> -> memref<16x128xf32, #tpu.memory_space<vmem_shared>>
        %dma_start3A_212 = arith.constant 0 : i32
        %dma_start3A_213 = arith.constant 0 : i32
        %dma_start3A_214 = tpu.memref_slice %arg10[%dma_start3A_212, %dma_start3A_213] : memref<64x128xf32, #tpu.memory_space<vmem>> -> memref<16x128xf32, #tpu.memory_space<vmem>>
        tpu.enqueue_dma source(%dma_start3A_214 : memref<16x128xf32, #tpu.memory_space<vmem>>) target(%dma_start3A_211 : memref<16x128xf32, #tpu.memory_space<vmem_shared>>) target_semaphore(%run_scoped3A : memref<!tpu.dma_semaphore, #tpu.memory_space<semaphore_mem>>)
        %dma_wait3A = arith.constant 0 : i32
        %dma_wait3A_215 = arith.constant 0 : i32
        %dma_wait3A_216 = tpu.memref_slice %arg10[%dma_wait3A, %dma_wait3A_215] : memref<64x128xf32, #tpu.memory_space<vmem>> -> memref<16x128xf32, #tpu.memory_space<vmem>>
        %dma_wait3A_217 = arith.constant 0 : i32
        %dma_wait3A_218 = tpu.memref_slice %arg11[%add3A_10, %dma_wait3A_217] : memref<10016x128xf32, #tpu.memory_space<vmem_shared>> -> memref<16x128xf32, #tpu.memory_space<vmem_shared>>
        %dma_wait3A_219 = arith.constant 0 : i32
        %dma_wait3A_220 = tpu.memref_slice %arg11[%add3A_10, %dma_wait3A_219] : memref<10016x128xf32, #tpu.memory_space<vmem_shared>> -> memref<16x128xf32, #tpu.memory_space<vmem_shared>>
        %dma_wait3A_221 = arith.constant 0 : i32
        %dma_wait3A_222 = arith.constant 0 : i32
        %dma_wait3A_223 = tpu.memref_slice %arg10[%dma_wait3A_221, %dma_wait3A_222] : memref<64x128xf32, #tpu.memory_space<vmem>> -> memref<16x128xf32, #tpu.memory_space<vmem>>
        tpu.wait_dma2 semaphore(%run_scoped3A : memref<!tpu.dma_semaphore, #tpu.memory_space<semaphore_mem>>) src(%dma_wait3A_223 : memref<16x128xf32, #tpu.memory_space<vmem>>) dst(%dma_wait3A_220 : memref<16x128xf32, #tpu.memory_space<vmem_shared>>)
        tpu.yield
      }) : () -> ()
    } else {
    }
    %add3A_22 = arith.constant 64 : i32
    %add3A_23 = arith.addi %mul3A_8, %add3A_22 : i32
    %add3A_24 = arith.constant 64 : i32
    %add3A_25 = arith.addi %add3A_23, %add3A_24 : i32
    %le3A_26 = arith.constant 10000 : i32
    %le3A_27 = arith.cmpi sle, %add3A_25, %le3A_26 : i32
    %convert_element_type3A_28 = arith.extui %le3A_27 : i1 to i32
    %cond3A_29 = arith.constant 0 : i32
    %cond3A_30 = arith.cmpi ne, %convert_element_type3A_28, %cond3A_29 : i32
    scf.if %cond3A_30 {
      "tpu.region"() ({
        %run_scoped3A = tpu.sem_alloc : memref<!tpu.dma_semaphore, #tpu.memory_space<semaphore_mem>>
        %dma_start3A = arith.constant 0 : i32
        %dma_start3A_206 = tpu.memref_slice %arg11[%add3A_23, %dma_start3A] : memref<10016x128xf32, #tpu.memory_space<vmem_shared>> -> memref<64x128xf32, #tpu.memory_space<vmem_shared>>
        %dma_start3A_207 = arith.constant 0 : i32
        %dma_start3A_208 = tpu.memref_slice %arg11[%add3A_23, %dma_start3A_207] : memref<10016x128xf32, #tpu.memory_space<vmem_shared>> -> memref<64x128xf32, #tpu.memory_space<vmem_shared>>
        tpu.enqueue_dma source(%arg10 : memref<64x128xf32, #tpu.memory_space<vmem>>) target(%dma_start3A_208 : memref<64x128xf32, #tpu.memory_space<vmem_shared>>) target_semaphore(%run_scoped3A : memref<!tpu.dma_semaphore, #tpu.memory_space<semaphore_mem>>)
        %dma_wait3A = arith.constant 0 : i32
        %dma_wait3A_209 = tpu.memref_slice %arg11[%add3A_23, %dma_wait3A] : memref<10016x128xf32, #tpu.memory_space<vmem_shared>> -> memref<64x128xf32, #tpu.memory_space<vmem_shared>>
        %dma_wait3A_210 = arith.constant 0 : i32
        %dma_wait3A_211 = tpu.memref_slice %arg11[%add3A_23, %dma_wait3A_210] : memref<10016x128xf32, #tpu.memory_space<vmem_shared>> -> memref<64x128xf32, #tpu.memory_space<vmem_shared>>
        tpu.wait_dma2 semaphore(%run_scoped3A : memref<!tpu.dma_semaphore, #tpu.memory_space<semaphore_mem>>) src(%arg10 : memref<64x128xf32, #tpu.memory_space<vmem>>) dst(%dma_wait3A_211 : memref<64x128xf32, #tpu.memory_space<vmem_shared>>)
        tpu.yield
      }) : () -> ()
    } else {
    }
    %lt3A_31 = arith.constant 10000 : i32
    %lt3A_32 = arith.cmpi slt, %add3A_23, %lt3A_31 : i32
    %add3A_33 = arith.constant 64 : i32
    %add3A_34 = arith.addi %add3A_23, %add3A_33 : i32
    %gt3A_35 = arith.constant 10000 : i32
    %gt3A_36 = arith.cmpi sgt, %add3A_34, %gt3A_35 : i32
    %and3A_37 = arith.andi %lt3A_32, %gt3A_36 : i1
    %convert_element_type3A_38 = arith.extui %and3A_37 : i1 to i32
    %cond3A_39 = arith.constant 0 : i32
    %cond3A_40 = arith.cmpi ne, %convert_element_type3A_38, %cond3A_39 : i32
    scf.if %cond3A_40 {
      "tpu.region"() ({
        %run_scoped3A = tpu.sem_alloc : memref<!tpu.dma_semaphore, #tpu.memory_space<semaphore_mem>>
        %dma_start3A = arith.constant 0 : i32
        %dma_start3A_206 = arith.constant 0 : i32
        %dma_start3A_207 = tpu.memref_slice %arg10[%dma_start3A, %dma_start3A_206] : memref<64x128xf32, #tpu.memory_space<vmem>> -> memref<16x128xf32, #tpu.memory_space<vmem>>
        %dma_start3A_208 = arith.constant 0 : i32
        %dma_start3A_209 = tpu.memref_slice %arg11[%add3A_23, %dma_start3A_208] : memref<10016x128xf32, #tpu.memory_space<vmem_shared>> -> memref<16x128xf32, #tpu.memory_space<vmem_shared>>
        %dma_start3A_210 = arith.constant 0 : i32
        %dma_start3A_211 = tpu.memref_slice %arg11[%add3A_23, %dma_start3A_210] : memref<10016x128xf32, #tpu.memory_space<vmem_shared>> -> memref<16x128xf32, #tpu.memory_space<vmem_shared>>
        %dma_start3A_212 = arith.constant 0 : i32
        %dma_start3A_213 = arith.constant 0 : i32
        %dma_start3A_214 = tpu.memref_slice %arg10[%dma_start3A_212, %dma_start3A_213] : memref<64x128xf32, #tpu.memory_space<vmem>> -> memref<16x128xf32, #tpu.memory_space<vmem>>
        tpu.enqueue_dma source(%dma_start3A_214 : memref<16x128xf32, #tpu.memory_space<vmem>>) target(%dma_start3A_211 : memref<16x128xf32, #tpu.memory_space<vmem_shared>>) target_semaphore(%run_scoped3A : memref<!tpu.dma_semaphore, #tpu.memory_space<semaphore_mem>>)
        %dma_wait3A = arith.constant 0 : i32
        %dma_wait3A_215 = arith.constant 0 : i32
        %dma_wait3A_216 = tpu.memref_slice %arg10[%dma_wait3A, %dma_wait3A_215] : memref<64x128xf32, #tpu.memory_space<vmem>> -> memref<16x128xf32, #tpu.memory_space<vmem>>
        %dma_wait3A_217 = arith.constant 0 : i32
        %dma_wait3A_218 = tpu.memref_slice %arg11[%add3A_23, %dma_wait3A_217] : memref<10016x128xf32, #tpu.memory_space<vmem_shared>> -> memref<16x128xf32, #tpu.memory_space<vmem_shared>>
        %dma_wait3A_219 = arith.constant 0 : i32
        %dma_wait3A_220 = tpu.memref_slice %arg11[%add3A_23, %dma_wait3A_219] : memref<10016x128xf32, #tpu.memory_space<vmem_shared>> -> memref<16x128xf32, #tpu.memory_space<vmem_shared>>
        %dma_wait3A_221 = arith.constant 0 : i32
        %dma_wait3A_222 = arith.constant 0 : i32
        %dma_wait3A_223 = tpu.memref_slice %arg10[%dma_wait3A_221, %dma_wait3A_222] : memref<64x128xf32, #tpu.memory_space<vmem>> -> memref<16x128xf32, #tpu.memory_space<vmem>>
        tpu.wait_dma2 semaphore(%run_scoped3A : memref<!tpu.dma_semaphore, #tpu.memory_space<semaphore_mem>>) src(%dma_wait3A_223 : memref<16x128xf32, #tpu.memory_space<vmem>>) dst(%dma_wait3A_220 : memref<16x128xf32, #tpu.memory_space<vmem_shared>>)
        tpu.yield
      }) : () -> ()
    } else {
    }
    %add3A_41 = arith.constant 128 : i32
    %add3A_42 = arith.addi %mul3A_8, %add3A_41 : i32
    %add3A_43 = arith.constant 64 : i32
    %add3A_44 = arith.addi %add3A_42, %add3A_43 : i32
    %le3A_45 = arith.constant 10000 : i32
    %le3A_46 = arith.cmpi sle, %add3A_44, %le3A_45 : i32
    %convert_element_type3A_47 = arith.extui %le3A_46 : i1 to i32
    %cond3A_48 = arith.constant 0 : i32
    %cond3A_49 = arith.cmpi ne, %convert_element_type3A_47, %cond3A_48 : i32
    scf.if %cond3A_49 {
      "tpu.region"() ({
        %run_scoped3A = tpu.sem_alloc : memref<!tpu.dma_semaphore, #tpu.memory_space<semaphore_mem>>
        %dma_start3A = arith.constant 0 : i32
        %dma_start3A_206 = tpu.memref_slice %arg11[%add3A_42, %dma_start3A] : memref<10016x128xf32, #tpu.memory_space<vmem_shared>> -> memref<64x128xf32, #tpu.memory_space<vmem_shared>>
        %dma_start3A_207 = arith.constant 0 : i32
        %dma_start3A_208 = tpu.memref_slice %arg11[%add3A_42, %dma_start3A_207] : memref<10016x128xf32, #tpu.memory_space<vmem_shared>> -> memref<64x128xf32, #tpu.memory_space<vmem_shared>>
        tpu.enqueue_dma source(%arg10 : memref<64x128xf32, #tpu.memory_space<vmem>>) target(%dma_start3A_208 : memref<64x128xf32, #tpu.memory_space<vmem_shared>>) target_semaphore(%run_scoped3A : memref<!tpu.dma_semaphore, #tpu.memory_space<semaphore_mem>>)
        %dma_wait3A = arith.constant 0 : i32
        %dma_wait3A_209 = tpu.memref_slice %arg11[%add3A_42, %dma_wait3A] : memref<10016x128xf32, #tpu.memory_space<vmem_shared>> -> memref<64x128xf32, #tpu.memory_space<vmem_shared>>
        %dma_wait3A_210 = arith.constant 0 : i32
        %dma_wait3A_211 = tpu.memref_slice %arg11[%add3A_42, %dma_wait3A_210] : memref<10016x128xf32, #tpu.memory_space<vmem_shared>> -> memref<64x128xf32, #tpu.memory_space<vmem_shared>>
        tpu.wait_dma2 semaphore(%run_scoped3A : memref<!tpu.dma_semaphore, #tpu.memory_space<semaphore_mem>>) src(%arg10 : memref<64x128xf32, #tpu.memory_space<vmem>>) dst(%dma_wait3A_211 : memref<64x128xf32, #tpu.memory_space<vmem_shared>>)
        tpu.yield
      }) : () -> ()
    } else {
    }
    %lt3A_50 = arith.constant 10000 : i32
    %lt3A_51 = arith.cmpi slt, %add3A_42, %lt3A_50 : i32
    %add3A_52 = arith.constant 64 : i32
    %add3A_53 = arith.addi %add3A_42, %add3A_52 : i32
    %gt3A_54 = arith.constant 10000 : i32
    %gt3A_55 = arith.cmpi sgt, %add3A_53, %gt3A_54 : i32
    %and3A_56 = arith.andi %lt3A_51, %gt3A_55 : i1
    %convert_element_type3A_57 = arith.extui %and3A_56 : i1 to i32
    %cond3A_58 = arith.constant 0 : i32
    %cond3A_59 = arith.cmpi ne, %convert_element_type3A_57, %cond3A_58 : i32
    scf.if %cond3A_59 {
      "tpu.region"() ({
        %run_scoped3A = tpu.sem_alloc : memref<!tpu.dma_semaphore, #tpu.memory_space<semaphore_mem>>
        %dma_start3A = arith.constant 0 : i32
        %dma_start3A_206 = arith.constant 0 : i32
        %dma_start3A_207 = tpu.memref_slice %arg10[%dma_start3A, %dma_start3A_206] : memref<64x128xf32, #tpu.memory_space<vmem>> -> memref<16x128xf32, #tpu.memory_space<vmem>>
        %dma_start3A_208 = arith.constant 0 : i32
        %dma_start3A_209 = tpu.memref_slice %arg11[%add3A_42, %dma_start3A_208] : memref<10016x128xf32, #tpu.memory_space<vmem_shared>> -> memref<16x128xf32, #tpu.memory_space<vmem_shared>>
        %dma_start3A_210 = arith.constant 0 : i32
        %dma_start3A_211 = tpu.memref_slice %arg11[%add3A_42, %dma_start3A_210] : memref<10016x128xf32, #tpu.memory_space<vmem_shared>> -> memref<16x128xf32, #tpu.memory_space<vmem_shared>>
        %dma_start3A_212 = arith.constant 0 : i32
        %dma_start3A_213 = arith.constant 0 : i32
        %dma_start3A_214 = tpu.memref_slice %arg10[%dma_start3A_212, %dma_start3A_213] : memref<64x128xf32, #tpu.memory_space<vmem>> -> memref<16x128xf32, #tpu.memory_space<vmem>>
        tpu.enqueue_dma source(%dma_start3A_214 : memref<16x128xf32, #tpu.memory_space<vmem>>) target(%dma_start3A_211 : memref<16x128xf32, #tpu.memory_space<vmem_shared>>) target_semaphore(%run_scoped3A : memref<!tpu.dma_semaphore, #tpu.memory_space<semaphore_mem>>)
        %dma_wait3A = arith.constant 0 : i32
        %dma_wait3A_215 = arith.constant 0 : i32
        %dma_wait3A_216 = tpu.memref_slice %arg10[%dma_wait3A, %dma_wait3A_215] : memref<64x128xf32, #tpu.memory_space<vmem>> -> memref<16x128xf32, #tpu.memory_space<vmem>>
        %dma_wait3A_217 = arith.constant 0 : i32
        %dma_wait3A_218 = tpu.memref_slice %arg11[%add3A_42, %dma_wait3A_217] : memref<10016x128xf32, #tpu.memory_space<vmem_shared>> -> memref<16x128xf32, #tpu.memory_space<vmem_shared>>
        %dma_wait3A_219 = arith.constant 0 : i32
        %dma_wait3A_220 = tpu.memref_slice %arg11[%add3A_42, %dma_wait3A_219] : memref<10016x128xf32, #tpu.memory_space<vmem_shared>> -> memref<16x128xf32, #tpu.memory_space<vmem_shared>>
        %dma_wait3A_221 = arith.constant 0 : i32
        %dma_wait3A_222 = arith.constant 0 : i32
        %dma_wait3A_223 = tpu.memref_slice %arg10[%dma_wait3A_221, %dma_wait3A_222] : memref<64x128xf32, #tpu.memory_space<vmem>> -> memref<16x128xf32, #tpu.memory_space<vmem>>
        tpu.wait_dma2 semaphore(%run_scoped3A : memref<!tpu.dma_semaphore, #tpu.memory_space<semaphore_mem>>) src(%dma_wait3A_223 : memref<16x128xf32, #tpu.memory_space<vmem>>) dst(%dma_wait3A_220 : memref<16x128xf32, #tpu.memory_space<vmem_shared>>)
        tpu.yield
      }) : () -> ()
    } else {
    }
    %add3A_60 = arith.constant 192 : i32
    %add3A_61 = arith.addi %mul3A_8, %add3A_60 : i32
    %add3A_62 = arith.constant 64 : i32
    %add3A_63 = arith.addi %add3A_61, %add3A_62 : i32
    %le3A_64 = arith.constant 10000 : i32
    %le3A_65 = arith.cmpi sle, %add3A_63, %le3A_64 : i32
    %convert_element_type3A_66 = arith.extui %le3A_65 : i1 to i32
    %cond3A_67 = arith.constant 0 : i32
    %cond3A_68 = arith.cmpi ne, %convert_element_type3A_66, %cond3A_67 : i32
    scf.if %cond3A_68 {
      "tpu.region"() ({
        %run_scoped3A = tpu.sem_alloc : memref<!tpu.dma_semaphore, #tpu.memory_space<semaphore_mem>>
        %dma_start3A = arith.constant 0 : i32
        %dma_start3A_206 = tpu.memref_slice %arg11[%add3A_61, %dma_start3A] : memref<10016x128xf32, #tpu.memory_space<vmem_shared>> -> memref<64x128xf32, #tpu.memory_space<vmem_shared>>
        %dma_start3A_207 = arith.constant 0 : i32
        %dma_start3A_208 = tpu.memref_slice %arg11[%add3A_61, %dma_start3A_207] : memref<10016x128xf32, #tpu.memory_space<vmem_shared>> -> memref<64x128xf32, #tpu.memory_space<vmem_shared>>
        tpu.enqueue_dma source(%arg10 : memref<64x128xf32, #tpu.memory_space<vmem>>) target(%dma_start3A_208 : memref<64x128xf32, #tpu.memory_space<vmem_shared>>) target_semaphore(%run_scoped3A : memref<!tpu.dma_semaphore, #tpu.memory_space<semaphore_mem>>)
        %dma_wait3A = arith.constant 0 : i32
        %dma_wait3A_209 = tpu.memref_slice %arg11[%add3A_61, %dma_wait3A] : memref<10016x128xf32, #tpu.memory_space<vmem_shared>> -> memref<64x128xf32, #tpu.memory_space<vmem_shared>>
        %dma_wait3A_210 = arith.constant 0 : i32
        %dma_wait3A_211 = tpu.memref_slice %arg11[%add3A_61, %dma_wait3A_210] : memref<10016x128xf32, #tpu.memory_space<vmem_shared>> -> memref<64x128xf32, #tpu.memory_space<vmem_shared>>
        tpu.wait_dma2 semaphore(%run_scoped3A : memref<!tpu.dma_semaphore, #tpu.memory_space<semaphore_mem>>) src(%arg10 : memref<64x128xf32, #tpu.memory_space<vmem>>) dst(%dma_wait3A_211 : memref<64x128xf32, #tpu.memory_space<vmem_shared>>)
        tpu.yield
      }) : () -> ()
    } else {
    }
    %lt3A_69 = arith.constant 10000 : i32
    %lt3A_70 = arith.cmpi slt, %add3A_61, %lt3A_69 : i32
    %add3A_71 = arith.constant 64 : i32
    %add3A_72 = arith.addi %add3A_61, %add3A_71 : i32
    %gt3A_73 = arith.constant 10000 : i32
    %gt3A_74 = arith.cmpi sgt, %add3A_72, %gt3A_73 : i32
    %and3A_75 = arith.andi %lt3A_70, %gt3A_74 : i1
    %convert_element_type3A_76 = arith.extui %and3A_75 : i1 to i32
    %cond3A_77 = arith.constant 0 : i32
    %cond3A_78 = arith.cmpi ne, %convert_element_type3A_76, %cond3A_77 : i32
    scf.if %cond3A_78 {
      "tpu.region"() ({
        %run_scoped3A = tpu.sem_alloc : memref<!tpu.dma_semaphore, #tpu.memory_space<semaphore_mem>>
        %dma_start3A = arith.constant 0 : i32
        %dma_start3A_206 = arith.constant 0 : i32
        %dma_start3A_207 = tpu.memref_slice %arg10[%dma_start3A, %dma_start3A_206] : memref<64x128xf32, #tpu.memory_space<vmem>> -> memref<16x128xf32, #tpu.memory_space<vmem>>
        %dma_start3A_208 = arith.constant 0 : i32
        %dma_start3A_209 = tpu.memref_slice %arg11[%add3A_61, %dma_start3A_208] : memref<10016x128xf32, #tpu.memory_space<vmem_shared>> -> memref<16x128xf32, #tpu.memory_space<vmem_shared>>
        %dma_start3A_210 = arith.constant 0 : i32
        %dma_start3A_211 = tpu.memref_slice %arg11[%add3A_61, %dma_start3A_210] : memref<10016x128xf32, #tpu.memory_space<vmem_shared>> -> memref<16x128xf32, #tpu.memory_space<vmem_shared>>
        %dma_start3A_212 = arith.constant 0 : i32
        %dma_start3A_213 = arith.constant 0 : i32
        %dma_start3A_214 = tpu.memref_slice %arg10[%dma_start3A_212, %dma_start3A_213] : memref<64x128xf32, #tpu.memory_space<vmem>> -> memref<16x128xf32, #tpu.memory_space<vmem>>
        tpu.enqueue_dma source(%dma_start3A_214 : memref<16x128xf32, #tpu.memory_space<vmem>>) target(%dma_start3A_211 : memref<16x128xf32, #tpu.memory_space<vmem_shared>>) target_semaphore(%run_scoped3A : memref<!tpu.dma_semaphore, #tpu.memory_space<semaphore_mem>>)
        %dma_wait3A = arith.constant 0 : i32
        %dma_wait3A_215 = arith.constant 0 : i32
        %dma_wait3A_216 = tpu.memref_slice %arg10[%dma_wait3A, %dma_wait3A_215] : memref<64x128xf32, #tpu.memory_space<vmem>> -> memref<16x128xf32, #tpu.memory_space<vmem>>
        %dma_wait3A_217 = arith.constant 0 : i32
        %dma_wait3A_218 = tpu.memref_slice %arg11[%add3A_61, %dma_wait3A_217] : memref<10016x128xf32, #tpu.memory_space<vmem_shared>> -> memref<16x128xf32, #tpu.memory_space<vmem_shared>>
        %dma_wait3A_219 = arith.constant 0 : i32
        %dma_wait3A_220 = tpu.memref_slice %arg11[%add3A_61, %dma_wait3A_219] : memref<10016x128xf32, #tpu.memory_space<vmem_shared>> -> memref<16x128xf32, #tpu.memory_space<vmem_shared>>
        %dma_wait3A_221 = arith.constant 0 : i32
        %dma_wait3A_222 = arith.constant 0 : i32
        %dma_wait3A_223 = tpu.memref_slice %arg10[%dma_wait3A_221, %dma_wait3A_222] : memref<64x128xf32, #tpu.memory_space<vmem>> -> memref<16x128xf32, #tpu.memory_space<vmem>>
        tpu.wait_dma2 semaphore(%run_scoped3A : memref<!tpu.dma_semaphore, #tpu.memory_space<semaphore_mem>>) src(%dma_wait3A_223 : memref<16x128xf32, #tpu.memory_space<vmem>>) dst(%dma_wait3A_220 : memref<16x128xf32, #tpu.memory_space<vmem_shared>>)
        tpu.yield
      }) : () -> ()
    } else {
    }
    %add3A_79 = arith.constant 256 : i32
    %add3A_80 = arith.addi %mul3A_8, %add3A_79 : i32
    %add3A_81 = arith.constant 64 : i32
    %add3A_82 = arith.addi %add3A_80, %add3A_81 : i32
    %le3A_83 = arith.constant 10000 : i32
    %le3A_84 = arith.cmpi sle, %add3A_82, %le3A_83 : i32
    %convert_element_type3A_85 = arith.extui %le3A_84 : i1 to i32
    %cond3A_86 = arith.constant 0 : i32
    %cond3A_87 = arith.cmpi ne, %convert_element_type3A_85, %cond3A_86 : i32
    scf.if %cond3A_87 {
      "tpu.region"() ({
        %run_scoped3A = tpu.sem_alloc : memref<!tpu.dma_semaphore, #tpu.memory_space<semaphore_mem>>
        %dma_start3A = arith.constant 0 : i32
        %dma_start3A_206 = tpu.memref_slice %arg11[%add3A_80, %dma_start3A] : memref<10016x128xf32, #tpu.memory_space<vmem_shared>> -> memref<64x128xf32, #tpu.memory_space<vmem_shared>>
        %dma_start3A_207 = arith.constant 0 : i32
        %dma_start3A_208 = tpu.memref_slice %arg11[%add3A_80, %dma_start3A_207] : memref<10016x128xf32, #tpu.memory_space<vmem_shared>> -> memref<64x128xf32, #tpu.memory_space<vmem_shared>>
        tpu.enqueue_dma source(%arg10 : memref<64x128xf32, #tpu.memory_space<vmem>>) target(%dma_start3A_208 : memref<64x128xf32, #tpu.memory_space<vmem_shared>>) target_semaphore(%run_scoped3A : memref<!tpu.dma_semaphore, #tpu.memory_space<semaphore_mem>>)
        %dma_wait3A = arith.constant 0 : i32
        %dma_wait3A_209 = tpu.memref_slice %arg11[%add3A_80, %dma_wait3A] : memref<10016x128xf32, #tpu.memory_space<vmem_shared>> -> memref<64x128xf32, #tpu.memory_space<vmem_shared>>
        %dma_wait3A_210 = arith.constant 0 : i32
        %dma_wait3A_211 = tpu.memref_slice %arg11[%add3A_80, %dma_wait3A_210] : memref<10016x128xf32, #tpu.memory_space<vmem_shared>> -> memref<64x128xf32, #tpu.memory_space<vmem_shared>>
        tpu.wait_dma2 semaphore(%run_scoped3A : memref<!tpu.dma_semaphore, #tpu.memory_space<semaphore_mem>>) src(%arg10 : memref<64x128xf32, #tpu.memory_space<vmem>>) dst(%dma_wait3A_211 : memref<64x128xf32, #tpu.memory_space<vmem_shared>>)
        tpu.yield
      }) : () -> ()
    } else {
    }
    %lt3A_88 = arith.constant 10000 : i32
    %lt3A_89 = arith.cmpi slt, %add3A_80, %lt3A_88 : i32
    %add3A_90 = arith.constant 64 : i32
    %add3A_91 = arith.addi %add3A_80, %add3A_90 : i32
    %gt3A_92 = arith.constant 10000 : i32
    %gt3A_93 = arith.cmpi sgt, %add3A_91, %gt3A_92 : i32
    %and3A_94 = arith.andi %lt3A_89, %gt3A_93 : i1
    %convert_element_type3A_95 = arith.extui %and3A_94 : i1 to i32
    %cond3A_96 = arith.constant 0 : i32
    %cond3A_97 = arith.cmpi ne, %convert_element_type3A_95, %cond3A_96 : i32
    scf.if %cond3A_97 {
      "tpu.region"() ({
        %run_scoped3A = tpu.sem_alloc : memref<!tpu.dma_semaphore, #tpu.memory_space<semaphore_mem>>
        %dma_start3A = arith.constant 0 : i32
        %dma_start3A_206 = arith.constant 0 : i32
        %dma_start3A_207 = tpu.memref_slice %arg10[%dma_start3A, %dma_start3A_206] : memref<64x128xf32, #tpu.memory_space<vmem>> -> memref<16x128xf32, #tpu.memory_space<vmem>>
        %dma_start3A_208 = arith.constant 0 : i32
        %dma_start3A_209 = tpu.memref_slice %arg11[%add3A_80, %dma_start3A_208] : memref<10016x128xf32, #tpu.memory_space<vmem_shared>> -> memref<16x128xf32, #tpu.memory_space<vmem_shared>>
        %dma_start3A_210 = arith.constant 0 : i32
        %dma_start3A_211 = tpu.memref_slice %arg11[%add3A_80, %dma_start3A_210] : memref<10016x128xf32, #tpu.memory_space<vmem_shared>> -> memref<16x128xf32, #tpu.memory_space<vmem_shared>>
        %dma_start3A_212 = arith.constant 0 : i32
        %dma_start3A_213 = arith.constant 0 : i32
        %dma_start3A_214 = tpu.memref_slice %arg10[%dma_start3A_212, %dma_start3A_213] : memref<64x128xf32, #tpu.memory_space<vmem>> -> memref<16x128xf32, #tpu.memory_space<vmem>>
        tpu.enqueue_dma source(%dma_start3A_214 : memref<16x128xf32, #tpu.memory_space<vmem>>) target(%dma_start3A_211 : memref<16x128xf32, #tpu.memory_space<vmem_shared>>) target_semaphore(%run_scoped3A : memref<!tpu.dma_semaphore, #tpu.memory_space<semaphore_mem>>)
        %dma_wait3A = arith.constant 0 : i32
        %dma_wait3A_215 = arith.constant 0 : i32
        %dma_wait3A_216 = tpu.memref_slice %arg10[%dma_wait3A, %dma_wait3A_215] : memref<64x128xf32, #tpu.memory_space<vmem>> -> memref<16x128xf32, #tpu.memory_space<vmem>>
        %dma_wait3A_217 = arith.constant 0 : i32
        %dma_wait3A_218 = tpu.memref_slice %arg11[%add3A_80, %dma_wait3A_217] : memref<10016x128xf32, #tpu.memory_space<vmem_shared>> -> memref<16x128xf32, #tpu.memory_space<vmem_shared>>
        %dma_wait3A_219 = arith.constant 0 : i32
        %dma_wait3A_220 = tpu.memref_slice %arg11[%add3A_80, %dma_wait3A_219] : memref<10016x128xf32, #tpu.memory_space<vmem_shared>> -> memref<16x128xf32, #tpu.memory_space<vmem_shared>>
        %dma_wait3A_221 = arith.constant 0 : i32
        %dma_wait3A_222 = arith.constant 0 : i32
        %dma_wait3A_223 = tpu.memref_slice %arg10[%dma_wait3A_221, %dma_wait3A_222] : memref<64x128xf32, #tpu.memory_space<vmem>> -> memref<16x128xf32, #tpu.memory_space<vmem>>
        tpu.wait_dma2 semaphore(%run_scoped3A : memref<!tpu.dma_semaphore, #tpu.memory_space<semaphore_mem>>) src(%dma_wait3A_223 : memref<16x128xf32, #tpu.memory_space<vmem>>) dst(%dma_wait3A_220 : memref<16x128xf32, #tpu.memory_space<vmem_shared>>)
        tpu.yield
      }) : () -> ()
    } else {
    }
    %add3A_98 = arith.constant 320 : i32
    %add3A_99 = arith.addi %mul3A_8, %add3A_98 : i32
    %add3A_100 = arith.constant 64 : i32
    %add3A_101 = arith.addi %add3A_99, %add3A_100 : i32
    %le3A_102 = arith.constant 10000 : i32
    %le3A_103 = arith.cmpi sle, %add3A_101, %le3A_102 : i32
    %convert_element_type3A_104 = arith.extui %le3A_103 : i1 to i32
    %cond3A_105 = arith.constant 0 : i32
    %cond3A_106 = arith.cmpi ne, %convert_element_type3A_104, %cond3A_105 : i32
    scf.if %cond3A_106 {
      "tpu.region"() ({
        %run_scoped3A = tpu.sem_alloc : memref<!tpu.dma_semaphore, #tpu.memory_space<semaphore_mem>>
        %dma_start3A = arith.constant 0 : i32
        %dma_start3A_206 = tpu.memref_slice %arg11[%add3A_99, %dma_start3A] : memref<10016x128xf32, #tpu.memory_space<vmem_shared>> -> memref<64x128xf32, #tpu.memory_space<vmem_shared>>
        %dma_start3A_207 = arith.constant 0 : i32
        %dma_start3A_208 = tpu.memref_slice %arg11[%add3A_99, %dma_start3A_207] : memref<10016x128xf32, #tpu.memory_space<vmem_shared>> -> memref<64x128xf32, #tpu.memory_space<vmem_shared>>
        tpu.enqueue_dma source(%arg10 : memref<64x128xf32, #tpu.memory_space<vmem>>) target(%dma_start3A_208 : memref<64x128xf32, #tpu.memory_space<vmem_shared>>) target_semaphore(%run_scoped3A : memref<!tpu.dma_semaphore, #tpu.memory_space<semaphore_mem>>)
        %dma_wait3A = arith.constant 0 : i32
        %dma_wait3A_209 = tpu.memref_slice %arg11[%add3A_99, %dma_wait3A] : memref<10016x128xf32, #tpu.memory_space<vmem_shared>> -> memref<64x128xf32, #tpu.memory_space<vmem_shared>>
        %dma_wait3A_210 = arith.constant 0 : i32
        %dma_wait3A_211 = tpu.memref_slice %arg11[%add3A_99, %dma_wait3A_210] : memref<10016x128xf32, #tpu.memory_space<vmem_shared>> -> memref<64x128xf32, #tpu.memory_space<vmem_shared>>
        tpu.wait_dma2 semaphore(%run_scoped3A : memref<!tpu.dma_semaphore, #tpu.memory_space<semaphore_mem>>) src(%arg10 : memref<64x128xf32, #tpu.memory_space<vmem>>) dst(%dma_wait3A_211 : memref<64x128xf32, #tpu.memory_space<vmem_shared>>)
        tpu.yield
      }) : () -> ()
    } else {
    }
    %lt3A_107 = arith.constant 10000 : i32
    %lt3A_108 = arith.cmpi slt, %add3A_99, %lt3A_107 : i32
    %add3A_109 = arith.constant 64 : i32
    %add3A_110 = arith.addi %add3A_99, %add3A_109 : i32
    %gt3A_111 = arith.constant 10000 : i32
    %gt3A_112 = arith.cmpi sgt, %add3A_110, %gt3A_111 : i32
    %and3A_113 = arith.andi %lt3A_108, %gt3A_112 : i1
    %convert_element_type3A_114 = arith.extui %and3A_113 : i1 to i32
    %cond3A_115 = arith.constant 0 : i32
    %cond3A_116 = arith.cmpi ne, %convert_element_type3A_114, %cond3A_115 : i32
    scf.if %cond3A_116 {
      "tpu.region"() ({
        %run_scoped3A = tpu.sem_alloc : memref<!tpu.dma_semaphore, #tpu.memory_space<semaphore_mem>>
        %dma_start3A = arith.constant 0 : i32
        %dma_start3A_206 = arith.constant 0 : i32
        %dma_start3A_207 = tpu.memref_slice %arg10[%dma_start3A, %dma_start3A_206] : memref<64x128xf32, #tpu.memory_space<vmem>> -> memref<16x128xf32, #tpu.memory_space<vmem>>
        %dma_start3A_208 = arith.constant 0 : i32
        %dma_start3A_209 = tpu.memref_slice %arg11[%add3A_99, %dma_start3A_208] : memref<10016x128xf32, #tpu.memory_space<vmem_shared>> -> memref<16x128xf32, #tpu.memory_space<vmem_shared>>
        %dma_start3A_210 = arith.constant 0 : i32
        %dma_start3A_211 = tpu.memref_slice %arg11[%add3A_99, %dma_start3A_210] : memref<10016x128xf32, #tpu.memory_space<vmem_shared>> -> memref<16x128xf32, #tpu.memory_space<vmem_shared>>
        %dma_start3A_212 = arith.constant 0 : i32
        %dma_start3A_213 = arith.constant 0 : i32
        %dma_start3A_214 = tpu.memref_slice %arg10[%dma_start3A_212, %dma_start3A_213] : memref<64x128xf32, #tpu.memory_space<vmem>> -> memref<16x128xf32, #tpu.memory_space<vmem>>
        tpu.enqueue_dma source(%dma_start3A_214 : memref<16x128xf32, #tpu.memory_space<vmem>>) target(%dma_start3A_211 : memref<16x128xf32, #tpu.memory_space<vmem_shared>>) target_semaphore(%run_scoped3A : memref<!tpu.dma_semaphore, #tpu.memory_space<semaphore_mem>>)
        %dma_wait3A = arith.constant 0 : i32
        %dma_wait3A_215 = arith.constant 0 : i32
        %dma_wait3A_216 = tpu.memref_slice %arg10[%dma_wait3A, %dma_wait3A_215] : memref<64x128xf32, #tpu.memory_space<vmem>> -> memref<16x128xf32, #tpu.memory_space<vmem>>
        %dma_wait3A_217 = arith.constant 0 : i32
        %dma_wait3A_218 = tpu.memref_slice %arg11[%add3A_99, %dma_wait3A_217] : memref<10016x128xf32, #tpu.memory_space<vmem_shared>> -> memref<16x128xf32, #tpu.memory_space<vmem_shared>>
        %dma_wait3A_219 = arith.constant 0 : i32
        %dma_wait3A_220 = tpu.memref_slice %arg11[%add3A_99, %dma_wait3A_219] : memref<10016x128xf32, #tpu.memory_space<vmem_shared>> -> memref<16x128xf32, #tpu.memory_space<vmem_shared>>
        %dma_wait3A_221 = arith.constant 0 : i32
        %dma_wait3A_222 = arith.constant 0 : i32
        %dma_wait3A_223 = tpu.memref_slice %arg10[%dma_wait3A_221, %dma_wait3A_222] : memref<64x128xf32, #tpu.memory_space<vmem>> -> memref<16x128xf32, #tpu.memory_space<vmem>>
        tpu.wait_dma2 semaphore(%run_scoped3A : memref<!tpu.dma_semaphore, #tpu.memory_space<semaphore_mem>>) src(%dma_wait3A_223 : memref<16x128xf32, #tpu.memory_space<vmem>>) dst(%dma_wait3A_220 : memref<16x128xf32, #tpu.memory_space<vmem_shared>>)
        tpu.yield
      }) : () -> ()
    } else {
    }
    %add3A_117 = arith.constant 384 : i32
    %add3A_118 = arith.addi %mul3A_8, %add3A_117 : i32
    %add3A_119 = arith.constant 64 : i32
    %add3A_120 = arith.addi %add3A_118, %add3A_119 : i32
    %le3A_121 = arith.constant 10000 : i32
    %le3A_122 = arith.cmpi sle, %add3A_120, %le3A_121 : i32
    %convert_element_type3A_123 = arith.extui %le3A_122 : i1 to i32
    %cond3A_124 = arith.constant 0 : i32
    %cond3A_125 = arith.cmpi ne, %convert_element_type3A_123, %cond3A_124 : i32
    scf.if %cond3A_125 {
      "tpu.region"() ({
        %run_scoped3A = tpu.sem_alloc : memref<!tpu.dma_semaphore, #tpu.memory_space<semaphore_mem>>
        %dma_start3A = arith.constant 0 : i32
        %dma_start3A_206 = tpu.memref_slice %arg11[%add3A_118, %dma_start3A] : memref<10016x128xf32, #tpu.memory_space<vmem_shared>> -> memref<64x128xf32, #tpu.memory_space<vmem_shared>>
        %dma_start3A_207 = arith.constant 0 : i32
        %dma_start3A_208 = tpu.memref_slice %arg11[%add3A_118, %dma_start3A_207] : memref<10016x128xf32, #tpu.memory_space<vmem_shared>> -> memref<64x128xf32, #tpu.memory_space<vmem_shared>>
        tpu.enqueue_dma source(%arg10 : memref<64x128xf32, #tpu.memory_space<vmem>>) target(%dma_start3A_208 : memref<64x128xf32, #tpu.memory_space<vmem_shared>>) target_semaphore(%run_scoped3A : memref<!tpu.dma_semaphore, #tpu.memory_space<semaphore_mem>>)
        %dma_wait3A = arith.constant 0 : i32
        %dma_wait3A_209 = tpu.memref_slice %arg11[%add3A_118, %dma_wait3A] : memref<10016x128xf32, #tpu.memory_space<vmem_shared>> -> memref<64x128xf32, #tpu.memory_space<vmem_shared>>
        %dma_wait3A_210 = arith.constant 0 : i32
        %dma_wait3A_211 = tpu.memref_slice %arg11[%add3A_118, %dma_wait3A_210] : memref<10016x128xf32, #tpu.memory_space<vmem_shared>> -> memref<64x128xf32, #tpu.memory_space<vmem_shared>>
        tpu.wait_dma2 semaphore(%run_scoped3A : memref<!tpu.dma_semaphore, #tpu.memory_space<semaphore_mem>>) src(%arg10 : memref<64x128xf32, #tpu.memory_space<vmem>>) dst(%dma_wait3A_211 : memref<64x128xf32, #tpu.memory_space<vmem_shared>>)
        tpu.yield
      }) : () -> ()
    } else {
    }
    %lt3A_126 = arith.constant 10000 : i32
    %lt3A_127 = arith.cmpi slt, %add3A_118, %lt3A_126 : i32
    %add3A_128 = arith.constant 64 : i32
    %add3A_129 = arith.addi %add3A_118, %add3A_128 : i32
    %gt3A_130 = arith.constant 10000 : i32
    %gt3A_131 = arith.cmpi sgt, %add3A_129, %gt3A_130 : i32
    %and3A_132 = arith.andi %lt3A_127, %gt3A_131 : i1
    %convert_element_type3A_133 = arith.extui %and3A_132 : i1 to i32
    %cond3A_134 = arith.constant 0 : i32
    %cond3A_135 = arith.cmpi ne, %convert_element_type3A_133, %cond3A_134 : i32
    scf.if %cond3A_135 {
      "tpu.region"() ({
        %run_scoped3A = tpu.sem_alloc : memref<!tpu.dma_semaphore, #tpu.memory_space<semaphore_mem>>
        %dma_start3A = arith.constant 0 : i32
        %dma_start3A_206 = arith.constant 0 : i32
        %dma_start3A_207 = tpu.memref_slice %arg10[%dma_start3A, %dma_start3A_206] : memref<64x128xf32, #tpu.memory_space<vmem>> -> memref<16x128xf32, #tpu.memory_space<vmem>>
        %dma_start3A_208 = arith.constant 0 : i32
        %dma_start3A_209 = tpu.memref_slice %arg11[%add3A_118, %dma_start3A_208] : memref<10016x128xf32, #tpu.memory_space<vmem_shared>> -> memref<16x128xf32, #tpu.memory_space<vmem_shared>>
        %dma_start3A_210 = arith.constant 0 : i32
        %dma_start3A_211 = tpu.memref_slice %arg11[%add3A_118, %dma_start3A_210] : memref<10016x128xf32, #tpu.memory_space<vmem_shared>> -> memref<16x128xf32, #tpu.memory_space<vmem_shared>>
        %dma_start3A_212 = arith.constant 0 : i32
        %dma_start3A_213 = arith.constant 0 : i32
        %dma_start3A_214 = tpu.memref_slice %arg10[%dma_start3A_212, %dma_start3A_213] : memref<64x128xf32, #tpu.memory_space<vmem>> -> memref<16x128xf32, #tpu.memory_space<vmem>>
        tpu.enqueue_dma source(%dma_start3A_214 : memref<16x128xf32, #tpu.memory_space<vmem>>) target(%dma_start3A_211 : memref<16x128xf32, #tpu.memory_space<vmem_shared>>) target_semaphore(%run_scoped3A : memref<!tpu.dma_semaphore, #tpu.memory_space<semaphore_mem>>)
        %dma_wait3A = arith.constant 0 : i32
        %dma_wait3A_215 = arith.constant 0 : i32
        %dma_wait3A_216 = tpu.memref_slice %arg10[%dma_wait3A, %dma_wait3A_215] : memref<64x128xf32, #tpu.memory_space<vmem>> -> memref<16x128xf32, #tpu.memory_space<vmem>>
        %dma_wait3A_217 = arith.constant 0 : i32
        %dma_wait3A_218 = tpu.memref_slice %arg11[%add3A_118, %dma_wait3A_217] : memref<10016x128xf32, #tpu.memory_space<vmem_shared>> -> memref<16x128xf32, #tpu.memory_space<vmem_shared>>
        %dma_wait3A_219 = arith.constant 0 : i32
        %dma_wait3A_220 = tpu.memref_slice %arg11[%add3A_118, %dma_wait3A_219] : memref<10016x128xf32, #tpu.memory_space<vmem_shared>> -> memref<16x128xf32, #tpu.memory_space<vmem_shared>>
        %dma_wait3A_221 = arith.constant 0 : i32
        %dma_wait3A_222 = arith.constant 0 : i32
        %dma_wait3A_223 = tpu.memref_slice %arg10[%dma_wait3A_221, %dma_wait3A_222] : memref<64x128xf32, #tpu.memory_space<vmem>> -> memref<16x128xf32, #tpu.memory_space<vmem>>
        tpu.wait_dma2 semaphore(%run_scoped3A : memref<!tpu.dma_semaphore, #tpu.memory_space<semaphore_mem>>) src(%dma_wait3A_223 : memref<16x128xf32, #tpu.memory_space<vmem>>) dst(%dma_wait3A_220 : memref<16x128xf32, #tpu.memory_space<vmem_shared>>)
        tpu.yield
      }) : () -> ()
    } else {
    }
    %add3A_136 = arith.constant 448 : i32
    %add3A_137 = arith.addi %mul3A_8, %add3A_136 : i32
    %add3A_138 = arith.constant 64 : i32
    %add3A_139 = arith.addi %add3A_137, %add3A_138 : i32
    %le3A_140 = arith.constant 10000 : i32
    %le3A_141 = arith.cmpi sle, %add3A_139, %le3A_140 : i32
    %convert_element_type3A_142 = arith.extui %le3A_141 : i1 to i32
    %cond3A_143 = arith.constant 0 : i32
    %cond3A_144 = arith.cmpi ne, %convert_element_type3A_142, %cond3A_143 : i32
    scf.if %cond3A_144 {
      "tpu.region"() ({
        %run_scoped3A = tpu.sem_alloc : memref<!tpu.dma_semaphore, #tpu.memory_space<semaphore_mem>>
        %dma_start3A = arith.constant 0 : i32
        %dma_start3A_206 = tpu.memref_slice %arg11[%add3A_137, %dma_start3A] : memref<10016x128xf32, #tpu.memory_space<vmem_shared>> -> memref<64x128xf32, #tpu.memory_space<vmem_shared>>
        %dma_start3A_207 = arith.constant 0 : i32
        %dma_start3A_208 = tpu.memref_slice %arg11[%add3A_137, %dma_start3A_207] : memref<10016x128xf32, #tpu.memory_space<vmem_shared>> -> memref<64x128xf32, #tpu.memory_space<vmem_shared>>
        tpu.enqueue_dma source(%arg10 : memref<64x128xf32, #tpu.memory_space<vmem>>) target(%dma_start3A_208 : memref<64x128xf32, #tpu.memory_space<vmem_shared>>) target_semaphore(%run_scoped3A : memref<!tpu.dma_semaphore, #tpu.memory_space<semaphore_mem>>)
        %dma_wait3A = arith.constant 0 : i32
        %dma_wait3A_209 = tpu.memref_slice %arg11[%add3A_137, %dma_wait3A] : memref<10016x128xf32, #tpu.memory_space<vmem_shared>> -> memref<64x128xf32, #tpu.memory_space<vmem_shared>>
        %dma_wait3A_210 = arith.constant 0 : i32
        %dma_wait3A_211 = tpu.memref_slice %arg11[%add3A_137, %dma_wait3A_210] : memref<10016x128xf32, #tpu.memory_space<vmem_shared>> -> memref<64x128xf32, #tpu.memory_space<vmem_shared>>
        tpu.wait_dma2 semaphore(%run_scoped3A : memref<!tpu.dma_semaphore, #tpu.memory_space<semaphore_mem>>) src(%arg10 : memref<64x128xf32, #tpu.memory_space<vmem>>) dst(%dma_wait3A_211 : memref<64x128xf32, #tpu.memory_space<vmem_shared>>)
        tpu.yield
      }) : () -> ()
    } else {
    }
    %lt3A_145 = arith.constant 10000 : i32
    %lt3A_146 = arith.cmpi slt, %add3A_137, %lt3A_145 : i32
    %add3A_147 = arith.constant 64 : i32
    %add3A_148 = arith.addi %add3A_137, %add3A_147 : i32
    %gt3A_149 = arith.constant 10000 : i32
    %gt3A_150 = arith.cmpi sgt, %add3A_148, %gt3A_149 : i32
    %and3A_151 = arith.andi %lt3A_146, %gt3A_150 : i1
    %convert_element_type3A_152 = arith.extui %and3A_151 : i1 to i32
    %cond3A_153 = arith.constant 0 : i32
    %cond3A_154 = arith.cmpi ne, %convert_element_type3A_152, %cond3A_153 : i32
    scf.if %cond3A_154 {
      "tpu.region"() ({
        %run_scoped3A = tpu.sem_alloc : memref<!tpu.dma_semaphore, #tpu.memory_space<semaphore_mem>>
        %dma_start3A = arith.constant 0 : i32
        %dma_start3A_206 = arith.constant 0 : i32
        %dma_start3A_207 = tpu.memref_slice %arg10[%dma_start3A, %dma_start3A_206] : memref<64x128xf32, #tpu.memory_space<vmem>> -> memref<16x128xf32, #tpu.memory_space<vmem>>
        %dma_start3A_208 = arith.constant 0 : i32
        %dma_start3A_209 = tpu.memref_slice %arg11[%add3A_137, %dma_start3A_208] : memref<10016x128xf32, #tpu.memory_space<vmem_shared>> -> memref<16x128xf32, #tpu.memory_space<vmem_shared>>
        %dma_start3A_210 = arith.constant 0 : i32
        %dma_start3A_211 = tpu.memref_slice %arg11[%add3A_137, %dma_start3A_210] : memref<10016x128xf32, #tpu.memory_space<vmem_shared>> -> memref<16x128xf32, #tpu.memory_space<vmem_shared>>
        %dma_start3A_212 = arith.constant 0 : i32
        %dma_start3A_213 = arith.constant 0 : i32
        %dma_start3A_214 = tpu.memref_slice %arg10[%dma_start3A_212, %dma_start3A_213] : memref<64x128xf32, #tpu.memory_space<vmem>> -> memref<16x128xf32, #tpu.memory_space<vmem>>
        tpu.enqueue_dma source(%dma_start3A_214 : memref<16x128xf32, #tpu.memory_space<vmem>>) target(%dma_start3A_211 : memref<16x128xf32, #tpu.memory_space<vmem_shared>>) target_semaphore(%run_scoped3A : memref<!tpu.dma_semaphore, #tpu.memory_space<semaphore_mem>>)
        %dma_wait3A = arith.constant 0 : i32
        %dma_wait3A_215 = arith.constant 0 : i32
        %dma_wait3A_216 = tpu.memref_slice %arg10[%dma_wait3A, %dma_wait3A_215] : memref<64x128xf32, #tpu.memory_space<vmem>> -> memref<16x128xf32, #tpu.memory_space<vmem>>
        %dma_wait3A_217 = arith.constant 0 : i32
        %dma_wait3A_218 = tpu.memref_slice %arg11[%add3A_137, %dma_wait3A_217] : memref<10016x128xf32, #tpu.memory_space<vmem_shared>> -> memref<16x128xf32, #tpu.memory_space<vmem_shared>>
        %dma_wait3A_219 = arith.constant 0 : i32
        %dma_wait3A_220 = tpu.memref_slice %arg11[%add3A_137, %dma_wait3A_219] : memref<10016x128xf32, #tpu.memory_space<vmem_shared>> -> memref<16x128xf32, #tpu.memory_space<vmem_shared>>
        %dma_wait3A_221 = arith.constant 0 : i32
        %dma_wait3A_222 = arith.constant 0 : i32
        %dma_wait3A_223 = tpu.memref_slice %arg10[%dma_wait3A_221, %dma_wait3A_222] : memref<64x128xf32, #tpu.memory_space<vmem>> -> memref<16x128xf32, #tpu.memory_space<vmem>>
        tpu.wait_dma2 semaphore(%run_scoped3A : memref<!tpu.dma_semaphore, #tpu.memory_space<semaphore_mem>>) src(%dma_wait3A_223 : memref<16x128xf32, #tpu.memory_space<vmem>>) dst(%dma_wait3A_220 : memref<16x128xf32, #tpu.memory_space<vmem_shared>>)
        tpu.yield
      }) : () -> ()
    } else {
    }
    %add3A_155 = arith.constant 512 : i32
    %add3A_156 = arith.addi %mul3A_8, %add3A_155 : i32
    %add3A_157 = arith.constant 64 : i32
    %add3A_158 = arith.addi %add3A_156, %add3A_157 : i32
    %le3A_159 = arith.constant 10000 : i32
    %le3A_160 = arith.cmpi sle, %add3A_158, %le3A_159 : i32
    %convert_element_type3A_161 = arith.extui %le3A_160 : i1 to i32
    %cond3A_162 = arith.constant 0 : i32
    %cond3A_163 = arith.cmpi ne, %convert_element_type3A_161, %cond3A_162 : i32
    scf.if %cond3A_163 {
      "tpu.region"() ({
        %run_scoped3A = tpu.sem_alloc : memref<!tpu.dma_semaphore, #tpu.memory_space<semaphore_mem>>
        %dma_start3A = arith.constant 0 : i32
        %dma_start3A_206 = tpu.memref_slice %arg11[%add3A_156, %dma_start3A] : memref<10016x128xf32, #tpu.memory_space<vmem_shared>> -> memref<64x128xf32, #tpu.memory_space<vmem_shared>>
        %dma_start3A_207 = arith.constant 0 : i32
        %dma_start3A_208 = tpu.memref_slice %arg11[%add3A_156, %dma_start3A_207] : memref<10016x128xf32, #tpu.memory_space<vmem_shared>> -> memref<64x128xf32, #tpu.memory_space<vmem_shared>>
        tpu.enqueue_dma source(%arg10 : memref<64x128xf32, #tpu.memory_space<vmem>>) target(%dma_start3A_208 : memref<64x128xf32, #tpu.memory_space<vmem_shared>>) target_semaphore(%run_scoped3A : memref<!tpu.dma_semaphore, #tpu.memory_space<semaphore_mem>>)
        %dma_wait3A = arith.constant 0 : i32
        %dma_wait3A_209 = tpu.memref_slice %arg11[%add3A_156, %dma_wait3A] : memref<10016x128xf32, #tpu.memory_space<vmem_shared>> -> memref<64x128xf32, #tpu.memory_space<vmem_shared>>
        %dma_wait3A_210 = arith.constant 0 : i32
        %dma_wait3A_211 = tpu.memref_slice %arg11[%add3A_156, %dma_wait3A_210] : memref<10016x128xf32, #tpu.memory_space<vmem_shared>> -> memref<64x128xf32, #tpu.memory_space<vmem_shared>>
        tpu.wait_dma2 semaphore(%run_scoped3A : memref<!tpu.dma_semaphore, #tpu.memory_space<semaphore_mem>>) src(%arg10 : memref<64x128xf32, #tpu.memory_space<vmem>>) dst(%dma_wait3A_211 : memref<64x128xf32, #tpu.memory_space<vmem_shared>>)
        tpu.yield
      }) : () -> ()
    } else {
    }
    %lt3A_164 = arith.constant 10000 : i32
    %lt3A_165 = arith.cmpi slt, %add3A_156, %lt3A_164 : i32
    %add3A_166 = arith.constant 64 : i32
    %add3A_167 = arith.addi %add3A_156, %add3A_166 : i32
    %gt3A_168 = arith.constant 10000 : i32
    %gt3A_169 = arith.cmpi sgt, %add3A_167, %gt3A_168 : i32
    %and3A_170 = arith.andi %lt3A_165, %gt3A_169 : i1
    %convert_element_type3A_171 = arith.extui %and3A_170 : i1 to i32
    %cond3A_172 = arith.constant 0 : i32
    %cond3A_173 = arith.cmpi ne, %convert_element_type3A_171, %cond3A_172 : i32
    scf.if %cond3A_173 {
      "tpu.region"() ({
        %run_scoped3A = tpu.sem_alloc : memref<!tpu.dma_semaphore, #tpu.memory_space<semaphore_mem>>
        %dma_start3A = arith.constant 0 : i32
        %dma_start3A_206 = arith.constant 0 : i32
        %dma_start3A_207 = tpu.memref_slice %arg10[%dma_start3A, %dma_start3A_206] : memref<64x128xf32, #tpu.memory_space<vmem>> -> memref<16x128xf32, #tpu.memory_space<vmem>>
        %dma_start3A_208 = arith.constant 0 : i32
        %dma_start3A_209 = tpu.memref_slice %arg11[%add3A_156, %dma_start3A_208] : memref<10016x128xf32, #tpu.memory_space<vmem_shared>> -> memref<16x128xf32, #tpu.memory_space<vmem_shared>>
        %dma_start3A_210 = arith.constant 0 : i32
        %dma_start3A_211 = tpu.memref_slice %arg11[%add3A_156, %dma_start3A_210] : memref<10016x128xf32, #tpu.memory_space<vmem_shared>> -> memref<16x128xf32, #tpu.memory_space<vmem_shared>>
        %dma_start3A_212 = arith.constant 0 : i32
        %dma_start3A_213 = arith.constant 0 : i32
        %dma_start3A_214 = tpu.memref_slice %arg10[%dma_start3A_212, %dma_start3A_213] : memref<64x128xf32, #tpu.memory_space<vmem>> -> memref<16x128xf32, #tpu.memory_space<vmem>>
        tpu.enqueue_dma source(%dma_start3A_214 : memref<16x128xf32, #tpu.memory_space<vmem>>) target(%dma_start3A_211 : memref<16x128xf32, #tpu.memory_space<vmem_shared>>) target_semaphore(%run_scoped3A : memref<!tpu.dma_semaphore, #tpu.memory_space<semaphore_mem>>)
        %dma_wait3A = arith.constant 0 : i32
        %dma_wait3A_215 = arith.constant 0 : i32
        %dma_wait3A_216 = tpu.memref_slice %arg10[%dma_wait3A, %dma_wait3A_215] : memref<64x128xf32, #tpu.memory_space<vmem>> -> memref<16x128xf32, #tpu.memory_space<vmem>>
        %dma_wait3A_217 = arith.constant 0 : i32
        %dma_wait3A_218 = tpu.memref_slice %arg11[%add3A_156, %dma_wait3A_217] : memref<10016x128xf32, #tpu.memory_space<vmem_shared>> -> memref<16x128xf32, #tpu.memory_space<vmem_shared>>
        %dma_wait3A_219 = arith.constant 0 : i32
        %dma_wait3A_220 = tpu.memref_slice %arg11[%add3A_156, %dma_wait3A_219] : memref<10016x128xf32, #tpu.memory_space<vmem_shared>> -> memref<16x128xf32, #tpu.memory_space<vmem_shared>>
        %dma_wait3A_221 = arith.constant 0 : i32
        %dma_wait3A_222 = arith.constant 0 : i32
        %dma_wait3A_223 = tpu.memref_slice %arg10[%dma_wait3A_221, %dma_wait3A_222] : memref<64x128xf32, #tpu.memory_space<vmem>> -> memref<16x128xf32, #tpu.memory_space<vmem>>
        tpu.wait_dma2 semaphore(%run_scoped3A : memref<!tpu.dma_semaphore, #tpu.memory_space<semaphore_mem>>) src(%dma_wait3A_223 : memref<16x128xf32, #tpu.memory_space<vmem>>) dst(%dma_wait3A_220 : memref<16x128xf32, #tpu.memory_space<vmem_shared>>)
        tpu.yield
      }) : () -> ()
    } else {
    }
    %add3A_174 = arith.constant 576 : i32
    %add3A_175 = arith.addi %mul3A_8, %add3A_174 : i32
    %add3A_176 = arith.constant 64 : i32
    %add3A_177 = arith.addi %add3A_175, %add3A_176 : i32
    %le3A_178 = arith.constant 10000 : i32
    %le3A_179 = arith.cmpi sle, %add3A_177, %le3A_178 : i32
    %convert_element_type3A_180 = arith.extui %le3A_179 : i1 to i32
    %cond3A_181 = arith.constant 0 : i32
    %cond3A_182 = arith.cmpi ne, %convert_element_type3A_180, %cond3A_181 : i32
    scf.if %cond3A_182 {
      "tpu.region"() ({
        %run_scoped3A = tpu.sem_alloc : memref<!tpu.dma_semaphore, #tpu.memory_space<semaphore_mem>>
        %dma_start3A = arith.constant 0 : i32
        %dma_start3A_206 = tpu.memref_slice %arg11[%add3A_175, %dma_start3A] : memref<10016x128xf32, #tpu.memory_space<vmem_shared>> -> memref<64x128xf32, #tpu.memory_space<vmem_shared>>
        %dma_start3A_207 = arith.constant 0 : i32
        %dma_start3A_208 = tpu.memref_slice %arg11[%add3A_175, %dma_start3A_207] : memref<10016x128xf32, #tpu.memory_space<vmem_shared>> -> memref<64x128xf32, #tpu.memory_space<vmem_shared>>
        tpu.enqueue_dma source(%arg10 : memref<64x128xf32, #tpu.memory_space<vmem>>) target(%dma_start3A_208 : memref<64x128xf32, #tpu.memory_space<vmem_shared>>) target_semaphore(%run_scoped3A : memref<!tpu.dma_semaphore, #tpu.memory_space<semaphore_mem>>)
        %dma_wait3A = arith.constant 0 : i32
        %dma_wait3A_209 = tpu.memref_slice %arg11[%add3A_175, %dma_wait3A] : memref<10016x128xf32, #tpu.memory_space<vmem_shared>> -> memref<64x128xf32, #tpu.memory_space<vmem_shared>>
        %dma_wait3A_210 = arith.constant 0 : i32
        %dma_wait3A_211 = tpu.memref_slice %arg11[%add3A_175, %dma_wait3A_210] : memref<10016x128xf32, #tpu.memory_space<vmem_shared>> -> memref<64x128xf32, #tpu.memory_space<vmem_shared>>
        tpu.wait_dma2 semaphore(%run_scoped3A : memref<!tpu.dma_semaphore, #tpu.memory_space<semaphore_mem>>) src(%arg10 : memref<64x128xf32, #tpu.memory_space<vmem>>) dst(%dma_wait3A_211 : memref<64x128xf32, #tpu.memory_space<vmem_shared>>)
        tpu.yield
      }) : () -> ()
    } else {
    }
    %lt3A_183 = arith.constant 10000 : i32
    %lt3A_184 = arith.cmpi slt, %add3A_175, %lt3A_183 : i32
    %add3A_185 = arith.constant 64 : i32
    %add3A_186 = arith.addi %add3A_175, %add3A_185 : i32
    %gt3A_187 = arith.constant 10000 : i32
    %gt3A_188 = arith.cmpi sgt, %add3A_186, %gt3A_187 : i32
    %and3A_189 = arith.andi %lt3A_184, %gt3A_188 : i1
    %convert_element_type3A_190 = arith.extui %and3A_189 : i1 to i32
    %cond3A_191 = arith.constant 0 : i32
    %cond3A_192 = arith.cmpi ne, %convert_element_type3A_190, %cond3A_191 : i32
    scf.if %cond3A_192 {
      "tpu.region"() ({
        %run_scoped3A = tpu.sem_alloc : memref<!tpu.dma_semaphore, #tpu.memory_space<semaphore_mem>>
        %dma_start3A = arith.constant 0 : i32
        %dma_start3A_206 = arith.constant 0 : i32
        %dma_start3A_207 = tpu.memref_slice %arg10[%dma_start3A, %dma_start3A_206] : memref<64x128xf32, #tpu.memory_space<vmem>> -> memref<16x128xf32, #tpu.memory_space<vmem>>
        %dma_start3A_208 = arith.constant 0 : i32
        %dma_start3A_209 = tpu.memref_slice %arg11[%add3A_175, %dma_start3A_208] : memref<10016x128xf32, #tpu.memory_space<vmem_shared>> -> memref<16x128xf32, #tpu.memory_space<vmem_shared>>
        %dma_start3A_210 = arith.constant 0 : i32
        %dma_start3A_211 = tpu.memref_slice %arg11[%add3A_175, %dma_start3A_210] : memref<10016x128xf32, #tpu.memory_space<vmem_shared>> -> memref<16x128xf32, #tpu.memory_space<vmem_shared>>
        %dma_start3A_212 = arith.constant 0 : i32
        %dma_start3A_213 = arith.constant 0 : i32
        %dma_start3A_214 = tpu.memref_slice %arg10[%dma_start3A_212, %dma_start3A_213] : memref<64x128xf32, #tpu.memory_space<vmem>> -> memref<16x128xf32, #tpu.memory_space<vmem>>
        tpu.enqueue_dma source(%dma_start3A_214 : memref<16x128xf32, #tpu.memory_space<vmem>>) target(%dma_start3A_211 : memref<16x128xf32, #tpu.memory_space<vmem_shared>>) target_semaphore(%run_scoped3A : memref<!tpu.dma_semaphore, #tpu.memory_space<semaphore_mem>>)
        %dma_wait3A = arith.constant 0 : i32
        %dma_wait3A_215 = arith.constant 0 : i32
        %dma_wait3A_216 = tpu.memref_slice %arg10[%dma_wait3A, %dma_wait3A_215] : memref<64x128xf32, #tpu.memory_space<vmem>> -> memref<16x128xf32, #tpu.memory_space<vmem>>
        %dma_wait3A_217 = arith.constant 0 : i32
        %dma_wait3A_218 = tpu.memref_slice %arg11[%add3A_175, %dma_wait3A_217] : memref<10016x128xf32, #tpu.memory_space<vmem_shared>> -> memref<16x128xf32, #tpu.memory_space<vmem_shared>>
        %dma_wait3A_219 = arith.constant 0 : i32
        %dma_wait3A_220 = tpu.memref_slice %arg11[%add3A_175, %dma_wait3A_219] : memref<10016x128xf32, #tpu.memory_space<vmem_shared>> -> memref<16x128xf32, #tpu.memory_space<vmem_shared>>
        %dma_wait3A_221 = arith.constant 0 : i32
        %dma_wait3A_222 = arith.constant 0 : i32
        %dma_wait3A_223 = tpu.memref_slice %arg10[%dma_wait3A_221, %dma_wait3A_222] : memref<64x128xf32, #tpu.memory_space<vmem>> -> memref<16x128xf32, #tpu.memory_space<vmem>>
        tpu.wait_dma2 semaphore(%run_scoped3A : memref<!tpu.dma_semaphore, #tpu.memory_space<semaphore_mem>>) src(%dma_wait3A_223 : memref<16x128xf32, #tpu.memory_space<vmem>>) dst(%dma_wait3A_220 : memref<16x128xf32, #tpu.memory_space<vmem_shared>>)
        tpu.yield
      }) : () -> ()
    } else {
    }
    %barrier3A = arith.constant 0 : index
    tpu.barrier barrier_id(%barrier3A)
    %scan3A_193 = arith.constant 0 : i32
    %scan3A_194 = arith.constant 0 : i32
    %scan3A_195 = arith.constant 5 : i32
    %scan3A_196 = arith.addi %scan3A_194, %scan3A_195 : i32
    %scan3A_197 = arith.constant 1 : i32
    scf.for %scan3A_206 = %scan3A_194 to %scan3A_196 step %scan3A_197  : i32 {
      "tpu.region"() ({
        %run_scoped3A_225 = tpu.sem_alloc : memref<!tpu.dma_semaphore, #tpu.memory_space<semaphore_mem>>
        %dma_start3A_226 = arith.constant 0 : i32
        %dma_start3A_227 = arith.constant 0 : i32
        %dma_start3A_228 = tpu.memref_slice %arg3[%add3A, %scan3A_206, %dma_start3A_226, %dma_start3A_227] : memref<32x5x25x80xi32, #tpu.memory_space<hbm>> -> memref<1x1x25x80xi32, #tpu.memory_space<hbm>>
        %dma_start3A_229 = tpu.memref_squeeze %dma_start3A_228 : memref<1x1x25x80xi32, #tpu.memory_space<hbm>> -> memref<25x80xi32, #tpu.memory_space<hbm>>
        %dma_start3A_230 = arith.constant 0 : i32
        %dma_start3A_231 = arith.constant 0 : i32
        %dma_start3A_232 = tpu.memref_slice %arg3[%add3A, %scan3A_206, %dma_start3A_230, %dma_start3A_231] : memref<32x5x25x80xi32, #tpu.memory_space<hbm>> -> memref<1x1x25x80xi32, #tpu.memory_space<hbm>>
        %dma_start3A_233 = tpu.memref_squeeze %dma_start3A_232 : memref<1x1x25x80xi32, #tpu.memory_space<hbm>> -> memref<25x80xi32, #tpu.memory_space<hbm>>
        tpu.enqueue_dma source(%dma_start3A_233 : memref<25x80xi32, #tpu.memory_space<hbm>>) target(%arg6 : memref<25x80xi32, #tpu.memory_space<vmem>>) target_semaphore(%run_scoped3A_225 : memref<!tpu.dma_semaphore, #tpu.memory_space<semaphore_mem>>)
        %dma_wait3A_234 = arith.constant 0 : i32
        %dma_wait3A_235 = arith.constant 0 : i32
        %dma_wait3A_236 = tpu.memref_slice %arg3[%add3A, %scan3A_206, %dma_wait3A_234, %dma_wait3A_235] : memref<32x5x25x80xi32, #tpu.memory_space<hbm>> -> memref<1x1x25x80xi32, #tpu.memory_space<hbm>>
        %dma_wait3A_237 = tpu.memref_squeeze %dma_wait3A_236 : memref<1x1x25x80xi32, #tpu.memory_space<hbm>> -> memref<25x80xi32, #tpu.memory_space<hbm>>
        %dma_wait3A_238 = arith.constant 0 : i32
        %dma_wait3A_239 = arith.constant 0 : i32
        %dma_wait3A_240 = tpu.memref_slice %arg3[%add3A, %scan3A_206, %dma_wait3A_238, %dma_wait3A_239] : memref<32x5x25x80xi32, #tpu.memory_space<hbm>> -> memref<1x1x25x80xi32, #tpu.memory_space<hbm>>
        %dma_wait3A_241 = tpu.memref_squeeze %dma_wait3A_240 : memref<1x1x25x80xi32, #tpu.memory_space<hbm>> -> memref<25x80xi32, #tpu.memory_space<hbm>>
        tpu.wait_dma2 semaphore(%run_scoped3A_225 : memref<!tpu.dma_semaphore, #tpu.memory_space<semaphore_mem>>) src(%dma_wait3A_241 : memref<25x80xi32, #tpu.memory_space<hbm>>) dst(%arg6 : memref<25x80xi32, #tpu.memory_space<vmem>>)
        tpu.yield
      }) : () -> ()
      "tpu.region"() ({
        %run_scoped3A_225 = tpu.sem_alloc : memref<!tpu.dma_semaphore, #tpu.memory_space<semaphore_mem>>
        %dma_start3A_226 = arith.constant 0 : i32
        %dma_start3A_227 = arith.constant 0 : i32
        %dma_start3A_228 = tpu.memref_slice %arg4[%add3A, %scan3A_206, %dma_start3A_226, %dma_start3A_227] : memref<32x5x25x80xi32, #tpu.memory_space<hbm>> -> memref<1x1x25x80xi32, #tpu.memory_space<hbm>>
        %dma_start3A_229 = tpu.memref_squeeze %dma_start3A_228 : memref<1x1x25x80xi32, #tpu.memory_space<hbm>> -> memref<25x80xi32, #tpu.memory_space<hbm>>
        %dma_start3A_230 = arith.constant 0 : i32
        %dma_start3A_231 = arith.constant 0 : i32
        %dma_start3A_232 = tpu.memref_slice %arg4[%add3A, %scan3A_206, %dma_start3A_230, %dma_start3A_231] : memref<32x5x25x80xi32, #tpu.memory_space<hbm>> -> memref<1x1x25x80xi32, #tpu.memory_space<hbm>>
        %dma_start3A_233 = tpu.memref_squeeze %dma_start3A_232 : memref<1x1x25x80xi32, #tpu.memory_space<hbm>> -> memref<25x80xi32, #tpu.memory_space<hbm>>
        tpu.enqueue_dma source(%dma_start3A_233 : memref<25x80xi32, #tpu.memory_space<hbm>>) target(%arg7 : memref<25x80xi32, #tpu.memory_space<vmem>>) target_semaphore(%run_scoped3A_225 : memref<!tpu.dma_semaphore, #tpu.memory_space<semaphore_mem>>)
        %dma_wait3A_234 = arith.constant 0 : i32
        %dma_wait3A_235 = arith.constant 0 : i32
        %dma_wait3A_236 = tpu.memref_slice %arg4[%add3A, %scan3A_206, %dma_wait3A_234, %dma_wait3A_235] : memref<32x5x25x80xi32, #tpu.memory_space<hbm>> -> memref<1x1x25x80xi32, #tpu.memory_space<hbm>>
        %dma_wait3A_237 = tpu.memref_squeeze %dma_wait3A_236 : memref<1x1x25x80xi32, #tpu.memory_space<hbm>> -> memref<25x80xi32, #tpu.memory_space<hbm>>
        %dma_wait3A_238 = arith.constant 0 : i32
        %dma_wait3A_239 = arith.constant 0 : i32
        %dma_wait3A_240 = tpu.memref_slice %arg4[%add3A, %scan3A_206, %dma_wait3A_238, %dma_wait3A_239] : memref<32x5x25x80xi32, #tpu.memory_space<hbm>> -> memref<1x1x25x80xi32, #tpu.memory_space<hbm>>
        %dma_wait3A_241 = tpu.memref_squeeze %dma_wait3A_240 : memref<1x1x25x80xi32, #tpu.memory_space<hbm>> -> memref<25x80xi32, #tpu.memory_space<hbm>>
        tpu.wait_dma2 semaphore(%run_scoped3A_225 : memref<!tpu.dma_semaphore, #tpu.memory_space<semaphore_mem>>) src(%dma_wait3A_241 : memref<25x80xi32, #tpu.memory_space<hbm>>) dst(%arg7 : memref<25x80xi32, #tpu.memory_space<vmem>>)
        tpu.yield
      }) : () -> ()
      %dma_start3A = arith.constant 0 : i32
      %dma_start3A_207 = arith.constant 0 : i32
      %dma_start3A_208 = tpu.memref_slice %arg6[%dma_start3A, %dma_start3A_207] : memref<25x80xi32, #tpu.memory_space<vmem>> -> memref<1x80xi32, #tpu.memory_space<vmem>>
      %dma_start3A_209 = tpu.memref_squeeze %dma_start3A_208 : memref<1x80xi32, #tpu.memory_space<vmem>> -> memref<80xi32, #tpu.memory_space<vmem>>
      %dma_start3A_210 = arith.constant 0 : i32
      %dma_start3A_211 = arith.constant 0 : i32
      %dma_start3A_212 = tpu.memref_slice %arg2[%dma_start3A_210, %dma_start3A_211] : memref<10000x128xf32, #tpu.memory_space<hbm>> -> memref<10000x128xf32, #tpu.memory_space<hbm>>
      tpu.enqueue_indirect_dma source(%dma_start3A_212 : memref<10000x128xf32, #tpu.memory_space<hbm>>) target(%arg8 : memref<80x128xf32, #tpu.memory_space<vmem>>) offsets(%dma_start3A_209 : memref<80xi32, #tpu.memory_space<vmem>>) semaphore(%arg12 : memref<!tpu.dma_semaphore, #tpu.memory_space<semaphore_mem>>)
      %scan3A_213 = arith.constant 0 : i32
      %scan3A_214 = arith.constant 0 : i32
      %scan3A_215 = arith.constant 12 : i32
      %scan3A_216 = arith.addi %scan3A_214, %scan3A_215 : i32
      %scan3A_217 = arith.constant 1 : i32
      scf.for %scan3A_225 = %scan3A_214 to %scan3A_216 step %scan3A_217  : i32 {
        %mul3A_226 = arith.constant 2 : i32
        %mul3A_227 = arith.muli %mul3A_226, %scan3A_225 : i32
        %add3A_228 = arith.constant 1 : i32
        %add3A_229 = arith.addi %mul3A_227, %add3A_228 : i32
        %dma_start3A_230 = arith.constant 0 : i32
        %dma_start3A_231 = tpu.memref_slice %arg6[%add3A_229, %dma_start3A_230] : memref<25x80xi32, #tpu.memory_space<vmem>> -> memref<1x80xi32, #tpu.memory_space<vmem>>
        %dma_start3A_232 = tpu.memref_squeeze %dma_start3A_231 : memref<1x80xi32, #tpu.memory_space<vmem>> -> memref<80xi32, #tpu.memory_space<vmem>>
        %dma_start3A_233 = arith.constant 0 : i32
        %dma_start3A_234 = arith.constant 0 : i32
        %dma_start3A_235 = tpu.memref_slice %arg2[%dma_start3A_233, %dma_start3A_234] : memref<10000x128xf32, #tpu.memory_space<hbm>> -> memref<10000x128xf32, #tpu.memory_space<hbm>>
        tpu.enqueue_indirect_dma source(%dma_start3A_235 : memref<10000x128xf32, #tpu.memory_space<hbm>>) target(%arg9 : memref<80x128xf32, #tpu.memory_space<vmem>>) offsets(%dma_start3A_232 : memref<80xi32, #tpu.memory_space<vmem>>) semaphore(%arg13 : memref<!tpu.dma_semaphore, #tpu.memory_space<semaphore_mem>>)
        %dma_wait3A_236 = arith.constant 0 : i32
        %dma_wait3A_237 = tpu.memref_slice %arg6[%mul3A_227, %dma_wait3A_236] : memref<25x80xi32, #tpu.memory_space<vmem>> -> memref<1x80xi32, #tpu.memory_space<vmem>>
        %dma_wait3A_238 = tpu.memref_squeeze %dma_wait3A_237 : memref<1x80xi32, #tpu.memory_space<vmem>> -> memref<80xi32, #tpu.memory_space<vmem>>
        %dma_wait3A_239 = arith.constant 0 : i32
        %dma_wait3A_240 = arith.constant 0 : i32
        %dma_wait3A_241 = tpu.memref_slice %arg2[%dma_wait3A_239, %dma_wait3A_240] : memref<10000x128xf32, #tpu.memory_space<hbm>> -> memref<10000x128xf32, #tpu.memory_space<hbm>>
        tpu.wait_indirect_dma semaphore(%arg12 : memref<!tpu.dma_semaphore, #tpu.memory_space<semaphore_mem>>) src(%dma_wait3A_241 : memref<10000x128xf32, #tpu.memory_space<hbm>>) dst(%arg8 : memref<80x128xf32, #tpu.memory_space<vmem>>)
        "tpu.region"() ({
          %run_scoped3A_260 = tpu.sem_alloc : memref<!tpu.dma_semaphore, #tpu.memory_space<semaphore_mem>>
          %dma_start3A_261 = arith.constant 0 : i32
          %dma_start3A_262 = tpu.memref_slice %arg7[%mul3A_227, %dma_start3A_261] : memref<25x80xi32, #tpu.memory_space<vmem>> -> memref<1x80xi32, #tpu.memory_space<vmem>>
          %dma_start3A_263 = tpu.memref_squeeze %dma_start3A_262 : memref<1x80xi32, #tpu.memory_space<vmem>> -> memref<80xi32, #tpu.memory_space<vmem>>
          %dma_start3A_264 = arith.constant 0 : i32
          %dma_start3A_265 = arith.constant 0 : i32
          %dma_start3A_266 = tpu.memref_slice %arg11[%dma_start3A_264, %dma_start3A_265] : memref<10016x128xf32, #tpu.memory_space<vmem_shared>> -> memref<10016x128xf32, #tpu.memory_space<vmem_shared>>
          tpu.enqueue_indirect_dma source(%arg8 : memref<80x128xf32, #tpu.memory_space<vmem>>) target(%dma_start3A_266 : memref<10016x128xf32, #tpu.memory_space<vmem_shared>>) offsets(%dma_start3A_263 : memref<80xi32, #tpu.memory_space<vmem>>) semaphore(%run_scoped3A_260 : memref<!tpu.dma_semaphore, #tpu.memory_space<semaphore_mem>>) {add = true}
          %dma_wait3A_267 = arith.constant 0 : i32
          %dma_wait3A_268 = tpu.memref_slice %arg7[%mul3A_227, %dma_wait3A_267] : memref<25x80xi32, #tpu.memory_space<vmem>> -> memref<1x80xi32, #tpu.memory_space<vmem>>
          %dma_wait3A_269 = tpu.memref_squeeze %dma_wait3A_268 : memref<1x80xi32, #tpu.memory_space<vmem>> -> memref<80xi32, #tpu.memory_space<vmem>>
          %dma_wait3A_270 = arith.constant 0 : i32
          %dma_wait3A_271 = arith.constant 0 : i32
          %dma_wait3A_272 = tpu.memref_slice %arg11[%dma_wait3A_270, %dma_wait3A_271] : memref<10016x128xf32, #tpu.memory_space<vmem_shared>> -> memref<10016x128xf32, #tpu.memory_space<vmem_shared>>
          tpu.wait_indirect_dma semaphore(%run_scoped3A_260 : memref<!tpu.dma_semaphore, #tpu.memory_space<semaphore_mem>>) src(%arg8 : memref<80x128xf32, #tpu.memory_space<vmem>>) dst(%dma_wait3A_272 : memref<10016x128xf32, #tpu.memory_space<vmem_shared>>)
          tpu.yield
        }) : () -> ()
        %add3A_242 = arith.constant 2 : i32
        %add3A_243 = arith.addi %mul3A_227, %add3A_242 : i32
        %dma_start3A_244 = arith.constant 0 : i32
        %dma_start3A_245 = tpu.memref_slice %arg6[%add3A_243, %dma_start3A_244] : memref<25x80xi32, #tpu.memory_space<vmem>> -> memref<1x80xi32, #tpu.memory_space<vmem>>
        %dma_start3A_246 = tpu.memref_squeeze %dma_start3A_245 : memref<1x80xi32, #tpu.memory_space<vmem>> -> memref<80xi32, #tpu.memory_space<vmem>>
        %dma_start3A_247 = arith.constant 0 : i32
        %dma_start3A_248 = arith.constant 0 : i32
        %dma_start3A_249 = tpu.memref_slice %arg2[%dma_start3A_247, %dma_start3A_248] : memref<10000x128xf32, #tpu.memory_space<hbm>> -> memref<10000x128xf32, #tpu.memory_space<hbm>>
        tpu.enqueue_indirect_dma source(%dma_start3A_249 : memref<10000x128xf32, #tpu.memory_space<hbm>>) target(%arg8 : memref<80x128xf32, #tpu.memory_space<vmem>>) offsets(%dma_start3A_246 : memref<80xi32, #tpu.memory_space<vmem>>) semaphore(%arg12 : memref<!tpu.dma_semaphore, #tpu.memory_space<semaphore_mem>>)
        %add3A_250 = arith.constant 1 : i32
        %add3A_251 = arith.addi %mul3A_227, %add3A_250 : i32
        %dma_wait3A_252 = arith.constant 0 : i32
        %dma_wait3A_253 = tpu.memref_slice %arg6[%add3A_251, %dma_wait3A_252] : memref<25x80xi32, #tpu.memory_space<vmem>> -> memref<1x80xi32, #tpu.memory_space<vmem>>
        %dma_wait3A_254 = tpu.memref_squeeze %dma_wait3A_253 : memref<1x80xi32, #tpu.memory_space<vmem>> -> memref<80xi32, #tpu.memory_space<vmem>>
        %dma_wait3A_255 = arith.constant 0 : i32
        %dma_wait3A_256 = arith.constant 0 : i32
        %dma_wait3A_257 = tpu.memref_slice %arg2[%dma_wait3A_255, %dma_wait3A_256] : memref<10000x128xf32, #tpu.memory_space<hbm>> -> memref<10000x128xf32, #tpu.memory_space<hbm>>
        tpu.wait_indirect_dma semaphore(%arg13 : memref<!tpu.dma_semaphore, #tpu.memory_space<semaphore_mem>>) src(%dma_wait3A_257 : memref<10000x128xf32, #tpu.memory_space<hbm>>) dst(%arg9 : memref<80x128xf32, #tpu.memory_space<vmem>>)
        %add3A_258 = arith.constant 1 : i32
        %add3A_259 = arith.addi %mul3A_227, %add3A_258 : i32
        "tpu.region"() ({
          %run_scoped3A_260 = tpu.sem_alloc : memref<!tpu.dma_semaphore, #tpu.memory_space<semaphore_mem>>
          %dma_start3A_261 = arith.constant 0 : i32
          %dma_start3A_262 = tpu.memref_slice %arg7[%add3A_259, %dma_start3A_261] : memref<25x80xi32, #tpu.memory_space<vmem>> -> memref<1x80xi32, #tpu.memory_space<vmem>>
          %dma_start3A_263 = tpu.memref_squeeze %dma_start3A_262 : memref<1x80xi32, #tpu.memory_space<vmem>> -> memref<80xi32, #tpu.memory_space<vmem>>
          %dma_start3A_264 = arith.constant 0 : i32
          %dma_start3A_265 = arith.constant 0 : i32
          %dma_start3A_266 = tpu.memref_slice %arg11[%dma_start3A_264, %dma_start3A_265] : memref<10016x128xf32, #tpu.memory_space<vmem_shared>> -> memref<10016x128xf32, #tpu.memory_space<vmem_shared>>
          tpu.enqueue_indirect_dma source(%arg9 : memref<80x128xf32, #tpu.memory_space<vmem>>) target(%dma_start3A_266 : memref<10016x128xf32, #tpu.memory_space<vmem_shared>>) offsets(%dma_start3A_263 : memref<80xi32, #tpu.memory_space<vmem>>) semaphore(%run_scoped3A_260 : memref<!tpu.dma_semaphore, #tpu.memory_space<semaphore_mem>>) {add = true}
          %dma_wait3A_267 = arith.constant 0 : i32
          %dma_wait3A_268 = tpu.memref_slice %arg7[%add3A_259, %dma_wait3A_267] : memref<25x80xi32, #tpu.memory_space<vmem>> -> memref<1x80xi32, #tpu.memory_space<vmem>>
          %dma_wait3A_269 = tpu.memref_squeeze %dma_wait3A_268 : memref<1x80xi32, #tpu.memory_space<vmem>> -> memref<80xi32, #tpu.memory_space<vmem>>
          %dma_wait3A_270 = arith.constant 0 : i32
          %dma_wait3A_271 = arith.constant 0 : i32
          %dma_wait3A_272 = tpu.memref_slice %arg11[%dma_wait3A_270, %dma_wait3A_271] : memref<10016x128xf32, #tpu.memory_space<vmem_shared>> -> memref<10016x128xf32, #tpu.memory_space<vmem_shared>>
          tpu.wait_indirect_dma semaphore(%run_scoped3A_260 : memref<!tpu.dma_semaphore, #tpu.memory_space<semaphore_mem>>) src(%arg9 : memref<80x128xf32, #tpu.memory_space<vmem>>) dst(%dma_wait3A_272 : memref<10016x128xf32, #tpu.memory_space<vmem_shared>>)
          tpu.yield
        }) : () -> ()
      }
      %scan3A_218 = arith.constant 12 : i32
      %dma_wait3A = arith.constant 24 : i32
      %dma_wait3A_219 = arith.constant 0 : i32
      %dma_wait3A_220 = tpu.memref_slice %arg6[%dma_wait3A, %dma_wait3A_219] : memref<25x80xi32, #tpu.memory_space<vmem>> -> memref<1x80xi32, #tpu.memory_space<vmem>>
      %dma_wait3A_221 = tpu.memref_squeeze %dma_wait3A_220 : memref<1x80xi32, #tpu.memory_space<vmem>> -> memref<80xi32, #tpu.memory_space<vmem>>
      %dma_wait3A_222 = arith.constant 0 : i32
      %dma_wait3A_223 = arith.constant 0 : i32
      %dma_wait3A_224 = tpu.memref_slice %arg2[%dma_wait3A_222, %dma_wait3A_223] : memref<10000x128xf32, #tpu.memory_space<hbm>> -> memref<10000x128xf32, #tpu.memory_space<hbm>>
      tpu.wait_indirect_dma semaphore(%arg12 : memref<!tpu.dma_semaphore, #tpu.memory_space<semaphore_mem>>) src(%dma_wait3A_224 : memref<10000x128xf32, #tpu.memory_space<hbm>>) dst(%arg8 : memref<80x128xf32, #tpu.memory_space<vmem>>)
      %run_scoped3A = arith.constant 24 : i32
      "tpu.region"() ({
        %run_scoped3A_225 = tpu.sem_alloc : memref<!tpu.dma_semaphore, #tpu.memory_space<semaphore_mem>>
        %dma_start3A_226 = arith.constant 0 : i32
        %dma_start3A_227 = tpu.memref_slice %arg7[%run_scoped3A, %dma_start3A_226] : memref<25x80xi32, #tpu.memory_space<vmem>> -> memref<1x80xi32, #tpu.memory_space<vmem>>
        %dma_start3A_228 = tpu.memref_squeeze %dma_start3A_227 : memref<1x80xi32, #tpu.memory_space<vmem>> -> memref<80xi32, #tpu.memory_space<vmem>>
        %dma_start3A_229 = arith.constant 0 : i32
        %dma_start3A_230 = arith.constant 0 : i32
        %dma_start3A_231 = tpu.memref_slice %arg11[%dma_start3A_229, %dma_start3A_230] : memref<10016x128xf32, #tpu.memory_space<vmem_shared>> -> memref<10016x128xf32, #tpu.memory_space<vmem_shared>>
        tpu.enqueue_indirect_dma source(%arg8 : memref<80x128xf32, #tpu.memory_space<vmem>>) target(%dma_start3A_231 : memref<10016x128xf32, #tpu.memory_space<vmem_shared>>) offsets(%dma_start3A_228 : memref<80xi32, #tpu.memory_space<vmem>>) semaphore(%run_scoped3A_225 : memref<!tpu.dma_semaphore, #tpu.memory_space<semaphore_mem>>) {add = true}
        %dma_wait3A_232 = arith.constant 0 : i32
        %dma_wait3A_233 = tpu.memref_slice %arg7[%run_scoped3A, %dma_wait3A_232] : memref<25x80xi32, #tpu.memory_space<vmem>> -> memref<1x80xi32, #tpu.memory_space<vmem>>
        %dma_wait3A_234 = tpu.memref_squeeze %dma_wait3A_233 : memref<1x80xi32, #tpu.memory_space<vmem>> -> memref<80xi32, #tpu.memory_space<vmem>>
        %dma_wait3A_235 = arith.constant 0 : i32
        %dma_wait3A_236 = arith.constant 0 : i32
        %dma_wait3A_237 = tpu.memref_slice %arg11[%dma_wait3A_235, %dma_wait3A_236] : memref<10016x128xf32, #tpu.memory_space<vmem_shared>> -> memref<10016x128xf32, #tpu.memory_space<vmem_shared>>
        tpu.wait_indirect_dma semaphore(%run_scoped3A_225 : memref<!tpu.dma_semaphore, #tpu.memory_space<semaphore_mem>>) src(%arg8 : memref<80x128xf32, #tpu.memory_space<vmem>>) dst(%dma_wait3A_237 : memref<10016x128xf32, #tpu.memory_space<vmem_shared>>)
        tpu.yield
      }) : () -> ()
    }
    %scan3A_198 = arith.constant 5 : i32
    %barrier3A_199 = arith.constant 0 : index
    tpu.barrier barrier_id(%barrier3A_199)
    %scan3A_200 = arith.constant 0 : i32
    %scan3A_201 = arith.constant 0 : i32
    %scan3A_202 = arith.constant 8 : i32
    %scan3A_203 = arith.addi %scan3A_201, %scan3A_202 : i32
    %scan3A_204 = arith.constant 1 : i32
    scf.for %scan3A_206 = %scan3A_201 to %scan3A_203 step %scan3A_204  : i32 {
      %mul3A_207 = arith.constant 80 : i32
      %mul3A_208 = arith.muli %scan3A_206, %mul3A_207 : i32
      %add3A_209 = arith.addi %mul3A_8, %mul3A_208 : i32
      %lt3A_210 = arith.constant 10000 : i32
      %lt3A_211 = arith.cmpi slt, %add3A_209, %lt3A_210 : i32
      %convert_element_type3A_212 = arith.extui %lt3A_211 : i1 to i32
      %cond3A_213 = arith.constant 0 : i32
      %cond3A_214 = arith.cmpi ne, %convert_element_type3A_212, %cond3A_213 : i32
      scf.if %cond3A_214 {
        "tpu.region"() ({
          %run_scoped3A = tpu.sem_alloc : memref<!tpu.dma_semaphore, #tpu.memory_space<semaphore_mem>>
          %dma_start3A = arith.constant 0 : i32
          %dma_start3A_215 = tpu.memref_slice %arg5[%arg0, %add3A_209, %dma_start3A] : memref<2x10000x128xf32, #tpu.memory_space<hbm>> -> memref<1x80x128xf32, #tpu.memory_space<hbm>>
          %dma_start3A_216 = tpu.memref_squeeze %dma_start3A_215 : memref<1x80x128xf32, #tpu.memory_space<hbm>> -> memref<80x128xf32, #tpu.memory_space<hbm>>
          %dma_start3A_217 = arith.constant 0 : i32
          %dma_start3A_218 = tpu.memref_slice %arg11[%add3A_209, %dma_start3A_217] : memref<10016x128xf32, #tpu.memory_space<vmem_shared>> -> memref<80x128xf32, #tpu.memory_space<vmem_shared>>
          tpu.enqueue_dma source(%dma_start3A_218 : memref<80x128xf32, #tpu.memory_space<vmem_shared>>) target(%dma_start3A_216 : memref<80x128xf32, #tpu.memory_space<hbm>>) target_semaphore(%run_scoped3A : memref<!tpu.dma_semaphore, #tpu.memory_space<semaphore_mem>>)
          %dma_wait3A = arith.constant 0 : i32
          %dma_wait3A_219 = tpu.memref_slice %arg5[%arg0, %add3A_209, %dma_wait3A] : memref<2x10000x128xf32, #tpu.memory_space<hbm>> -> memref<1x80x128xf32, #tpu.memory_space<hbm>>
          %dma_wait3A_220 = tpu.memref_squeeze %dma_wait3A_219 : memref<1x80x128xf32, #tpu.memory_space<hbm>> -> memref<80x128xf32, #tpu.memory_space<hbm>>
          %dma_wait3A_221 = arith.constant 0 : i32
          %dma_wait3A_222 = tpu.memref_slice %arg11[%add3A_209, %dma_wait3A_221] : memref<10016x128xf32, #tpu.memory_space<vmem_shared>> -> memref<80x128xf32, #tpu.memory_space<vmem_shared>>
          tpu.wait_dma2 semaphore(%run_scoped3A : memref<!tpu.dma_semaphore, #tpu.memory_space<semaphore_mem>>) src(%dma_wait3A_222 : memref<80x128xf32, #tpu.memory_space<vmem_shared>>) dst(%dma_wait3A_220 : memref<80x128xf32, #tpu.memory_space<hbm>>)
          tpu.yield
        }) : () -> ()
      } else {
      }
    }
    %scan3A_205 = arith.constant 8 : i32
    return
  }
}

#map = affine_map<(d0, d1) -> (0, 0, 0, 0)>
#map1 = affine_map<(d0, d1) -> (0, 0, 0)>
module attributes {stable_mosaic.version = 14 : i64} {
  func.func @body(%arg0: i32, %arg1: i32, %arg2: memref<32x5x25x80xi32, #tpu.memory_space<hbm>>, %arg3: memref<2x10000x128xf32, #tpu.memory_space<hbm>>, %arg4: memref<25x80xi32, #tpu.memory_space<vmem>>, %arg5: memref<80x128xf32, #tpu.memory_space<vmem>>, %arg6: memref<64x128xf32, #tpu.memory_space<vmem>>, %arg7: memref<10016x128xf32, #tpu.memory_space<vmem_shared>>) attributes {dimension_semantics = [#tpu.dimension_semantics<core_parallel>, #tpu.dimension_semantics<subcore_parallel>], iteration_bounds = array<i64: 2, 16>, scalar_prefetch = 0 : i64, scratch_operands = 4 : i64, tpu.core_type = #tpu.core_type<sc_vector_subcore>, window_params = [{transform_indices = #map}, {transform_indices = #map1}]} {
    %mul3A = arith.constant 16 : i32
    %mul3A_0 = arith.muli %arg0, %mul3A : i32
    %add3A = arith.addi %mul3A_0, %arg1 : i32
    %broadcast_in_dim3A = arith.constant 0.000000e+00 : f32
    %broadcast_in_dim3A_1 = vector.broadcast %broadcast_in_dim3A : f32 to vector<16xf32>
    %broadcast_in_dim3A_2 = arith.constant 1.000000e+00 : f32
    %broadcast_in_dim3A_3 = vector.broadcast %broadcast_in_dim3A_2 : f32 to vector<16xf32>
    %scan3A = arith.constant 0 : i32
    %scan3A_4 = arith.constant 0 : i32
    %scan3A_5 = arith.constant 640 : i32
    %scan3A_6 = arith.addi %scan3A_4, %scan3A_5 : i32
    %scan3A_7 = arith.constant 1 : i32
    scf.for %scan3A_214 = %scan3A_4 to %scan3A_6 step %scan3A_7  : i32 {
      %jit3A = arith.constant 8 : i32
      %div3A = arith.divsi %scan3A_214, %jit3A : i32
      %sign3A = arith.constant 0 : i32
      %sign3A_215 = arith.cmpi sgt, %scan3A_214, %sign3A : i32
      %sign3A_216 = arith.extui %sign3A_215 : i1 to i32
      %sign3A_217 = arith.constant 0 : i32
      %sign3A_218 = arith.cmpi slt, %scan3A_214, %sign3A_217 : i32
      %sign3A_219 = arith.extui %sign3A_218 : i1 to i32
      %sign3A_220 = arith.subi %sign3A_216, %sign3A_219 : i32
      %sign3A_221 = arith.constant 0 : i32
      %sign3A_222 = arith.cmpi sgt, %jit3A, %sign3A_221 : i32
      %sign3A_223 = arith.extui %sign3A_222 : i1 to i32
      %sign3A_224 = arith.constant 0 : i32
      %sign3A_225 = arith.cmpi slt, %jit3A, %sign3A_224 : i32
      %sign3A_226 = arith.extui %sign3A_225 : i1 to i32
      %sign3A_227 = arith.subi %sign3A_223, %sign3A_226 : i32
      %ne3A = arith.cmpi ne, %sign3A_220, %sign3A_227 : i32
      %rem3A = arith.remsi %scan3A_214, %jit3A : i32
      %ne3A_228 = arith.constant 0 : i32
      %ne3A_229 = arith.cmpi ne, %rem3A, %ne3A_228 : i32
      %and3A_230 = arith.andi %ne3A, %ne3A_229 : i1
      %sub3A = arith.constant 1 : i32
      %sub3A_231 = arith.subi %div3A, %sub3A : i32
      %select_n3A = arith.select %and3A_230, %sub3A_231, %div3A : i32
      %mul3A_232 = arith.constant 8 : i32
      %mul3A_233 = arith.muli %select_n3A, %mul3A_232 : i32
      %sub3A_234 = arith.subi %scan3A_214, %mul3A_233 : i32
      %mul3A_235 = arith.constant 16 : i32
      %mul3A_236 = arith.muli %sub3A_234, %mul3A_235 : i32
      %swap3A = arith.index_cast %select_n3A : i32 to index
      %swap3A_237 = arith.index_cast %mul3A_236 : i32 to index
      %swap3A_238 = tpu.vector_load %arg5[%swap3A, %swap3A_237] {strides = array<i32>} : memref<80x128xf32, #tpu.memory_space<vmem>>, vector<1x16xf32>,
      %swap3A_239 = vector.shape_cast %swap3A_238 : vector<1x16xf32> to vector<16xf32>
      %swap3A_240 = vector.shape_cast %broadcast_in_dim3A_3 : vector<16xf32> to vector<1x16xf32>
      tpu.vector_store %arg5[%swap3A, %swap3A_237], %swap3A_240 {strides = array<i32>} : memref<80x128xf32, #tpu.memory_space<vmem>>, vector<1x16xf32>,
    }
    %scan3A_8 = arith.constant 640 : i32
    %scan3A_9 = arith.constant 0 : i32
    %scan3A_10 = arith.constant 0 : i32
    %scan3A_11 = arith.constant 512 : i32
    %scan3A_12 = arith.addi %scan3A_10, %scan3A_11 : i32
    %scan3A_13 = arith.constant 1 : i32
    scf.for %scan3A_214 = %scan3A_10 to %scan3A_12 step %scan3A_13  : i32 {
      %jit3A = arith.constant 8 : i32
      %div3A = arith.divsi %scan3A_214, %jit3A : i32
      %sign3A = arith.constant 0 : i32
      %sign3A_215 = arith.cmpi sgt, %scan3A_214, %sign3A : i32
      %sign3A_216 = arith.extui %sign3A_215 : i1 to i32
      %sign3A_217 = arith.constant 0 : i32
      %sign3A_218 = arith.cmpi slt, %scan3A_214, %sign3A_217 : i32
      %sign3A_219 = arith.extui %sign3A_218 : i1 to i32
      %sign3A_220 = arith.subi %sign3A_216, %sign3A_219 : i32
      %sign3A_221 = arith.constant 0 : i32
      %sign3A_222 = arith.cmpi sgt, %jit3A, %sign3A_221 : i32
      %sign3A_223 = arith.extui %sign3A_222 : i1 to i32
      %sign3A_224 = arith.constant 0 : i32
      %sign3A_225 = arith.cmpi slt, %jit3A, %sign3A_224 : i32
      %sign3A_226 = arith.extui %sign3A_225 : i1 to i32
      %sign3A_227 = arith.subi %sign3A_223, %sign3A_226 : i32
      %ne3A = arith.cmpi ne, %sign3A_220, %sign3A_227 : i32
      %rem3A = arith.remsi %scan3A_214, %jit3A : i32
      %ne3A_228 = arith.constant 0 : i32
      %ne3A_229 = arith.cmpi ne, %rem3A, %ne3A_228 : i32
      %and3A_230 = arith.andi %ne3A, %ne3A_229 : i1
      %sub3A = arith.constant 1 : i32
      %sub3A_231 = arith.subi %div3A, %sub3A : i32
      %select_n3A = arith.select %and3A_230, %sub3A_231, %div3A : i32
      %mul3A_232 = arith.constant 8 : i32
      %mul3A_233 = arith.muli %select_n3A, %mul3A_232 : i32
      %sub3A_234 = arith.subi %scan3A_214, %mul3A_233 : i32
      %mul3A_235 = arith.constant 16 : i32
      %mul3A_236 = arith.muli %sub3A_234, %mul3A_235 : i32
      %swap3A = arith.index_cast %select_n3A : i32 to index
      %swap3A_237 = arith.index_cast %mul3A_236 : i32 to index
      %swap3A_238 = tpu.vector_load %arg6[%swap3A, %swap3A_237] {strides = array<i32>} : memref<64x128xf32, #tpu.memory_space<vmem>>, vector<1x16xf32>,
      %swap3A_239 = vector.shape_cast %swap3A_238 : vector<1x16xf32> to vector<16xf32>
      %swap3A_240 = vector.shape_cast %broadcast_in_dim3A_1 : vector<16xf32> to vector<1x16xf32>
      tpu.vector_store %arg6[%swap3A, %swap3A_237], %swap3A_240 {strides = array<i32>} : memref<64x128xf32, #tpu.memory_space<vmem>>, vector<1x16xf32>,
    }
    %scan3A_14 = arith.constant 512 : i32
    %mul3A_15 = arith.constant 640 : i32
    %mul3A_16 = arith.muli %arg1, %mul3A_15 : i32
    %add3A_17 = arith.constant 0 : i32
    %add3A_18 = arith.addi %mul3A_16, %add3A_17 : i32
    %add3A_19 = arith.constant 64 : i32
    %add3A_20 = arith.addi %add3A_18, %add3A_19 : i32
    %le3A = arith.constant 10000 : i32
    %le3A_21 = arith.cmpi sle, %add3A_20, %le3A : i32
    %convert_element_type3A = arith.extui %le3A_21 : i1 to i32
    %cond3A = arith.constant 0 : i32
    %cond3A_22 = arith.cmpi ne, %convert_element_type3A, %cond3A : i32
    scf.if %cond3A_22 {
      "tpu.region"() ({
        %run_scoped3A = tpu.sem_alloc : memref<!tpu.dma_semaphore, #tpu.memory_space<semaphore_mem>>
        %dma_start3A = arith.constant 0 : i32
        %dma_start3A_214 = tpu.memref_slice %arg7[%add3A_18, %dma_start3A] : memref<10016x128xf32, #tpu.memory_space<vmem_shared>> -> memref<64x128xf32, #tpu.memory_space<vmem_shared>>
        %dma_start3A_215 = arith.constant 0 : i32
        %dma_start3A_216 = tpu.memref_slice %arg7[%add3A_18, %dma_start3A_215] : memref<10016x128xf32, #tpu.memory_space<vmem_shared>> -> memref<64x128xf32, #tpu.memory_space<vmem_shared>>
        tpu.enqueue_dma source(%arg6 : memref<64x128xf32, #tpu.memory_space<vmem>>) target(%dma_start3A_216 : memref<64x128xf32, #tpu.memory_space<vmem_shared>>) target_semaphore(%run_scoped3A : memref<!tpu.dma_semaphore, #tpu.memory_space<semaphore_mem>>)
        %dma_wait3A = arith.constant 0 : i32
        %dma_wait3A_217 = tpu.memref_slice %arg7[%add3A_18, %dma_wait3A] : memref<10016x128xf32, #tpu.memory_space<vmem_shared>> -> memref<64x128xf32, #tpu.memory_space<vmem_shared>>
        %dma_wait3A_218 = arith.constant 0 : i32
        %dma_wait3A_219 = tpu.memref_slice %arg7[%add3A_18, %dma_wait3A_218] : memref<10016x128xf32, #tpu.memory_space<vmem_shared>> -> memref<64x128xf32, #tpu.memory_space<vmem_shared>>
        tpu.wait_dma2 semaphore(%run_scoped3A : memref<!tpu.dma_semaphore, #tpu.memory_space<semaphore_mem>>) src(%arg6 : memref<64x128xf32, #tpu.memory_space<vmem>>) dst(%dma_wait3A_219 : memref<64x128xf32, #tpu.memory_space<vmem_shared>>)
        tpu.yield
      }) : () -> ()
    } else {
    }
    %lt3A = arith.constant 10000 : i32
    %lt3A_23 = arith.cmpi slt, %add3A_18, %lt3A : i32
    %add3A_24 = arith.constant 64 : i32
    %add3A_25 = arith.addi %add3A_18, %add3A_24 : i32
    %gt3A = arith.constant 10000 : i32
    %gt3A_26 = arith.cmpi sgt, %add3A_25, %gt3A : i32
    %and3A = arith.andi %lt3A_23, %gt3A_26 : i1
    %convert_element_type3A_27 = arith.extui %and3A : i1 to i32
    %cond3A_28 = arith.constant 0 : i32
    %cond3A_29 = arith.cmpi ne, %convert_element_type3A_27, %cond3A_28 : i32
    scf.if %cond3A_29 {
      "tpu.region"() ({
        %run_scoped3A = tpu.sem_alloc : memref<!tpu.dma_semaphore, #tpu.memory_space<semaphore_mem>>
        %dma_start3A = arith.constant 0 : i32
        %dma_start3A_214 = arith.constant 0 : i32
        %dma_start3A_215 = tpu.memref_slice %arg6[%dma_start3A, %dma_start3A_214] : memref<64x128xf32, #tpu.memory_space<vmem>> -> memref<16x128xf32, #tpu.memory_space<vmem>>
        %dma_start3A_216 = arith.constant 0 : i32
        %dma_start3A_217 = tpu.memref_slice %arg7[%add3A_18, %dma_start3A_216] : memref<10016x128xf32, #tpu.memory_space<vmem_shared>> -> memref<16x128xf32, #tpu.memory_space<vmem_shared>>
        %dma_start3A_218 = arith.constant 0 : i32
        %dma_start3A_219 = tpu.memref_slice %arg7[%add3A_18, %dma_start3A_218] : memref<10016x128xf32, #tpu.memory_space<vmem_shared>> -> memref<16x128xf32, #tpu.memory_space<vmem_shared>>
        %dma_start3A_220 = arith.constant 0 : i32
        %dma_start3A_221 = arith.constant 0 : i32
        %dma_start3A_222 = tpu.memref_slice %arg6[%dma_start3A_220, %dma_start3A_221] : memref<64x128xf32, #tpu.memory_space<vmem>> -> memref<16x128xf32, #tpu.memory_space<vmem>>
        tpu.enqueue_dma source(%dma_start3A_222 : memref<16x128xf32, #tpu.memory_space<vmem>>) target(%dma_start3A_219 : memref<16x128xf32, #tpu.memory_space<vmem_shared>>) target_semaphore(%run_scoped3A : memref<!tpu.dma_semaphore, #tpu.memory_space<semaphore_mem>>)
        %dma_wait3A = arith.constant 0 : i32
        %dma_wait3A_223 = arith.constant 0 : i32
        %dma_wait3A_224 = tpu.memref_slice %arg6[%dma_wait3A, %dma_wait3A_223] : memref<64x128xf32, #tpu.memory_space<vmem>> -> memref<16x128xf32, #tpu.memory_space<vmem>>
        %dma_wait3A_225 = arith.constant 0 : i32
        %dma_wait3A_226 = tpu.memref_slice %arg7[%add3A_18, %dma_wait3A_225] : memref<10016x128xf32, #tpu.memory_space<vmem_shared>> -> memref<16x128xf32, #tpu.memory_space<vmem_shared>>
        %dma_wait3A_227 = arith.constant 0 : i32
        %dma_wait3A_228 = tpu.memref_slice %arg7[%add3A_18, %dma_wait3A_227] : memref<10016x128xf32, #tpu.memory_space<vmem_shared>> -> memref<16x128xf32, #tpu.memory_space<vmem_shared>>
        %dma_wait3A_229 = arith.constant 0 : i32
        %dma_wait3A_230 = arith.constant 0 : i32
        %dma_wait3A_231 = tpu.memref_slice %arg6[%dma_wait3A_229, %dma_wait3A_230] : memref<64x128xf32, #tpu.memory_space<vmem>> -> memref<16x128xf32, #tpu.memory_space<vmem>>
        tpu.wait_dma2 semaphore(%run_scoped3A : memref<!tpu.dma_semaphore, #tpu.memory_space<semaphore_mem>>) src(%dma_wait3A_231 : memref<16x128xf32, #tpu.memory_space<vmem>>) dst(%dma_wait3A_228 : memref<16x128xf32, #tpu.memory_space<vmem_shared>>)
        tpu.yield
      }) : () -> ()
    } else {
    }
    %add3A_30 = arith.constant 64 : i32
    %add3A_31 = arith.addi %mul3A_16, %add3A_30 : i32
    %add3A_32 = arith.constant 64 : i32
    %add3A_33 = arith.addi %add3A_31, %add3A_32 : i32
    %le3A_34 = arith.constant 10000 : i32
    %le3A_35 = arith.cmpi sle, %add3A_33, %le3A_34 : i32
    %convert_element_type3A_36 = arith.extui %le3A_35 : i1 to i32
    %cond3A_37 = arith.constant 0 : i32
    %cond3A_38 = arith.cmpi ne, %convert_element_type3A_36, %cond3A_37 : i32
    scf.if %cond3A_38 {
      "tpu.region"() ({
        %run_scoped3A = tpu.sem_alloc : memref<!tpu.dma_semaphore, #tpu.memory_space<semaphore_mem>>
        %dma_start3A = arith.constant 0 : i32
        %dma_start3A_214 = tpu.memref_slice %arg7[%add3A_31, %dma_start3A] : memref<10016x128xf32, #tpu.memory_space<vmem_shared>> -> memref<64x128xf32, #tpu.memory_space<vmem_shared>>
        %dma_start3A_215 = arith.constant 0 : i32
        %dma_start3A_216 = tpu.memref_slice %arg7[%add3A_31, %dma_start3A_215] : memref<10016x128xf32, #tpu.memory_space<vmem_shared>> -> memref<64x128xf32, #tpu.memory_space<vmem_shared>>
        tpu.enqueue_dma source(%arg6 : memref<64x128xf32, #tpu.memory_space<vmem>>) target(%dma_start3A_216 : memref<64x128xf32, #tpu.memory_space<vmem_shared>>) target_semaphore(%run_scoped3A : memref<!tpu.dma_semaphore, #tpu.memory_space<semaphore_mem>>)
        %dma_wait3A = arith.constant 0 : i32
        %dma_wait3A_217 = tpu.memref_slice %arg7[%add3A_31, %dma_wait3A] : memref<10016x128xf32, #tpu.memory_space<vmem_shared>> -> memref<64x128xf32, #tpu.memory_space<vmem_shared>>
        %dma_wait3A_218 = arith.constant 0 : i32
        %dma_wait3A_219 = tpu.memref_slice %arg7[%add3A_31, %dma_wait3A_218] : memref<10016x128xf32, #tpu.memory_space<vmem_shared>> -> memref<64x128xf32, #tpu.memory_space<vmem_shared>>
        tpu.wait_dma2 semaphore(%run_scoped3A : memref<!tpu.dma_semaphore, #tpu.memory_space<semaphore_mem>>) src(%arg6 : memref<64x128xf32, #tpu.memory_space<vmem>>) dst(%dma_wait3A_219 : memref<64x128xf32, #tpu.memory_space<vmem_shared>>)
        tpu.yield
      }) : () -> ()
    } else {
    }
    %lt3A_39 = arith.constant 10000 : i32
    %lt3A_40 = arith.cmpi slt, %add3A_31, %lt3A_39 : i32
    %add3A_41 = arith.constant 64 : i32
    %add3A_42 = arith.addi %add3A_31, %add3A_41 : i32
    %gt3A_43 = arith.constant 10000 : i32
    %gt3A_44 = arith.cmpi sgt, %add3A_42, %gt3A_43 : i32
    %and3A_45 = arith.andi %lt3A_40, %gt3A_44 : i1
    %convert_element_type3A_46 = arith.extui %and3A_45 : i1 to i32
    %cond3A_47 = arith.constant 0 : i32
    %cond3A_48 = arith.cmpi ne, %convert_element_type3A_46, %cond3A_47 : i32
    scf.if %cond3A_48 {
      "tpu.region"() ({
        %run_scoped3A = tpu.sem_alloc : memref<!tpu.dma_semaphore, #tpu.memory_space<semaphore_mem>>
        %dma_start3A = arith.constant 0 : i32
        %dma_start3A_214 = arith.constant 0 : i32
        %dma_start3A_215 = tpu.memref_slice %arg6[%dma_start3A, %dma_start3A_214] : memref<64x128xf32, #tpu.memory_space<vmem>> -> memref<16x128xf32, #tpu.memory_space<vmem>>
        %dma_start3A_216 = arith.constant 0 : i32
        %dma_start3A_217 = tpu.memref_slice %arg7[%add3A_31, %dma_start3A_216] : memref<10016x128xf32, #tpu.memory_space<vmem_shared>> -> memref<16x128xf32, #tpu.memory_space<vmem_shared>>
        %dma_start3A_218 = arith.constant 0 : i32
        %dma_start3A_219 = tpu.memref_slice %arg7[%add3A_31, %dma_start3A_218] : memref<10016x128xf32, #tpu.memory_space<vmem_shared>> -> memref<16x128xf32, #tpu.memory_space<vmem_shared>>
        %dma_start3A_220 = arith.constant 0 : i32
        %dma_start3A_221 = arith.constant 0 : i32
        %dma_start3A_222 = tpu.memref_slice %arg6[%dma_start3A_220, %dma_start3A_221] : memref<64x128xf32, #tpu.memory_space<vmem>> -> memref<16x128xf32, #tpu.memory_space<vmem>>
        tpu.enqueue_dma source(%dma_start3A_222 : memref<16x128xf32, #tpu.memory_space<vmem>>) target(%dma_start3A_219 : memref<16x128xf32, #tpu.memory_space<vmem_shared>>) target_semaphore(%run_scoped3A : memref<!tpu.dma_semaphore, #tpu.memory_space<semaphore_mem>>)
        %dma_wait3A = arith.constant 0 : i32
        %dma_wait3A_223 = arith.constant 0 : i32
        %dma_wait3A_224 = tpu.memref_slice %arg6[%dma_wait3A, %dma_wait3A_223] : memref<64x128xf32, #tpu.memory_space<vmem>> -> memref<16x128xf32, #tpu.memory_space<vmem>>
        %dma_wait3A_225 = arith.constant 0 : i32
        %dma_wait3A_226 = tpu.memref_slice %arg7[%add3A_31, %dma_wait3A_225] : memref<10016x128xf32, #tpu.memory_space<vmem_shared>> -> memref<16x128xf32, #tpu.memory_space<vmem_shared>>
        %dma_wait3A_227 = arith.constant 0 : i32
        %dma_wait3A_228 = tpu.memref_slice %arg7[%add3A_31, %dma_wait3A_227] : memref<10016x128xf32, #tpu.memory_space<vmem_shared>> -> memref<16x128xf32, #tpu.memory_space<vmem_shared>>
        %dma_wait3A_229 = arith.constant 0 : i32
        %dma_wait3A_230 = arith.constant 0 : i32
        %dma_wait3A_231 = tpu.memref_slice %arg6[%dma_wait3A_229, %dma_wait3A_230] : memref<64x128xf32, #tpu.memory_space<vmem>> -> memref<16x128xf32, #tpu.memory_space<vmem>>
        tpu.wait_dma2 semaphore(%run_scoped3A : memref<!tpu.dma_semaphore, #tpu.memory_space<semaphore_mem>>) src(%dma_wait3A_231 : memref<16x128xf32, #tpu.memory_space<vmem>>) dst(%dma_wait3A_228 : memref<16x128xf32, #tpu.memory_space<vmem_shared>>)
        tpu.yield
      }) : () -> ()
    } else {
    }
    %add3A_49 = arith.constant 128 : i32
    %add3A_50 = arith.addi %mul3A_16, %add3A_49 : i32
    %add3A_51 = arith.constant 64 : i32
    %add3A_52 = arith.addi %add3A_50, %add3A_51 : i32
    %le3A_53 = arith.constant 10000 : i32
    %le3A_54 = arith.cmpi sle, %add3A_52, %le3A_53 : i32
    %convert_element_type3A_55 = arith.extui %le3A_54 : i1 to i32
    %cond3A_56 = arith.constant 0 : i32
    %cond3A_57 = arith.cmpi ne, %convert_element_type3A_55, %cond3A_56 : i32
    scf.if %cond3A_57 {
      "tpu.region"() ({
        %run_scoped3A = tpu.sem_alloc : memref<!tpu.dma_semaphore, #tpu.memory_space<semaphore_mem>>
        %dma_start3A = arith.constant 0 : i32
        %dma_start3A_214 = tpu.memref_slice %arg7[%add3A_50, %dma_start3A] : memref<10016x128xf32, #tpu.memory_space<vmem_shared>> -> memref<64x128xf32, #tpu.memory_space<vmem_shared>>
        %dma_start3A_215 = arith.constant 0 : i32
        %dma_start3A_216 = tpu.memref_slice %arg7[%add3A_50, %dma_start3A_215] : memref<10016x128xf32, #tpu.memory_space<vmem_shared>> -> memref<64x128xf32, #tpu.memory_space<vmem_shared>>
        tpu.enqueue_dma source(%arg6 : memref<64x128xf32, #tpu.memory_space<vmem>>) target(%dma_start3A_216 : memref<64x128xf32, #tpu.memory_space<vmem_shared>>) target_semaphore(%run_scoped3A : memref<!tpu.dma_semaphore, #tpu.memory_space<semaphore_mem>>)
        %dma_wait3A = arith.constant 0 : i32
        %dma_wait3A_217 = tpu.memref_slice %arg7[%add3A_50, %dma_wait3A] : memref<10016x128xf32, #tpu.memory_space<vmem_shared>> -> memref<64x128xf32, #tpu.memory_space<vmem_shared>>
        %dma_wait3A_218 = arith.constant 0 : i32
        %dma_wait3A_219 = tpu.memref_slice %arg7[%add3A_50, %dma_wait3A_218] : memref<10016x128xf32, #tpu.memory_space<vmem_shared>> -> memref<64x128xf32, #tpu.memory_space<vmem_shared>>
        tpu.wait_dma2 semaphore(%run_scoped3A : memref<!tpu.dma_semaphore, #tpu.memory_space<semaphore_mem>>) src(%arg6 : memref<64x128xf32, #tpu.memory_space<vmem>>) dst(%dma_wait3A_219 : memref<64x128xf32, #tpu.memory_space<vmem_shared>>)
        tpu.yield
      }) : () -> ()
    } else {
    }
    %lt3A_58 = arith.constant 10000 : i32
    %lt3A_59 = arith.cmpi slt, %add3A_50, %lt3A_58 : i32
    %add3A_60 = arith.constant 64 : i32
    %add3A_61 = arith.addi %add3A_50, %add3A_60 : i32
    %gt3A_62 = arith.constant 10000 : i32
    %gt3A_63 = arith.cmpi sgt, %add3A_61, %gt3A_62 : i32
    %and3A_64 = arith.andi %lt3A_59, %gt3A_63 : i1
    %convert_element_type3A_65 = arith.extui %and3A_64 : i1 to i32
    %cond3A_66 = arith.constant 0 : i32
    %cond3A_67 = arith.cmpi ne, %convert_element_type3A_65, %cond3A_66 : i32
    scf.if %cond3A_67 {
      "tpu.region"() ({
        %run_scoped3A = tpu.sem_alloc : memref<!tpu.dma_semaphore, #tpu.memory_space<semaphore_mem>>
        %dma_start3A = arith.constant 0 : i32
        %dma_start3A_214 = arith.constant 0 : i32
        %dma_start3A_215 = tpu.memref_slice %arg6[%dma_start3A, %dma_start3A_214] : memref<64x128xf32, #tpu.memory_space<vmem>> -> memref<16x128xf32, #tpu.memory_space<vmem>>
        %dma_start3A_216 = arith.constant 0 : i32
        %dma_start3A_217 = tpu.memref_slice %arg7[%add3A_50, %dma_start3A_216] : memref<10016x128xf32, #tpu.memory_space<vmem_shared>> -> memref<16x128xf32, #tpu.memory_space<vmem_shared>>
        %dma_start3A_218 = arith.constant 0 : i32
        %dma_start3A_219 = tpu.memref_slice %arg7[%add3A_50, %dma_start3A_218] : memref<10016x128xf32, #tpu.memory_space<vmem_shared>> -> memref<16x128xf32, #tpu.memory_space<vmem_shared>>
        %dma_start3A_220 = arith.constant 0 : i32
        %dma_start3A_221 = arith.constant 0 : i32
        %dma_start3A_222 = tpu.memref_slice %arg6[%dma_start3A_220, %dma_start3A_221] : memref<64x128xf32, #tpu.memory_space<vmem>> -> memref<16x128xf32, #tpu.memory_space<vmem>>
        tpu.enqueue_dma source(%dma_start3A_222 : memref<16x128xf32, #tpu.memory_space<vmem>>) target(%dma_start3A_219 : memref<16x128xf32, #tpu.memory_space<vmem_shared>>) target_semaphore(%run_scoped3A : memref<!tpu.dma_semaphore, #tpu.memory_space<semaphore_mem>>)
        %dma_wait3A = arith.constant 0 : i32
        %dma_wait3A_223 = arith.constant 0 : i32
        %dma_wait3A_224 = tpu.memref_slice %arg6[%dma_wait3A, %dma_wait3A_223] : memref<64x128xf32, #tpu.memory_space<vmem>> -> memref<16x128xf32, #tpu.memory_space<vmem>>
        %dma_wait3A_225 = arith.constant 0 : i32
        %dma_wait3A_226 = tpu.memref_slice %arg7[%add3A_50, %dma_wait3A_225] : memref<10016x128xf32, #tpu.memory_space<vmem_shared>> -> memref<16x128xf32, #tpu.memory_space<vmem_shared>>
        %dma_wait3A_227 = arith.constant 0 : i32
        %dma_wait3A_228 = tpu.memref_slice %arg7[%add3A_50, %dma_wait3A_227] : memref<10016x128xf32, #tpu.memory_space<vmem_shared>> -> memref<16x128xf32, #tpu.memory_space<vmem_shared>>
        %dma_wait3A_229 = arith.constant 0 : i32
        %dma_wait3A_230 = arith.constant 0 : i32
        %dma_wait3A_231 = tpu.memref_slice %arg6[%dma_wait3A_229, %dma_wait3A_230] : memref<64x128xf32, #tpu.memory_space<vmem>> -> memref<16x128xf32, #tpu.memory_space<vmem>>
        tpu.wait_dma2 semaphore(%run_scoped3A : memref<!tpu.dma_semaphore, #tpu.memory_space<semaphore_mem>>) src(%dma_wait3A_231 : memref<16x128xf32, #tpu.memory_space<vmem>>) dst(%dma_wait3A_228 : memref<16x128xf32, #tpu.memory_space<vmem_shared>>)
        tpu.yield
      }) : () -> ()
    } else {
    }
    %add3A_68 = arith.constant 192 : i32
    %add3A_69 = arith.addi %mul3A_16, %add3A_68 : i32
    %add3A_70 = arith.constant 64 : i32
    %add3A_71 = arith.addi %add3A_69, %add3A_70 : i32
    %le3A_72 = arith.constant 10000 : i32
    %le3A_73 = arith.cmpi sle, %add3A_71, %le3A_72 : i32
    %convert_element_type3A_74 = arith.extui %le3A_73 : i1 to i32
    %cond3A_75 = arith.constant 0 : i32
    %cond3A_76 = arith.cmpi ne, %convert_element_type3A_74, %cond3A_75 : i32
    scf.if %cond3A_76 {
      "tpu.region"() ({
        %run_scoped3A = tpu.sem_alloc : memref<!tpu.dma_semaphore, #tpu.memory_space<semaphore_mem>>
        %dma_start3A = arith.constant 0 : i32
        %dma_start3A_214 = tpu.memref_slice %arg7[%add3A_69, %dma_start3A] : memref<10016x128xf32, #tpu.memory_space<vmem_shared>> -> memref<64x128xf32, #tpu.memory_space<vmem_shared>>
        %dma_start3A_215 = arith.constant 0 : i32
        %dma_start3A_216 = tpu.memref_slice %arg7[%add3A_69, %dma_start3A_215] : memref<10016x128xf32, #tpu.memory_space<vmem_shared>> -> memref<64x128xf32, #tpu.memory_space<vmem_shared>>
        tpu.enqueue_dma source(%arg6 : memref<64x128xf32, #tpu.memory_space<vmem>>) target(%dma_start3A_216 : memref<64x128xf32, #tpu.memory_space<vmem_shared>>) target_semaphore(%run_scoped3A : memref<!tpu.dma_semaphore, #tpu.memory_space<semaphore_mem>>)
        %dma_wait3A = arith.constant 0 : i32
        %dma_wait3A_217 = tpu.memref_slice %arg7[%add3A_69, %dma_wait3A] : memref<10016x128xf32, #tpu.memory_space<vmem_shared>> -> memref<64x128xf32, #tpu.memory_space<vmem_shared>>
        %dma_wait3A_218 = arith.constant 0 : i32
        %dma_wait3A_219 = tpu.memref_slice %arg7[%add3A_69, %dma_wait3A_218] : memref<10016x128xf32, #tpu.memory_space<vmem_shared>> -> memref<64x128xf32, #tpu.memory_space<vmem_shared>>
        tpu.wait_dma2 semaphore(%run_scoped3A : memref<!tpu.dma_semaphore, #tpu.memory_space<semaphore_mem>>) src(%arg6 : memref<64x128xf32, #tpu.memory_space<vmem>>) dst(%dma_wait3A_219 : memref<64x128xf32, #tpu.memory_space<vmem_shared>>)
        tpu.yield
      }) : () -> ()
    } else {
    }
    %lt3A_77 = arith.constant 10000 : i32
    %lt3A_78 = arith.cmpi slt, %add3A_69, %lt3A_77 : i32
    %add3A_79 = arith.constant 64 : i32
    %add3A_80 = arith.addi %add3A_69, %add3A_79 : i32
    %gt3A_81 = arith.constant 10000 : i32
    %gt3A_82 = arith.cmpi sgt, %add3A_80, %gt3A_81 : i32
    %and3A_83 = arith.andi %lt3A_78, %gt3A_82 : i1
    %convert_element_type3A_84 = arith.extui %and3A_83 : i1 to i32
    %cond3A_85 = arith.constant 0 : i32
    %cond3A_86 = arith.cmpi ne, %convert_element_type3A_84, %cond3A_85 : i32
    scf.if %cond3A_86 {
      "tpu.region"() ({
        %run_scoped3A = tpu.sem_alloc : memref<!tpu.dma_semaphore, #tpu.memory_space<semaphore_mem>>
        %dma_start3A = arith.constant 0 : i32
        %dma_start3A_214 = arith.constant 0 : i32
        %dma_start3A_215 = tpu.memref_slice %arg6[%dma_start3A, %dma_start3A_214] : memref<64x128xf32, #tpu.memory_space<vmem>> -> memref<16x128xf32, #tpu.memory_space<vmem>>
        %dma_start3A_216 = arith.constant 0 : i32
        %dma_start3A_217 = tpu.memref_slice %arg7[%add3A_69, %dma_start3A_216] : memref<10016x128xf32, #tpu.memory_space<vmem_shared>> -> memref<16x128xf32, #tpu.memory_space<vmem_shared>>
        %dma_start3A_218 = arith.constant 0 : i32
        %dma_start3A_219 = tpu.memref_slice %arg7[%add3A_69, %dma_start3A_218] : memref<10016x128xf32, #tpu.memory_space<vmem_shared>> -> memref<16x128xf32, #tpu.memory_space<vmem_shared>>
        %dma_start3A_220 = arith.constant 0 : i32
        %dma_start3A_221 = arith.constant 0 : i32
        %dma_start3A_222 = tpu.memref_slice %arg6[%dma_start3A_220, %dma_start3A_221] : memref<64x128xf32, #tpu.memory_space<vmem>> -> memref<16x128xf32, #tpu.memory_space<vmem>>
        tpu.enqueue_dma source(%dma_start3A_222 : memref<16x128xf32, #tpu.memory_space<vmem>>) target(%dma_start3A_219 : memref<16x128xf32, #tpu.memory_space<vmem_shared>>) target_semaphore(%run_scoped3A : memref<!tpu.dma_semaphore, #tpu.memory_space<semaphore_mem>>)
        %dma_wait3A = arith.constant 0 : i32
        %dma_wait3A_223 = arith.constant 0 : i32
        %dma_wait3A_224 = tpu.memref_slice %arg6[%dma_wait3A, %dma_wait3A_223] : memref<64x128xf32, #tpu.memory_space<vmem>> -> memref<16x128xf32, #tpu.memory_space<vmem>>
        %dma_wait3A_225 = arith.constant 0 : i32
        %dma_wait3A_226 = tpu.memref_slice %arg7[%add3A_69, %dma_wait3A_225] : memref<10016x128xf32, #tpu.memory_space<vmem_shared>> -> memref<16x128xf32, #tpu.memory_space<vmem_shared>>
        %dma_wait3A_227 = arith.constant 0 : i32
        %dma_wait3A_228 = tpu.memref_slice %arg7[%add3A_69, %dma_wait3A_227] : memref<10016x128xf32, #tpu.memory_space<vmem_shared>> -> memref<16x128xf32, #tpu.memory_space<vmem_shared>>
        %dma_wait3A_229 = arith.constant 0 : i32
        %dma_wait3A_230 = arith.constant 0 : i32
        %dma_wait3A_231 = tpu.memref_slice %arg6[%dma_wait3A_229, %dma_wait3A_230] : memref<64x128xf32, #tpu.memory_space<vmem>> -> memref<16x128xf32, #tpu.memory_space<vmem>>
        tpu.wait_dma2 semaphore(%run_scoped3A : memref<!tpu.dma_semaphore, #tpu.memory_space<semaphore_mem>>) src(%dma_wait3A_231 : memref<16x128xf32, #tpu.memory_space<vmem>>) dst(%dma_wait3A_228 : memref<16x128xf32, #tpu.memory_space<vmem_shared>>)
        tpu.yield
      }) : () -> ()
    } else {
    }
    %add3A_87 = arith.constant 256 : i32
    %add3A_88 = arith.addi %mul3A_16, %add3A_87 : i32
    %add3A_89 = arith.constant 64 : i32
    %add3A_90 = arith.addi %add3A_88, %add3A_89 : i32
    %le3A_91 = arith.constant 10000 : i32
    %le3A_92 = arith.cmpi sle, %add3A_90, %le3A_91 : i32
    %convert_element_type3A_93 = arith.extui %le3A_92 : i1 to i32
    %cond3A_94 = arith.constant 0 : i32
    %cond3A_95 = arith.cmpi ne, %convert_element_type3A_93, %cond3A_94 : i32
    scf.if %cond3A_95 {
      "tpu.region"() ({
        %run_scoped3A = tpu.sem_alloc : memref<!tpu.dma_semaphore, #tpu.memory_space<semaphore_mem>>
        %dma_start3A = arith.constant 0 : i32
        %dma_start3A_214 = tpu.memref_slice %arg7[%add3A_88, %dma_start3A] : memref<10016x128xf32, #tpu.memory_space<vmem_shared>> -> memref<64x128xf32, #tpu.memory_space<vmem_shared>>
        %dma_start3A_215 = arith.constant 0 : i32
        %dma_start3A_216 = tpu.memref_slice %arg7[%add3A_88, %dma_start3A_215] : memref<10016x128xf32, #tpu.memory_space<vmem_shared>> -> memref<64x128xf32, #tpu.memory_space<vmem_shared>>
        tpu.enqueue_dma source(%arg6 : memref<64x128xf32, #tpu.memory_space<vmem>>) target(%dma_start3A_216 : memref<64x128xf32, #tpu.memory_space<vmem_shared>>) target_semaphore(%run_scoped3A : memref<!tpu.dma_semaphore, #tpu.memory_space<semaphore_mem>>)
        %dma_wait3A = arith.constant 0 : i32
        %dma_wait3A_217 = tpu.memref_slice %arg7[%add3A_88, %dma_wait3A] : memref<10016x128xf32, #tpu.memory_space<vmem_shared>> -> memref<64x128xf32, #tpu.memory_space<vmem_shared>>
        %dma_wait3A_218 = arith.constant 0 : i32
        %dma_wait3A_219 = tpu.memref_slice %arg7[%add3A_88, %dma_wait3A_218] : memref<10016x128xf32, #tpu.memory_space<vmem_shared>> -> memref<64x128xf32, #tpu.memory_space<vmem_shared>>
        tpu.wait_dma2 semaphore(%run_scoped3A : memref<!tpu.dma_semaphore, #tpu.memory_space<semaphore_mem>>) src(%arg6 : memref<64x128xf32, #tpu.memory_space<vmem>>) dst(%dma_wait3A_219 : memref<64x128xf32, #tpu.memory_space<vmem_shared>>)
        tpu.yield
      }) : () -> ()
    } else {
    }
    %lt3A_96 = arith.constant 10000 : i32
    %lt3A_97 = arith.cmpi slt, %add3A_88, %lt3A_96 : i32
    %add3A_98 = arith.constant 64 : i32
    %add3A_99 = arith.addi %add3A_88, %add3A_98 : i32
    %gt3A_100 = arith.constant 10000 : i32
    %gt3A_101 = arith.cmpi sgt, %add3A_99, %gt3A_100 : i32
    %and3A_102 = arith.andi %lt3A_97, %gt3A_101 : i1
    %convert_element_type3A_103 = arith.extui %and3A_102 : i1 to i32
    %cond3A_104 = arith.constant 0 : i32
    %cond3A_105 = arith.cmpi ne, %convert_element_type3A_103, %cond3A_104 : i32
    scf.if %cond3A_105 {
      "tpu.region"() ({
        %run_scoped3A = tpu.sem_alloc : memref<!tpu.dma_semaphore, #tpu.memory_space<semaphore_mem>>
        %dma_start3A = arith.constant 0 : i32
        %dma_start3A_214 = arith.constant 0 : i32
        %dma_start3A_215 = tpu.memref_slice %arg6[%dma_start3A, %dma_start3A_214] : memref<64x128xf32, #tpu.memory_space<vmem>> -> memref<16x128xf32, #tpu.memory_space<vmem>>
        %dma_start3A_216 = arith.constant 0 : i32
        %dma_start3A_217 = tpu.memref_slice %arg7[%add3A_88, %dma_start3A_216] : memref<10016x128xf32, #tpu.memory_space<vmem_shared>> -> memref<16x128xf32, #tpu.memory_space<vmem_shared>>
        %dma_start3A_218 = arith.constant 0 : i32
        %dma_start3A_219 = tpu.memref_slice %arg7[%add3A_88, %dma_start3A_218] : memref<10016x128xf32, #tpu.memory_space<vmem_shared>> -> memref<16x128xf32, #tpu.memory_space<vmem_shared>>
        %dma_start3A_220 = arith.constant 0 : i32
        %dma_start3A_221 = arith.constant 0 : i32
        %dma_start3A_222 = tpu.memref_slice %arg6[%dma_start3A_220, %dma_start3A_221] : memref<64x128xf32, #tpu.memory_space<vmem>> -> memref<16x128xf32, #tpu.memory_space<vmem>>
        tpu.enqueue_dma source(%dma_start3A_222 : memref<16x128xf32, #tpu.memory_space<vmem>>) target(%dma_start3A_219 : memref<16x128xf32, #tpu.memory_space<vmem_shared>>) target_semaphore(%run_scoped3A : memref<!tpu.dma_semaphore, #tpu.memory_space<semaphore_mem>>)
        %dma_wait3A = arith.constant 0 : i32
        %dma_wait3A_223 = arith.constant 0 : i32
        %dma_wait3A_224 = tpu.memref_slice %arg6[%dma_wait3A, %dma_wait3A_223] : memref<64x128xf32, #tpu.memory_space<vmem>> -> memref<16x128xf32, #tpu.memory_space<vmem>>
        %dma_wait3A_225 = arith.constant 0 : i32
        %dma_wait3A_226 = tpu.memref_slice %arg7[%add3A_88, %dma_wait3A_225] : memref<10016x128xf32, #tpu.memory_space<vmem_shared>> -> memref<16x128xf32, #tpu.memory_space<vmem_shared>>
        %dma_wait3A_227 = arith.constant 0 : i32
        %dma_wait3A_228 = tpu.memref_slice %arg7[%add3A_88, %dma_wait3A_227] : memref<10016x128xf32, #tpu.memory_space<vmem_shared>> -> memref<16x128xf32, #tpu.memory_space<vmem_shared>>
        %dma_wait3A_229 = arith.constant 0 : i32
        %dma_wait3A_230 = arith.constant 0 : i32
        %dma_wait3A_231 = tpu.memref_slice %arg6[%dma_wait3A_229, %dma_wait3A_230] : memref<64x128xf32, #tpu.memory_space<vmem>> -> memref<16x128xf32, #tpu.memory_space<vmem>>
        tpu.wait_dma2 semaphore(%run_scoped3A : memref<!tpu.dma_semaphore, #tpu.memory_space<semaphore_mem>>) src(%dma_wait3A_231 : memref<16x128xf32, #tpu.memory_space<vmem>>) dst(%dma_wait3A_228 : memref<16x128xf32, #tpu.memory_space<vmem_shared>>)
        tpu.yield
      }) : () -> ()
    } else {
    }
    %add3A_106 = arith.constant 320 : i32
    %add3A_107 = arith.addi %mul3A_16, %add3A_106 : i32
    %add3A_108 = arith.constant 64 : i32
    %add3A_109 = arith.addi %add3A_107, %add3A_108 : i32
    %le3A_110 = arith.constant 10000 : i32
    %le3A_111 = arith.cmpi sle, %add3A_109, %le3A_110 : i32
    %convert_element_type3A_112 = arith.extui %le3A_111 : i1 to i32
    %cond3A_113 = arith.constant 0 : i32
    %cond3A_114 = arith.cmpi ne, %convert_element_type3A_112, %cond3A_113 : i32
    scf.if %cond3A_114 {
      "tpu.region"() ({
        %run_scoped3A = tpu.sem_alloc : memref<!tpu.dma_semaphore, #tpu.memory_space<semaphore_mem>>
        %dma_start3A = arith.constant 0 : i32
        %dma_start3A_214 = tpu.memref_slice %arg7[%add3A_107, %dma_start3A] : memref<10016x128xf32, #tpu.memory_space<vmem_shared>> -> memref<64x128xf32, #tpu.memory_space<vmem_shared>>
        %dma_start3A_215 = arith.constant 0 : i32
        %dma_start3A_216 = tpu.memref_slice %arg7[%add3A_107, %dma_start3A_215] : memref<10016x128xf32, #tpu.memory_space<vmem_shared>> -> memref<64x128xf32, #tpu.memory_space<vmem_shared>>
        tpu.enqueue_dma source(%arg6 : memref<64x128xf32, #tpu.memory_space<vmem>>) target(%dma_start3A_216 : memref<64x128xf32, #tpu.memory_space<vmem_shared>>) target_semaphore(%run_scoped3A : memref<!tpu.dma_semaphore, #tpu.memory_space<semaphore_mem>>)
        %dma_wait3A = arith.constant 0 : i32
        %dma_wait3A_217 = tpu.memref_slice %arg7[%add3A_107, %dma_wait3A] : memref<10016x128xf32, #tpu.memory_space<vmem_shared>> -> memref<64x128xf32, #tpu.memory_space<vmem_shared>>
        %dma_wait3A_218 = arith.constant 0 : i32
        %dma_wait3A_219 = tpu.memref_slice %arg7[%add3A_107, %dma_wait3A_218] : memref<10016x128xf32, #tpu.memory_space<vmem_shared>> -> memref<64x128xf32, #tpu.memory_space<vmem_shared>>
        tpu.wait_dma2 semaphore(%run_scoped3A : memref<!tpu.dma_semaphore, #tpu.memory_space<semaphore_mem>>) src(%arg6 : memref<64x128xf32, #tpu.memory_space<vmem>>) dst(%dma_wait3A_219 : memref<64x128xf32, #tpu.memory_space<vmem_shared>>)
        tpu.yield
      }) : () -> ()
    } else {
    }
    %lt3A_115 = arith.constant 10000 : i32
    %lt3A_116 = arith.cmpi slt, %add3A_107, %lt3A_115 : i32
    %add3A_117 = arith.constant 64 : i32
    %add3A_118 = arith.addi %add3A_107, %add3A_117 : i32
    %gt3A_119 = arith.constant 10000 : i32
    %gt3A_120 = arith.cmpi sgt, %add3A_118, %gt3A_119 : i32
    %and3A_121 = arith.andi %lt3A_116, %gt3A_120 : i1
    %convert_element_type3A_122 = arith.extui %and3A_121 : i1 to i32
    %cond3A_123 = arith.constant 0 : i32
    %cond3A_124 = arith.cmpi ne, %convert_element_type3A_122, %cond3A_123 : i32
    scf.if %cond3A_124 {
      "tpu.region"() ({
        %run_scoped3A = tpu.sem_alloc : memref<!tpu.dma_semaphore, #tpu.memory_space<semaphore_mem>>
        %dma_start3A = arith.constant 0 : i32
        %dma_start3A_214 = arith.constant 0 : i32
        %dma_start3A_215 = tpu.memref_slice %arg6[%dma_start3A, %dma_start3A_214] : memref<64x128xf32, #tpu.memory_space<vmem>> -> memref<16x128xf32, #tpu.memory_space<vmem>>
        %dma_start3A_216 = arith.constant 0 : i32
        %dma_start3A_217 = tpu.memref_slice %arg7[%add3A_107, %dma_start3A_216] : memref<10016x128xf32, #tpu.memory_space<vmem_shared>> -> memref<16x128xf32, #tpu.memory_space<vmem_shared>>
        %dma_start3A_218 = arith.constant 0 : i32
        %dma_start3A_219 = tpu.memref_slice %arg7[%add3A_107, %dma_start3A_218] : memref<10016x128xf32, #tpu.memory_space<vmem_shared>> -> memref<16x128xf32, #tpu.memory_space<vmem_shared>>
        %dma_start3A_220 = arith.constant 0 : i32
        %dma_start3A_221 = arith.constant 0 : i32
        %dma_start3A_222 = tpu.memref_slice %arg6[%dma_start3A_220, %dma_start3A_221] : memref<64x128xf32, #tpu.memory_space<vmem>> -> memref<16x128xf32, #tpu.memory_space<vmem>>
        tpu.enqueue_dma source(%dma_start3A_222 : memref<16x128xf32, #tpu.memory_space<vmem>>) target(%dma_start3A_219 : memref<16x128xf32, #tpu.memory_space<vmem_shared>>) target_semaphore(%run_scoped3A : memref<!tpu.dma_semaphore, #tpu.memory_space<semaphore_mem>>)
        %dma_wait3A = arith.constant 0 : i32
        %dma_wait3A_223 = arith.constant 0 : i32
        %dma_wait3A_224 = tpu.memref_slice %arg6[%dma_wait3A, %dma_wait3A_223] : memref<64x128xf32, #tpu.memory_space<vmem>> -> memref<16x128xf32, #tpu.memory_space<vmem>>
        %dma_wait3A_225 = arith.constant 0 : i32
        %dma_wait3A_226 = tpu.memref_slice %arg7[%add3A_107, %dma_wait3A_225] : memref<10016x128xf32, #tpu.memory_space<vmem_shared>> -> memref<16x128xf32, #tpu.memory_space<vmem_shared>>
        %dma_wait3A_227 = arith.constant 0 : i32
        %dma_wait3A_228 = tpu.memref_slice %arg7[%add3A_107, %dma_wait3A_227] : memref<10016x128xf32, #tpu.memory_space<vmem_shared>> -> memref<16x128xf32, #tpu.memory_space<vmem_shared>>
        %dma_wait3A_229 = arith.constant 0 : i32
        %dma_wait3A_230 = arith.constant 0 : i32
        %dma_wait3A_231 = tpu.memref_slice %arg6[%dma_wait3A_229, %dma_wait3A_230] : memref<64x128xf32, #tpu.memory_space<vmem>> -> memref<16x128xf32, #tpu.memory_space<vmem>>
        tpu.wait_dma2 semaphore(%run_scoped3A : memref<!tpu.dma_semaphore, #tpu.memory_space<semaphore_mem>>) src(%dma_wait3A_231 : memref<16x128xf32, #tpu.memory_space<vmem>>) dst(%dma_wait3A_228 : memref<16x128xf32, #tpu.memory_space<vmem_shared>>)
        tpu.yield
      }) : () -> ()
    } else {
    }
    %add3A_125 = arith.constant 384 : i32
    %add3A_126 = arith.addi %mul3A_16, %add3A_125 : i32
    %add3A_127 = arith.constant 64 : i32
    %add3A_128 = arith.addi %add3A_126, %add3A_127 : i32
    %le3A_129 = arith.constant 10000 : i32
    %le3A_130 = arith.cmpi sle, %add3A_128, %le3A_129 : i32
    %convert_element_type3A_131 = arith.extui %le3A_130 : i1 to i32
    %cond3A_132 = arith.constant 0 : i32
    %cond3A_133 = arith.cmpi ne, %convert_element_type3A_131, %cond3A_132 : i32
    scf.if %cond3A_133 {
      "tpu.region"() ({
        %run_scoped3A = tpu.sem_alloc : memref<!tpu.dma_semaphore, #tpu.memory_space<semaphore_mem>>
        %dma_start3A = arith.constant 0 : i32
        %dma_start3A_214 = tpu.memref_slice %arg7[%add3A_126, %dma_start3A] : memref<10016x128xf32, #tpu.memory_space<vmem_shared>> -> memref<64x128xf32, #tpu.memory_space<vmem_shared>>
        %dma_start3A_215 = arith.constant 0 : i32
        %dma_start3A_216 = tpu.memref_slice %arg7[%add3A_126, %dma_start3A_215] : memref<10016x128xf32, #tpu.memory_space<vmem_shared>> -> memref<64x128xf32, #tpu.memory_space<vmem_shared>>
        tpu.enqueue_dma source(%arg6 : memref<64x128xf32, #tpu.memory_space<vmem>>) target(%dma_start3A_216 : memref<64x128xf32, #tpu.memory_space<vmem_shared>>) target_semaphore(%run_scoped3A : memref<!tpu.dma_semaphore, #tpu.memory_space<semaphore_mem>>)
        %dma_wait3A = arith.constant 0 : i32
        %dma_wait3A_217 = tpu.memref_slice %arg7[%add3A_126, %dma_wait3A] : memref<10016x128xf32, #tpu.memory_space<vmem_shared>> -> memref<64x128xf32, #tpu.memory_space<vmem_shared>>
        %dma_wait3A_218 = arith.constant 0 : i32
        %dma_wait3A_219 = tpu.memref_slice %arg7[%add3A_126, %dma_wait3A_218] : memref<10016x128xf32, #tpu.memory_space<vmem_shared>> -> memref<64x128xf32, #tpu.memory_space<vmem_shared>>
        tpu.wait_dma2 semaphore(%run_scoped3A : memref<!tpu.dma_semaphore, #tpu.memory_space<semaphore_mem>>) src(%arg6 : memref<64x128xf32, #tpu.memory_space<vmem>>) dst(%dma_wait3A_219 : memref<64x128xf32, #tpu.memory_space<vmem_shared>>)
        tpu.yield
      }) : () -> ()
    } else {
    }
    %lt3A_134 = arith.constant 10000 : i32
    %lt3A_135 = arith.cmpi slt, %add3A_126, %lt3A_134 : i32
    %add3A_136 = arith.constant 64 : i32
    %add3A_137 = arith.addi %add3A_126, %add3A_136 : i32
    %gt3A_138 = arith.constant 10000 : i32
    %gt3A_139 = arith.cmpi sgt, %add3A_137, %gt3A_138 : i32
    %and3A_140 = arith.andi %lt3A_135, %gt3A_139 : i1
    %convert_element_type3A_141 = arith.extui %and3A_140 : i1 to i32
    %cond3A_142 = arith.constant 0 : i32
    %cond3A_143 = arith.cmpi ne, %convert_element_type3A_141, %cond3A_142 : i32
    scf.if %cond3A_143 {
      "tpu.region"() ({
        %run_scoped3A = tpu.sem_alloc : memref<!tpu.dma_semaphore, #tpu.memory_space<semaphore_mem>>
        %dma_start3A = arith.constant 0 : i32
        %dma_start3A_214 = arith.constant 0 : i32
        %dma_start3A_215 = tpu.memref_slice %arg6[%dma_start3A, %dma_start3A_214] : memref<64x128xf32, #tpu.memory_space<vmem>> -> memref<16x128xf32, #tpu.memory_space<vmem>>
        %dma_start3A_216 = arith.constant 0 : i32
        %dma_start3A_217 = tpu.memref_slice %arg7[%add3A_126, %dma_start3A_216] : memref<10016x128xf32, #tpu.memory_space<vmem_shared>> -> memref<16x128xf32, #tpu.memory_space<vmem_shared>>
        %dma_start3A_218 = arith.constant 0 : i32
        %dma_start3A_219 = tpu.memref_slice %arg7[%add3A_126, %dma_start3A_218] : memref<10016x128xf32, #tpu.memory_space<vmem_shared>> -> memref<16x128xf32, #tpu.memory_space<vmem_shared>>
        %dma_start3A_220 = arith.constant 0 : i32
        %dma_start3A_221 = arith.constant 0 : i32
        %dma_start3A_222 = tpu.memref_slice %arg6[%dma_start3A_220, %dma_start3A_221] : memref<64x128xf32, #tpu.memory_space<vmem>> -> memref<16x128xf32, #tpu.memory_space<vmem>>
        tpu.enqueue_dma source(%dma_start3A_222 : memref<16x128xf32, #tpu.memory_space<vmem>>) target(%dma_start3A_219 : memref<16x128xf32, #tpu.memory_space<vmem_shared>>) target_semaphore(%run_scoped3A : memref<!tpu.dma_semaphore, #tpu.memory_space<semaphore_mem>>)
        %dma_wait3A = arith.constant 0 : i32
        %dma_wait3A_223 = arith.constant 0 : i32
        %dma_wait3A_224 = tpu.memref_slice %arg6[%dma_wait3A, %dma_wait3A_223] : memref<64x128xf32, #tpu.memory_space<vmem>> -> memref<16x128xf32, #tpu.memory_space<vmem>>
        %dma_wait3A_225 = arith.constant 0 : i32
        %dma_wait3A_226 = tpu.memref_slice %arg7[%add3A_126, %dma_wait3A_225] : memref<10016x128xf32, #tpu.memory_space<vmem_shared>> -> memref<16x128xf32, #tpu.memory_space<vmem_shared>>
        %dma_wait3A_227 = arith.constant 0 : i32
        %dma_wait3A_228 = tpu.memref_slice %arg7[%add3A_126, %dma_wait3A_227] : memref<10016x128xf32, #tpu.memory_space<vmem_shared>> -> memref<16x128xf32, #tpu.memory_space<vmem_shared>>
        %dma_wait3A_229 = arith.constant 0 : i32
        %dma_wait3A_230 = arith.constant 0 : i32
        %dma_wait3A_231 = tpu.memref_slice %arg6[%dma_wait3A_229, %dma_wait3A_230] : memref<64x128xf32, #tpu.memory_space<vmem>> -> memref<16x128xf32, #tpu.memory_space<vmem>>
        tpu.wait_dma2 semaphore(%run_scoped3A : memref<!tpu.dma_semaphore, #tpu.memory_space<semaphore_mem>>) src(%dma_wait3A_231 : memref<16x128xf32, #tpu.memory_space<vmem>>) dst(%dma_wait3A_228 : memref<16x128xf32, #tpu.memory_space<vmem_shared>>)
        tpu.yield
      }) : () -> ()
    } else {
    }
    %add3A_144 = arith.constant 448 : i32
    %add3A_145 = arith.addi %mul3A_16, %add3A_144 : i32
    %add3A_146 = arith.constant 64 : i32
    %add3A_147 = arith.addi %add3A_145, %add3A_146 : i32
    %le3A_148 = arith.constant 10000 : i32
    %le3A_149 = arith.cmpi sle, %add3A_147, %le3A_148 : i32
    %convert_element_type3A_150 = arith.extui %le3A_149 : i1 to i32
    %cond3A_151 = arith.constant 0 : i32
    %cond3A_152 = arith.cmpi ne, %convert_element_type3A_150, %cond3A_151 : i32
    scf.if %cond3A_152 {
      "tpu.region"() ({
        %run_scoped3A = tpu.sem_alloc : memref<!tpu.dma_semaphore, #tpu.memory_space<semaphore_mem>>
        %dma_start3A = arith.constant 0 : i32
        %dma_start3A_214 = tpu.memref_slice %arg7[%add3A_145, %dma_start3A] : memref<10016x128xf32, #tpu.memory_space<vmem_shared>> -> memref<64x128xf32, #tpu.memory_space<vmem_shared>>
        %dma_start3A_215 = arith.constant 0 : i32
        %dma_start3A_216 = tpu.memref_slice %arg7[%add3A_145, %dma_start3A_215] : memref<10016x128xf32, #tpu.memory_space<vmem_shared>> -> memref<64x128xf32, #tpu.memory_space<vmem_shared>>
        tpu.enqueue_dma source(%arg6 : memref<64x128xf32, #tpu.memory_space<vmem>>) target(%dma_start3A_216 : memref<64x128xf32, #tpu.memory_space<vmem_shared>>) target_semaphore(%run_scoped3A : memref<!tpu.dma_semaphore, #tpu.memory_space<semaphore_mem>>)
        %dma_wait3A = arith.constant 0 : i32
        %dma_wait3A_217 = tpu.memref_slice %arg7[%add3A_145, %dma_wait3A] : memref<10016x128xf32, #tpu.memory_space<vmem_shared>> -> memref<64x128xf32, #tpu.memory_space<vmem_shared>>
        %dma_wait3A_218 = arith.constant 0 : i32
        %dma_wait3A_219 = tpu.memref_slice %arg7[%add3A_145, %dma_wait3A_218] : memref<10016x128xf32, #tpu.memory_space<vmem_shared>> -> memref<64x128xf32, #tpu.memory_space<vmem_shared>>
        tpu.wait_dma2 semaphore(%run_scoped3A : memref<!tpu.dma_semaphore, #tpu.memory_space<semaphore_mem>>) src(%arg6 : memref<64x128xf32, #tpu.memory_space<vmem>>) dst(%dma_wait3A_219 : memref<64x128xf32, #tpu.memory_space<vmem_shared>>)
        tpu.yield
      }) : () -> ()
    } else {
    }
    %lt3A_153 = arith.constant 10000 : i32
    %lt3A_154 = arith.cmpi slt, %add3A_145, %lt3A_153 : i32
    %add3A_155 = arith.constant 64 : i32
    %add3A_156 = arith.addi %add3A_145, %add3A_155 : i32
    %gt3A_157 = arith.constant 10000 : i32
    %gt3A_158 = arith.cmpi sgt, %add3A_156, %gt3A_157 : i32
    %and3A_159 = arith.andi %lt3A_154, %gt3A_158 : i1
    %convert_element_type3A_160 = arith.extui %and3A_159 : i1 to i32
    %cond3A_161 = arith.constant 0 : i32
    %cond3A_162 = arith.cmpi ne, %convert_element_type3A_160, %cond3A_161 : i32
    scf.if %cond3A_162 {
      "tpu.region"() ({
        %run_scoped3A = tpu.sem_alloc : memref<!tpu.dma_semaphore, #tpu.memory_space<semaphore_mem>>
        %dma_start3A = arith.constant 0 : i32
        %dma_start3A_214 = arith.constant 0 : i32
        %dma_start3A_215 = tpu.memref_slice %arg6[%dma_start3A, %dma_start3A_214] : memref<64x128xf32, #tpu.memory_space<vmem>> -> memref<16x128xf32, #tpu.memory_space<vmem>>
        %dma_start3A_216 = arith.constant 0 : i32
        %dma_start3A_217 = tpu.memref_slice %arg7[%add3A_145, %dma_start3A_216] : memref<10016x128xf32, #tpu.memory_space<vmem_shared>> -> memref<16x128xf32, #tpu.memory_space<vmem_shared>>
        %dma_start3A_218 = arith.constant 0 : i32
        %dma_start3A_219 = tpu.memref_slice %arg7[%add3A_145, %dma_start3A_218] : memref<10016x128xf32, #tpu.memory_space<vmem_shared>> -> memref<16x128xf32, #tpu.memory_space<vmem_shared>>
        %dma_start3A_220 = arith.constant 0 : i32
        %dma_start3A_221 = arith.constant 0 : i32
        %dma_start3A_222 = tpu.memref_slice %arg6[%dma_start3A_220, %dma_start3A_221] : memref<64x128xf32, #tpu.memory_space<vmem>> -> memref<16x128xf32, #tpu.memory_space<vmem>>
        tpu.enqueue_dma source(%dma_start3A_222 : memref<16x128xf32, #tpu.memory_space<vmem>>) target(%dma_start3A_219 : memref<16x128xf32, #tpu.memory_space<vmem_shared>>) target_semaphore(%run_scoped3A : memref<!tpu.dma_semaphore, #tpu.memory_space<semaphore_mem>>)
        %dma_wait3A = arith.constant 0 : i32
        %dma_wait3A_223 = arith.constant 0 : i32
        %dma_wait3A_224 = tpu.memref_slice %arg6[%dma_wait3A, %dma_wait3A_223] : memref<64x128xf32, #tpu.memory_space<vmem>> -> memref<16x128xf32, #tpu.memory_space<vmem>>
        %dma_wait3A_225 = arith.constant 0 : i32
        %dma_wait3A_226 = tpu.memref_slice %arg7[%add3A_145, %dma_wait3A_225] : memref<10016x128xf32, #tpu.memory_space<vmem_shared>> -> memref<16x128xf32, #tpu.memory_space<vmem_shared>>
        %dma_wait3A_227 = arith.constant 0 : i32
        %dma_wait3A_228 = tpu.memref_slice %arg7[%add3A_145, %dma_wait3A_227] : memref<10016x128xf32, #tpu.memory_space<vmem_shared>> -> memref<16x128xf32, #tpu.memory_space<vmem_shared>>
        %dma_wait3A_229 = arith.constant 0 : i32
        %dma_wait3A_230 = arith.constant 0 : i32
        %dma_wait3A_231 = tpu.memref_slice %arg6[%dma_wait3A_229, %dma_wait3A_230] : memref<64x128xf32, #tpu.memory_space<vmem>> -> memref<16x128xf32, #tpu.memory_space<vmem>>
        tpu.wait_dma2 semaphore(%run_scoped3A : memref<!tpu.dma_semaphore, #tpu.memory_space<semaphore_mem>>) src(%dma_wait3A_231 : memref<16x128xf32, #tpu.memory_space<vmem>>) dst(%dma_wait3A_228 : memref<16x128xf32, #tpu.memory_space<vmem_shared>>)
        tpu.yield
      }) : () -> ()
    } else {
    }
    %add3A_163 = arith.constant 512 : i32
    %add3A_164 = arith.addi %mul3A_16, %add3A_163 : i32
    %add3A_165 = arith.constant 64 : i32
    %add3A_166 = arith.addi %add3A_164, %add3A_165 : i32
    %le3A_167 = arith.constant 10000 : i32
    %le3A_168 = arith.cmpi sle, %add3A_166, %le3A_167 : i32
    %convert_element_type3A_169 = arith.extui %le3A_168 : i1 to i32
    %cond3A_170 = arith.constant 0 : i32
    %cond3A_171 = arith.cmpi ne, %convert_element_type3A_169, %cond3A_170 : i32
    scf.if %cond3A_171 {
      "tpu.region"() ({
        %run_scoped3A = tpu.sem_alloc : memref<!tpu.dma_semaphore, #tpu.memory_space<semaphore_mem>>
        %dma_start3A = arith.constant 0 : i32
        %dma_start3A_214 = tpu.memref_slice %arg7[%add3A_164, %dma_start3A] : memref<10016x128xf32, #tpu.memory_space<vmem_shared>> -> memref<64x128xf32, #tpu.memory_space<vmem_shared>>
        %dma_start3A_215 = arith.constant 0 : i32
        %dma_start3A_216 = tpu.memref_slice %arg7[%add3A_164, %dma_start3A_215] : memref<10016x128xf32, #tpu.memory_space<vmem_shared>> -> memref<64x128xf32, #tpu.memory_space<vmem_shared>>
        tpu.enqueue_dma source(%arg6 : memref<64x128xf32, #tpu.memory_space<vmem>>) target(%dma_start3A_216 : memref<64x128xf32, #tpu.memory_space<vmem_shared>>) target_semaphore(%run_scoped3A : memref<!tpu.dma_semaphore, #tpu.memory_space<semaphore_mem>>)
        %dma_wait3A = arith.constant 0 : i32
        %dma_wait3A_217 = tpu.memref_slice %arg7[%add3A_164, %dma_wait3A] : memref<10016x128xf32, #tpu.memory_space<vmem_shared>> -> memref<64x128xf32, #tpu.memory_space<vmem_shared>>
        %dma_wait3A_218 = arith.constant 0 : i32
        %dma_wait3A_219 = tpu.memref_slice %arg7[%add3A_164, %dma_wait3A_218] : memref<10016x128xf32, #tpu.memory_space<vmem_shared>> -> memref<64x128xf32, #tpu.memory_space<vmem_shared>>
        tpu.wait_dma2 semaphore(%run_scoped3A : memref<!tpu.dma_semaphore, #tpu.memory_space<semaphore_mem>>) src(%arg6 : memref<64x128xf32, #tpu.memory_space<vmem>>) dst(%dma_wait3A_219 : memref<64x128xf32, #tpu.memory_space<vmem_shared>>)
        tpu.yield
      }) : () -> ()
    } else {
    }
    %lt3A_172 = arith.constant 10000 : i32
    %lt3A_173 = arith.cmpi slt, %add3A_164, %lt3A_172 : i32
    %add3A_174 = arith.constant 64 : i32
    %add3A_175 = arith.addi %add3A_164, %add3A_174 : i32
    %gt3A_176 = arith.constant 10000 : i32
    %gt3A_177 = arith.cmpi sgt, %add3A_175, %gt3A_176 : i32
    %and3A_178 = arith.andi %lt3A_173, %gt3A_177 : i1
    %convert_element_type3A_179 = arith.extui %and3A_178 : i1 to i32
    %cond3A_180 = arith.constant 0 : i32
    %cond3A_181 = arith.cmpi ne, %convert_element_type3A_179, %cond3A_180 : i32
    scf.if %cond3A_181 {
      "tpu.region"() ({
        %run_scoped3A = tpu.sem_alloc : memref<!tpu.dma_semaphore, #tpu.memory_space<semaphore_mem>>
        %dma_start3A = arith.constant 0 : i32
        %dma_start3A_214 = arith.constant 0 : i32
        %dma_start3A_215 = tpu.memref_slice %arg6[%dma_start3A, %dma_start3A_214] : memref<64x128xf32, #tpu.memory_space<vmem>> -> memref<16x128xf32, #tpu.memory_space<vmem>>
        %dma_start3A_216 = arith.constant 0 : i32
        %dma_start3A_217 = tpu.memref_slice %arg7[%add3A_164, %dma_start3A_216] : memref<10016x128xf32, #tpu.memory_space<vmem_shared>> -> memref<16x128xf32, #tpu.memory_space<vmem_shared>>
        %dma_start3A_218 = arith.constant 0 : i32
        %dma_start3A_219 = tpu.memref_slice %arg7[%add3A_164, %dma_start3A_218] : memref<10016x128xf32, #tpu.memory_space<vmem_shared>> -> memref<16x128xf32, #tpu.memory_space<vmem_shared>>
        %dma_start3A_220 = arith.constant 0 : i32
        %dma_start3A_221 = arith.constant 0 : i32
        %dma_start3A_222 = tpu.memref_slice %arg6[%dma_start3A_220, %dma_start3A_221] : memref<64x128xf32, #tpu.memory_space<vmem>> -> memref<16x128xf32, #tpu.memory_space<vmem>>
        tpu.enqueue_dma source(%dma_start3A_222 : memref<16x128xf32, #tpu.memory_space<vmem>>) target(%dma_start3A_219 : memref<16x128xf32, #tpu.memory_space<vmem_shared>>) target_semaphore(%run_scoped3A : memref<!tpu.dma_semaphore, #tpu.memory_space<semaphore_mem>>)
        %dma_wait3A = arith.constant 0 : i32
        %dma_wait3A_223 = arith.constant 0 : i32
        %dma_wait3A_224 = tpu.memref_slice %arg6[%dma_wait3A, %dma_wait3A_223] : memref<64x128xf32, #tpu.memory_space<vmem>> -> memref<16x128xf32, #tpu.memory_space<vmem>>
        %dma_wait3A_225 = arith.constant 0 : i32
        %dma_wait3A_226 = tpu.memref_slice %arg7[%add3A_164, %dma_wait3A_225] : memref<10016x128xf32, #tpu.memory_space<vmem_shared>> -> memref<16x128xf32, #tpu.memory_space<vmem_shared>>
        %dma_wait3A_227 = arith.constant 0 : i32
        %dma_wait3A_228 = tpu.memref_slice %arg7[%add3A_164, %dma_wait3A_227] : memref<10016x128xf32, #tpu.memory_space<vmem_shared>> -> memref<16x128xf32, #tpu.memory_space<vmem_shared>>
        %dma_wait3A_229 = arith.constant 0 : i32
        %dma_wait3A_230 = arith.constant 0 : i32
        %dma_wait3A_231 = tpu.memref_slice %arg6[%dma_wait3A_229, %dma_wait3A_230] : memref<64x128xf32, #tpu.memory_space<vmem>> -> memref<16x128xf32, #tpu.memory_space<vmem>>
        tpu.wait_dma2 semaphore(%run_scoped3A : memref<!tpu.dma_semaphore, #tpu.memory_space<semaphore_mem>>) src(%dma_wait3A_231 : memref<16x128xf32, #tpu.memory_space<vmem>>) dst(%dma_wait3A_228 : memref<16x128xf32, #tpu.memory_space<vmem_shared>>)
        tpu.yield
      }) : () -> ()
    } else {
    }
    %add3A_182 = arith.constant 576 : i32
    %add3A_183 = arith.addi %mul3A_16, %add3A_182 : i32
    %add3A_184 = arith.constant 64 : i32
    %add3A_185 = arith.addi %add3A_183, %add3A_184 : i32
    %le3A_186 = arith.constant 10000 : i32
    %le3A_187 = arith.cmpi sle, %add3A_185, %le3A_186 : i32
    %convert_element_type3A_188 = arith.extui %le3A_187 : i1 to i32
    %cond3A_189 = arith.constant 0 : i32
    %cond3A_190 = arith.cmpi ne, %convert_element_type3A_188, %cond3A_189 : i32
    scf.if %cond3A_190 {
      "tpu.region"() ({
        %run_scoped3A = tpu.sem_alloc : memref<!tpu.dma_semaphore, #tpu.memory_space<semaphore_mem>>
        %dma_start3A = arith.constant 0 : i32
        %dma_start3A_214 = tpu.memref_slice %arg7[%add3A_183, %dma_start3A] : memref<10016x128xf32, #tpu.memory_space<vmem_shared>> -> memref<64x128xf32, #tpu.memory_space<vmem_shared>>
        %dma_start3A_215 = arith.constant 0 : i32
        %dma_start3A_216 = tpu.memref_slice %arg7[%add3A_183, %dma_start3A_215] : memref<10016x128xf32, #tpu.memory_space<vmem_shared>> -> memref<64x128xf32, #tpu.memory_space<vmem_shared>>
        tpu.enqueue_dma source(%arg6 : memref<64x128xf32, #tpu.memory_space<vmem>>) target(%dma_start3A_216 : memref<64x128xf32, #tpu.memory_space<vmem_shared>>) target_semaphore(%run_scoped3A : memref<!tpu.dma_semaphore, #tpu.memory_space<semaphore_mem>>)
        %dma_wait3A = arith.constant 0 : i32
        %dma_wait3A_217 = tpu.memref_slice %arg7[%add3A_183, %dma_wait3A] : memref<10016x128xf32, #tpu.memory_space<vmem_shared>> -> memref<64x128xf32, #tpu.memory_space<vmem_shared>>
        %dma_wait3A_218 = arith.constant 0 : i32
        %dma_wait3A_219 = tpu.memref_slice %arg7[%add3A_183, %dma_wait3A_218] : memref<10016x128xf32, #tpu.memory_space<vmem_shared>> -> memref<64x128xf32, #tpu.memory_space<vmem_shared>>
        tpu.wait_dma2 semaphore(%run_scoped3A : memref<!tpu.dma_semaphore, #tpu.memory_space<semaphore_mem>>) src(%arg6 : memref<64x128xf32, #tpu.memory_space<vmem>>) dst(%dma_wait3A_219 : memref<64x128xf32, #tpu.memory_space<vmem_shared>>)
        tpu.yield
      }) : () -> ()
    } else {
    }
    %lt3A_191 = arith.constant 10000 : i32
    %lt3A_192 = arith.cmpi slt, %add3A_183, %lt3A_191 : i32
    %add3A_193 = arith.constant 64 : i32
    %add3A_194 = arith.addi %add3A_183, %add3A_193 : i32
    %gt3A_195 = arith.constant 10000 : i32
    %gt3A_196 = arith.cmpi sgt, %add3A_194, %gt3A_195 : i32
    %and3A_197 = arith.andi %lt3A_192, %gt3A_196 : i1
    %convert_element_type3A_198 = arith.extui %and3A_197 : i1 to i32
    %cond3A_199 = arith.constant 0 : i32
    %cond3A_200 = arith.cmpi ne, %convert_element_type3A_198, %cond3A_199 : i32
    scf.if %cond3A_200 {
      "tpu.region"() ({
        %run_scoped3A = tpu.sem_alloc : memref<!tpu.dma_semaphore, #tpu.memory_space<semaphore_mem>>
        %dma_start3A = arith.constant 0 : i32
        %dma_start3A_214 = arith.constant 0 : i32
        %dma_start3A_215 = tpu.memref_slice %arg6[%dma_start3A, %dma_start3A_214] : memref<64x128xf32, #tpu.memory_space<vmem>> -> memref<16x128xf32, #tpu.memory_space<vmem>>
        %dma_start3A_216 = arith.constant 0 : i32
        %dma_start3A_217 = tpu.memref_slice %arg7[%add3A_183, %dma_start3A_216] : memref<10016x128xf32, #tpu.memory_space<vmem_shared>> -> memref<16x128xf32, #tpu.memory_space<vmem_shared>>
        %dma_start3A_218 = arith.constant 0 : i32
        %dma_start3A_219 = tpu.memref_slice %arg7[%add3A_183, %dma_start3A_218] : memref<10016x128xf32, #tpu.memory_space<vmem_shared>> -> memref<16x128xf32, #tpu.memory_space<vmem_shared>>
        %dma_start3A_220 = arith.constant 0 : i32
        %dma_start3A_221 = arith.constant 0 : i32
        %dma_start3A_222 = tpu.memref_slice %arg6[%dma_start3A_220, %dma_start3A_221] : memref<64x128xf32, #tpu.memory_space<vmem>> -> memref<16x128xf32, #tpu.memory_space<vmem>>
        tpu.enqueue_dma source(%dma_start3A_222 : memref<16x128xf32, #tpu.memory_space<vmem>>) target(%dma_start3A_219 : memref<16x128xf32, #tpu.memory_space<vmem_shared>>) target_semaphore(%run_scoped3A : memref<!tpu.dma_semaphore, #tpu.memory_space<semaphore_mem>>)
        %dma_wait3A = arith.constant 0 : i32
        %dma_wait3A_223 = arith.constant 0 : i32
        %dma_wait3A_224 = tpu.memref_slice %arg6[%dma_wait3A, %dma_wait3A_223] : memref<64x128xf32, #tpu.memory_space<vmem>> -> memref<16x128xf32, #tpu.memory_space<vmem>>
        %dma_wait3A_225 = arith.constant 0 : i32
        %dma_wait3A_226 = tpu.memref_slice %arg7[%add3A_183, %dma_wait3A_225] : memref<10016x128xf32, #tpu.memory_space<vmem_shared>> -> memref<16x128xf32, #tpu.memory_space<vmem_shared>>
        %dma_wait3A_227 = arith.constant 0 : i32
        %dma_wait3A_228 = tpu.memref_slice %arg7[%add3A_183, %dma_wait3A_227] : memref<10016x128xf32, #tpu.memory_space<vmem_shared>> -> memref<16x128xf32, #tpu.memory_space<vmem_shared>>
        %dma_wait3A_229 = arith.constant 0 : i32
        %dma_wait3A_230 = arith.constant 0 : i32
        %dma_wait3A_231 = tpu.memref_slice %arg6[%dma_wait3A_229, %dma_wait3A_230] : memref<64x128xf32, #tpu.memory_space<vmem>> -> memref<16x128xf32, #tpu.memory_space<vmem>>
        tpu.wait_dma2 semaphore(%run_scoped3A : memref<!tpu.dma_semaphore, #tpu.memory_space<semaphore_mem>>) src(%dma_wait3A_231 : memref<16x128xf32, #tpu.memory_space<vmem>>) dst(%dma_wait3A_228 : memref<16x128xf32, #tpu.memory_space<vmem_shared>>)
        tpu.yield
      }) : () -> ()
    } else {
    }
    %barrier3A = arith.constant 0 : index
    tpu.barrier barrier_id(%barrier3A)
    %scan3A_201 = arith.constant 0 : i32
    %scan3A_202 = arith.constant 0 : i32
    %scan3A_203 = arith.constant 5 : i32
    %scan3A_204 = arith.addi %scan3A_202, %scan3A_203 : i32
    %scan3A_205 = arith.constant 1 : i32
    scf.for %scan3A_214 = %scan3A_202 to %scan3A_204 step %scan3A_205  : i32 {
      "tpu.region"() ({
        %run_scoped3A = tpu.sem_alloc : memref<!tpu.dma_semaphore, #tpu.memory_space<semaphore_mem>>
        %dma_start3A = arith.constant 0 : i32
        %dma_start3A_221 = arith.constant 0 : i32
        %dma_start3A_222 = tpu.memref_slice %arg2[%add3A, %scan3A_214, %dma_start3A, %dma_start3A_221] : memref<32x5x25x80xi32, #tpu.memory_space<hbm>> -> memref<1x1x25x80xi32, #tpu.memory_space<hbm>>
        %dma_start3A_223 = tpu.memref_squeeze %dma_start3A_222 : memref<1x1x25x80xi32, #tpu.memory_space<hbm>> -> memref<25x80xi32, #tpu.memory_space<hbm>>
        %dma_start3A_224 = arith.constant 0 : i32
        %dma_start3A_225 = arith.constant 0 : i32
        %dma_start3A_226 = tpu.memref_slice %arg2[%add3A, %scan3A_214, %dma_start3A_224, %dma_start3A_225] : memref<32x5x25x80xi32, #tpu.memory_space<hbm>> -> memref<1x1x25x80xi32, #tpu.memory_space<hbm>>
        %dma_start3A_227 = tpu.memref_squeeze %dma_start3A_226 : memref<1x1x25x80xi32, #tpu.memory_space<hbm>> -> memref<25x80xi32, #tpu.memory_space<hbm>>
        tpu.enqueue_dma source(%dma_start3A_227 : memref<25x80xi32, #tpu.memory_space<hbm>>) target(%arg4 : memref<25x80xi32, #tpu.memory_space<vmem>>) target_semaphore(%run_scoped3A : memref<!tpu.dma_semaphore, #tpu.memory_space<semaphore_mem>>)
        %dma_wait3A = arith.constant 0 : i32
        %dma_wait3A_228 = arith.constant 0 : i32
        %dma_wait3A_229 = tpu.memref_slice %arg2[%add3A, %scan3A_214, %dma_wait3A, %dma_wait3A_228] : memref<32x5x25x80xi32, #tpu.memory_space<hbm>> -> memref<1x1x25x80xi32, #tpu.memory_space<hbm>>
        %dma_wait3A_230 = tpu.memref_squeeze %dma_wait3A_229 : memref<1x1x25x80xi32, #tpu.memory_space<hbm>> -> memref<25x80xi32, #tpu.memory_space<hbm>>
        %dma_wait3A_231 = arith.constant 0 : i32
        %dma_wait3A_232 = arith.constant 0 : i32
        %dma_wait3A_233 = tpu.memref_slice %arg2[%add3A, %scan3A_214, %dma_wait3A_231, %dma_wait3A_232] : memref<32x5x25x80xi32, #tpu.memory_space<hbm>> -> memref<1x1x25x80xi32, #tpu.memory_space<hbm>>
        %dma_wait3A_234 = tpu.memref_squeeze %dma_wait3A_233 : memref<1x1x25x80xi32, #tpu.memory_space<hbm>> -> memref<25x80xi32, #tpu.memory_space<hbm>>
        tpu.wait_dma2 semaphore(%run_scoped3A : memref<!tpu.dma_semaphore, #tpu.memory_space<semaphore_mem>>) src(%dma_wait3A_234 : memref<25x80xi32, #tpu.memory_space<hbm>>) dst(%arg4 : memref<25x80xi32, #tpu.memory_space<vmem>>)
        tpu.yield
      }) : () -> ()
      %scan3A_215 = arith.constant 0 : i32
      %scan3A_216 = arith.constant 0 : i32
      %scan3A_217 = arith.constant 25 : i32
      %scan3A_218 = arith.addi %scan3A_216, %scan3A_217 : i32
      %scan3A_219 = arith.constant 1 : i32
      scf.for %scan3A_221 = %scan3A_216 to %scan3A_218 step %scan3A_219  : i32 {
        "tpu.region"() ({
          %run_scoped3A = tpu.sem_alloc : memref<!tpu.dma_semaphore, #tpu.memory_space<semaphore_mem>>
          %dma_start3A = arith.constant 0 : i32
          %dma_start3A_222 = tpu.memref_slice %arg4[%scan3A_221, %dma_start3A] : memref<25x80xi32, #tpu.memory_space<vmem>> -> memref<1x80xi32, #tpu.memory_space<vmem>>
          %dma_start3A_223 = tpu.memref_squeeze %dma_start3A_222 : memref<1x80xi32, #tpu.memory_space<vmem>> -> memref<80xi32, #tpu.memory_space<vmem>>
          %dma_start3A_224 = arith.constant 0 : i32
          %dma_start3A_225 = arith.constant 0 : i32
          %dma_start3A_226 = tpu.memref_slice %arg7[%dma_start3A_224, %dma_start3A_225] : memref<10016x128xf32, #tpu.memory_space<vmem_shared>> -> memref<10016x128xf32, #tpu.memory_space<vmem_shared>>
          tpu.enqueue_indirect_dma source(%arg5 : memref<80x128xf32, #tpu.memory_space<vmem>>) target(%dma_start3A_226 : memref<10016x128xf32, #tpu.memory_space<vmem_shared>>) offsets(%dma_start3A_223 : memref<80xi32, #tpu.memory_space<vmem>>) semaphore(%run_scoped3A : memref<!tpu.dma_semaphore, #tpu.memory_space<semaphore_mem>>) {add = true}
          %dma_wait3A = arith.constant 0 : i32
          %dma_wait3A_227 = tpu.memref_slice %arg4[%scan3A_221, %dma_wait3A] : memref<25x80xi32, #tpu.memory_space<vmem>> -> memref<1x80xi32, #tpu.memory_space<vmem>>
          %dma_wait3A_228 = tpu.memref_squeeze %dma_wait3A_227 : memref<1x80xi32, #tpu.memory_space<vmem>> -> memref<80xi32, #tpu.memory_space<vmem>>
          %dma_wait3A_229 = arith.constant 0 : i32
          %dma_wait3A_230 = arith.constant 0 : i32
          %dma_wait3A_231 = tpu.memref_slice %arg7[%dma_wait3A_229, %dma_wait3A_230] : memref<10016x128xf32, #tpu.memory_space<vmem_shared>> -> memref<10016x128xf32, #tpu.memory_space<vmem_shared>>
          tpu.wait_indirect_dma semaphore(%run_scoped3A : memref<!tpu.dma_semaphore, #tpu.memory_space<semaphore_mem>>) src(%arg5 : memref<80x128xf32, #tpu.memory_space<vmem>>) dst(%dma_wait3A_231 : memref<10016x128xf32, #tpu.memory_space<vmem_shared>>)
          tpu.yield
        }) : () -> ()
      }
      %scan3A_220 = arith.constant 25 : i32
    }
    %scan3A_206 = arith.constant 5 : i32
    %barrier3A_207 = arith.constant 0 : index
    tpu.barrier barrier_id(%barrier3A_207)
    %scan3A_208 = arith.constant 0 : i32
    %scan3A_209 = arith.constant 0 : i32
    %scan3A_210 = arith.constant 8 : i32
    %scan3A_211 = arith.addi %scan3A_209, %scan3A_210 : i32
    %scan3A_212 = arith.constant 1 : i32
    scf.for %scan3A_214 = %scan3A_209 to %scan3A_211 step %scan3A_212  : i32 {
      %mul3A_215 = arith.constant 80 : i32
      %mul3A_216 = arith.muli %scan3A_214, %mul3A_215 : i32
      %add3A_217 = arith.addi %mul3A_16, %mul3A_216 : i32
      %lt3A_218 = arith.constant 10000 : i32
      %lt3A_219 = arith.cmpi slt, %add3A_217, %lt3A_218 : i32
      %convert_element_type3A_220 = arith.extui %lt3A_219 : i1 to i32
      %cond3A_221 = arith.constant 0 : i32
      %cond3A_222 = arith.cmpi ne, %convert_element_type3A_220, %cond3A_221 : i32
      scf.if %cond3A_222 {
        "tpu.region"() ({
          %run_scoped3A = tpu.sem_alloc : memref<!tpu.dma_semaphore, #tpu.memory_space<semaphore_mem>>
          %dma_start3A = arith.constant 0 : i32
          %dma_start3A_223 = tpu.memref_slice %arg3[%arg0, %add3A_217, %dma_start3A] : memref<2x10000x128xf32, #tpu.memory_space<hbm>> -> memref<1x80x128xf32, #tpu.memory_space<hbm>>
          %dma_start3A_224 = tpu.memref_squeeze %dma_start3A_223 : memref<1x80x128xf32, #tpu.memory_space<hbm>> -> memref<80x128xf32, #tpu.memory_space<hbm>>
          %dma_start3A_225 = arith.constant 0 : i32
          %dma_start3A_226 = tpu.memref_slice %arg7[%add3A_217, %dma_start3A_225] : memref<10016x128xf32, #tpu.memory_space<vmem_shared>> -> memref<80x128xf32, #tpu.memory_space<vmem_shared>>
          tpu.enqueue_dma source(%dma_start3A_226 : memref<80x128xf32, #tpu.memory_space<vmem_shared>>) target(%dma_start3A_224 : memref<80x128xf32, #tpu.memory_space<hbm>>) target_semaphore(%run_scoped3A : memref<!tpu.dma_semaphore, #tpu.memory_space<semaphore_mem>>)
          %dma_wait3A = arith.constant 0 : i32
          %dma_wait3A_227 = tpu.memref_slice %arg3[%arg0, %add3A_217, %dma_wait3A] : memref<2x10000x128xf32, #tpu.memory_space<hbm>> -> memref<1x80x128xf32, #tpu.memory_space<hbm>>
          %dma_wait3A_228 = tpu.memref_squeeze %dma_wait3A_227 : memref<1x80x128xf32, #tpu.memory_space<hbm>> -> memref<80x128xf32, #tpu.memory_space<hbm>>
          %dma_wait3A_229 = arith.constant 0 : i32
          %dma_wait3A_230 = tpu.memref_slice %arg7[%add3A_217, %dma_wait3A_229] : memref<10016x128xf32, #tpu.memory_space<vmem_shared>> -> memref<80x128xf32, #tpu.memory_space<vmem_shared>>
          tpu.wait_dma2 semaphore(%run_scoped3A : memref<!tpu.dma_semaphore, #tpu.memory_space<semaphore_mem>>) src(%dma_wait3A_230 : memref<80x128xf32, #tpu.memory_space<vmem_shared>>) dst(%dma_wait3A_228 : memref<80x128xf32, #tpu.memory_space<hbm>>)
          tpu.yield
        }) : () -> ()
      } else {
      }
    }
    %scan3A_213 = arith.constant 8 : i32
    return
  }
}

#map = affine_map<(d0, d1) -> (0, 0)>
#map1 = affine_map<(d0, d1) -> (0, 0, 0, 0)>
#map2 = affine_map<(d0, d1) -> (0, 0, 0)>
module attributes {stable_mosaic.version = 14 : i64} {
  func.func @body(%arg0: i32, %arg1: i32, %arg2: memref<10000x128xf32, #tpu.memory_space<hbm>>, %arg3: memref<32x5x25x80xi32, #tpu.memory_space<hbm>>, %arg4: memref<32x5x25x80xi32, #tpu.memory_space<hbm>>, %arg5: memref<2x10000x128xf32, #tpu.memory_space<hbm>>, %arg6: memref<25x80xi32, #tpu.memory_space<vmem>>, %arg7: memref<25x80xi32, #tpu.memory_space<vmem>>, %arg8: memref<80x128xf32, #tpu.memory_space<vmem>>, %arg9: memref<80x128xf32, #tpu.memory_space<vmem>>, %arg10: memref<64x128xf32, #tpu.memory_space<vmem>>, %arg11: memref<10016x128xf32, #tpu.memory_space<vmem_shared>>, %arg12: memref<!tpu.dma_semaphore, #tpu.memory_space<semaphore_mem>>, %arg13: memref<!tpu.dma_semaphore, #tpu.memory_space<semaphore_mem>>) attributes {dimension_semantics = [#tpu.dimension_semantics<core_parallel>, #tpu.dimension_semantics<subcore_parallel>], iteration_bounds = array<i64: 2, 16>, scalar_prefetch = 0 : i64, scratch_operands = 8 : i64, tpu.core_type = #tpu.core_type<sc_vector_subcore>, window_params = [{transform_indices = #map}, {transform_indices = #map1}, {transform_indices = #map1}, {transform_indices = #map2}]} {
    %mul3A = arith.constant 16 : i32
    %mul3A_0 = arith.muli %arg0, %mul3A : i32
    %add3A = arith.addi %mul3A_0, %arg1 : i32
    %broadcast_in_dim3A = arith.constant 0.000000e+00 : f32
    %broadcast_in_dim3A_1 = vector.broadcast %broadcast_in_dim3A : f32 to vector<16xf32>
    %scan3A = arith.constant 0 : i32
    %scan3A_2 = arith.constant 0 : i32
    %scan3A_3 = arith.constant 512 : i32
    %scan3A_4 = arith.addi %scan3A_2, %scan3A_3 : i32
    %scan3A_5 = arith.constant 1 : i32
    scf.for %scan3A_206 = %scan3A_2 to %scan3A_4 step %scan3A_5  : i32 {
      %jit3A = arith.constant 8 : i32
      %div3A = arith.divsi %scan3A_206, %jit3A : i32
      %sign3A = arith.constant 0 : i32
      %sign3A_207 = arith.cmpi sgt, %scan3A_206, %sign3A : i32
      %sign3A_208 = arith.extui %sign3A_207 : i1 to i32
      %sign3A_209 = arith.constant 0 : i32
      %sign3A_210 = arith.cmpi slt, %scan3A_206, %sign3A_209 : i32
      %sign3A_211 = arith.extui %sign3A_210 : i1 to i32
      %sign3A_212 = arith.subi %sign3A_208, %sign3A_211 : i32
      %sign3A_213 = arith.constant 0 : i32
      %sign3A_214 = arith.cmpi sgt, %jit3A, %sign3A_213 : i32
      %sign3A_215 = arith.extui %sign3A_214 : i1 to i32
      %sign3A_216 = arith.constant 0 : i32
      %sign3A_217 = arith.cmpi slt, %jit3A, %sign3A_216 : i32
      %sign3A_218 = arith.extui %sign3A_217 : i1 to i32
      %sign3A_219 = arith.subi %sign3A_215, %sign3A_218 : i32
      %ne3A = arith.cmpi ne, %sign3A_212, %sign3A_219 : i32
      %rem3A = arith.remsi %scan3A_206, %jit3A : i32
      %ne3A_220 = arith.constant 0 : i32
      %ne3A_221 = arith.cmpi ne, %rem3A, %ne3A_220 : i32
      %and3A_222 = arith.andi %ne3A, %ne3A_221 : i1
      %sub3A = arith.constant 1 : i32
      %sub3A_223 = arith.subi %div3A, %sub3A : i32
      %select_n3A = arith.select %and3A_222, %sub3A_223, %div3A : i32
      %mul3A_224 = arith.constant 8 : i32
      %mul3A_225 = arith.muli %select_n3A, %mul3A_224 : i32
      %sub3A_226 = arith.subi %scan3A_206, %mul3A_225 : i32
      %mul3A_227 = arith.constant 16 : i32
      %mul3A_228 = arith.muli %sub3A_226, %mul3A_227 : i32
      %swap3A = arith.index_cast %select_n3A : i32 to index
      %swap3A_229 = arith.index_cast %mul3A_228 : i32 to index
      %swap3A_230 = tpu.vector_load %arg10[%swap3A, %swap3A_229] {strides = array<i32>} : memref<64x128xf32, #tpu.memory_space<vmem>>, vector<1x16xf32>,
      %swap3A_231 = vector.shape_cast %swap3A_230 : vector<1x16xf32> to vector<16xf32>
      %swap3A_232 = vector.shape_cast %broadcast_in_dim3A_1 : vector<16xf32> to vector<1x16xf32>
      tpu.vector_store %arg10[%swap3A, %swap3A_229], %swap3A_232 {strides = array<i32>} : memref<64x128xf32, #tpu.memory_space<vmem>>, vector<1x16xf32>,
    }
    %scan3A_6 = arith.constant 512 : i32
    %mul3A_7 = arith.constant 640 : i32
    %mul3A_8 = arith.muli %arg1, %mul3A_7 : i32
    %add3A_9 = arith.constant 0 : i32
    %add3A_10 = arith.addi %mul3A_8, %add3A_9 : i32
    %add3A_11 = arith.constant 64 : i32
    %add3A_12 = arith.addi %add3A_10, %add3A_11 : i32
    %le3A = arith.constant 10000 : i32
    %le3A_13 = arith.cmpi sle, %add3A_12, %le3A : i32
    %convert_element_type3A = arith.extui %le3A_13 : i1 to i32
    %cond3A = arith.constant 0 : i32
    %cond3A_14 = arith.cmpi ne, %convert_element_type3A, %cond3A : i32
    scf.if %cond3A_14 {
      "tpu.region"() ({
        %run_scoped3A = tpu.sem_alloc : memref<!tpu.dma_semaphore, #tpu.memory_space<semaphore_mem>>
        %dma_start3A = arith.constant 0 : i32
        %dma_start3A_206 = tpu.memref_slice %arg11[%add3A_10, %dma_start3A] : memref<10016x128xf32, #tpu.memory_space<vmem_shared>> -> memref<64x128xf32, #tpu.memory_space<vmem_shared>>
        %dma_start3A_207 = arith.constant 0 : i32
        %dma_start3A_208 = tpu.memref_slice %arg11[%add3A_10, %dma_start3A_207] : memref<10016x128xf32, #tpu.memory_space<vmem_shared>> -> memref<64x128xf32, #tpu.memory_space<vmem_shared>>
        tpu.enqueue_dma source(%arg10 : memref<64x128xf32, #tpu.memory_space<vmem>>) target(%dma_start3A_208 : memref<64x128xf32, #tpu.memory_space<vmem_shared>>) target_semaphore(%run_scoped3A : memref<!tpu.dma_semaphore, #tpu.memory_space<semaphore_mem>>)
        %dma_wait3A = arith.constant 0 : i32
        %dma_wait3A_209 = tpu.memref_slice %arg11[%add3A_10, %dma_wait3A] : memref<10016x128xf32, #tpu.memory_space<vmem_shared>> -> memref<64x128xf32, #tpu.memory_space<vmem_shared>>
        %dma_wait3A_210 = arith.constant 0 : i32
        %dma_wait3A_211 = tpu.memref_slice %arg11[%add3A_10, %dma_wait3A_210] : memref<10016x128xf32, #tpu.memory_space<vmem_shared>> -> memref<64x128xf32, #tpu.memory_space<vmem_shared>>
        tpu.wait_dma2 semaphore(%run_scoped3A : memref<!tpu.dma_semaphore, #tpu.memory_space<semaphore_mem>>) src(%arg10 : memref<64x128xf32, #tpu.memory_space<vmem>>) dst(%dma_wait3A_211 : memref<64x128xf32, #tpu.memory_space<vmem_shared>>)
        tpu.yield
      }) : () -> ()
    } else {
    }
    %lt3A = arith.constant 10000 : i32
    %lt3A_15 = arith.cmpi slt, %add3A_10, %lt3A : i32
    %add3A_16 = arith.constant 64 : i32
    %add3A_17 = arith.addi %add3A_10, %add3A_16 : i32
    %gt3A = arith.constant 10000 : i32
    %gt3A_18 = arith.cmpi sgt, %add3A_17, %gt3A : i32
    %and3A = arith.andi %lt3A_15, %gt3A_18 : i1
    %convert_element_type3A_19 = arith.extui %and3A : i1 to i32
    %cond3A_20 = arith.constant 0 : i32
    %cond3A_21 = arith.cmpi ne, %convert_element_type3A_19, %cond3A_20 : i32
    scf.if %cond3A_21 {
      "tpu.region"() ({
        %run_scoped3A = tpu.sem_alloc : memref<!tpu.dma_semaphore, #tpu.memory_space<semaphore_mem>>
        %dma_start3A = arith.constant 0 : i32
        %dma_start3A_206 = arith.constant 0 : i32
        %dma_start3A_207 = tpu.memref_slice %arg10[%dma_start3A, %dma_start3A_206] : memref<64x128xf32, #tpu.memory_space<vmem>> -> memref<16x128xf32, #tpu.memory_space<vmem>>
        %dma_start3A_208 = arith.constant 0 : i32
        %dma_start3A_209 = tpu.memref_slice %arg11[%add3A_10, %dma_start3A_208] : memref<10016x128xf32, #tpu.memory_space<vmem_shared>> -> memref<16x128xf32, #tpu.memory_space<vmem_shared>>
        %dma_start3A_210 = arith.constant 0 : i32
        %dma_start3A_211 = tpu.memref_slice %arg11[%add3A_10, %dma_start3A_210] : memref<10016x128xf32, #tpu.memory_space<vmem_shared>> -> memref<16x128xf32, #tpu.memory_space<vmem_shared>>
        %dma_start3A_212 = arith.constant 0 : i32
        %dma_start3A_213 = arith.constant 0 : i32
        %dma_start3A_214 = tpu.memref_slice %arg10[%dma_start3A_212, %dma_start3A_213] : memref<64x128xf32, #tpu.memory_space<vmem>> -> memref<16x128xf32, #tpu.memory_space<vmem>>
        tpu.enqueue_dma source(%dma_start3A_214 : memref<16x128xf32, #tpu.memory_space<vmem>>) target(%dma_start3A_211 : memref<16x128xf32, #tpu.memory_space<vmem_shared>>) target_semaphore(%run_scoped3A : memref<!tpu.dma_semaphore, #tpu.memory_space<semaphore_mem>>)
        %dma_wait3A = arith.constant 0 : i32
        %dma_wait3A_215 = arith.constant 0 : i32
        %dma_wait3A_216 = tpu.memref_slice %arg10[%dma_wait3A, %dma_wait3A_215] : memref<64x128xf32, #tpu.memory_space<vmem>> -> memref<16x128xf32, #tpu.memory_space<vmem>>
        %dma_wait3A_217 = arith.constant 0 : i32
        %dma_wait3A_218 = tpu.memref_slice %arg11[%add3A_10, %dma_wait3A_217] : memref<10016x128xf32, #tpu.memory_space<vmem_shared>> -> memref<16x128xf32, #tpu.memory_space<vmem_shared>>
        %dma_wait3A_219 = arith.constant 0 : i32
        %dma_wait3A_220 = tpu.memref_slice %arg11[%add3A_10, %dma_wait3A_219] : memref<10016x128xf32, #tpu.memory_space<vmem_shared>> -> memref<16x128xf32, #tpu.memory_space<vmem_shared>>
        %dma_wait3A_221 = arith.constant 0 : i32
        %dma_wait3A_222 = arith.constant 0 : i32
        %dma_wait3A_223 = tpu.memref_slice %arg10[%dma_wait3A_221, %dma_wait3A_222] : memref<64x128xf32, #tpu.memory_space<vmem>> -> memref<16x128xf32, #tpu.memory_space<vmem>>
        tpu.wait_dma2 semaphore(%run_scoped3A : memref<!tpu.dma_semaphore, #tpu.memory_space<semaphore_mem>>) src(%dma_wait3A_223 : memref<16x128xf32, #tpu.memory_space<vmem>>) dst(%dma_wait3A_220 : memref<16x128xf32, #tpu.memory_space<vmem_shared>>)
        tpu.yield
      }) : () -> ()
    } else {
    }
    %add3A_22 = arith.constant 64 : i32
    %add3A_23 = arith.addi %mul3A_8, %add3A_22 : i32
    %add3A_24 = arith.constant 64 : i32
    %add3A_25 = arith.addi %add3A_23, %add3A_24 : i32
    %le3A_26 = arith.constant 10000 : i32
    %le3A_27 = arith.cmpi sle, %add3A_25, %le3A_26 : i32
    %convert_element_type3A_28 = arith.extui %le3A_27 : i1 to i32
    %cond3A_29 = arith.constant 0 : i32
    %cond3A_30 = arith.cmpi ne, %convert_element_type3A_28, %cond3A_29 : i32
    scf.if %cond3A_30 {
      "tpu.region"() ({
        %run_scoped3A = tpu.sem_alloc : memref<!tpu.dma_semaphore, #tpu.memory_space<semaphore_mem>>
        %dma_start3A = arith.constant 0 : i32
        %dma_start3A_206 = tpu.memref_slice %arg11[%add3A_23, %dma_start3A] : memref<10016x128xf32, #tpu.memory_space<vmem_shared>> -> memref<64x128xf32, #tpu.memory_space<vmem_shared>>
        %dma_start3A_207 = arith.constant 0 : i32
        %dma_start3A_208 = tpu.memref_slice %arg11[%add3A_23, %dma_start3A_207] : memref<10016x128xf32, #tpu.memory_space<vmem_shared>> -> memref<64x128xf32, #tpu.memory_space<vmem_shared>>
        tpu.enqueue_dma source(%arg10 : memref<64x128xf32, #tpu.memory_space<vmem>>) target(%dma_start3A_208 : memref<64x128xf32, #tpu.memory_space<vmem_shared>>) target_semaphore(%run_scoped3A : memref<!tpu.dma_semaphore, #tpu.memory_space<semaphore_mem>>)
        %dma_wait3A = arith.constant 0 : i32
        %dma_wait3A_209 = tpu.memref_slice %arg11[%add3A_23, %dma_wait3A] : memref<10016x128xf32, #tpu.memory_space<vmem_shared>> -> memref<64x128xf32, #tpu.memory_space<vmem_shared>>
        %dma_wait3A_210 = arith.constant 0 : i32
        %dma_wait3A_211 = tpu.memref_slice %arg11[%add3A_23, %dma_wait3A_210] : memref<10016x128xf32, #tpu.memory_space<vmem_shared>> -> memref<64x128xf32, #tpu.memory_space<vmem_shared>>
        tpu.wait_dma2 semaphore(%run_scoped3A : memref<!tpu.dma_semaphore, #tpu.memory_space<semaphore_mem>>) src(%arg10 : memref<64x128xf32, #tpu.memory_space<vmem>>) dst(%dma_wait3A_211 : memref<64x128xf32, #tpu.memory_space<vmem_shared>>)
        tpu.yield
      }) : () -> ()
    } else {
    }
    %lt3A_31 = arith.constant 10000 : i32
    %lt3A_32 = arith.cmpi slt, %add3A_23, %lt3A_31 : i32
    %add3A_33 = arith.constant 64 : i32
    %add3A_34 = arith.addi %add3A_23, %add3A_33 : i32
    %gt3A_35 = arith.constant 10000 : i32
    %gt3A_36 = arith.cmpi sgt, %add3A_34, %gt3A_35 : i32
    %and3A_37 = arith.andi %lt3A_32, %gt3A_36 : i1
    %convert_element_type3A_38 = arith.extui %and3A_37 : i1 to i32
    %cond3A_39 = arith.constant 0 : i32
    %cond3A_40 = arith.cmpi ne, %convert_element_type3A_38, %cond3A_39 : i32
    scf.if %cond3A_40 {
      "tpu.region"() ({
        %run_scoped3A = tpu.sem_alloc : memref<!tpu.dma_semaphore, #tpu.memory_space<semaphore_mem>>
        %dma_start3A = arith.constant 0 : i32
        %dma_start3A_206 = arith.constant 0 : i32
        %dma_start3A_207 = tpu.memref_slice %arg10[%dma_start3A, %dma_start3A_206] : memref<64x128xf32, #tpu.memory_space<vmem>> -> memref<16x128xf32, #tpu.memory_space<vmem>>
        %dma_start3A_208 = arith.constant 0 : i32
        %dma_start3A_209 = tpu.memref_slice %arg11[%add3A_23, %dma_start3A_208] : memref<10016x128xf32, #tpu.memory_space<vmem_shared>> -> memref<16x128xf32, #tpu.memory_space<vmem_shared>>
        %dma_start3A_210 = arith.constant 0 : i32
        %dma_start3A_211 = tpu.memref_slice %arg11[%add3A_23, %dma_start3A_210] : memref<10016x128xf32, #tpu.memory_space<vmem_shared>> -> memref<16x128xf32, #tpu.memory_space<vmem_shared>>
        %dma_start3A_212 = arith.constant 0 : i32
        %dma_start3A_213 = arith.constant 0 : i32
        %dma_start3A_214 = tpu.memref_slice %arg10[%dma_start3A_212, %dma_start3A_213] : memref<64x128xf32, #tpu.memory_space<vmem>> -> memref<16x128xf32, #tpu.memory_space<vmem>>
        tpu.enqueue_dma source(%dma_start3A_214 : memref<16x128xf32, #tpu.memory_space<vmem>>) target(%dma_start3A_211 : memref<16x128xf32, #tpu.memory_space<vmem_shared>>) target_semaphore(%run_scoped3A : memref<!tpu.dma_semaphore, #tpu.memory_space<semaphore_mem>>)
        %dma_wait3A = arith.constant 0 : i32
        %dma_wait3A_215 = arith.constant 0 : i32
        %dma_wait3A_216 = tpu.memref_slice %arg10[%dma_wait3A, %dma_wait3A_215] : memref<64x128xf32, #tpu.memory_space<vmem>> -> memref<16x128xf32, #tpu.memory_space<vmem>>
        %dma_wait3A_217 = arith.constant 0 : i32
        %dma_wait3A_218 = tpu.memref_slice %arg11[%add3A_23, %dma_wait3A_217] : memref<10016x128xf32, #tpu.memory_space<vmem_shared>> -> memref<16x128xf32, #tpu.memory_space<vmem_shared>>
        %dma_wait3A_219 = arith.constant 0 : i32
        %dma_wait3A_220 = tpu.memref_slice %arg11[%add3A_23, %dma_wait3A_219] : memref<10016x128xf32, #tpu.memory_space<vmem_shared>> -> memref<16x128xf32, #tpu.memory_space<vmem_shared>>
        %dma_wait3A_221 = arith.constant 0 : i32
        %dma_wait3A_222 = arith.constant 0 : i32
        %dma_wait3A_223 = tpu.memref_slice %arg10[%dma_wait3A_221, %dma_wait3A_222] : memref<64x128xf32, #tpu.memory_space<vmem>> -> memref<16x128xf32, #tpu.memory_space<vmem>>
        tpu.wait_dma2 semaphore(%run_scoped3A : memref<!tpu.dma_semaphore, #tpu.memory_space<semaphore_mem>>) src(%dma_wait3A_223 : memref<16x128xf32, #tpu.memory_space<vmem>>) dst(%dma_wait3A_220 : memref<16x128xf32, #tpu.memory_space<vmem_shared>>)
        tpu.yield
      }) : () -> ()
    } else {
    }
    %add3A_41 = arith.constant 128 : i32
    %add3A_42 = arith.addi %mul3A_8, %add3A_41 : i32
    %add3A_43 = arith.constant 64 : i32
    %add3A_44 = arith.addi %add3A_42, %add3A_43 : i32
    %le3A_45 = arith.constant 10000 : i32
    %le3A_46 = arith.cmpi sle, %add3A_44, %le3A_45 : i32
    %convert_element_type3A_47 = arith.extui %le3A_46 : i1 to i32
    %cond3A_48 = arith.constant 0 : i32
    %cond3A_49 = arith.cmpi ne, %convert_element_type3A_47, %cond3A_48 : i32
    scf.if %cond3A_49 {
      "tpu.region"() ({
        %run_scoped3A = tpu.sem_alloc : memref<!tpu.dma_semaphore, #tpu.memory_space<semaphore_mem>>
        %dma_start3A = arith.constant 0 : i32
        %dma_start3A_206 = tpu.memref_slice %arg11[%add3A_42, %dma_start3A] : memref<10016x128xf32, #tpu.memory_space<vmem_shared>> -> memref<64x128xf32, #tpu.memory_space<vmem_shared>>
        %dma_start3A_207 = arith.constant 0 : i32
        %dma_start3A_208 = tpu.memref_slice %arg11[%add3A_42, %dma_start3A_207] : memref<10016x128xf32, #tpu.memory_space<vmem_shared>> -> memref<64x128xf32, #tpu.memory_space<vmem_shared>>
        tpu.enqueue_dma source(%arg10 : memref<64x128xf32, #tpu.memory_space<vmem>>) target(%dma_start3A_208 : memref<64x128xf32, #tpu.memory_space<vmem_shared>>) target_semaphore(%run_scoped3A : memref<!tpu.dma_semaphore, #tpu.memory_space<semaphore_mem>>)
        %dma_wait3A = arith.constant 0 : i32
        %dma_wait3A_209 = tpu.memref_slice %arg11[%add3A_42, %dma_wait3A] : memref<10016x128xf32, #tpu.memory_space<vmem_shared>> -> memref<64x128xf32, #tpu.memory_space<vmem_shared>>
        %dma_wait3A_210 = arith.constant 0 : i32
        %dma_wait3A_211 = tpu.memref_slice %arg11[%add3A_42, %dma_wait3A_210] : memref<10016x128xf32, #tpu.memory_space<vmem_shared>> -> memref<64x128xf32, #tpu.memory_space<vmem_shared>>
        tpu.wait_dma2 semaphore(%run_scoped3A : memref<!tpu.dma_semaphore, #tpu.memory_space<semaphore_mem>>) src(%arg10 : memref<64x128xf32, #tpu.memory_space<vmem>>) dst(%dma_wait3A_211 : memref<64x128xf32, #tpu.memory_space<vmem_shared>>)
        tpu.yield
      }) : () -> ()
    } else {
    }
    %lt3A_50 = arith.constant 10000 : i32
    %lt3A_51 = arith.cmpi slt, %add3A_42, %lt3A_50 : i32
    %add3A_52 = arith.constant 64 : i32
    %add3A_53 = arith.addi %add3A_42, %add3A_52 : i32
    %gt3A_54 = arith.constant 10000 : i32
    %gt3A_55 = arith.cmpi sgt, %add3A_53, %gt3A_54 : i32
    %and3A_56 = arith.andi %lt3A_51, %gt3A_55 : i1
    %convert_element_type3A_57 = arith.extui %and3A_56 : i1 to i32
    %cond3A_58 = arith.constant 0 : i32
    %cond3A_59 = arith.cmpi ne, %convert_element_type3A_57, %cond3A_58 : i32
    scf.if %cond3A_59 {
      "tpu.region"() ({
        %run_scoped3A = tpu.sem_alloc : memref<!tpu.dma_semaphore, #tpu.memory_space<semaphore_mem>>
        %dma_start3A = arith.constant 0 : i32
        %dma_start3A_206 = arith.constant 0 : i32
        %dma_start3A_207 = tpu.memref_slice %arg10[%dma_start3A, %dma_start3A_206] : memref<64x128xf32, #tpu.memory_space<vmem>> -> memref<16x128xf32, #tpu.memory_space<vmem>>
        %dma_start3A_208 = arith.constant 0 : i32
        %dma_start3A_209 = tpu.memref_slice %arg11[%add3A_42, %dma_start3A_208] : memref<10016x128xf32, #tpu.memory_space<vmem_shared>> -> memref<16x128xf32, #tpu.memory_space<vmem_shared>>
        %dma_start3A_210 = arith.constant 0 : i32
        %dma_start3A_211 = tpu.memref_slice %arg11[%add3A_42, %dma_start3A_210] : memref<10016x128xf32, #tpu.memory_space<vmem_shared>> -> memref<16x128xf32, #tpu.memory_space<vmem_shared>>
        %dma_start3A_212 = arith.constant 0 : i32
        %dma_start3A_213 = arith.constant 0 : i32
        %dma_start3A_214 = tpu.memref_slice %arg10[%dma_start3A_212, %dma_start3A_213] : memref<64x128xf32, #tpu.memory_space<vmem>> -> memref<16x128xf32, #tpu.memory_space<vmem>>
        tpu.enqueue_dma source(%dma_start3A_214 : memref<16x128xf32, #tpu.memory_space<vmem>>) target(%dma_start3A_211 : memref<16x128xf32, #tpu.memory_space<vmem_shared>>) target_semaphore(%run_scoped3A : memref<!tpu.dma_semaphore, #tpu.memory_space<semaphore_mem>>)
        %dma_wait3A = arith.constant 0 : i32
        %dma_wait3A_215 = arith.constant 0 : i32
        %dma_wait3A_216 = tpu.memref_slice %arg10[%dma_wait3A, %dma_wait3A_215] : memref<64x128xf32, #tpu.memory_space<vmem>> -> memref<16x128xf32, #tpu.memory_space<vmem>>
        %dma_wait3A_217 = arith.constant 0 : i32
        %dma_wait3A_218 = tpu.memref_slice %arg11[%add3A_42, %dma_wait3A_217] : memref<10016x128xf32, #tpu.memory_space<vmem_shared>> -> memref<16x128xf32, #tpu.memory_space<vmem_shared>>
        %dma_wait3A_219 = arith.constant 0 : i32
        %dma_wait3A_220 = tpu.memref_slice %arg11[%add3A_42, %dma_wait3A_219] : memref<10016x128xf32, #tpu.memory_space<vmem_shared>> -> memref<16x128xf32, #tpu.memory_space<vmem_shared>>
        %dma_wait3A_221 = arith.constant 0 : i32
        %dma_wait3A_222 = arith.constant 0 : i32
        %dma_wait3A_223 = tpu.memref_slice %arg10[%dma_wait3A_221, %dma_wait3A_222] : memref<64x128xf32, #tpu.memory_space<vmem>> -> memref<16x128xf32, #tpu.memory_space<vmem>>
        tpu.wait_dma2 semaphore(%run_scoped3A : memref<!tpu.dma_semaphore, #tpu.memory_space<semaphore_mem>>) src(%dma_wait3A_223 : memref<16x128xf32, #tpu.memory_space<vmem>>) dst(%dma_wait3A_220 : memref<16x128xf32, #tpu.memory_space<vmem_shared>>)
        tpu.yield
      }) : () -> ()
    } else {
    }
    %add3A_60 = arith.constant 192 : i32
    %add3A_61 = arith.addi %mul3A_8, %add3A_60 : i32
    %add3A_62 = arith.constant 64 : i32
    %add3A_63 = arith.addi %add3A_61, %add3A_62 : i32
    %le3A_64 = arith.constant 10000 : i32
    %le3A_65 = arith.cmpi sle, %add3A_63, %le3A_64 : i32
    %convert_element_type3A_66 = arith.extui %le3A_65 : i1 to i32
    %cond3A_67 = arith.constant 0 : i32
    %cond3A_68 = arith.cmpi ne, %convert_element_type3A_66, %cond3A_67 : i32
    scf.if %cond3A_68 {
      "tpu.region"() ({
        %run_scoped3A = tpu.sem_alloc : memref<!tpu.dma_semaphore, #tpu.memory_space<semaphore_mem>>
        %dma_start3A = arith.constant 0 : i32
        %dma_start3A_206 = tpu.memref_slice %arg11[%add3A_61, %dma_start3A] : memref<10016x128xf32, #tpu.memory_space<vmem_shared>> -> memref<64x128xf32, #tpu.memory_space<vmem_shared>>
        %dma_start3A_207 = arith.constant 0 : i32
        %dma_start3A_208 = tpu.memref_slice %arg11[%add3A_61, %dma_start3A_207] : memref<10016x128xf32, #tpu.memory_space<vmem_shared>> -> memref<64x128xf32, #tpu.memory_space<vmem_shared>>
        tpu.enqueue_dma source(%arg10 : memref<64x128xf32, #tpu.memory_space<vmem>>) target(%dma_start3A_208 : memref<64x128xf32, #tpu.memory_space<vmem_shared>>) target_semaphore(%run_scoped3A : memref<!tpu.dma_semaphore, #tpu.memory_space<semaphore_mem>>)
        %dma_wait3A = arith.constant 0 : i32
        %dma_wait3A_209 = tpu.memref_slice %arg11[%add3A_61, %dma_wait3A] : memref<10016x128xf32, #tpu.memory_space<vmem_shared>> -> memref<64x128xf32, #tpu.memory_space<vmem_shared>>
        %dma_wait3A_210 = arith.constant 0 : i32
        %dma_wait3A_211 = tpu.memref_slice %arg11[%add3A_61, %dma_wait3A_210] : memref<10016x128xf32, #tpu.memory_space<vmem_shared>> -> memref<64x128xf32, #tpu.memory_space<vmem_shared>>
        tpu.wait_dma2 semaphore(%run_scoped3A : memref<!tpu.dma_semaphore, #tpu.memory_space<semaphore_mem>>) src(%arg10 : memref<64x128xf32, #tpu.memory_space<vmem>>) dst(%dma_wait3A_211 : memref<64x128xf32, #tpu.memory_space<vmem_shared>>)
        tpu.yield
      }) : () -> ()
    } else {
    }
    %lt3A_69 = arith.constant 10000 : i32
    %lt3A_70 = arith.cmpi slt, %add3A_61, %lt3A_69 : i32
    %add3A_71 = arith.constant 64 : i32
    %add3A_72 = arith.addi %add3A_61, %add3A_71 : i32
    %gt3A_73 = arith.constant 10000 : i32
    %gt3A_74 = arith.cmpi sgt, %add3A_72, %gt3A_73 : i32
    %and3A_75 = arith.andi %lt3A_70, %gt3A_74 : i1
    %convert_element_type3A_76 = arith.extui %and3A_75 : i1 to i32
    %cond3A_77 = arith.constant 0 : i32
    %cond3A_78 = arith.cmpi ne, %convert_element_type3A_76, %cond3A_77 : i32
    scf.if %cond3A_78 {
      "tpu.region"() ({
        %run_scoped3A = tpu.sem_alloc : memref<!tpu.dma_semaphore, #tpu.memory_space<semaphore_mem>>
        %dma_start3A = arith.constant 0 : i32
        %dma_start3A_206 = arith.constant 0 : i32
        %dma_start3A_207 = tpu.memref_slice %arg10[%dma_start3A, %dma_start3A_206] : memref<64x128xf32, #tpu.memory_space<vmem>> -> memref<16x128xf32, #tpu.memory_space<vmem>>
        %dma_start3A_208 = arith.constant 0 : i32
        %dma_start3A_209 = tpu.memref_slice %arg11[%add3A_61, %dma_start3A_208] : memref<10016x128xf32, #tpu.memory_space<vmem_shared>> -> memref<16x128xf32, #tpu.memory_space<vmem_shared>>
        %dma_start3A_210 = arith.constant 0 : i32
        %dma_start3A_211 = tpu.memref_slice %arg11[%add3A_61, %dma_start3A_210] : memref<10016x128xf32, #tpu.memory_space<vmem_shared>> -> memref<16x128xf32, #tpu.memory_space<vmem_shared>>
        %dma_start3A_212 = arith.constant 0 : i32
        %dma_start3A_213 = arith.constant 0 : i32
        %dma_start3A_214 = tpu.memref_slice %arg10[%dma_start3A_212, %dma_start3A_213] : memref<64x128xf32, #tpu.memory_space<vmem>> -> memref<16x128xf32, #tpu.memory_space<vmem>>
        tpu.enqueue_dma source(%dma_start3A_214 : memref<16x128xf32, #tpu.memory_space<vmem>>) target(%dma_start3A_211 : memref<16x128xf32, #tpu.memory_space<vmem_shared>>) target_semaphore(%run_scoped3A : memref<!tpu.dma_semaphore, #tpu.memory_space<semaphore_mem>>)
        %dma_wait3A = arith.constant 0 : i32
        %dma_wait3A_215 = arith.constant 0 : i32
        %dma_wait3A_216 = tpu.memref_slice %arg10[%dma_wait3A, %dma_wait3A_215] : memref<64x128xf32, #tpu.memory_space<vmem>> -> memref<16x128xf32, #tpu.memory_space<vmem>>
        %dma_wait3A_217 = arith.constant 0 : i32
        %dma_wait3A_218 = tpu.memref_slice %arg11[%add3A_61, %dma_wait3A_217] : memref<10016x128xf32, #tpu.memory_space<vmem_shared>> -> memref<16x128xf32, #tpu.memory_space<vmem_shared>>
        %dma_wait3A_219 = arith.constant 0 : i32
        %dma_wait3A_220 = tpu.memref_slice %arg11[%add3A_61, %dma_wait3A_219] : memref<10016x128xf32, #tpu.memory_space<vmem_shared>> -> memref<16x128xf32, #tpu.memory_space<vmem_shared>>
        %dma_wait3A_221 = arith.constant 0 : i32
        %dma_wait3A_222 = arith.constant 0 : i32
        %dma_wait3A_223 = tpu.memref_slice %arg10[%dma_wait3A_221, %dma_wait3A_222] : memref<64x128xf32, #tpu.memory_space<vmem>> -> memref<16x128xf32, #tpu.memory_space<vmem>>
        tpu.wait_dma2 semaphore(%run_scoped3A : memref<!tpu.dma_semaphore, #tpu.memory_space<semaphore_mem>>) src(%dma_wait3A_223 : memref<16x128xf32, #tpu.memory_space<vmem>>) dst(%dma_wait3A_220 : memref<16x128xf32, #tpu.memory_space<vmem_shared>>)
        tpu.yield
      }) : () -> ()
    } else {
    }
    %add3A_79 = arith.constant 256 : i32
    %add3A_80 = arith.addi %mul3A_8, %add3A_79 : i32
    %add3A_81 = arith.constant 64 : i32
    %add3A_82 = arith.addi %add3A_80, %add3A_81 : i32
    %le3A_83 = arith.constant 10000 : i32
    %le3A_84 = arith.cmpi sle, %add3A_82, %le3A_83 : i32
    %convert_element_type3A_85 = arith.extui %le3A_84 : i1 to i32
    %cond3A_86 = arith.constant 0 : i32
    %cond3A_87 = arith.cmpi ne, %convert_element_type3A_85, %cond3A_86 : i32
    scf.if %cond3A_87 {
      "tpu.region"() ({
        %run_scoped3A = tpu.sem_alloc : memref<!tpu.dma_semaphore, #tpu.memory_space<semaphore_mem>>
        %dma_start3A = arith.constant 0 : i32
        %dma_start3A_206 = tpu.memref_slice %arg11[%add3A_80, %dma_start3A] : memref<10016x128xf32, #tpu.memory_space<vmem_shared>> -> memref<64x128xf32, #tpu.memory_space<vmem_shared>>
        %dma_start3A_207 = arith.constant 0 : i32
        %dma_start3A_208 = tpu.memref_slice %arg11[%add3A_80, %dma_start3A_207] : memref<10016x128xf32, #tpu.memory_space<vmem_shared>> -> memref<64x128xf32, #tpu.memory_space<vmem_shared>>
        tpu.enqueue_dma source(%arg10 : memref<64x128xf32, #tpu.memory_space<vmem>>) target(%dma_start3A_208 : memref<64x128xf32, #tpu.memory_space<vmem_shared>>) target_semaphore(%run_scoped3A : memref<!tpu.dma_semaphore, #tpu.memory_space<semaphore_mem>>)
        %dma_wait3A = arith.constant 0 : i32
        %dma_wait3A_209 = tpu.memref_slice %arg11[%add3A_80, %dma_wait3A] : memref<10016x128xf32, #tpu.memory_space<vmem_shared>> -> memref<64x128xf32, #tpu.memory_space<vmem_shared>>
        %dma_wait3A_210 = arith.constant 0 : i32
        %dma_wait3A_211 = tpu.memref_slice %arg11[%add3A_80, %dma_wait3A_210] : memref<10016x128xf32, #tpu.memory_space<vmem_shared>> -> memref<64x128xf32, #tpu.memory_space<vmem_shared>>
        tpu.wait_dma2 semaphore(%run_scoped3A : memref<!tpu.dma_semaphore, #tpu.memory_space<semaphore_mem>>) src(%arg10 : memref<64x128xf32, #tpu.memory_space<vmem>>) dst(%dma_wait3A_211 : memref<64x128xf32, #tpu.memory_space<vmem_shared>>)
        tpu.yield
      }) : () -> ()
    } else {
    }
    %lt3A_88 = arith.constant 10000 : i32
    %lt3A_89 = arith.cmpi slt, %add3A_80, %lt3A_88 : i32
    %add3A_90 = arith.constant 64 : i32
    %add3A_91 = arith.addi %add3A_80, %add3A_90 : i32
    %gt3A_92 = arith.constant 10000 : i32
    %gt3A_93 = arith.cmpi sgt, %add3A_91, %gt3A_92 : i32
    %and3A_94 = arith.andi %lt3A_89, %gt3A_93 : i1
    %convert_element_type3A_95 = arith.extui %and3A_94 : i1 to i32
    %cond3A_96 = arith.constant 0 : i32
    %cond3A_97 = arith.cmpi ne, %convert_element_type3A_95, %cond3A_96 : i32
    scf.if %cond3A_97 {
      "tpu.region"() ({
        %run_scoped3A = tpu.sem_alloc : memref<!tpu.dma_semaphore, #tpu.memory_space<semaphore_mem>>
        %dma_start3A = arith.constant 0 : i32
        %dma_start3A_206 = arith.constant 0 : i32
        %dma_start3A_207 = tpu.memref_slice %arg10[%dma_start3A, %dma_start3A_206] : memref<64x128xf32, #tpu.memory_space<vmem>> -> memref<16x128xf32, #tpu.memory_space<vmem>>
        %dma_start3A_208 = arith.constant 0 : i32
        %dma_start3A_209 = tpu.memref_slice %arg11[%add3A_80, %dma_start3A_208] : memref<10016x128xf32, #tpu.memory_space<vmem_shared>> -> memref<16x128xf32, #tpu.memory_space<vmem_shared>>
        %dma_start3A_210 = arith.constant 0 : i32
        %dma_start3A_211 = tpu.memref_slice %arg11[%add3A_80, %dma_start3A_210] : memref<10016x128xf32, #tpu.memory_space<vmem_shared>> -> memref<16x128xf32, #tpu.memory_space<vmem_shared>>
        %dma_start3A_212 = arith.constant 0 : i32
        %dma_start3A_213 = arith.constant 0 : i32
        %dma_start3A_214 = tpu.memref_slice %arg10[%dma_start3A_212, %dma_start3A_213] : memref<64x128xf32, #tpu.memory_space<vmem>> -> memref<16x128xf32, #tpu.memory_space<vmem>>
        tpu.enqueue_dma source(%dma_start3A_214 : memref<16x128xf32, #tpu.memory_space<vmem>>) target(%dma_start3A_211 : memref<16x128xf32, #tpu.memory_space<vmem_shared>>) target_semaphore(%run_scoped3A : memref<!tpu.dma_semaphore, #tpu.memory_space<semaphore_mem>>)
        %dma_wait3A = arith.constant 0 : i32
        %dma_wait3A_215 = arith.constant 0 : i32
        %dma_wait3A_216 = tpu.memref_slice %arg10[%dma_wait3A, %dma_wait3A_215] : memref<64x128xf32, #tpu.memory_space<vmem>> -> memref<16x128xf32, #tpu.memory_space<vmem>>
        %dma_wait3A_217 = arith.constant 0 : i32
        %dma_wait3A_218 = tpu.memref_slice %arg11[%add3A_80, %dma_wait3A_217] : memref<10016x128xf32, #tpu.memory_space<vmem_shared>> -> memref<16x128xf32, #tpu.memory_space<vmem_shared>>
        %dma_wait3A_219 = arith.constant 0 : i32
        %dma_wait3A_220 = tpu.memref_slice %arg11[%add3A_80, %dma_wait3A_219] : memref<10016x128xf32, #tpu.memory_space<vmem_shared>> -> memref<16x128xf32, #tpu.memory_space<vmem_shared>>
        %dma_wait3A_221 = arith.constant 0 : i32
        %dma_wait3A_222 = arith.constant 0 : i32
        %dma_wait3A_223 = tpu.memref_slice %arg10[%dma_wait3A_221, %dma_wait3A_222] : memref<64x128xf32, #tpu.memory_space<vmem>> -> memref<16x128xf32, #tpu.memory_space<vmem>>
        tpu.wait_dma2 semaphore(%run_scoped3A : memref<!tpu.dma_semaphore, #tpu.memory_space<semaphore_mem>>) src(%dma_wait3A_223 : memref<16x128xf32, #tpu.memory_space<vmem>>) dst(%dma_wait3A_220 : memref<16x128xf32, #tpu.memory_space<vmem_shared>>)
        tpu.yield
      }) : () -> ()
    } else {
    }
    %add3A_98 = arith.constant 320 : i32
    %add3A_99 = arith.addi %mul3A_8, %add3A_98 : i32
    %add3A_100 = arith.constant 64 : i32
    %add3A_101 = arith.addi %add3A_99, %add3A_100 : i32
    %le3A_102 = arith.constant 10000 : i32
    %le3A_103 = arith.cmpi sle, %add3A_101, %le3A_102 : i32
    %convert_element_type3A_104 = arith.extui %le3A_103 : i1 to i32
    %cond3A_105 = arith.constant 0 : i32
    %cond3A_106 = arith.cmpi ne, %convert_element_type3A_104, %cond3A_105 : i32
    scf.if %cond3A_106 {
      "tpu.region"() ({
        %run_scoped3A = tpu.sem_alloc : memref<!tpu.dma_semaphore, #tpu.memory_space<semaphore_mem>>
        %dma_start3A = arith.constant 0 : i32
        %dma_start3A_206 = tpu.memref_slice %arg11[%add3A_99, %dma_start3A] : memref<10016x128xf32, #tpu.memory_space<vmem_shared>> -> memref<64x128xf32, #tpu.memory_space<vmem_shared>>
        %dma_start3A_207 = arith.constant 0 : i32
        %dma_start3A_208 = tpu.memref_slice %arg11[%add3A_99, %dma_start3A_207] : memref<10016x128xf32, #tpu.memory_space<vmem_shared>> -> memref<64x128xf32, #tpu.memory_space<vmem_shared>>
        tpu.enqueue_dma source(%arg10 : memref<64x128xf32, #tpu.memory_space<vmem>>) target(%dma_start3A_208 : memref<64x128xf32, #tpu.memory_space<vmem_shared>>) target_semaphore(%run_scoped3A : memref<!tpu.dma_semaphore, #tpu.memory_space<semaphore_mem>>)
        %dma_wait3A = arith.constant 0 : i32
        %dma_wait3A_209 = tpu.memref_slice %arg11[%add3A_99, %dma_wait3A] : memref<10016x128xf32, #tpu.memory_space<vmem_shared>> -> memref<64x128xf32, #tpu.memory_space<vmem_shared>>
        %dma_wait3A_210 = arith.constant 0 : i32
        %dma_wait3A_211 = tpu.memref_slice %arg11[%add3A_99, %dma_wait3A_210] : memref<10016x128xf32, #tpu.memory_space<vmem_shared>> -> memref<64x128xf32, #tpu.memory_space<vmem_shared>>
        tpu.wait_dma2 semaphore(%run_scoped3A : memref<!tpu.dma_semaphore, #tpu.memory_space<semaphore_mem>>) src(%arg10 : memref<64x128xf32, #tpu.memory_space<vmem>>) dst(%dma_wait3A_211 : memref<64x128xf32, #tpu.memory_space<vmem_shared>>)
        tpu.yield
      }) : () -> ()
    } else {
    }
    %lt3A_107 = arith.constant 10000 : i32
    %lt3A_108 = arith.cmpi slt, %add3A_99, %lt3A_107 : i32
    %add3A_109 = arith.constant 64 : i32
    %add3A_110 = arith.addi %add3A_99, %add3A_109 : i32
    %gt3A_111 = arith.constant 10000 : i32
    %gt3A_112 = arith.cmpi sgt, %add3A_110, %gt3A_111 : i32
    %and3A_113 = arith.andi %lt3A_108, %gt3A_112 : i1
    %convert_element_type3A_114 = arith.extui %and3A_113 : i1 to i32
    %cond3A_115 = arith.constant 0 : i32
    %cond3A_116 = arith.cmpi ne, %convert_element_type3A_114, %cond3A_115 : i32
    scf.if %cond3A_116 {
      "tpu.region"() ({
        %run_scoped3A = tpu.sem_alloc : memref<!tpu.dma_semaphore, #tpu.memory_space<semaphore_mem>>
        %dma_start3A = arith.constant 0 : i32
        %dma_start3A_206 = arith.constant 0 : i32
        %dma_start3A_207 = tpu.memref_slice %arg10[%dma_start3A, %dma_start3A_206] : memref<64x128xf32, #tpu.memory_space<vmem>> -> memref<16x128xf32, #tpu.memory_space<vmem>>
        %dma_start3A_208 = arith.constant 0 : i32
        %dma_start3A_209 = tpu.memref_slice %arg11[%add3A_99, %dma_start3A_208] : memref<10016x128xf32, #tpu.memory_space<vmem_shared>> -> memref<16x128xf32, #tpu.memory_space<vmem_shared>>
        %dma_start3A_210 = arith.constant 0 : i32
        %dma_start3A_211 = tpu.memref_slice %arg11[%add3A_99, %dma_start3A_210] : memref<10016x128xf32, #tpu.memory_space<vmem_shared>> -> memref<16x128xf32, #tpu.memory_space<vmem_shared>>
        %dma_start3A_212 = arith.constant 0 : i32
        %dma_start3A_213 = arith.constant 0 : i32
        %dma_start3A_214 = tpu.memref_slice %arg10[%dma_start3A_212, %dma_start3A_213] : memref<64x128xf32, #tpu.memory_space<vmem>> -> memref<16x128xf32, #tpu.memory_space<vmem>>
        tpu.enqueue_dma source(%dma_start3A_214 : memref<16x128xf32, #tpu.memory_space<vmem>>) target(%dma_start3A_211 : memref<16x128xf32, #tpu.memory_space<vmem_shared>>) target_semaphore(%run_scoped3A : memref<!tpu.dma_semaphore, #tpu.memory_space<semaphore_mem>>)
        %dma_wait3A = arith.constant 0 : i32
        %dma_wait3A_215 = arith.constant 0 : i32
        %dma_wait3A_216 = tpu.memref_slice %arg10[%dma_wait3A, %dma_wait3A_215] : memref<64x128xf32, #tpu.memory_space<vmem>> -> memref<16x128xf32, #tpu.memory_space<vmem>>
        %dma_wait3A_217 = arith.constant 0 : i32
        %dma_wait3A_218 = tpu.memref_slice %arg11[%add3A_99, %dma_wait3A_217] : memref<10016x128xf32, #tpu.memory_space<vmem_shared>> -> memref<16x128xf32, #tpu.memory_space<vmem_shared>>
        %dma_wait3A_219 = arith.constant 0 : i32
        %dma_wait3A_220 = tpu.memref_slice %arg11[%add3A_99, %dma_wait3A_219] : memref<10016x128xf32, #tpu.memory_space<vmem_shared>> -> memref<16x128xf32, #tpu.memory_space<vmem_shared>>
        %dma_wait3A_221 = arith.constant 0 : i32
        %dma_wait3A_222 = arith.constant 0 : i32
        %dma_wait3A_223 = tpu.memref_slice %arg10[%dma_wait3A_221, %dma_wait3A_222] : memref<64x128xf32, #tpu.memory_space<vmem>> -> memref<16x128xf32, #tpu.memory_space<vmem>>
        tpu.wait_dma2 semaphore(%run_scoped3A : memref<!tpu.dma_semaphore, #tpu.memory_space<semaphore_mem>>) src(%dma_wait3A_223 : memref<16x128xf32, #tpu.memory_space<vmem>>) dst(%dma_wait3A_220 : memref<16x128xf32, #tpu.memory_space<vmem_shared>>)
        tpu.yield
      }) : () -> ()
    } else {
    }
    %add3A_117 = arith.constant 384 : i32
    %add3A_118 = arith.addi %mul3A_8, %add3A_117 : i32
    %add3A_119 = arith.constant 64 : i32
    %add3A_120 = arith.addi %add3A_118, %add3A_119 : i32
    %le3A_121 = arith.constant 10000 : i32
    %le3A_122 = arith.cmpi sle, %add3A_120, %le3A_121 : i32
    %convert_element_type3A_123 = arith.extui %le3A_122 : i1 to i32
    %cond3A_124 = arith.constant 0 : i32
    %cond3A_125 = arith.cmpi ne, %convert_element_type3A_123, %cond3A_124 : i32
    scf.if %cond3A_125 {
      "tpu.region"() ({
        %run_scoped3A = tpu.sem_alloc : memref<!tpu.dma_semaphore, #tpu.memory_space<semaphore_mem>>
        %dma_start3A = arith.constant 0 : i32
        %dma_start3A_206 = tpu.memref_slice %arg11[%add3A_118, %dma_start3A] : memref<10016x128xf32, #tpu.memory_space<vmem_shared>> -> memref<64x128xf32, #tpu.memory_space<vmem_shared>>
        %dma_start3A_207 = arith.constant 0 : i32
        %dma_start3A_208 = tpu.memref_slice %arg11[%add3A_118, %dma_start3A_207] : memref<10016x128xf32, #tpu.memory_space<vmem_shared>> -> memref<64x128xf32, #tpu.memory_space<vmem_shared>>
        tpu.enqueue_dma source(%arg10 : memref<64x128xf32, #tpu.memory_space<vmem>>) target(%dma_start3A_208 : memref<64x128xf32, #tpu.memory_space<vmem_shared>>) target_semaphore(%run_scoped3A : memref<!tpu.dma_semaphore, #tpu.memory_space<semaphore_mem>>)
        %dma_wait3A = arith.constant 0 : i32
        %dma_wait3A_209 = tpu.memref_slice %arg11[%add3A_118, %dma_wait3A] : memref<10016x128xf32, #tpu.memory_space<vmem_shared>> -> memref<64x128xf32, #tpu.memory_space<vmem_shared>>
        %dma_wait3A_210 = arith.constant 0 : i32
        %dma_wait3A_211 = tpu.memref_slice %arg11[%add3A_118, %dma_wait3A_210] : memref<10016x128xf32, #tpu.memory_space<vmem_shared>> -> memref<64x128xf32, #tpu.memory_space<vmem_shared>>
        tpu.wait_dma2 semaphore(%run_scoped3A : memref<!tpu.dma_semaphore, #tpu.memory_space<semaphore_mem>>) src(%arg10 : memref<64x128xf32, #tpu.memory_space<vmem>>) dst(%dma_wait3A_211 : memref<64x128xf32, #tpu.memory_space<vmem_shared>>)
        tpu.yield
      }) : () -> ()
    } else {
    }
    %lt3A_126 = arith.constant 10000 : i32
    %lt3A_127 = arith.cmpi slt, %add3A_118, %lt3A_126 : i32
    %add3A_128 = arith.constant 64 : i32
    %add3A_129 = arith.addi %add3A_118, %add3A_128 : i32
    %gt3A_130 = arith.constant 10000 : i32
    %gt3A_131 = arith.cmpi sgt, %add3A_129, %gt3A_130 : i32
    %and3A_132 = arith.andi %lt3A_127, %gt3A_131 : i1
    %convert_element_type3A_133 = arith.extui %and3A_132 : i1 to i32
    %cond3A_134 = arith.constant 0 : i32
    %cond3A_135 = arith.cmpi ne, %convert_element_type3A_133, %cond3A_134 : i32
    scf.if %cond3A_135 {
      "tpu.region"() ({
        %run_scoped3A = tpu.sem_alloc : memref<!tpu.dma_semaphore, #tpu.memory_space<semaphore_mem>>
        %dma_start3A = arith.constant 0 : i32
        %dma_start3A_206 = arith.constant 0 : i32
        %dma_start3A_207 = tpu.memref_slice %arg10[%dma_start3A, %dma_start3A_206] : memref<64x128xf32, #tpu.memory_space<vmem>> -> memref<16x128xf32, #tpu.memory_space<vmem>>
        %dma_start3A_208 = arith.constant 0 : i32
        %dma_start3A_209 = tpu.memref_slice %arg11[%add3A_118, %dma_start3A_208] : memref<10016x128xf32, #tpu.memory_space<vmem_shared>> -> memref<16x128xf32, #tpu.memory_space<vmem_shared>>
        %dma_start3A_210 = arith.constant 0 : i32
        %dma_start3A_211 = tpu.memref_slice %arg11[%add3A_118, %dma_start3A_210] : memref<10016x128xf32, #tpu.memory_space<vmem_shared>> -> memref<16x128xf32, #tpu.memory_space<vmem_shared>>
        %dma_start3A_212 = arith.constant 0 : i32
        %dma_start3A_213 = arith.constant 0 : i32
        %dma_start3A_214 = tpu.memref_slice %arg10[%dma_start3A_212, %dma_start3A_213] : memref<64x128xf32, #tpu.memory_space<vmem>> -> memref<16x128xf32, #tpu.memory_space<vmem>>
        tpu.enqueue_dma source(%dma_start3A_214 : memref<16x128xf32, #tpu.memory_space<vmem>>) target(%dma_start3A_211 : memref<16x128xf32, #tpu.memory_space<vmem_shared>>) target_semaphore(%run_scoped3A : memref<!tpu.dma_semaphore, #tpu.memory_space<semaphore_mem>>)
        %dma_wait3A = arith.constant 0 : i32
        %dma_wait3A_215 = arith.constant 0 : i32
        %dma_wait3A_216 = tpu.memref_slice %arg10[%dma_wait3A, %dma_wait3A_215] : memref<64x128xf32, #tpu.memory_space<vmem>> -> memref<16x128xf32, #tpu.memory_space<vmem>>
        %dma_wait3A_217 = arith.constant 0 : i32
        %dma_wait3A_218 = tpu.memref_slice %arg11[%add3A_118, %dma_wait3A_217] : memref<10016x128xf32, #tpu.memory_space<vmem_shared>> -> memref<16x128xf32, #tpu.memory_space<vmem_shared>>
        %dma_wait3A_219 = arith.constant 0 : i32
        %dma_wait3A_220 = tpu.memref_slice %arg11[%add3A_118, %dma_wait3A_219] : memref<10016x128xf32, #tpu.memory_space<vmem_shared>> -> memref<16x128xf32, #tpu.memory_space<vmem_shared>>
        %dma_wait3A_221 = arith.constant 0 : i32
        %dma_wait3A_222 = arith.constant 0 : i32
        %dma_wait3A_223 = tpu.memref_slice %arg10[%dma_wait3A_221, %dma_wait3A_222] : memref<64x128xf32, #tpu.memory_space<vmem>> -> memref<16x128xf32, #tpu.memory_space<vmem>>
        tpu.wait_dma2 semaphore(%run_scoped3A : memref<!tpu.dma_semaphore, #tpu.memory_space<semaphore_mem>>) src(%dma_wait3A_223 : memref<16x128xf32, #tpu.memory_space<vmem>>) dst(%dma_wait3A_220 : memref<16x128xf32, #tpu.memory_space<vmem_shared>>)
        tpu.yield
      }) : () -> ()
    } else {
    }
    %add3A_136 = arith.constant 448 : i32
    %add3A_137 = arith.addi %mul3A_8, %add3A_136 : i32
    %add3A_138 = arith.constant 64 : i32
    %add3A_139 = arith.addi %add3A_137, %add3A_138 : i32
    %le3A_140 = arith.constant 10000 : i32
    %le3A_141 = arith.cmpi sle, %add3A_139, %le3A_140 : i32
    %convert_element_type3A_142 = arith.extui %le3A_141 : i1 to i32
    %cond3A_143 = arith.constant 0 : i32
    %cond3A_144 = arith.cmpi ne, %convert_element_type3A_142, %cond3A_143 : i32
    scf.if %cond3A_144 {
      "tpu.region"() ({
        %run_scoped3A = tpu.sem_alloc : memref<!tpu.dma_semaphore, #tpu.memory_space<semaphore_mem>>
        %dma_start3A = arith.constant 0 : i32
        %dma_start3A_206 = tpu.memref_slice %arg11[%add3A_137, %dma_start3A] : memref<10016x128xf32, #tpu.memory_space<vmem_shared>> -> memref<64x128xf32, #tpu.memory_space<vmem_shared>>
        %dma_start3A_207 = arith.constant 0 : i32
        %dma_start3A_208 = tpu.memref_slice %arg11[%add3A_137, %dma_start3A_207] : memref<10016x128xf32, #tpu.memory_space<vmem_shared>> -> memref<64x128xf32, #tpu.memory_space<vmem_shared>>
        tpu.enqueue_dma source(%arg10 : memref<64x128xf32, #tpu.memory_space<vmem>>) target(%dma_start3A_208 : memref<64x128xf32, #tpu.memory_space<vmem_shared>>) target_semaphore(%run_scoped3A : memref<!tpu.dma_semaphore, #tpu.memory_space<semaphore_mem>>)
        %dma_wait3A = arith.constant 0 : i32
        %dma_wait3A_209 = tpu.memref_slice %arg11[%add3A_137, %dma_wait3A] : memref<10016x128xf32, #tpu.memory_space<vmem_shared>> -> memref<64x128xf32, #tpu.memory_space<vmem_shared>>
        %dma_wait3A_210 = arith.constant 0 : i32
        %dma_wait3A_211 = tpu.memref_slice %arg11[%add3A_137, %dma_wait3A_210] : memref<10016x128xf32, #tpu.memory_space<vmem_shared>> -> memref<64x128xf32, #tpu.memory_space<vmem_shared>>
        tpu.wait_dma2 semaphore(%run_scoped3A : memref<!tpu.dma_semaphore, #tpu.memory_space<semaphore_mem>>) src(%arg10 : memref<64x128xf32, #tpu.memory_space<vmem>>) dst(%dma_wait3A_211 : memref<64x128xf32, #tpu.memory_space<vmem_shared>>)
        tpu.yield
      }) : () -> ()
    } else {
    }
    %lt3A_145 = arith.constant 10000 : i32
    %lt3A_146 = arith.cmpi slt, %add3A_137, %lt3A_145 : i32
    %add3A_147 = arith.constant 64 : i32
    %add3A_148 = arith.addi %add3A_137, %add3A_147 : i32
    %gt3A_149 = arith.constant 10000 : i32
    %gt3A_150 = arith.cmpi sgt, %add3A_148, %gt3A_149 : i32
    %and3A_151 = arith.andi %lt3A_146, %gt3A_150 : i1
    %convert_element_type3A_152 = arith.extui %and3A_151 : i1 to i32
    %cond3A_153 = arith.constant 0 : i32
    %cond3A_154 = arith.cmpi ne, %convert_element_type3A_152, %cond3A_153 : i32
    scf.if %cond3A_154 {
      "tpu.region"() ({
        %run_scoped3A = tpu.sem_alloc : memref<!tpu.dma_semaphore, #tpu.memory_space<semaphore_mem>>
        %dma_start3A = arith.constant 0 : i32
        %dma_start3A_206 = arith.constant 0 : i32
        %dma_start3A_207 = tpu.memref_slice %arg10[%dma_start3A, %dma_start3A_206] : memref<64x128xf32, #tpu.memory_space<vmem>> -> memref<16x128xf32, #tpu.memory_space<vmem>>
        %dma_start3A_208 = arith.constant 0 : i32
        %dma_start3A_209 = tpu.memref_slice %arg11[%add3A_137, %dma_start3A_208] : memref<10016x128xf32, #tpu.memory_space<vmem_shared>> -> memref<16x128xf32, #tpu.memory_space<vmem_shared>>
        %dma_start3A_210 = arith.constant 0 : i32
        %dma_start3A_211 = tpu.memref_slice %arg11[%add3A_137, %dma_start3A_210] : memref<10016x128xf32, #tpu.memory_space<vmem_shared>> -> memref<16x128xf32, #tpu.memory_space<vmem_shared>>
        %dma_start3A_212 = arith.constant 0 : i32
        %dma_start3A_213 = arith.constant 0 : i32
        %dma_start3A_214 = tpu.memref_slice %arg10[%dma_start3A_212, %dma_start3A_213] : memref<64x128xf32, #tpu.memory_space<vmem>> -> memref<16x128xf32, #tpu.memory_space<vmem>>
        tpu.enqueue_dma source(%dma_start3A_214 : memref<16x128xf32, #tpu.memory_space<vmem>>) target(%dma_start3A_211 : memref<16x128xf32, #tpu.memory_space<vmem_shared>>) target_semaphore(%run_scoped3A : memref<!tpu.dma_semaphore, #tpu.memory_space<semaphore_mem>>)
        %dma_wait3A = arith.constant 0 : i32
        %dma_wait3A_215 = arith.constant 0 : i32
        %dma_wait3A_216 = tpu.memref_slice %arg10[%dma_wait3A, %dma_wait3A_215] : memref<64x128xf32, #tpu.memory_space<vmem>> -> memref<16x128xf32, #tpu.memory_space<vmem>>
        %dma_wait3A_217 = arith.constant 0 : i32
        %dma_wait3A_218 = tpu.memref_slice %arg11[%add3A_137, %dma_wait3A_217] : memref<10016x128xf32, #tpu.memory_space<vmem_shared>> -> memref<16x128xf32, #tpu.memory_space<vmem_shared>>
        %dma_wait3A_219 = arith.constant 0 : i32
        %dma_wait3A_220 = tpu.memref_slice %arg11[%add3A_137, %dma_wait3A_219] : memref<10016x128xf32, #tpu.memory_space<vmem_shared>> -> memref<16x128xf32, #tpu.memory_space<vmem_shared>>
        %dma_wait3A_221 = arith.constant 0 : i32
        %dma_wait3A_222 = arith.constant 0 : i32
        %dma_wait3A_223 = tpu.memref_slice %arg10[%dma_wait3A_221, %dma_wait3A_222] : memref<64x128xf32, #tpu.memory_space<vmem>> -> memref<16x128xf32, #tpu.memory_space<vmem>>
        tpu.wait_dma2 semaphore(%run_scoped3A : memref<!tpu.dma_semaphore, #tpu.memory_space<semaphore_mem>>) src(%dma_wait3A_223 : memref<16x128xf32, #tpu.memory_space<vmem>>) dst(%dma_wait3A_220 : memref<16x128xf32, #tpu.memory_space<vmem_shared>>)
        tpu.yield
      }) : () -> ()
    } else {
    }
    %add3A_155 = arith.constant 512 : i32
    %add3A_156 = arith.addi %mul3A_8, %add3A_155 : i32
    %add3A_157 = arith.constant 64 : i32
    %add3A_158 = arith.addi %add3A_156, %add3A_157 : i32
    %le3A_159 = arith.constant 10000 : i32
    %le3A_160 = arith.cmpi sle, %add3A_158, %le3A_159 : i32
    %convert_element_type3A_161 = arith.extui %le3A_160 : i1 to i32
    %cond3A_162 = arith.constant 0 : i32
    %cond3A_163 = arith.cmpi ne, %convert_element_type3A_161, %cond3A_162 : i32
    scf.if %cond3A_163 {
      "tpu.region"() ({
        %run_scoped3A = tpu.sem_alloc : memref<!tpu.dma_semaphore, #tpu.memory_space<semaphore_mem>>
        %dma_start3A = arith.constant 0 : i32
        %dma_start3A_206 = tpu.memref_slice %arg11[%add3A_156, %dma_start3A] : memref<10016x128xf32, #tpu.memory_space<vmem_shared>> -> memref<64x128xf32, #tpu.memory_space<vmem_shared>>
        %dma_start3A_207 = arith.constant 0 : i32
        %dma_start3A_208 = tpu.memref_slice %arg11[%add3A_156, %dma_start3A_207] : memref<10016x128xf32, #tpu.memory_space<vmem_shared>> -> memref<64x128xf32, #tpu.memory_space<vmem_shared>>
        tpu.enqueue_dma source(%arg10 : memref<64x128xf32, #tpu.memory_space<vmem>>) target(%dma_start3A_208 : memref<64x128xf32, #tpu.memory_space<vmem_shared>>) target_semaphore(%run_scoped3A : memref<!tpu.dma_semaphore, #tpu.memory_space<semaphore_mem>>)
        %dma_wait3A = arith.constant 0 : i32
        %dma_wait3A_209 = tpu.memref_slice %arg11[%add3A_156, %dma_wait3A] : memref<10016x128xf32, #tpu.memory_space<vmem_shared>> -> memref<64x128xf32, #tpu.memory_space<vmem_shared>>
        %dma_wait3A_210 = arith.constant 0 : i32
        %dma_wait3A_211 = tpu.memref_slice %arg11[%add3A_156, %dma_wait3A_210] : memref<10016x128xf32, #tpu.memory_space<vmem_shared>> -> memref<64x128xf32, #tpu.memory_space<vmem_shared>>
        tpu.wait_dma2 semaphore(%run_scoped3A : memref<!tpu.dma_semaphore, #tpu.memory_space<semaphore_mem>>) src(%arg10 : memref<64x128xf32, #tpu.memory_space<vmem>>) dst(%dma_wait3A_211 : memref<64x128xf32, #tpu.memory_space<vmem_shared>>)
        tpu.yield
      }) : () -> ()
    } else {
    }
    %lt3A_164 = arith.constant 10000 : i32
    %lt3A_165 = arith.cmpi slt, %add3A_156, %lt3A_164 : i32
    %add3A_166 = arith.constant 64 : i32
    %add3A_167 = arith.addi %add3A_156, %add3A_166 : i32
    %gt3A_168 = arith.constant 10000 : i32
    %gt3A_169 = arith.cmpi sgt, %add3A_167, %gt3A_168 : i32
    %and3A_170 = arith.andi %lt3A_165, %gt3A_169 : i1
    %convert_element_type3A_171 = arith.extui %and3A_170 : i1 to i32
    %cond3A_172 = arith.constant 0 : i32
    %cond3A_173 = arith.cmpi ne, %convert_element_type3A_171, %cond3A_172 : i32
    scf.if %cond3A_173 {
      "tpu.region"() ({
        %run_scoped3A = tpu.sem_alloc : memref<!tpu.dma_semaphore, #tpu.memory_space<semaphore_mem>>
        %dma_start3A = arith.constant 0 : i32
        %dma_start3A_206 = arith.constant 0 : i32
        %dma_start3A_207 = tpu.memref_slice %arg10[%dma_start3A, %dma_start3A_206] : memref<64x128xf32, #tpu.memory_space<vmem>> -> memref<16x128xf32, #tpu.memory_space<vmem>>
        %dma_start3A_208 = arith.constant 0 : i32
        %dma_start3A_209 = tpu.memref_slice %arg11[%add3A_156, %dma_start3A_208] : memref<10016x128xf32, #tpu.memory_space<vmem_shared>> -> memref<16x128xf32, #tpu.memory_space<vmem_shared>>
        %dma_start3A_210 = arith.constant 0 : i32
        %dma_start3A_211 = tpu.memref_slice %arg11[%add3A_156, %dma_start3A_210] : memref<10016x128xf32, #tpu.memory_space<vmem_shared>> -> memref<16x128xf32, #tpu.memory_space<vmem_shared>>
        %dma_start3A_212 = arith.constant 0 : i32
        %dma_start3A_213 = arith.constant 0 : i32
        %dma_start3A_214 = tpu.memref_slice %arg10[%dma_start3A_212, %dma_start3A_213] : memref<64x128xf32, #tpu.memory_space<vmem>> -> memref<16x128xf32, #tpu.memory_space<vmem>>
        tpu.enqueue_dma source(%dma_start3A_214 : memref<16x128xf32, #tpu.memory_space<vmem>>) target(%dma_start3A_211 : memref<16x128xf32, #tpu.memory_space<vmem_shared>>) target_semaphore(%run_scoped3A : memref<!tpu.dma_semaphore, #tpu.memory_space<semaphore_mem>>)
        %dma_wait3A = arith.constant 0 : i32
        %dma_wait3A_215 = arith.constant 0 : i32
        %dma_wait3A_216 = tpu.memref_slice %arg10[%dma_wait3A, %dma_wait3A_215] : memref<64x128xf32, #tpu.memory_space<vmem>> -> memref<16x128xf32, #tpu.memory_space<vmem>>
        %dma_wait3A_217 = arith.constant 0 : i32
        %dma_wait3A_218 = tpu.memref_slice %arg11[%add3A_156, %dma_wait3A_217] : memref<10016x128xf32, #tpu.memory_space<vmem_shared>> -> memref<16x128xf32, #tpu.memory_space<vmem_shared>>
        %dma_wait3A_219 = arith.constant 0 : i32
        %dma_wait3A_220 = tpu.memref_slice %arg11[%add3A_156, %dma_wait3A_219] : memref<10016x128xf32, #tpu.memory_space<vmem_shared>> -> memref<16x128xf32, #tpu.memory_space<vmem_shared>>
        %dma_wait3A_221 = arith.constant 0 : i32
        %dma_wait3A_222 = arith.constant 0 : i32
        %dma_wait3A_223 = tpu.memref_slice %arg10[%dma_wait3A_221, %dma_wait3A_222] : memref<64x128xf32, #tpu.memory_space<vmem>> -> memref<16x128xf32, #tpu.memory_space<vmem>>
        tpu.wait_dma2 semaphore(%run_scoped3A : memref<!tpu.dma_semaphore, #tpu.memory_space<semaphore_mem>>) src(%dma_wait3A_223 : memref<16x128xf32, #tpu.memory_space<vmem>>) dst(%dma_wait3A_220 : memref<16x128xf32, #tpu.memory_space<vmem_shared>>)
        tpu.yield
      }) : () -> ()
    } else {
    }
    %add3A_174 = arith.constant 576 : i32
    %add3A_175 = arith.addi %mul3A_8, %add3A_174 : i32
    %add3A_176 = arith.constant 64 : i32
    %add3A_177 = arith.addi %add3A_175, %add3A_176 : i32
    %le3A_178 = arith.constant 10000 : i32
    %le3A_179 = arith.cmpi sle, %add3A_177, %le3A_178 : i32
    %convert_element_type3A_180 = arith.extui %le3A_179 : i1 to i32
    %cond3A_181 = arith.constant 0 : i32
    %cond3A_182 = arith.cmpi ne, %convert_element_type3A_180, %cond3A_181 : i32
    scf.if %cond3A_182 {
      "tpu.region"() ({
        %run_scoped3A = tpu.sem_alloc : memref<!tpu.dma_semaphore, #tpu.memory_space<semaphore_mem>>
        %dma_start3A = arith.constant 0 : i32
        %dma_start3A_206 = tpu.memref_slice %arg11[%add3A_175, %dma_start3A] : memref<10016x128xf32, #tpu.memory_space<vmem_shared>> -> memref<64x128xf32, #tpu.memory_space<vmem_shared>>
        %dma_start3A_207 = arith.constant 0 : i32
        %dma_start3A_208 = tpu.memref_slice %arg11[%add3A_175, %dma_start3A_207] : memref<10016x128xf32, #tpu.memory_space<vmem_shared>> -> memref<64x128xf32, #tpu.memory_space<vmem_shared>>
        tpu.enqueue_dma source(%arg10 : memref<64x128xf32, #tpu.memory_space<vmem>>) target(%dma_start3A_208 : memref<64x128xf32, #tpu.memory_space<vmem_shared>>) target_semaphore(%run_scoped3A : memref<!tpu.dma_semaphore, #tpu.memory_space<semaphore_mem>>)
        %dma_wait3A = arith.constant 0 : i32
        %dma_wait3A_209 = tpu.memref_slice %arg11[%add3A_175, %dma_wait3A] : memref<10016x128xf32, #tpu.memory_space<vmem_shared>> -> memref<64x128xf32, #tpu.memory_space<vmem_shared>>
        %dma_wait3A_210 = arith.constant 0 : i32
        %dma_wait3A_211 = tpu.memref_slice %arg11[%add3A_175, %dma_wait3A_210] : memref<10016x128xf32, #tpu.memory_space<vmem_shared>> -> memref<64x128xf32, #tpu.memory_space<vmem_shared>>
        tpu.wait_dma2 semaphore(%run_scoped3A : memref<!tpu.dma_semaphore, #tpu.memory_space<semaphore_mem>>) src(%arg10 : memref<64x128xf32, #tpu.memory_space<vmem>>) dst(%dma_wait3A_211 : memref<64x128xf32, #tpu.memory_space<vmem_shared>>)
        tpu.yield
      }) : () -> ()
    } else {
    }
    %lt3A_183 = arith.constant 10000 : i32
    %lt3A_184 = arith.cmpi slt, %add3A_175, %lt3A_183 : i32
    %add3A_185 = arith.constant 64 : i32
    %add3A_186 = arith.addi %add3A_175, %add3A_185 : i32
    %gt3A_187 = arith.constant 10000 : i32
    %gt3A_188 = arith.cmpi sgt, %add3A_186, %gt3A_187 : i32
    %and3A_189 = arith.andi %lt3A_184, %gt3A_188 : i1
    %convert_element_type3A_190 = arith.extui %and3A_189 : i1 to i32
    %cond3A_191 = arith.constant 0 : i32
    %cond3A_192 = arith.cmpi ne, %convert_element_type3A_190, %cond3A_191 : i32
    scf.if %cond3A_192 {
      "tpu.region"() ({
        %run_scoped3A = tpu.sem_alloc : memref<!tpu.dma_semaphore, #tpu.memory_space<semaphore_mem>>
        %dma_start3A = arith.constant 0 : i32
        %dma_start3A_206 = arith.constant 0 : i32
        %dma_start3A_207 = tpu.memref_slice %arg10[%dma_start3A, %dma_start3A_206] : memref<64x128xf32, #tpu.memory_space<vmem>> -> memref<16x128xf32, #tpu.memory_space<vmem>>
        %dma_start3A_208 = arith.constant 0 : i32
        %dma_start3A_209 = tpu.memref_slice %arg11[%add3A_175, %dma_start3A_208] : memref<10016x128xf32, #tpu.memory_space<vmem_shared>> -> memref<16x128xf32, #tpu.memory_space<vmem_shared>>
        %dma_start3A_210 = arith.constant 0 : i32
        %dma_start3A_211 = tpu.memref_slice %arg11[%add3A_175, %dma_start3A_210] : memref<10016x128xf32, #tpu.memory_space<vmem_shared>> -> memref<16x128xf32, #tpu.memory_space<vmem_shared>>
        %dma_start3A_212 = arith.constant 0 : i32
        %dma_start3A_213 = arith.constant 0 : i32
        %dma_start3A_214 = tpu.memref_slice %arg10[%dma_start3A_212, %dma_start3A_213] : memref<64x128xf32, #tpu.memory_space<vmem>> -> memref<16x128xf32, #tpu.memory_space<vmem>>
        tpu.enqueue_dma source(%dma_start3A_214 : memref<16x128xf32, #tpu.memory_space<vmem>>) target(%dma_start3A_211 : memref<16x128xf32, #tpu.memory_space<vmem_shared>>) target_semaphore(%run_scoped3A : memref<!tpu.dma_semaphore, #tpu.memory_space<semaphore_mem>>)
        %dma_wait3A = arith.constant 0 : i32
        %dma_wait3A_215 = arith.constant 0 : i32
        %dma_wait3A_216 = tpu.memref_slice %arg10[%dma_wait3A, %dma_wait3A_215] : memref<64x128xf32, #tpu.memory_space<vmem>> -> memref<16x128xf32, #tpu.memory_space<vmem>>
        %dma_wait3A_217 = arith.constant 0 : i32
        %dma_wait3A_218 = tpu.memref_slice %arg11[%add3A_175, %dma_wait3A_217] : memref<10016x128xf32, #tpu.memory_space<vmem_shared>> -> memref<16x128xf32, #tpu.memory_space<vmem_shared>>
        %dma_wait3A_219 = arith.constant 0 : i32
        %dma_wait3A_220 = tpu.memref_slice %arg11[%add3A_175, %dma_wait3A_219] : memref<10016x128xf32, #tpu.memory_space<vmem_shared>> -> memref<16x128xf32, #tpu.memory_space<vmem_shared>>
        %dma_wait3A_221 = arith.constant 0 : i32
        %dma_wait3A_222 = arith.constant 0 : i32
        %dma_wait3A_223 = tpu.memref_slice %arg10[%dma_wait3A_221, %dma_wait3A_222] : memref<64x128xf32, #tpu.memory_space<vmem>> -> memref<16x128xf32, #tpu.memory_space<vmem>>
        tpu.wait_dma2 semaphore(%run_scoped3A : memref<!tpu.dma_semaphore, #tpu.memory_space<semaphore_mem>>) src(%dma_wait3A_223 : memref<16x128xf32, #tpu.memory_space<vmem>>) dst(%dma_wait3A_220 : memref<16x128xf32, #tpu.memory_space<vmem_shared>>)
        tpu.yield
      }) : () -> ()
    } else {
    }
    %barrier3A = arith.constant 0 : index
    tpu.barrier barrier_id(%barrier3A)
    %scan3A_193 = arith.constant 0 : i32
    %scan3A_194 = arith.constant 0 : i32
    %scan3A_195 = arith.constant 5 : i32
    %scan3A_196 = arith.addi %scan3A_194, %scan3A_195 : i32
    %scan3A_197 = arith.constant 1 : i32
    scf.for %scan3A_206 = %scan3A_194 to %scan3A_196 step %scan3A_197  : i32 {
      "tpu.region"() ({
        %run_scoped3A_225 = tpu.sem_alloc : memref<!tpu.dma_semaphore, #tpu.memory_space<semaphore_mem>>
        %dma_start3A_226 = arith.constant 0 : i32
        %dma_start3A_227 = arith.constant 0 : i32
        %dma_start3A_228 = tpu.memref_slice %arg3[%add3A, %scan3A_206, %dma_start3A_226, %dma_start3A_227] : memref<32x5x25x80xi32, #tpu.memory_space<hbm>> -> memref<1x1x25x80xi32, #tpu.memory_space<hbm>>
        %dma_start3A_229 = tpu.memref_squeeze %dma_start3A_228 : memref<1x1x25x80xi32, #tpu.memory_space<hbm>> -> memref<25x80xi32, #tpu.memory_space<hbm>>
        %dma_start3A_230 = arith.constant 0 : i32
        %dma_start3A_231 = arith.constant 0 : i32
        %dma_start3A_232 = tpu.memref_slice %arg3[%add3A, %scan3A_206, %dma_start3A_230, %dma_start3A_231] : memref<32x5x25x80xi32, #tpu.memory_space<hbm>> -> memref<1x1x25x80xi32, #tpu.memory_space<hbm>>
        %dma_start3A_233 = tpu.memref_squeeze %dma_start3A_232 : memref<1x1x25x80xi32, #tpu.memory_space<hbm>> -> memref<25x80xi32, #tpu.memory_space<hbm>>
        tpu.enqueue_dma source(%dma_start3A_233 : memref<25x80xi32, #tpu.memory_space<hbm>>) target(%arg6 : memref<25x80xi32, #tpu.memory_space<vmem>>) target_semaphore(%run_scoped3A_225 : memref<!tpu.dma_semaphore, #tpu.memory_space<semaphore_mem>>)
        %dma_wait3A_234 = arith.constant 0 : i32
        %dma_wait3A_235 = arith.constant 0 : i32
        %dma_wait3A_236 = tpu.memref_slice %arg3[%add3A, %scan3A_206, %dma_wait3A_234, %dma_wait3A_235] : memref<32x5x25x80xi32, #tpu.memory_space<hbm>> -> memref<1x1x25x80xi32, #tpu.memory_space<hbm>>
        %dma_wait3A_237 = tpu.memref_squeeze %dma_wait3A_236 : memref<1x1x25x80xi32, #tpu.memory_space<hbm>> -> memref<25x80xi32, #tpu.memory_space<hbm>>
        %dma_wait3A_238 = arith.constant 0 : i32
        %dma_wait3A_239 = arith.constant 0 : i32
        %dma_wait3A_240 = tpu.memref_slice %arg3[%add3A, %scan3A_206, %dma_wait3A_238, %dma_wait3A_239] : memref<32x5x25x80xi32, #tpu.memory_space<hbm>> -> memref<1x1x25x80xi32, #tpu.memory_space<hbm>>
        %dma_wait3A_241 = tpu.memref_squeeze %dma_wait3A_240 : memref<1x1x25x80xi32, #tpu.memory_space<hbm>> -> memref<25x80xi32, #tpu.memory_space<hbm>>
        tpu.wait_dma2 semaphore(%run_scoped3A_225 : memref<!tpu.dma_semaphore, #tpu.memory_space<semaphore_mem>>) src(%dma_wait3A_241 : memref<25x80xi32, #tpu.memory_space<hbm>>) dst(%arg6 : memref<25x80xi32, #tpu.memory_space<vmem>>)
        tpu.yield
      }) : () -> ()
      "tpu.region"() ({
        %run_scoped3A_225 = tpu.sem_alloc : memref<!tpu.dma_semaphore, #tpu.memory_space<semaphore_mem>>
        %dma_start3A_226 = arith.constant 0 : i32
        %dma_start3A_227 = arith.constant 0 : i32
        %dma_start3A_228 = tpu.memref_slice %arg4[%add3A, %scan3A_206, %dma_start3A_226, %dma_start3A_227] : memref<32x5x25x80xi32, #tpu.memory_space<hbm>> -> memref<1x1x25x80xi32, #tpu.memory_space<hbm>>
        %dma_start3A_229 = tpu.memref_squeeze %dma_start3A_228 : memref<1x1x25x80xi32, #tpu.memory_space<hbm>> -> memref<25x80xi32, #tpu.memory_space<hbm>>
        %dma_start3A_230 = arith.constant 0 : i32
        %dma_start3A_231 = arith.constant 0 : i32
        %dma_start3A_232 = tpu.memref_slice %arg4[%add3A, %scan3A_206, %dma_start3A_230, %dma_start3A_231] : memref<32x5x25x80xi32, #tpu.memory_space<hbm>> -> memref<1x1x25x80xi32, #tpu.memory_space<hbm>>
        %dma_start3A_233 = tpu.memref_squeeze %dma_start3A_232 : memref<1x1x25x80xi32, #tpu.memory_space<hbm>> -> memref<25x80xi32, #tpu.memory_space<hbm>>
        tpu.enqueue_dma source(%dma_start3A_233 : memref<25x80xi32, #tpu.memory_space<hbm>>) target(%arg7 : memref<25x80xi32, #tpu.memory_space<vmem>>) target_semaphore(%run_scoped3A_225 : memref<!tpu.dma_semaphore, #tpu.memory_space<semaphore_mem>>)
        %dma_wait3A_234 = arith.constant 0 : i32
        %dma_wait3A_235 = arith.constant 0 : i32
        %dma_wait3A_236 = tpu.memref_slice %arg4[%add3A, %scan3A_206, %dma_wait3A_234, %dma_wait3A_235] : memref<32x5x25x80xi32, #tpu.memory_space<hbm>> -> memref<1x1x25x80xi32, #tpu.memory_space<hbm>>
        %dma_wait3A_237 = tpu.memref_squeeze %dma_wait3A_236 : memref<1x1x25x80xi32, #tpu.memory_space<hbm>> -> memref<25x80xi32, #tpu.memory_space<hbm>>
        %dma_wait3A_238 = arith.constant 0 : i32
        %dma_wait3A_239 = arith.constant 0 : i32
        %dma_wait3A_240 = tpu.memref_slice %arg4[%add3A, %scan3A_206, %dma_wait3A_238, %dma_wait3A_239] : memref<32x5x25x80xi32, #tpu.memory_space<hbm>> -> memref<1x1x25x80xi32, #tpu.memory_space<hbm>>
        %dma_wait3A_241 = tpu.memref_squeeze %dma_wait3A_240 : memref<1x1x25x80xi32, #tpu.memory_space<hbm>> -> memref<25x80xi32, #tpu.memory_space<hbm>>
        tpu.wait_dma2 semaphore(%run_scoped3A_225 : memref<!tpu.dma_semaphore, #tpu.memory_space<semaphore_mem>>) src(%dma_wait3A_241 : memref<25x80xi32, #tpu.memory_space<hbm>>) dst(%arg7 : memref<25x80xi32, #tpu.memory_space<vmem>>)
        tpu.yield
      }) : () -> ()
      %dma_start3A = arith.constant 0 : i32
      %dma_start3A_207 = arith.constant 0 : i32
      %dma_start3A_208 = tpu.memref_slice %arg6[%dma_start3A, %dma_start3A_207] : memref<25x80xi32, #tpu.memory_space<vmem>> -> memref<1x80xi32, #tpu.memory_space<vmem>>
      %dma_start3A_209 = tpu.memref_squeeze %dma_start3A_208 : memref<1x80xi32, #tpu.memory_space<vmem>> -> memref<80xi32, #tpu.memory_space<vmem>>
      %dma_start3A_210 = arith.constant 0 : i32
      %dma_start3A_211 = arith.constant 0 : i32
      %dma_start3A_212 = tpu.memref_slice %arg2[%dma_start3A_210, %dma_start3A_211] : memref<10000x128xf32, #tpu.memory_space<hbm>> -> memref<10000x128xf32, #tpu.memory_space<hbm>>
      tpu.enqueue_indirect_dma source(%dma_start3A_212 : memref<10000x128xf32, #tpu.memory_space<hbm>>) target(%arg8 : memref<80x128xf32, #tpu.memory_space<vmem>>) offsets(%dma_start3A_209 : memref<80xi32, #tpu.memory_space<vmem>>) semaphore(%arg12 : memref<!tpu.dma_semaphore, #tpu.memory_space<semaphore_mem>>)
      %scan3A_213 = arith.constant 0 : i32
      %scan3A_214 = arith.constant 0 : i32
      %scan3A_215 = arith.constant 12 : i32
      %scan3A_216 = arith.addi %scan3A_214, %scan3A_215 : i32
      %scan3A_217 = arith.constant 1 : i32
      scf.for %scan3A_225 = %scan3A_214 to %scan3A_216 step %scan3A_217  : i32 {
        %mul3A_226 = arith.constant 2 : i32
        %mul3A_227 = arith.muli %mul3A_226, %scan3A_225 : i32
        %add3A_228 = arith.constant 1 : i32
        %add3A_229 = arith.addi %mul3A_227, %add3A_228 : i32
        %dma_start3A_230 = arith.constant 0 : i32
        %dma_start3A_231 = tpu.memref_slice %arg6[%add3A_229, %dma_start3A_230] : memref<25x80xi32, #tpu.memory_space<vmem>> -> memref<1x80xi32, #tpu.memory_space<vmem>>
        %dma_start3A_232 = tpu.memref_squeeze %dma_start3A_231 : memref<1x80xi32, #tpu.memory_space<vmem>> -> memref<80xi32, #tpu.memory_space<vmem>>
        %dma_start3A_233 = arith.constant 0 : i32
        %dma_start3A_234 = arith.constant 0 : i32
        %dma_start3A_235 = tpu.memref_slice %arg2[%dma_start3A_233, %dma_start3A_234] : memref<10000x128xf32, #tpu.memory_space<hbm>> -> memref<10000x128xf32, #tpu.memory_space<hbm>>
        tpu.enqueue_indirect_dma source(%dma_start3A_235 : memref<10000x128xf32, #tpu.memory_space<hbm>>) target(%arg9 : memref<80x128xf32, #tpu.memory_space<vmem>>) offsets(%dma_start3A_232 : memref<80xi32, #tpu.memory_space<vmem>>) semaphore(%arg13 : memref<!tpu.dma_semaphore, #tpu.memory_space<semaphore_mem>>)
        %dma_wait3A_236 = arith.constant 0 : i32
        %dma_wait3A_237 = tpu.memref_slice %arg6[%mul3A_227, %dma_wait3A_236] : memref<25x80xi32, #tpu.memory_space<vmem>> -> memref<1x80xi32, #tpu.memory_space<vmem>>
        %dma_wait3A_238 = tpu.memref_squeeze %dma_wait3A_237 : memref<1x80xi32, #tpu.memory_space<vmem>> -> memref<80xi32, #tpu.memory_space<vmem>>
        %dma_wait3A_239 = arith.constant 0 : i32
        %dma_wait3A_240 = arith.constant 0 : i32
        %dma_wait3A_241 = tpu.memref_slice %arg2[%dma_wait3A_239, %dma_wait3A_240] : memref<10000x128xf32, #tpu.memory_space<hbm>> -> memref<10000x128xf32, #tpu.memory_space<hbm>>
        tpu.wait_indirect_dma semaphore(%arg12 : memref<!tpu.dma_semaphore, #tpu.memory_space<semaphore_mem>>) src(%dma_wait3A_241 : memref<10000x128xf32, #tpu.memory_space<hbm>>) dst(%arg8 : memref<80x128xf32, #tpu.memory_space<vmem>>)
        "tpu.region"() ({
          %run_scoped3A_260 = tpu.sem_alloc : memref<!tpu.dma_semaphore, #tpu.memory_space<semaphore_mem>>
          %dma_start3A_261 = arith.constant 0 : i32
          %dma_start3A_262 = tpu.memref_slice %arg7[%mul3A_227, %dma_start3A_261] : memref<25x80xi32, #tpu.memory_space<vmem>> -> memref<1x80xi32, #tpu.memory_space<vmem>>
          %dma_start3A_263 = tpu.memref_squeeze %dma_start3A_262 : memref<1x80xi32, #tpu.memory_space<vmem>> -> memref<80xi32, #tpu.memory_space<vmem>>
          %dma_start3A_264 = arith.constant 0 : i32
          %dma_start3A_265 = arith.constant 0 : i32
          %dma_start3A_266 = tpu.memref_slice %arg11[%dma_start3A_264, %dma_start3A_265] : memref<10016x128xf32, #tpu.memory_space<vmem_shared>> -> memref<10016x128xf32, #tpu.memory_space<vmem_shared>>
          tpu.enqueue_indirect_dma source(%arg8 : memref<80x128xf32, #tpu.memory_space<vmem>>) target(%dma_start3A_266 : memref<10016x128xf32, #tpu.memory_space<vmem_shared>>) offsets(%dma_start3A_263 : memref<80xi32, #tpu.memory_space<vmem>>) semaphore(%run_scoped3A_260 : memref<!tpu.dma_semaphore, #tpu.memory_space<semaphore_mem>>) {add = true}
          %dma_wait3A_267 = arith.constant 0 : i32
          %dma_wait3A_268 = tpu.memref_slice %arg7[%mul3A_227, %dma_wait3A_267] : memref<25x80xi32, #tpu.memory_space<vmem>> -> memref<1x80xi32, #tpu.memory_space<vmem>>
          %dma_wait3A_269 = tpu.memref_squeeze %dma_wait3A_268 : memref<1x80xi32, #tpu.memory_space<vmem>> -> memref<80xi32, #tpu.memory_space<vmem>>
          %dma_wait3A_270 = arith.constant 0 : i32
          %dma_wait3A_271 = arith.constant 0 : i32
          %dma_wait3A_272 = tpu.memref_slice %arg11[%dma_wait3A_270, %dma_wait3A_271] : memref<10016x128xf32, #tpu.memory_space<vmem_shared>> -> memref<10016x128xf32, #tpu.memory_space<vmem_shared>>
          tpu.wait_indirect_dma semaphore(%run_scoped3A_260 : memref<!tpu.dma_semaphore, #tpu.memory_space<semaphore_mem>>) src(%arg8 : memref<80x128xf32, #tpu.memory_space<vmem>>) dst(%dma_wait3A_272 : memref<10016x128xf32, #tpu.memory_space<vmem_shared>>)
          tpu.yield
        }) : () -> ()
        %add3A_242 = arith.constant 2 : i32
        %add3A_243 = arith.addi %mul3A_227, %add3A_242 : i32
        %dma_start3A_244 = arith.constant 0 : i32
        %dma_start3A_245 = tpu.memref_slice %arg6[%add3A_243, %dma_start3A_244] : memref<25x80xi32, #tpu.memory_space<vmem>> -> memref<1x80xi32, #tpu.memory_space<vmem>>
        %dma_start3A_246 = tpu.memref_squeeze %dma_start3A_245 : memref<1x80xi32, #tpu.memory_space<vmem>> -> memref<80xi32, #tpu.memory_space<vmem>>
        %dma_start3A_247 = arith.constant 0 : i32
        %dma_start3A_248 = arith.constant 0 : i32
        %dma_start3A_249 = tpu.memref_slice %arg2[%dma_start3A_247, %dma_start3A_248] : memref<10000x128xf32, #tpu.memory_space<hbm>> -> memref<10000x128xf32, #tpu.memory_space<hbm>>
        tpu.enqueue_indirect_dma source(%dma_start3A_249 : memref<10000x128xf32, #tpu.memory_space<hbm>>) target(%arg8 : memref<80x128xf32, #tpu.memory_space<vmem>>) offsets(%dma_start3A_246 : memref<80xi32, #tpu.memory_space<vmem>>) semaphore(%arg12 : memref<!tpu.dma_semaphore, #tpu.memory_space<semaphore_mem>>)
        %add3A_250 = arith.constant 1 : i32
        %add3A_251 = arith.addi %mul3A_227, %add3A_250 : i32
        %dma_wait3A_252 = arith.constant 0 : i32
        %dma_wait3A_253 = tpu.memref_slice %arg6[%add3A_251, %dma_wait3A_252] : memref<25x80xi32, #tpu.memory_space<vmem>> -> memref<1x80xi32, #tpu.memory_space<vmem>>
        %dma_wait3A_254 = tpu.memref_squeeze %dma_wait3A_253 : memref<1x80xi32, #tpu.memory_space<vmem>> -> memref<80xi32, #tpu.memory_space<vmem>>
        %dma_wait3A_255 = arith.constant 0 : i32
        %dma_wait3A_256 = arith.constant 0 : i32
        %dma_wait3A_257 = tpu.memref_slice %arg2[%dma_wait3A_255, %dma_wait3A_256] : memref<10000x128xf32, #tpu.memory_space<hbm>> -> memref<10000x128xf32, #tpu.memory_space<hbm>>
        tpu.wait_indirect_dma semaphore(%arg13 : memref<!tpu.dma_semaphore, #tpu.memory_space<semaphore_mem>>) src(%dma_wait3A_257 : memref<10000x128xf32, #tpu.memory_space<hbm>>) dst(%arg9 : memref<80x128xf32, #tpu.memory_space<vmem>>)
        %add3A_258 = arith.constant 1 : i32
        %add3A_259 = arith.addi %mul3A_227, %add3A_258 : i32
        "tpu.region"() ({
          %run_scoped3A_260 = tpu.sem_alloc : memref<!tpu.dma_semaphore, #tpu.memory_space<semaphore_mem>>
          %dma_start3A_261 = arith.constant 0 : i32
          %dma_start3A_262 = tpu.memref_slice %arg7[%add3A_259, %dma_start3A_261] : memref<25x80xi32, #tpu.memory_space<vmem>> -> memref<1x80xi32, #tpu.memory_space<vmem>>
          %dma_start3A_263 = tpu.memref_squeeze %dma_start3A_262 : memref<1x80xi32, #tpu.memory_space<vmem>> -> memref<80xi32, #tpu.memory_space<vmem>>
          %dma_start3A_264 = arith.constant 0 : i32
          %dma_start3A_265 = arith.constant 0 : i32
          %dma_start3A_266 = tpu.memref_slice %arg11[%dma_start3A_264, %dma_start3A_265] : memref<10016x128xf32, #tpu.memory_space<vmem_shared>> -> memref<10016x128xf32, #tpu.memory_space<vmem_shared>>
          tpu.enqueue_indirect_dma source(%arg9 : memref<80x128xf32, #tpu.memory_space<vmem>>) target(%dma_start3A_266 : memref<10016x128xf32, #tpu.memory_space<vmem_shared>>) offsets(%dma_start3A_263 : memref<80xi32, #tpu.memory_space<vmem>>) semaphore(%run_scoped3A_260 : memref<!tpu.dma_semaphore, #tpu.memory_space<semaphore_mem>>) {add = true}
          %dma_wait3A_267 = arith.constant 0 : i32
          %dma_wait3A_268 = tpu.memref_slice %arg7[%add3A_259, %dma_wait3A_267] : memref<25x80xi32, #tpu.memory_space<vmem>> -> memref<1x80xi32, #tpu.memory_space<vmem>>
          %dma_wait3A_269 = tpu.memref_squeeze %dma_wait3A_268 : memref<1x80xi32, #tpu.memory_space<vmem>> -> memref<80xi32, #tpu.memory_space<vmem>>
          %dma_wait3A_270 = arith.constant 0 : i32
          %dma_wait3A_271 = arith.constant 0 : i32
          %dma_wait3A_272 = tpu.memref_slice %arg11[%dma_wait3A_270, %dma_wait3A_271] : memref<10016x128xf32, #tpu.memory_space<vmem_shared>> -> memref<10016x128xf32, #tpu.memory_space<vmem_shared>>
          tpu.wait_indirect_dma semaphore(%run_scoped3A_260 : memref<!tpu.dma_semaphore, #tpu.memory_space<semaphore_mem>>) src(%arg9 : memref<80x128xf32, #tpu.memory_space<vmem>>) dst(%dma_wait3A_272 : memref<10016x128xf32, #tpu.memory_space<vmem_shared>>)
          tpu.yield
        }) : () -> ()
      }
      %scan3A_218 = arith.constant 12 : i32
      %dma_wait3A = arith.constant 24 : i32
      %dma_wait3A_219 = arith.constant 0 : i32
      %dma_wait3A_220 = tpu.memref_slice %arg6[%dma_wait3A, %dma_wait3A_219] : memref<25x80xi32, #tpu.memory_space<vmem>> -> memref<1x80xi32, #tpu.memory_space<vmem>>
      %dma_wait3A_221 = tpu.memref_squeeze %dma_wait3A_220 : memref<1x80xi32, #tpu.memory_space<vmem>> -> memref<80xi32, #tpu.memory_space<vmem>>
      %dma_wait3A_222 = arith.constant 0 : i32
      %dma_wait3A_223 = arith.constant 0 : i32
      %dma_wait3A_224 = tpu.memref_slice %arg2[%dma_wait3A_222, %dma_wait3A_223] : memref<10000x128xf32, #tpu.memory_space<hbm>> -> memref<10000x128xf32, #tpu.memory_space<hbm>>
      tpu.wait_indirect_dma semaphore(%arg12 : memref<!tpu.dma_semaphore, #tpu.memory_space<semaphore_mem>>) src(%dma_wait3A_224 : memref<10000x128xf32, #tpu.memory_space<hbm>>) dst(%arg8 : memref<80x128xf32, #tpu.memory_space<vmem>>)
      %run_scoped3A = arith.constant 24 : i32
      "tpu.region"() ({
        %run_scoped3A_225 = tpu.sem_alloc : memref<!tpu.dma_semaphore, #tpu.memory_space<semaphore_mem>>
        %dma_start3A_226 = arith.constant 0 : i32
        %dma_start3A_227 = tpu.memref_slice %arg7[%run_scoped3A, %dma_start3A_226] : memref<25x80xi32, #tpu.memory_space<vmem>> -> memref<1x80xi32, #tpu.memory_space<vmem>>
        %dma_start3A_228 = tpu.memref_squeeze %dma_start3A_227 : memref<1x80xi32, #tpu.memory_space<vmem>> -> memref<80xi32, #tpu.memory_space<vmem>>
        %dma_start3A_229 = arith.constant 0 : i32
        %dma_start3A_230 = arith.constant 0 : i32
        %dma_start3A_231 = tpu.memref_slice %arg11[%dma_start3A_229, %dma_start3A_230] : memref<10016x128xf32, #tpu.memory_space<vmem_shared>> -> memref<10016x128xf32, #tpu.memory_space<vmem_shared>>
        tpu.enqueue_indirect_dma source(%arg8 : memref<80x128xf32, #tpu.memory_space<vmem>>) target(%dma_start3A_231 : memref<10016x128xf32, #tpu.memory_space<vmem_shared>>) offsets(%dma_start3A_228 : memref<80xi32, #tpu.memory_space<vmem>>) semaphore(%run_scoped3A_225 : memref<!tpu.dma_semaphore, #tpu.memory_space<semaphore_mem>>) {add = true}
        %dma_wait3A_232 = arith.constant 0 : i32
        %dma_wait3A_233 = tpu.memref_slice %arg7[%run_scoped3A, %dma_wait3A_232] : memref<25x80xi32, #tpu.memory_space<vmem>> -> memref<1x80xi32, #tpu.memory_space<vmem>>
        %dma_wait3A_234 = tpu.memref_squeeze %dma_wait3A_233 : memref<1x80xi32, #tpu.memory_space<vmem>> -> memref<80xi32, #tpu.memory_space<vmem>>
        %dma_wait3A_235 = arith.constant 0 : i32
        %dma_wait3A_236 = arith.constant 0 : i32
        %dma_wait3A_237 = tpu.memref_slice %arg11[%dma_wait3A_235, %dma_wait3A_236] : memref<10016x128xf32, #tpu.memory_space<vmem_shared>> -> memref<10016x128xf32, #tpu.memory_space<vmem_shared>>
        tpu.wait_indirect_dma semaphore(%run_scoped3A_225 : memref<!tpu.dma_semaphore, #tpu.memory_space<semaphore_mem>>) src(%arg8 : memref<80x128xf32, #tpu.memory_space<vmem>>) dst(%dma_wait3A_237 : memref<10016x128xf32, #tpu.memory_space<vmem_shared>>)
        tpu.yield
      }) : () -> ()
    }
    %scan3A_198 = arith.constant 5 : i32
    %barrier3A_199 = arith.constant 0 : index
    tpu.barrier barrier_id(%barrier3A_199)
    %scan3A_200 = arith.constant 0 : i32
    %scan3A_201 = arith.constant 0 : i32
    %scan3A_202 = arith.constant 8 : i32
    %scan3A_203 = arith.addi %scan3A_201, %scan3A_202 : i32
    %scan3A_204 = arith.constant 1 : i32
    scf.for %scan3A_206 = %scan3A_201 to %scan3A_203 step %scan3A_204  : i32 {
      %mul3A_207 = arith.constant 80 : i32
      %mul3A_208 = arith.muli %scan3A_206, %mul3A_207 : i32
      %add3A_209 = arith.addi %mul3A_8, %mul3A_208 : i32
      %lt3A_210 = arith.constant 10000 : i32
      %lt3A_211 = arith.cmpi slt, %add3A_209, %lt3A_210 : i32
      %convert_element_type3A_212 = arith.extui %lt3A_211 : i1 to i32
      %cond3A_213 = arith.constant 0 : i32
      %cond3A_214 = arith.cmpi ne, %convert_element_type3A_212, %cond3A_213 : i32
      scf.if %cond3A_214 {
        "tpu.region"() ({
          %run_scoped3A = tpu.sem_alloc : memref<!tpu.dma_semaphore, #tpu.memory_space<semaphore_mem>>
          %dma_start3A = arith.constant 0 : i32
          %dma_start3A_215 = tpu.memref_slice %arg5[%arg0, %add3A_209, %dma_start3A] : memref<2x10000x128xf32, #tpu.memory_space<hbm>> -> memref<1x80x128xf32, #tpu.memory_space<hbm>>
          %dma_start3A_216 = tpu.memref_squeeze %dma_start3A_215 : memref<1x80x128xf32, #tpu.memory_space<hbm>> -> memref<80x128xf32, #tpu.memory_space<hbm>>
          %dma_start3A_217 = arith.constant 0 : i32
          %dma_start3A_218 = tpu.memref_slice %arg11[%add3A_209, %dma_start3A_217] : memref<10016x128xf32, #tpu.memory_space<vmem_shared>> -> memref<80x128xf32, #tpu.memory_space<vmem_shared>>
          tpu.enqueue_dma source(%dma_start3A_218 : memref<80x128xf32, #tpu.memory_space<vmem_shared>>) target(%dma_start3A_216 : memref<80x128xf32, #tpu.memory_space<hbm>>) target_semaphore(%run_scoped3A : memref<!tpu.dma_semaphore, #tpu.memory_space<semaphore_mem>>)
          %dma_wait3A = arith.constant 0 : i32
          %dma_wait3A_219 = tpu.memref_slice %arg5[%arg0, %add3A_209, %dma_wait3A] : memref<2x10000x128xf32, #tpu.memory_space<hbm>> -> memref<1x80x128xf32, #tpu.memory_space<hbm>>
          %dma_wait3A_220 = tpu.memref_squeeze %dma_wait3A_219 : memref<1x80x128xf32, #tpu.memory_space<hbm>> -> memref<80x128xf32, #tpu.memory_space<hbm>>
          %dma_wait3A_221 = arith.constant 0 : i32
          %dma_wait3A_222 = tpu.memref_slice %arg11[%add3A_209, %dma_wait3A_221] : memref<10016x128xf32, #tpu.memory_space<vmem_shared>> -> memref<80x128xf32, #tpu.memory_space<vmem_shared>>
          tpu.wait_dma2 semaphore(%run_scoped3A : memref<!tpu.dma_semaphore, #tpu.memory_space<semaphore_mem>>) src(%dma_wait3A_222 : memref<80x128xf32, #tpu.memory_space<vmem_shared>>) dst(%dma_wait3A_220 : memref<80x128xf32, #tpu.memory_space<hbm>>)
          tpu.yield
        }) : () -> ()
      } else {
      }
    }
    %scan3A_205 = arith.constant 8 : i32
    return
  }
}

#map = affine_map<(d0, d1) -> (0, 0)>
#map1 = affine_map<(d0, d1) -> (0, 0, 0, 0)>
#map2 = affine_map<(d0, d1) -> (0, 0, 0)>
module attributes {stable_mosaic.version = 14 : i64} {
  func.func @body(%arg0: i32, %arg1: i32, %arg2: memref<10000x128xf32, #tpu.memory_space<hbm>>, %arg3: memref<32x5x25x80xi32, #tpu.memory_space<hbm>>, %arg4: memref<32x5x25x80xi32, #tpu.memory_space<hbm>>, %arg5: memref<2x10000x128xf32, #tpu.memory_space<hbm>>, %arg6: memref<25x80xi32, #tpu.memory_space<vmem>>, %arg7: memref<25x80xi32, #tpu.memory_space<vmem>>, %arg8: memref<80x128xf32, #tpu.memory_space<vmem>>, %arg9: memref<80x128xf32, #tpu.memory_space<vmem>>, %arg10: memref<64x128xf32, #tpu.memory_space<vmem>>, %arg11: memref<10016x128xf32, #tpu.memory_space<vmem_shared>>, %arg12: memref<!tpu.dma_semaphore, #tpu.memory_space<semaphore_mem>>, %arg13: memref<!tpu.dma_semaphore, #tpu.memory_space<semaphore_mem>>) attributes {dimension_semantics = [#tpu.dimension_semantics<core_parallel>, #tpu.dimension_semantics<subcore_parallel>], iteration_bounds = array<i64: 2, 16>, scalar_prefetch = 0 : i64, scratch_operands = 8 : i64, tpu.core_type = #tpu.core_type<sc_vector_subcore>, window_params = [{transform_indices = #map}, {transform_indices = #map1}, {transform_indices = #map1}, {transform_indices = #map2}]} {
    %mul3A = arith.constant 16 : i32
    %mul3A_0 = arith.muli %arg0, %mul3A : i32
    %add3A = arith.addi %mul3A_0, %arg1 : i32
    %broadcast_in_dim3A = arith.constant 0.000000e+00 : f32
    %broadcast_in_dim3A_1 = vector.broadcast %broadcast_in_dim3A : f32 to vector<16xf32>
    %scan3A = arith.constant 0 : i32
    %scan3A_2 = arith.constant 0 : i32
    %scan3A_3 = arith.constant 512 : i32
    %scan3A_4 = arith.addi %scan3A_2, %scan3A_3 : i32
    %scan3A_5 = arith.constant 1 : i32
    scf.for %scan3A_206 = %scan3A_2 to %scan3A_4 step %scan3A_5  : i32 {
      %jit3A = arith.constant 8 : i32
      %div3A = arith.divsi %scan3A_206, %jit3A : i32
      %sign3A = arith.constant 0 : i32
      %sign3A_207 = arith.cmpi sgt, %scan3A_206, %sign3A : i32
      %sign3A_208 = arith.extui %sign3A_207 : i1 to i32
      %sign3A_209 = arith.constant 0 : i32
      %sign3A_210 = arith.cmpi slt, %scan3A_206, %sign3A_209 : i32
      %sign3A_211 = arith.extui %sign3A_210 : i1 to i32
      %sign3A_212 = arith.subi %sign3A_208, %sign3A_211 : i32
      %sign3A_213 = arith.constant 0 : i32
      %sign3A_214 = arith.cmpi sgt, %jit3A, %sign3A_213 : i32
      %sign3A_215 = arith.extui %sign3A_214 : i1 to i32
      %sign3A_216 = arith.constant 0 : i32
      %sign3A_217 = arith.cmpi slt, %jit3A, %sign3A_216 : i32
      %sign3A_218 = arith.extui %sign3A_217 : i1 to i32
      %sign3A_219 = arith.subi %sign3A_215, %sign3A_218 : i32
      %ne3A = arith.cmpi ne, %sign3A_212, %sign3A_219 : i32
      %rem3A = arith.remsi %scan3A_206, %jit3A : i32
      %ne3A_220 = arith.constant 0 : i32
      %ne3A_221 = arith.cmpi ne, %rem3A, %ne3A_220 : i32
      %and3A_222 = arith.andi %ne3A, %ne3A_221 : i1
      %sub3A = arith.constant 1 : i32
      %sub3A_223 = arith.subi %div3A, %sub3A : i32
      %select_n3A = arith.select %and3A_222, %sub3A_223, %div3A : i32
      %mul3A_224 = arith.constant 8 : i32
      %mul3A_225 = arith.muli %select_n3A, %mul3A_224 : i32
      %sub3A_226 = arith.subi %scan3A_206, %mul3A_225 : i32
      %mul3A_227 = arith.constant 16 : i32
      %mul3A_228 = arith.muli %sub3A_226, %mul3A_227 : i32
      %swap3A = arith.index_cast %select_n3A : i32 to index
      %swap3A_229 = arith.index_cast %mul3A_228 : i32 to index
      %swap3A_230 = tpu.vector_load %arg10[%swap3A, %swap3A_229] {strides = array<i32>} : memref<64x128xf32, #tpu.memory_space<vmem>>, vector<1x16xf32>,
      %swap3A_231 = vector.shape_cast %swap3A_230 : vector<1x16xf32> to vector<16xf32>
      %swap3A_232 = vector.shape_cast %broadcast_in_dim3A_1 : vector<16xf32> to vector<1x16xf32>
      tpu.vector_store %arg10[%swap3A, %swap3A_229], %swap3A_232 {strides = array<i32>} : memref<64x128xf32, #tpu.memory_space<vmem>>, vector<1x16xf32>,
    }
    %scan3A_6 = arith.constant 512 : i32
    %mul3A_7 = arith.constant 640 : i32
    %mul3A_8 = arith.muli %arg1, %mul3A_7 : i32
    %add3A_9 = arith.constant 0 : i32
    %add3A_10 = arith.addi %mul3A_8, %add3A_9 : i32
    %add3A_11 = arith.constant 64 : i32
    %add3A_12 = arith.addi %add3A_10, %add3A_11 : i32
    %le3A = arith.constant 10000 : i32
    %le3A_13 = arith.cmpi sle, %add3A_12, %le3A : i32
    %convert_element_type3A = arith.extui %le3A_13 : i1 to i32
    %cond3A = arith.constant 0 : i32
    %cond3A_14 = arith.cmpi ne, %convert_element_type3A, %cond3A : i32
    scf.if %cond3A_14 {
      "tpu.region"() ({
        %run_scoped3A = tpu.sem_alloc : memref<!tpu.dma_semaphore, #tpu.memory_space<semaphore_mem>>
        %dma_start3A = arith.constant 0 : i32
        %dma_start3A_206 = tpu.memref_slice %arg11[%add3A_10, %dma_start3A] : memref<10016x128xf32, #tpu.memory_space<vmem_shared>> -> memref<64x128xf32, #tpu.memory_space<vmem_shared>>
        %dma_start3A_207 = arith.constant 0 : i32
        %dma_start3A_208 = tpu.memref_slice %arg11[%add3A_10, %dma_start3A_207] : memref<10016x128xf32, #tpu.memory_space<vmem_shared>> -> memref<64x128xf32, #tpu.memory_space<vmem_shared>>
        tpu.enqueue_dma source(%arg10 : memref<64x128xf32, #tpu.memory_space<vmem>>) target(%dma_start3A_208 : memref<64x128xf32, #tpu.memory_space<vmem_shared>>) target_semaphore(%run_scoped3A : memref<!tpu.dma_semaphore, #tpu.memory_space<semaphore_mem>>)
        %dma_wait3A = arith.constant 0 : i32
        %dma_wait3A_209 = tpu.memref_slice %arg11[%add3A_10, %dma_wait3A] : memref<10016x128xf32, #tpu.memory_space<vmem_shared>> -> memref<64x128xf32, #tpu.memory_space<vmem_shared>>
        %dma_wait3A_210 = arith.constant 0 : i32
        %dma_wait3A_211 = tpu.memref_slice %arg11[%add3A_10, %dma_wait3A_210] : memref<10016x128xf32, #tpu.memory_space<vmem_shared>> -> memref<64x128xf32, #tpu.memory_space<vmem_shared>>
        tpu.wait_dma2 semaphore(%run_scoped3A : memref<!tpu.dma_semaphore, #tpu.memory_space<semaphore_mem>>) src(%arg10 : memref<64x128xf32, #tpu.memory_space<vmem>>) dst(%dma_wait3A_211 : memref<64x128xf32, #tpu.memory_space<vmem_shared>>)
        tpu.yield
      }) : () -> ()
    } else {
    }
    %lt3A = arith.constant 10000 : i32
    %lt3A_15 = arith.cmpi slt, %add3A_10, %lt3A : i32
    %add3A_16 = arith.constant 64 : i32
    %add3A_17 = arith.addi %add3A_10, %add3A_16 : i32
    %gt3A = arith.constant 10000 : i32
    %gt3A_18 = arith.cmpi sgt, %add3A_17, %gt3A : i32
    %and3A = arith.andi %lt3A_15, %gt3A_18 : i1
    %convert_element_type3A_19 = arith.extui %and3A : i1 to i32
    %cond3A_20 = arith.constant 0 : i32
    %cond3A_21 = arith.cmpi ne, %convert_element_type3A_19, %cond3A_20 : i32
    scf.if %cond3A_21 {
      "tpu.region"() ({
        %run_scoped3A = tpu.sem_alloc : memref<!tpu.dma_semaphore, #tpu.memory_space<semaphore_mem>>
        %dma_start3A = arith.constant 0 : i32
        %dma_start3A_206 = arith.constant 0 : i32
        %dma_start3A_207 = tpu.memref_slice %arg10[%dma_start3A, %dma_start3A_206] : memref<64x128xf32, #tpu.memory_space<vmem>> -> memref<16x128xf32, #tpu.memory_space<vmem>>
        %dma_start3A_208 = arith.constant 0 : i32
        %dma_start3A_209 = tpu.memref_slice %arg11[%add3A_10, %dma_start3A_208] : memref<10016x128xf32, #tpu.memory_space<vmem_shared>> -> memref<16x128xf32, #tpu.memory_space<vmem_shared>>
        %dma_start3A_210 = arith.constant 0 : i32
        %dma_start3A_211 = tpu.memref_slice %arg11[%add3A_10, %dma_start3A_210] : memref<10016x128xf32, #tpu.memory_space<vmem_shared>> -> memref<16x128xf32, #tpu.memory_space<vmem_shared>>
        %dma_start3A_212 = arith.constant 0 : i32
        %dma_start3A_213 = arith.constant 0 : i32
        %dma_start3A_214 = tpu.memref_slice %arg10[%dma_start3A_212, %dma_start3A_213] : memref<64x128xf32, #tpu.memory_space<vmem>> -> memref<16x128xf32, #tpu.memory_space<vmem>>
        tpu.enqueue_dma source(%dma_start3A_214 : memref<16x128xf32, #tpu.memory_space<vmem>>) target(%dma_start3A_211 : memref<16x128xf32, #tpu.memory_space<vmem_shared>>) target_semaphore(%run_scoped3A : memref<!tpu.dma_semaphore, #tpu.memory_space<semaphore_mem>>)
        %dma_wait3A = arith.constant 0 : i32
        %dma_wait3A_215 = arith.constant 0 : i32
        %dma_wait3A_216 = tpu.memref_slice %arg10[%dma_wait3A, %dma_wait3A_215] : memref<64x128xf32, #tpu.memory_space<vmem>> -> memref<16x128xf32, #tpu.memory_space<vmem>>
        %dma_wait3A_217 = arith.constant 0 : i32
        %dma_wait3A_218 = tpu.memref_slice %arg11[%add3A_10, %dma_wait3A_217] : memref<10016x128xf32, #tpu.memory_space<vmem_shared>> -> memref<16x128xf32, #tpu.memory_space<vmem_shared>>
        %dma_wait3A_219 = arith.constant 0 : i32
        %dma_wait3A_220 = tpu.memref_slice %arg11[%add3A_10, %dma_wait3A_219] : memref<10016x128xf32, #tpu.memory_space<vmem_shared>> -> memref<16x128xf32, #tpu.memory_space<vmem_shared>>
        %dma_wait3A_221 = arith.constant 0 : i32
        %dma_wait3A_222 = arith.constant 0 : i32
        %dma_wait3A_223 = tpu.memref_slice %arg10[%dma_wait3A_221, %dma_wait3A_222] : memref<64x128xf32, #tpu.memory_space<vmem>> -> memref<16x128xf32, #tpu.memory_space<vmem>>
        tpu.wait_dma2 semaphore(%run_scoped3A : memref<!tpu.dma_semaphore, #tpu.memory_space<semaphore_mem>>) src(%dma_wait3A_223 : memref<16x128xf32, #tpu.memory_space<vmem>>) dst(%dma_wait3A_220 : memref<16x128xf32, #tpu.memory_space<vmem_shared>>)
        tpu.yield
      }) : () -> ()
    } else {
    }
    %add3A_22 = arith.constant 64 : i32
    %add3A_23 = arith.addi %mul3A_8, %add3A_22 : i32
    %add3A_24 = arith.constant 64 : i32
    %add3A_25 = arith.addi %add3A_23, %add3A_24 : i32
    %le3A_26 = arith.constant 10000 : i32
    %le3A_27 = arith.cmpi sle, %add3A_25, %le3A_26 : i32
    %convert_element_type3A_28 = arith.extui %le3A_27 : i1 to i32
    %cond3A_29 = arith.constant 0 : i32
    %cond3A_30 = arith.cmpi ne, %convert_element_type3A_28, %cond3A_29 : i32
    scf.if %cond3A_30 {
      "tpu.region"() ({
        %run_scoped3A = tpu.sem_alloc : memref<!tpu.dma_semaphore, #tpu.memory_space<semaphore_mem>>
        %dma_start3A = arith.constant 0 : i32
        %dma_start3A_206 = tpu.memref_slice %arg11[%add3A_23, %dma_start3A] : memref<10016x128xf32, #tpu.memory_space<vmem_shared>> -> memref<64x128xf32, #tpu.memory_space<vmem_shared>>
        %dma_start3A_207 = arith.constant 0 : i32
        %dma_start3A_208 = tpu.memref_slice %arg11[%add3A_23, %dma_start3A_207] : memref<10016x128xf32, #tpu.memory_space<vmem_shared>> -> memref<64x128xf32, #tpu.memory_space<vmem_shared>>
        tpu.enqueue_dma source(%arg10 : memref<64x128xf32, #tpu.memory_space<vmem>>) target(%dma_start3A_208 : memref<64x128xf32, #tpu.memory_space<vmem_shared>>) target_semaphore(%run_scoped3A : memref<!tpu.dma_semaphore, #tpu.memory_space<semaphore_mem>>)
        %dma_wait3A = arith.constant 0 : i32
        %dma_wait3A_209 = tpu.memref_slice %arg11[%add3A_23, %dma_wait3A] : memref<10016x128xf32, #tpu.memory_space<vmem_shared>> -> memref<64x128xf32, #tpu.memory_space<vmem_shared>>
        %dma_wait3A_210 = arith.constant 0 : i32
        %dma_wait3A_211 = tpu.memref_slice %arg11[%add3A_23, %dma_wait3A_210] : memref<10016x128xf32, #tpu.memory_space<vmem_shared>> -> memref<64x128xf32, #tpu.memory_space<vmem_shared>>
        tpu.wait_dma2 semaphore(%run_scoped3A : memref<!tpu.dma_semaphore, #tpu.memory_space<semaphore_mem>>) src(%arg10 : memref<64x128xf32, #tpu.memory_space<vmem>>) dst(%dma_wait3A_211 : memref<64x128xf32, #tpu.memory_space<vmem_shared>>)
        tpu.yield
      }) : () -> ()
    } else {
    }
    %lt3A_31 = arith.constant 10000 : i32
    %lt3A_32 = arith.cmpi slt, %add3A_23, %lt3A_31 : i32
    %add3A_33 = arith.constant 64 : i32
    %add3A_34 = arith.addi %add3A_23, %add3A_33 : i32
    %gt3A_35 = arith.constant 10000 : i32
    %gt3A_36 = arith.cmpi sgt, %add3A_34, %gt3A_35 : i32
    %and3A_37 = arith.andi %lt3A_32, %gt3A_36 : i1
    %convert_element_type3A_38 = arith.extui %and3A_37 : i1 to i32
    %cond3A_39 = arith.constant 0 : i32
    %cond3A_40 = arith.cmpi ne, %convert_element_type3A_38, %cond3A_39 : i32
    scf.if %cond3A_40 {
      "tpu.region"() ({
        %run_scoped3A = tpu.sem_alloc : memref<!tpu.dma_semaphore, #tpu.memory_space<semaphore_mem>>
        %dma_start3A = arith.constant 0 : i32
        %dma_start3A_206 = arith.constant 0 : i32
        %dma_start3A_207 = tpu.memref_slice %arg10[%dma_start3A, %dma_start3A_206] : memref<64x128xf32, #tpu.memory_space<vmem>> -> memref<16x128xf32, #tpu.memory_space<vmem>>
        %dma_start3A_208 = arith.constant 0 : i32
        %dma_start3A_209 = tpu.memref_slice %arg11[%add3A_23, %dma_start3A_208] : memref<10016x128xf32, #tpu.memory_space<vmem_shared>> -> memref<16x128xf32, #tpu.memory_space<vmem_shared>>
        %dma_start3A_210 = arith.constant 0 : i32
        %dma_start3A_211 = tpu.memref_slice %arg11[%add3A_23, %dma_start3A_210] : memref<10016x128xf32, #tpu.memory_space<vmem_shared>> -> memref<16x128xf32, #tpu.memory_space<vmem_shared>>
        %dma_start3A_212 = arith.constant 0 : i32
        %dma_start3A_213 = arith.constant 0 : i32
        %dma_start3A_214 = tpu.memref_slice %arg10[%dma_start3A_212, %dma_start3A_213] : memref<64x128xf32, #tpu.memory_space<vmem>> -> memref<16x128xf32, #tpu.memory_space<vmem>>
        tpu.enqueue_dma source(%dma_start3A_214 : memref<16x128xf32, #tpu.memory_space<vmem>>) target(%dma_start3A_211 : memref<16x128xf32, #tpu.memory_space<vmem_shared>>) target_semaphore(%run_scoped3A : memref<!tpu.dma_semaphore, #tpu.memory_space<semaphore_mem>>)
        %dma_wait3A = arith.constant 0 : i32
        %dma_wait3A_215 = arith.constant 0 : i32
        %dma_wait3A_216 = tpu.memref_slice %arg10[%dma_wait3A, %dma_wait3A_215] : memref<64x128xf32, #tpu.memory_space<vmem>> -> memref<16x128xf32, #tpu.memory_space<vmem>>
        %dma_wait3A_217 = arith.constant 0 : i32
        %dma_wait3A_218 = tpu.memref_slice %arg11[%add3A_23, %dma_wait3A_217] : memref<10016x128xf32, #tpu.memory_space<vmem_shared>> -> memref<16x128xf32, #tpu.memory_space<vmem_shared>>
        %dma_wait3A_219 = arith.constant 0 : i32
        %dma_wait3A_220 = tpu.memref_slice %arg11[%add3A_23, %dma_wait3A_219] : memref<10016x128xf32, #tpu.memory_space<vmem_shared>> -> memref<16x128xf32, #tpu.memory_space<vmem_shared>>
        %dma_wait3A_221 = arith.constant 0 : i32
        %dma_wait3A_222 = arith.constant 0 : i32
        %dma_wait3A_223 = tpu.memref_slice %arg10[%dma_wait3A_221, %dma_wait3A_222] : memref<64x128xf32, #tpu.memory_space<vmem>> -> memref<16x128xf32, #tpu.memory_space<vmem>>
        tpu.wait_dma2 semaphore(%run_scoped3A : memref<!tpu.dma_semaphore, #tpu.memory_space<semaphore_mem>>) src(%dma_wait3A_223 : memref<16x128xf32, #tpu.memory_space<vmem>>) dst(%dma_wait3A_220 : memref<16x128xf32, #tpu.memory_space<vmem_shared>>)
        tpu.yield
      }) : () -> ()
    } else {
    }
    %add3A_41 = arith.constant 128 : i32
    %add3A_42 = arith.addi %mul3A_8, %add3A_41 : i32
    %add3A_43 = arith.constant 64 : i32
    %add3A_44 = arith.addi %add3A_42, %add3A_43 : i32
    %le3A_45 = arith.constant 10000 : i32
    %le3A_46 = arith.cmpi sle, %add3A_44, %le3A_45 : i32
    %convert_element_type3A_47 = arith.extui %le3A_46 : i1 to i32
    %cond3A_48 = arith.constant 0 : i32
    %cond3A_49 = arith.cmpi ne, %convert_element_type3A_47, %cond3A_48 : i32
    scf.if %cond3A_49 {
      "tpu.region"() ({
        %run_scoped3A = tpu.sem_alloc : memref<!tpu.dma_semaphore, #tpu.memory_space<semaphore_mem>>
        %dma_start3A = arith.constant 0 : i32
        %dma_start3A_206 = tpu.memref_slice %arg11[%add3A_42, %dma_start3A] : memref<10016x128xf32, #tpu.memory_space<vmem_shared>> -> memref<64x128xf32, #tpu.memory_space<vmem_shared>>
        %dma_start3A_207 = arith.constant 0 : i32
        %dma_start3A_208 = tpu.memref_slice %arg11[%add3A_42, %dma_start3A_207] : memref<10016x128xf32, #tpu.memory_space<vmem_shared>> -> memref<64x128xf32, #tpu.memory_space<vmem_shared>>
        tpu.enqueue_dma source(%arg10 : memref<64x128xf32, #tpu.memory_space<vmem>>) target(%dma_start3A_208 : memref<64x128xf32, #tpu.memory_space<vmem_shared>>) target_semaphore(%run_scoped3A : memref<!tpu.dma_semaphore, #tpu.memory_space<semaphore_mem>>)
        %dma_wait3A = arith.constant 0 : i32
        %dma_wait3A_209 = tpu.memref_slice %arg11[%add3A_42, %dma_wait3A] : memref<10016x128xf32, #tpu.memory_space<vmem_shared>> -> memref<64x128xf32, #tpu.memory_space<vmem_shared>>
        %dma_wait3A_210 = arith.constant 0 : i32
        %dma_wait3A_211 = tpu.memref_slice %arg11[%add3A_42, %dma_wait3A_210] : memref<10016x128xf32, #tpu.memory_space<vmem_shared>> -> memref<64x128xf32, #tpu.memory_space<vmem_shared>>
        tpu.wait_dma2 semaphore(%run_scoped3A : memref<!tpu.dma_semaphore, #tpu.memory_space<semaphore_mem>>) src(%arg10 : memref<64x128xf32, #tpu.memory_space<vmem>>) dst(%dma_wait3A_211 : memref<64x128xf32, #tpu.memory_space<vmem_shared>>)
        tpu.yield
      }) : () -> ()
    } else {
    }
    %lt3A_50 = arith.constant 10000 : i32
    %lt3A_51 = arith.cmpi slt, %add3A_42, %lt3A_50 : i32
    %add3A_52 = arith.constant 64 : i32
    %add3A_53 = arith.addi %add3A_42, %add3A_52 : i32
    %gt3A_54 = arith.constant 10000 : i32
    %gt3A_55 = arith.cmpi sgt, %add3A_53, %gt3A_54 : i32
    %and3A_56 = arith.andi %lt3A_51, %gt3A_55 : i1
    %convert_element_type3A_57 = arith.extui %and3A_56 : i1 to i32
    %cond3A_58 = arith.constant 0 : i32
    %cond3A_59 = arith.cmpi ne, %convert_element_type3A_57, %cond3A_58 : i32
    scf.if %cond3A_59 {
      "tpu.region"() ({
        %run_scoped3A = tpu.sem_alloc : memref<!tpu.dma_semaphore, #tpu.memory_space<semaphore_mem>>
        %dma_start3A = arith.constant 0 : i32
        %dma_start3A_206 = arith.constant 0 : i32
        %dma_start3A_207 = tpu.memref_slice %arg10[%dma_start3A, %dma_start3A_206] : memref<64x128xf32, #tpu.memory_space<vmem>> -> memref<16x128xf32, #tpu.memory_space<vmem>>
        %dma_start3A_208 = arith.constant 0 : i32
        %dma_start3A_209 = tpu.memref_slice %arg11[%add3A_42, %dma_start3A_208] : memref<10016x128xf32, #tpu.memory_space<vmem_shared>> -> memref<16x128xf32, #tpu.memory_space<vmem_shared>>
        %dma_start3A_210 = arith.constant 0 : i32
        %dma_start3A_211 = tpu.memref_slice %arg11[%add3A_42, %dma_start3A_210] : memref<10016x128xf32, #tpu.memory_space<vmem_shared>> -> memref<16x128xf32, #tpu.memory_space<vmem_shared>>
        %dma_start3A_212 = arith.constant 0 : i32
        %dma_start3A_213 = arith.constant 0 : i32
        %dma_start3A_214 = tpu.memref_slice %arg10[%dma_start3A_212, %dma_start3A_213] : memref<64x128xf32, #tpu.memory_space<vmem>> -> memref<16x128xf32, #tpu.memory_space<vmem>>
        tpu.enqueue_dma source(%dma_start3A_214 : memref<16x128xf32, #tpu.memory_space<vmem>>) target(%dma_start3A_211 : memref<16x128xf32, #tpu.memory_space<vmem_shared>>) target_semaphore(%run_scoped3A : memref<!tpu.dma_semaphore, #tpu.memory_space<semaphore_mem>>)
        %dma_wait3A = arith.constant 0 : i32
        %dma_wait3A_215 = arith.constant 0 : i32
        %dma_wait3A_216 = tpu.memref_slice %arg10[%dma_wait3A, %dma_wait3A_215] : memref<64x128xf32, #tpu.memory_space<vmem>> -> memref<16x128xf32, #tpu.memory_space<vmem>>
        %dma_wait3A_217 = arith.constant 0 : i32
        %dma_wait3A_218 = tpu.memref_slice %arg11[%add3A_42, %dma_wait3A_217] : memref<10016x128xf32, #tpu.memory_space<vmem_shared>> -> memref<16x128xf32, #tpu.memory_space<vmem_shared>>
        %dma_wait3A_219 = arith.constant 0 : i32
        %dma_wait3A_220 = tpu.memref_slice %arg11[%add3A_42, %dma_wait3A_219] : memref<10016x128xf32, #tpu.memory_space<vmem_shared>> -> memref<16x128xf32, #tpu.memory_space<vmem_shared>>
        %dma_wait3A_221 = arith.constant 0 : i32
        %dma_wait3A_222 = arith.constant 0 : i32
        %dma_wait3A_223 = tpu.memref_slice %arg10[%dma_wait3A_221, %dma_wait3A_222] : memref<64x128xf32, #tpu.memory_space<vmem>> -> memref<16x128xf32, #tpu.memory_space<vmem>>
        tpu.wait_dma2 semaphore(%run_scoped3A : memref<!tpu.dma_semaphore, #tpu.memory_space<semaphore_mem>>) src(%dma_wait3A_223 : memref<16x128xf32, #tpu.memory_space<vmem>>) dst(%dma_wait3A_220 : memref<16x128xf32, #tpu.memory_space<vmem_shared>>)
        tpu.yield
      }) : () -> ()
    } else {
    }
    %add3A_60 = arith.constant 192 : i32
    %add3A_61 = arith.addi %mul3A_8, %add3A_60 : i32
    %add3A_62 = arith.constant 64 : i32
    %add3A_63 = arith.addi %add3A_61, %add3A_62 : i32
    %le3A_64 = arith.constant 10000 : i32
    %le3A_65 = arith.cmpi sle, %add3A_63, %le3A_64 : i32
    %convert_element_type3A_66 = arith.extui %le3A_65 : i1 to i32
    %cond3A_67 = arith.constant 0 : i32
    %cond3A_68 = arith.cmpi ne, %convert_element_type3A_66, %cond3A_67 : i32
    scf.if %cond3A_68 {
      "tpu.region"() ({
        %run_scoped3A = tpu.sem_alloc : memref<!tpu.dma_semaphore, #tpu.memory_space<semaphore_mem>>
        %dma_start3A = arith.constant 0 : i32
        %dma_start3A_206 = tpu.memref_slice %arg11[%add3A_61, %dma_start3A] : memref<10016x128xf32, #tpu.memory_space<vmem_shared>> -> memref<64x128xf32, #tpu.memory_space<vmem_shared>>
        %dma_start3A_207 = arith.constant 0 : i32
        %dma_start3A_208 = tpu.memref_slice %arg11[%add3A_61, %dma_start3A_207] : memref<10016x128xf32, #tpu.memory_space<vmem_shared>> -> memref<64x128xf32, #tpu.memory_space<vmem_shared>>
        tpu.enqueue_dma source(%arg10 : memref<64x128xf32, #tpu.memory_space<vmem>>) target(%dma_start3A_208 : memref<64x128xf32, #tpu.memory_space<vmem_shared>>) target_semaphore(%run_scoped3A : memref<!tpu.dma_semaphore, #tpu.memory_space<semaphore_mem>>)
        %dma_wait3A = arith.constant 0 : i32
        %dma_wait3A_209 = tpu.memref_slice %arg11[%add3A_61, %dma_wait3A] : memref<10016x128xf32, #tpu.memory_space<vmem_shared>> -> memref<64x128xf32, #tpu.memory_space<vmem_shared>>
        %dma_wait3A_210 = arith.constant 0 : i32
        %dma_wait3A_211 = tpu.memref_slice %arg11[%add3A_61, %dma_wait3A_210] : memref<10016x128xf32, #tpu.memory_space<vmem_shared>> -> memref<64x128xf32, #tpu.memory_space<vmem_shared>>
        tpu.wait_dma2 semaphore(%run_scoped3A : memref<!tpu.dma_semaphore, #tpu.memory_space<semaphore_mem>>) src(%arg10 : memref<64x128xf32, #tpu.memory_space<vmem>>) dst(%dma_wait3A_211 : memref<64x128xf32, #tpu.memory_space<vmem_shared>>)
        tpu.yield
      }) : () -> ()
    } else {
    }
    %lt3A_69 = arith.constant 10000 : i32
    %lt3A_70 = arith.cmpi slt, %add3A_61, %lt3A_69 : i32
    %add3A_71 = arith.constant 64 : i32
    %add3A_72 = arith.addi %add3A_61, %add3A_71 : i32
    %gt3A_73 = arith.constant 10000 : i32
    %gt3A_74 = arith.cmpi sgt, %add3A_72, %gt3A_73 : i32
    %and3A_75 = arith.andi %lt3A_70, %gt3A_74 : i1
    %convert_element_type3A_76 = arith.extui %and3A_75 : i1 to i32
    %cond3A_77 = arith.constant 0 : i32
    %cond3A_78 = arith.cmpi ne, %convert_element_type3A_76, %cond3A_77 : i32
    scf.if %cond3A_78 {
      "tpu.region"() ({
        %run_scoped3A = tpu.sem_alloc : memref<!tpu.dma_semaphore, #tpu.memory_space<semaphore_mem>>
        %dma_start3A = arith.constant 0 : i32
        %dma_start3A_206 = arith.constant 0 : i32
        %dma_start3A_207 = tpu.memref_slice %arg10[%dma_start3A, %dma_start3A_206] : memref<64x128xf32, #tpu.memory_space<vmem>> -> memref<16x128xf32, #tpu.memory_space<vmem>>
        %dma_start3A_208 = arith.constant 0 : i32
        %dma_start3A_209 = tpu.memref_slice %arg11[%add3A_61, %dma_start3A_208] : memref<10016x128xf32, #tpu.memory_space<vmem_shared>> -> memref<16x128xf32, #tpu.memory_space<vmem_shared>>
        %dma_start3A_210 = arith.constant 0 : i32
        %dma_start3A_211 = tpu.memref_slice %arg11[%add3A_61, %dma_start3A_210] : memref<10016x128xf32, #tpu.memory_space<vmem_shared>> -> memref<16x128xf32, #tpu.memory_space<vmem_shared>>
        %dma_start3A_212 = arith.constant 0 : i32
        %dma_start3A_213 = arith.constant 0 : i32
        %dma_start3A_214 = tpu.memref_slice %arg10[%dma_start3A_212, %dma_start3A_213] : memref<64x128xf32, #tpu.memory_space<vmem>> -> memref<16x128xf32, #tpu.memory_space<vmem>>
        tpu.enqueue_dma source(%dma_start3A_214 : memref<16x128xf32, #tpu.memory_space<vmem>>) target(%dma_start3A_211 : memref<16x128xf32, #tpu.memory_space<vmem_shared>>) target_semaphore(%run_scoped3A : memref<!tpu.dma_semaphore, #tpu.memory_space<semaphore_mem>>)
        %dma_wait3A = arith.constant 0 : i32
        %dma_wait3A_215 = arith.constant 0 : i32
        %dma_wait3A_216 = tpu.memref_slice %arg10[%dma_wait3A, %dma_wait3A_215] : memref<64x128xf32, #tpu.memory_space<vmem>> -> memref<16x128xf32, #tpu.memory_space<vmem>>
        %dma_wait3A_217 = arith.constant 0 : i32
        %dma_wait3A_218 = tpu.memref_slice %arg11[%add3A_61, %dma_wait3A_217] : memref<10016x128xf32, #tpu.memory_space<vmem_shared>> -> memref<16x128xf32, #tpu.memory_space<vmem_shared>>
        %dma_wait3A_219 = arith.constant 0 : i32
        %dma_wait3A_220 = tpu.memref_slice %arg11[%add3A_61, %dma_wait3A_219] : memref<10016x128xf32, #tpu.memory_space<vmem_shared>> -> memref<16x128xf32, #tpu.memory_space<vmem_shared>>
        %dma_wait3A_221 = arith.constant 0 : i32
        %dma_wait3A_222 = arith.constant 0 : i32
        %dma_wait3A_223 = tpu.memref_slice %arg10[%dma_wait3A_221, %dma_wait3A_222] : memref<64x128xf32, #tpu.memory_space<vmem>> -> memref<16x128xf32, #tpu.memory_space<vmem>>
        tpu.wait_dma2 semaphore(%run_scoped3A : memref<!tpu.dma_semaphore, #tpu.memory_space<semaphore_mem>>) src(%dma_wait3A_223 : memref<16x128xf32, #tpu.memory_space<vmem>>) dst(%dma_wait3A_220 : memref<16x128xf32, #tpu.memory_space<vmem_shared>>)
        tpu.yield
      }) : () -> ()
    } else {
    }
    %add3A_79 = arith.constant 256 : i32
    %add3A_80 = arith.addi %mul3A_8, %add3A_79 : i32
    %add3A_81 = arith.constant 64 : i32
    %add3A_82 = arith.addi %add3A_80, %add3A_81 : i32
    %le3A_83 = arith.constant 10000 : i32
    %le3A_84 = arith.cmpi sle, %add3A_82, %le3A_83 : i32
    %convert_element_type3A_85 = arith.extui %le3A_84 : i1 to i32
    %cond3A_86 = arith.constant 0 : i32
    %cond3A_87 = arith.cmpi ne, %convert_element_type3A_85, %cond3A_86 : i32
    scf.if %cond3A_87 {
      "tpu.region"() ({
        %run_scoped3A = tpu.sem_alloc : memref<!tpu.dma_semaphore, #tpu.memory_space<semaphore_mem>>
        %dma_start3A = arith.constant 0 : i32
        %dma_start3A_206 = tpu.memref_slice %arg11[%add3A_80, %dma_start3A] : memref<10016x128xf32, #tpu.memory_space<vmem_shared>> -> memref<64x128xf32, #tpu.memory_space<vmem_shared>>
        %dma_start3A_207 = arith.constant 0 : i32
        %dma_start3A_208 = tpu.memref_slice %arg11[%add3A_80, %dma_start3A_207] : memref<10016x128xf32, #tpu.memory_space<vmem_shared>> -> memref<64x128xf32, #tpu.memory_space<vmem_shared>>
        tpu.enqueue_dma source(%arg10 : memref<64x128xf32, #tpu.memory_space<vmem>>) target(%dma_start3A_208 : memref<64x128xf32, #tpu.memory_space<vmem_shared>>) target_semaphore(%run_scoped3A : memref<!tpu.dma_semaphore, #tpu.memory_space<semaphore_mem>>)
        %dma_wait3A = arith.constant 0 : i32
        %dma_wait3A_209 = tpu.memref_slice %arg11[%add3A_80, %dma_wait3A] : memref<10016x128xf32, #tpu.memory_space<vmem_shared>> -> memref<64x128xf32, #tpu.memory_space<vmem_shared>>
        %dma_wait3A_210 = arith.constant 0 : i32
        %dma_wait3A_211 = tpu.memref_slice %arg11[%add3A_80, %dma_wait3A_210] : memref<10016x128xf32, #tpu.memory_space<vmem_shared>> -> memref<64x128xf32, #tpu.memory_space<vmem_shared>>
        tpu.wait_dma2 semaphore(%run_scoped3A : memref<!tpu.dma_semaphore, #tpu.memory_space<semaphore_mem>>) src(%arg10 : memref<64x128xf32, #tpu.memory_space<vmem>>) dst(%dma_wait3A_211 : memref<64x128xf32, #tpu.memory_space<vmem_shared>>)
        tpu.yield
      }) : () -> ()
    } else {
    }
    %lt3A_88 = arith.constant 10000 : i32
    %lt3A_89 = arith.cmpi slt, %add3A_80, %lt3A_88 : i32
    %add3A_90 = arith.constant 64 : i32
    %add3A_91 = arith.addi %add3A_80, %add3A_90 : i32
    %gt3A_92 = arith.constant 10000 : i32
    %gt3A_93 = arith.cmpi sgt, %add3A_91, %gt3A_92 : i32
    %and3A_94 = arith.andi %lt3A_89, %gt3A_93 : i1
    %convert_element_type3A_95 = arith.extui %and3A_94 : i1 to i32
    %cond3A_96 = arith.constant 0 : i32
    %cond3A_97 = arith.cmpi ne, %convert_element_type3A_95, %cond3A_96 : i32
    scf.if %cond3A_97 {
      "tpu.region"() ({
        %run_scoped3A = tpu.sem_alloc : memref<!tpu.dma_semaphore, #tpu.memory_space<semaphore_mem>>
        %dma_start3A = arith.constant 0 : i32
        %dma_start3A_206 = arith.constant 0 : i32
        %dma_start3A_207 = tpu.memref_slice %arg10[%dma_start3A, %dma_start3A_206] : memref<64x128xf32, #tpu.memory_space<vmem>> -> memref<16x128xf32, #tpu.memory_space<vmem>>
        %dma_start3A_208 = arith.constant 0 : i32
        %dma_start3A_209 = tpu.memref_slice %arg11[%add3A_80, %dma_start3A_208] : memref<10016x128xf32, #tpu.memory_space<vmem_shared>> -> memref<16x128xf32, #tpu.memory_space<vmem_shared>>
        %dma_start3A_210 = arith.constant 0 : i32
        %dma_start3A_211 = tpu.memref_slice %arg11[%add3A_80, %dma_start3A_210] : memref<10016x128xf32, #tpu.memory_space<vmem_shared>> -> memref<16x128xf32, #tpu.memory_space<vmem_shared>>
        %dma_start3A_212 = arith.constant 0 : i32
        %dma_start3A_213 = arith.constant 0 : i32
        %dma_start3A_214 = tpu.memref_slice %arg10[%dma_start3A_212, %dma_start3A_213] : memref<64x128xf32, #tpu.memory_space<vmem>> -> memref<16x128xf32, #tpu.memory_space<vmem>>
        tpu.enqueue_dma source(%dma_start3A_214 : memref<16x128xf32, #tpu.memory_space<vmem>>) target(%dma_start3A_211 : memref<16x128xf32, #tpu.memory_space<vmem_shared>>) target_semaphore(%run_scoped3A : memref<!tpu.dma_semaphore, #tpu.memory_space<semaphore_mem>>)
        %dma_wait3A = arith.constant 0 : i32
        %dma_wait3A_215 = arith.constant 0 : i32
        %dma_wait3A_216 = tpu.memref_slice %arg10[%dma_wait3A, %dma_wait3A_215] : memref<64x128xf32, #tpu.memory_space<vmem>> -> memref<16x128xf32, #tpu.memory_space<vmem>>
        %dma_wait3A_217 = arith.constant 0 : i32
        %dma_wait3A_218 = tpu.memref_slice %arg11[%add3A_80, %dma_wait3A_217] : memref<10016x128xf32, #tpu.memory_space<vmem_shared>> -> memref<16x128xf32, #tpu.memory_space<vmem_shared>>
        %dma_wait3A_219 = arith.constant 0 : i32
        %dma_wait3A_220 = tpu.memref_slice %arg11[%add3A_80, %dma_wait3A_219] : memref<10016x128xf32, #tpu.memory_space<vmem_shared>> -> memref<16x128xf32, #tpu.memory_space<vmem_shared>>
        %dma_wait3A_221 = arith.constant 0 : i32
        %dma_wait3A_222 = arith.constant 0 : i32
        %dma_wait3A_223 = tpu.memref_slice %arg10[%dma_wait3A_221, %dma_wait3A_222] : memref<64x128xf32, #tpu.memory_space<vmem>> -> memref<16x128xf32, #tpu.memory_space<vmem>>
        tpu.wait_dma2 semaphore(%run_scoped3A : memref<!tpu.dma_semaphore, #tpu.memory_space<semaphore_mem>>) src(%dma_wait3A_223 : memref<16x128xf32, #tpu.memory_space<vmem>>) dst(%dma_wait3A_220 : memref<16x128xf32, #tpu.memory_space<vmem_shared>>)
        tpu.yield
      }) : () -> ()
    } else {
    }
    %add3A_98 = arith.constant 320 : i32
    %add3A_99 = arith.addi %mul3A_8, %add3A_98 : i32
    %add3A_100 = arith.constant 64 : i32
    %add3A_101 = arith.addi %add3A_99, %add3A_100 : i32
    %le3A_102 = arith.constant 10000 : i32
    %le3A_103 = arith.cmpi sle, %add3A_101, %le3A_102 : i32
    %convert_element_type3A_104 = arith.extui %le3A_103 : i1 to i32
    %cond3A_105 = arith.constant 0 : i32
    %cond3A_106 = arith.cmpi ne, %convert_element_type3A_104, %cond3A_105 : i32
    scf.if %cond3A_106 {
      "tpu.region"() ({
        %run_scoped3A = tpu.sem_alloc : memref<!tpu.dma_semaphore, #tpu.memory_space<semaphore_mem>>
        %dma_start3A = arith.constant 0 : i32
        %dma_start3A_206 = tpu.memref_slice %arg11[%add3A_99, %dma_start3A] : memref<10016x128xf32, #tpu.memory_space<vmem_shared>> -> memref<64x128xf32, #tpu.memory_space<vmem_shared>>
        %dma_start3A_207 = arith.constant 0 : i32
        %dma_start3A_208 = tpu.memref_slice %arg11[%add3A_99, %dma_start3A_207] : memref<10016x128xf32, #tpu.memory_space<vmem_shared>> -> memref<64x128xf32, #tpu.memory_space<vmem_shared>>
        tpu.enqueue_dma source(%arg10 : memref<64x128xf32, #tpu.memory_space<vmem>>) target(%dma_start3A_208 : memref<64x128xf32, #tpu.memory_space<vmem_shared>>) target_semaphore(%run_scoped3A : memref<!tpu.dma_semaphore, #tpu.memory_space<semaphore_mem>>)
        %dma_wait3A = arith.constant 0 : i32
        %dma_wait3A_209 = tpu.memref_slice %arg11[%add3A_99, %dma_wait3A] : memref<10016x128xf32, #tpu.memory_space<vmem_shared>> -> memref<64x128xf32, #tpu.memory_space<vmem_shared>>
        %dma_wait3A_210 = arith.constant 0 : i32
        %dma_wait3A_211 = tpu.memref_slice %arg11[%add3A_99, %dma_wait3A_210] : memref<10016x128xf32, #tpu.memory_space<vmem_shared>> -> memref<64x128xf32, #tpu.memory_space<vmem_shared>>
        tpu.wait_dma2 semaphore(%run_scoped3A : memref<!tpu.dma_semaphore, #tpu.memory_space<semaphore_mem>>) src(%arg10 : memref<64x128xf32, #tpu.memory_space<vmem>>) dst(%dma_wait3A_211 : memref<64x128xf32, #tpu.memory_space<vmem_shared>>)
        tpu.yield
      }) : () -> ()
    } else {
    }
    %lt3A_107 = arith.constant 10000 : i32
    %lt3A_108 = arith.cmpi slt, %add3A_99, %lt3A_107 : i32
    %add3A_109 = arith.constant 64 : i32
    %add3A_110 = arith.addi %add3A_99, %add3A_109 : i32
    %gt3A_111 = arith.constant 10000 : i32
    %gt3A_112 = arith.cmpi sgt, %add3A_110, %gt3A_111 : i32
    %and3A_113 = arith.andi %lt3A_108, %gt3A_112 : i1
    %convert_element_type3A_114 = arith.extui %and3A_113 : i1 to i32
    %cond3A_115 = arith.constant 0 : i32
    %cond3A_116 = arith.cmpi ne, %convert_element_type3A_114, %cond3A_115 : i32
    scf.if %cond3A_116 {
      "tpu.region"() ({
        %run_scoped3A = tpu.sem_alloc : memref<!tpu.dma_semaphore, #tpu.memory_space<semaphore_mem>>
        %dma_start3A = arith.constant 0 : i32
        %dma_start3A_206 = arith.constant 0 : i32
        %dma_start3A_207 = tpu.memref_slice %arg10[%dma_start3A, %dma_start3A_206] : memref<64x128xf32, #tpu.memory_space<vmem>> -> memref<16x128xf32, #tpu.memory_space<vmem>>
        %dma_start3A_208 = arith.constant 0 : i32
        %dma_start3A_209 = tpu.memref_slice %arg11[%add3A_99, %dma_start3A_208] : memref<10016x128xf32, #tpu.memory_space<vmem_shared>> -> memref<16x128xf32, #tpu.memory_space<vmem_shared>>
        %dma_start3A_210 = arith.constant 0 : i32
        %dma_start3A_211 = tpu.memref_slice %arg11[%add3A_99, %dma_start3A_210] : memref<10016x128xf32, #tpu.memory_space<vmem_shared>> -> memref<16x128xf32, #tpu.memory_space<vmem_shared>>
        %dma_start3A_212 = arith.constant 0 : i32
        %dma_start3A_213 = arith.constant 0 : i32
        %dma_start3A_214 = tpu.memref_slice %arg10[%dma_start3A_212, %dma_start3A_213] : memref<64x128xf32, #tpu.memory_space<vmem>> -> memref<16x128xf32, #tpu.memory_space<vmem>>
        tpu.enqueue_dma source(%dma_start3A_214 : memref<16x128xf32, #tpu.memory_space<vmem>>) target(%dma_start3A_211 : memref<16x128xf32, #tpu.memory_space<vmem_shared>>) target_semaphore(%run_scoped3A : memref<!tpu.dma_semaphore, #tpu.memory_space<semaphore_mem>>)
        %dma_wait3A = arith.constant 0 : i32
        %dma_wait3A_215 = arith.constant 0 : i32
        %dma_wait3A_216 = tpu.memref_slice %arg10[%dma_wait3A, %dma_wait3A_215] : memref<64x128xf32, #tpu.memory_space<vmem>> -> memref<16x128xf32, #tpu.memory_space<vmem>>
        %dma_wait3A_217 = arith.constant 0 : i32
        %dma_wait3A_218 = tpu.memref_slice %arg11[%add3A_99, %dma_wait3A_217] : memref<10016x128xf32, #tpu.memory_space<vmem_shared>> -> memref<16x128xf32, #tpu.memory_space<vmem_shared>>
        %dma_wait3A_219 = arith.constant 0 : i32
        %dma_wait3A_220 = tpu.memref_slice %arg11[%add3A_99, %dma_wait3A_219] : memref<10016x128xf32, #tpu.memory_space<vmem_shared>> -> memref<16x128xf32, #tpu.memory_space<vmem_shared>>
        %dma_wait3A_221 = arith.constant 0 : i32
        %dma_wait3A_222 = arith.constant 0 : i32
        %dma_wait3A_223 = tpu.memref_slice %arg10[%dma_wait3A_221, %dma_wait3A_222] : memref<64x128xf32, #tpu.memory_space<vmem>> -> memref<16x128xf32, #tpu.memory_space<vmem>>
        tpu.wait_dma2 semaphore(%run_scoped3A : memref<!tpu.dma_semaphore, #tpu.memory_space<semaphore_mem>>) src(%dma_wait3A_223 : memref<16x128xf32, #tpu.memory_space<vmem>>) dst(%dma_wait3A_220 : memref<16x128xf32, #tpu.memory_space<vmem_shared>>)
        tpu.yield
      }) : () -> ()
    } else {
    }
    %add3A_117 = arith.constant 384 : i32
    %add3A_118 = arith.addi %mul3A_8, %add3A_117 : i32
    %add3A_119 = arith.constant 64 : i32
    %add3A_120 = arith.addi %add3A_118, %add3A_119 : i32
    %le3A_121 = arith.constant 10000 : i32
    %le3A_122 = arith.cmpi sle, %add3A_120, %le3A_121 : i32
    %convert_element_type3A_123 = arith.extui %le3A_122 : i1 to i32
    %cond3A_124 = arith.constant 0 : i32
    %cond3A_125 = arith.cmpi ne, %convert_element_type3A_123, %cond3A_124 : i32
    scf.if %cond3A_125 {
      "tpu.region"() ({
        %run_scoped3A = tpu.sem_alloc : memref<!tpu.dma_semaphore, #tpu.memory_space<semaphore_mem>>
        %dma_start3A = arith.constant 0 : i32
        %dma_start3A_206 = tpu.memref_slice %arg11[%add3A_118, %dma_start3A] : memref<10016x128xf32, #tpu.memory_space<vmem_shared>> -> memref<64x128xf32, #tpu.memory_space<vmem_shared>>
        %dma_start3A_207 = arith.constant 0 : i32
        %dma_start3A_208 = tpu.memref_slice %arg11[%add3A_118, %dma_start3A_207] : memref<10016x128xf32, #tpu.memory_space<vmem_shared>> -> memref<64x128xf32, #tpu.memory_space<vmem_shared>>
        tpu.enqueue_dma source(%arg10 : memref<64x128xf32, #tpu.memory_space<vmem>>) target(%dma_start3A_208 : memref<64x128xf32, #tpu.memory_space<vmem_shared>>) target_semaphore(%run_scoped3A : memref<!tpu.dma_semaphore, #tpu.memory_space<semaphore_mem>>)
        %dma_wait3A = arith.constant 0 : i32
        %dma_wait3A_209 = tpu.memref_slice %arg11[%add3A_118, %dma_wait3A] : memref<10016x128xf32, #tpu.memory_space<vmem_shared>> -> memref<64x128xf32, #tpu.memory_space<vmem_shared>>
        %dma_wait3A_210 = arith.constant 0 : i32
        %dma_wait3A_211 = tpu.memref_slice %arg11[%add3A_118, %dma_wait3A_210] : memref<10016x128xf32, #tpu.memory_space<vmem_shared>> -> memref<64x128xf32, #tpu.memory_space<vmem_shared>>
        tpu.wait_dma2 semaphore(%run_scoped3A : memref<!tpu.dma_semaphore, #tpu.memory_space<semaphore_mem>>) src(%arg10 : memref<64x128xf32, #tpu.memory_space<vmem>>) dst(%dma_wait3A_211 : memref<64x128xf32, #tpu.memory_space<vmem_shared>>)
        tpu.yield
      }) : () -> ()
    } else {
    }
    %lt3A_126 = arith.constant 10000 : i32
    %lt3A_127 = arith.cmpi slt, %add3A_118, %lt3A_126 : i32
    %add3A_128 = arith.constant 64 : i32
    %add3A_129 = arith.addi %add3A_118, %add3A_128 : i32
    %gt3A_130 = arith.constant 10000 : i32
    %gt3A_131 = arith.cmpi sgt, %add3A_129, %gt3A_130 : i32
    %and3A_132 = arith.andi %lt3A_127, %gt3A_131 : i1
    %convert_element_type3A_133 = arith.extui %and3A_132 : i1 to i32
    %cond3A_134 = arith.constant 0 : i32
    %cond3A_135 = arith.cmpi ne, %convert_element_type3A_133, %cond3A_134 : i32
    scf.if %cond3A_135 {
      "tpu.region"() ({
        %run_scoped3A = tpu.sem_alloc : memref<!tpu.dma_semaphore, #tpu.memory_space<semaphore_mem>>
        %dma_start3A = arith.constant 0 : i32
        %dma_start3A_206 = arith.constant 0 : i32
        %dma_start3A_207 = tpu.memref_slice %arg10[%dma_start3A, %dma_start3A_206] : memref<64x128xf32, #tpu.memory_space<vmem>> -> memref<16x128xf32, #tpu.memory_space<vmem>>
        %dma_start3A_208 = arith.constant 0 : i32
        %dma_start3A_209 = tpu.memref_slice %arg11[%add3A_118, %dma_start3A_208] : memref<10016x128xf32, #tpu.memory_space<vmem_shared>> -> memref<16x128xf32, #tpu.memory_space<vmem_shared>>
        %dma_start3A_210 = arith.constant 0 : i32
        %dma_start3A_211 = tpu.memref_slice %arg11[%add3A_118, %dma_start3A_210] : memref<10016x128xf32, #tpu.memory_space<vmem_shared>> -> memref<16x128xf32, #tpu.memory_space<vmem_shared>>
        %dma_start3A_212 = arith.constant 0 : i32
        %dma_start3A_213 = arith.constant 0 : i32
        %dma_start3A_214 = tpu.memref_slice %arg10[%dma_start3A_212, %dma_start3A_213] : memref<64x128xf32, #tpu.memory_space<vmem>> -> memref<16x128xf32, #tpu.memory_space<vmem>>
        tpu.enqueue_dma source(%dma_start3A_214 : memref<16x128xf32, #tpu.memory_space<vmem>>) target(%dma_start3A_211 : memref<16x128xf32, #tpu.memory_space<vmem_shared>>) target_semaphore(%run_scoped3A : memref<!tpu.dma_semaphore, #tpu.memory_space<semaphore_mem>>)
        %dma_wait3A = arith.constant 0 : i32
        %dma_wait3A_215 = arith.constant 0 : i32
        %dma_wait3A_216 = tpu.memref_slice %arg10[%dma_wait3A, %dma_wait3A_215] : memref<64x128xf32, #tpu.memory_space<vmem>> -> memref<16x128xf32, #tpu.memory_space<vmem>>
        %dma_wait3A_217 = arith.constant 0 : i32
        %dma_wait3A_218 = tpu.memref_slice %arg11[%add3A_118, %dma_wait3A_217] : memref<10016x128xf32, #tpu.memory_space<vmem_shared>> -> memref<16x128xf32, #tpu.memory_space<vmem_shared>>
        %dma_wait3A_219 = arith.constant 0 : i32
        %dma_wait3A_220 = tpu.memref_slice %arg11[%add3A_118, %dma_wait3A_219] : memref<10016x128xf32, #tpu.memory_space<vmem_shared>> -> memref<16x128xf32, #tpu.memory_space<vmem_shared>>
        %dma_wait3A_221 = arith.constant 0 : i32
        %dma_wait3A_222 = arith.constant 0 : i32
        %dma_wait3A_223 = tpu.memref_slice %arg10[%dma_wait3A_221, %dma_wait3A_222] : memref<64x128xf32, #tpu.memory_space<vmem>> -> memref<16x128xf32, #tpu.memory_space<vmem>>
        tpu.wait_dma2 semaphore(%run_scoped3A : memref<!tpu.dma_semaphore, #tpu.memory_space<semaphore_mem>>) src(%dma_wait3A_223 : memref<16x128xf32, #tpu.memory_space<vmem>>) dst(%dma_wait3A_220 : memref<16x128xf32, #tpu.memory_space<vmem_shared>>)
        tpu.yield
      }) : () -> ()
    } else {
    }
    %add3A_136 = arith.constant 448 : i32
    %add3A_137 = arith.addi %mul3A_8, %add3A_136 : i32
    %add3A_138 = arith.constant 64 : i32
    %add3A_139 = arith.addi %add3A_137, %add3A_138 : i32
    %le3A_140 = arith.constant 10000 : i32
    %le3A_141 = arith.cmpi sle, %add3A_139, %le3A_140 : i32
    %convert_element_type3A_142 = arith.extui %le3A_141 : i1 to i32
    %cond3A_143 = arith.constant 0 : i32
    %cond3A_144 = arith.cmpi ne, %convert_element_type3A_142, %cond3A_143 : i32
    scf.if %cond3A_144 {
      "tpu.region"() ({
        %run_scoped3A = tpu.sem_alloc : memref<!tpu.dma_semaphore, #tpu.memory_space<semaphore_mem>>
        %dma_start3A = arith.constant 0 : i32
        %dma_start3A_206 = tpu.memref_slice %arg11[%add3A_137, %dma_start3A] : memref<10016x128xf32, #tpu.memory_space<vmem_shared>> -> memref<64x128xf32, #tpu.memory_space<vmem_shared>>
        %dma_start3A_207 = arith.constant 0 : i32
        %dma_start3A_208 = tpu.memref_slice %arg11[%add3A_137, %dma_start3A_207] : memref<10016x128xf32, #tpu.memory_space<vmem_shared>> -> memref<64x128xf32, #tpu.memory_space<vmem_shared>>
        tpu.enqueue_dma source(%arg10 : memref<64x128xf32, #tpu.memory_space<vmem>>) target(%dma_start3A_208 : memref<64x128xf32, #tpu.memory_space<vmem_shared>>) target_semaphore(%run_scoped3A : memref<!tpu.dma_semaphore, #tpu.memory_space<semaphore_mem>>)
        %dma_wait3A = arith.constant 0 : i32
        %dma_wait3A_209 = tpu.memref_slice %arg11[%add3A_137, %dma_wait3A] : memref<10016x128xf32, #tpu.memory_space<vmem_shared>> -> memref<64x128xf32, #tpu.memory_space<vmem_shared>>
        %dma_wait3A_210 = arith.constant 0 : i32
        %dma_wait3A_211 = tpu.memref_slice %arg11[%add3A_137, %dma_wait3A_210] : memref<10016x128xf32, #tpu.memory_space<vmem_shared>> -> memref<64x128xf32, #tpu.memory_space<vmem_shared>>
        tpu.wait_dma2 semaphore(%run_scoped3A : memref<!tpu.dma_semaphore, #tpu.memory_space<semaphore_mem>>) src(%arg10 : memref<64x128xf32, #tpu.memory_space<vmem>>) dst(%dma_wait3A_211 : memref<64x128xf32, #tpu.memory_space<vmem_shared>>)
        tpu.yield
      }) : () -> ()
    } else {
    }
    %lt3A_145 = arith.constant 10000 : i32
    %lt3A_146 = arith.cmpi slt, %add3A_137, %lt3A_145 : i32
    %add3A_147 = arith.constant 64 : i32
    %add3A_148 = arith.addi %add3A_137, %add3A_147 : i32
    %gt3A_149 = arith.constant 10000 : i32
    %gt3A_150 = arith.cmpi sgt, %add3A_148, %gt3A_149 : i32
    %and3A_151 = arith.andi %lt3A_146, %gt3A_150 : i1
    %convert_element_type3A_152 = arith.extui %and3A_151 : i1 to i32
    %cond3A_153 = arith.constant 0 : i32
    %cond3A_154 = arith.cmpi ne, %convert_element_type3A_152, %cond3A_153 : i32
    scf.if %cond3A_154 {
      "tpu.region"() ({
        %run_scoped3A = tpu.sem_alloc : memref<!tpu.dma_semaphore, #tpu.memory_space<semaphore_mem>>
        %dma_start3A = arith.constant 0 : i32
        %dma_start3A_206 = arith.constant 0 : i32
        %dma_start3A_207 = tpu.memref_slice %arg10[%dma_start3A, %dma_start3A_206] : memref<64x128xf32, #tpu.memory_space<vmem>> -> memref<16x128xf32, #tpu.memory_space<vmem>>
        %dma_start3A_208 = arith.constant 0 : i32
        %dma_start3A_209 = tpu.memref_slice %arg11[%add3A_137, %dma_start3A_208] : memref<10016x128xf32, #tpu.memory_space<vmem_shared>> -> memref<16x128xf32, #tpu.memory_space<vmem_shared>>
        %dma_start3A_210 = arith.constant 0 : i32
        %dma_start3A_211 = tpu.memref_slice %arg11[%add3A_137, %dma_start3A_210] : memref<10016x128xf32, #tpu.memory_space<vmem_shared>> -> memref<16x128xf32, #tpu.memory_space<vmem_shared>>
        %dma_start3A_212 = arith.constant 0 : i32
        %dma_start3A_213 = arith.constant 0 : i32
        %dma_start3A_214 = tpu.memref_slice %arg10[%dma_start3A_212, %dma_start3A_213] : memref<64x128xf32, #tpu.memory_space<vmem>> -> memref<16x128xf32, #tpu.memory_space<vmem>>
        tpu.enqueue_dma source(%dma_start3A_214 : memref<16x128xf32, #tpu.memory_space<vmem>>) target(%dma_start3A_211 : memref<16x128xf32, #tpu.memory_space<vmem_shared>>) target_semaphore(%run_scoped3A : memref<!tpu.dma_semaphore, #tpu.memory_space<semaphore_mem>>)
        %dma_wait3A = arith.constant 0 : i32
        %dma_wait3A_215 = arith.constant 0 : i32
        %dma_wait3A_216 = tpu.memref_slice %arg10[%dma_wait3A, %dma_wait3A_215] : memref<64x128xf32, #tpu.memory_space<vmem>> -> memref<16x128xf32, #tpu.memory_space<vmem>>
        %dma_wait3A_217 = arith.constant 0 : i32
        %dma_wait3A_218 = tpu.memref_slice %arg11[%add3A_137, %dma_wait3A_217] : memref<10016x128xf32, #tpu.memory_space<vmem_shared>> -> memref<16x128xf32, #tpu.memory_space<vmem_shared>>
        %dma_wait3A_219 = arith.constant 0 : i32
        %dma_wait3A_220 = tpu.memref_slice %arg11[%add3A_137, %dma_wait3A_219] : memref<10016x128xf32, #tpu.memory_space<vmem_shared>> -> memref<16x128xf32, #tpu.memory_space<vmem_shared>>
        %dma_wait3A_221 = arith.constant 0 : i32
        %dma_wait3A_222 = arith.constant 0 : i32
        %dma_wait3A_223 = tpu.memref_slice %arg10[%dma_wait3A_221, %dma_wait3A_222] : memref<64x128xf32, #tpu.memory_space<vmem>> -> memref<16x128xf32, #tpu.memory_space<vmem>>
        tpu.wait_dma2 semaphore(%run_scoped3A : memref<!tpu.dma_semaphore, #tpu.memory_space<semaphore_mem>>) src(%dma_wait3A_223 : memref<16x128xf32, #tpu.memory_space<vmem>>) dst(%dma_wait3A_220 : memref<16x128xf32, #tpu.memory_space<vmem_shared>>)
        tpu.yield
      }) : () -> ()
    } else {
    }
    %add3A_155 = arith.constant 512 : i32
    %add3A_156 = arith.addi %mul3A_8, %add3A_155 : i32
    %add3A_157 = arith.constant 64 : i32
    %add3A_158 = arith.addi %add3A_156, %add3A_157 : i32
    %le3A_159 = arith.constant 10000 : i32
    %le3A_160 = arith.cmpi sle, %add3A_158, %le3A_159 : i32
    %convert_element_type3A_161 = arith.extui %le3A_160 : i1 to i32
    %cond3A_162 = arith.constant 0 : i32
    %cond3A_163 = arith.cmpi ne, %convert_element_type3A_161, %cond3A_162 : i32
    scf.if %cond3A_163 {
      "tpu.region"() ({
        %run_scoped3A = tpu.sem_alloc : memref<!tpu.dma_semaphore, #tpu.memory_space<semaphore_mem>>
        %dma_start3A = arith.constant 0 : i32
        %dma_start3A_206 = tpu.memref_slice %arg11[%add3A_156, %dma_start3A] : memref<10016x128xf32, #tpu.memory_space<vmem_shared>> -> memref<64x128xf32, #tpu.memory_space<vmem_shared>>
        %dma_start3A_207 = arith.constant 0 : i32
        %dma_start3A_208 = tpu.memref_slice %arg11[%add3A_156, %dma_start3A_207] : memref<10016x128xf32, #tpu.memory_space<vmem_shared>> -> memref<64x128xf32, #tpu.memory_space<vmem_shared>>
        tpu.enqueue_dma source(%arg10 : memref<64x128xf32, #tpu.memory_space<vmem>>) target(%dma_start3A_208 : memref<64x128xf32, #tpu.memory_space<vmem_shared>>) target_semaphore(%run_scoped3A : memref<!tpu.dma_semaphore, #tpu.memory_space<semaphore_mem>>)
        %dma_wait3A = arith.constant 0 : i32
        %dma_wait3A_209 = tpu.memref_slice %arg11[%add3A_156, %dma_wait3A] : memref<10016x128xf32, #tpu.memory_space<vmem_shared>> -> memref<64x128xf32, #tpu.memory_space<vmem_shared>>
        %dma_wait3A_210 = arith.constant 0 : i32
        %dma_wait3A_211 = tpu.memref_slice %arg11[%add3A_156, %dma_wait3A_210] : memref<10016x128xf32, #tpu.memory_space<vmem_shared>> -> memref<64x128xf32, #tpu.memory_space<vmem_shared>>
        tpu.wait_dma2 semaphore(%run_scoped3A : memref<!tpu.dma_semaphore, #tpu.memory_space<semaphore_mem>>) src(%arg10 : memref<64x128xf32, #tpu.memory_space<vmem>>) dst(%dma_wait3A_211 : memref<64x128xf32, #tpu.memory_space<vmem_shared>>)
        tpu.yield
      }) : () -> ()
    } else {
    }
    %lt3A_164 = arith.constant 10000 : i32
    %lt3A_165 = arith.cmpi slt, %add3A_156, %lt3A_164 : i32
    %add3A_166 = arith.constant 64 : i32
    %add3A_167 = arith.addi %add3A_156, %add3A_166 : i32
    %gt3A_168 = arith.constant 10000 : i32
    %gt3A_169 = arith.cmpi sgt, %add3A_167, %gt3A_168 : i32
    %and3A_170 = arith.andi %lt3A_165, %gt3A_169 : i1
    %convert_element_type3A_171 = arith.extui %and3A_170 : i1 to i32
    %cond3A_172 = arith.constant 0 : i32
    %cond3A_173 = arith.cmpi ne, %convert_element_type3A_171, %cond3A_172 : i32
    scf.if %cond3A_173 {
      "tpu.region"() ({
        %run_scoped3A = tpu.sem_alloc : memref<!tpu.dma_semaphore, #tpu.memory_space<semaphore_mem>>
        %dma_start3A = arith.constant 0 : i32
        %dma_start3A_206 = arith.constant 0 : i32
        %dma_start3A_207 = tpu.memref_slice %arg10[%dma_start3A, %dma_start3A_206] : memref<64x128xf32, #tpu.memory_space<vmem>> -> memref<16x128xf32, #tpu.memory_space<vmem>>
        %dma_start3A_208 = arith.constant 0 : i32
        %dma_start3A_209 = tpu.memref_slice %arg11[%add3A_156, %dma_start3A_208] : memref<10016x128xf32, #tpu.memory_space<vmem_shared>> -> memref<16x128xf32, #tpu.memory_space<vmem_shared>>
        %dma_start3A_210 = arith.constant 0 : i32
        %dma_start3A_211 = tpu.memref_slice %arg11[%add3A_156, %dma_start3A_210] : memref<10016x128xf32, #tpu.memory_space<vmem_shared>> -> memref<16x128xf32, #tpu.memory_space<vmem_shared>>
        %dma_start3A_212 = arith.constant 0 : i32
        %dma_start3A_213 = arith.constant 0 : i32
        %dma_start3A_214 = tpu.memref_slice %arg10[%dma_start3A_212, %dma_start3A_213] : memref<64x128xf32, #tpu.memory_space<vmem>> -> memref<16x128xf32, #tpu.memory_space<vmem>>
        tpu.enqueue_dma source(%dma_start3A_214 : memref<16x128xf32, #tpu.memory_space<vmem>>) target(%dma_start3A_211 : memref<16x128xf32, #tpu.memory_space<vmem_shared>>) target_semaphore(%run_scoped3A : memref<!tpu.dma_semaphore, #tpu.memory_space<semaphore_mem>>)
        %dma_wait3A = arith.constant 0 : i32
        %dma_wait3A_215 = arith.constant 0 : i32
        %dma_wait3A_216 = tpu.memref_slice %arg10[%dma_wait3A, %dma_wait3A_215] : memref<64x128xf32, #tpu.memory_space<vmem>> -> memref<16x128xf32, #tpu.memory_space<vmem>>
        %dma_wait3A_217 = arith.constant 0 : i32
        %dma_wait3A_218 = tpu.memref_slice %arg11[%add3A_156, %dma_wait3A_217] : memref<10016x128xf32, #tpu.memory_space<vmem_shared>> -> memref<16x128xf32, #tpu.memory_space<vmem_shared>>
        %dma_wait3A_219 = arith.constant 0 : i32
        %dma_wait3A_220 = tpu.memref_slice %arg11[%add3A_156, %dma_wait3A_219] : memref<10016x128xf32, #tpu.memory_space<vmem_shared>> -> memref<16x128xf32, #tpu.memory_space<vmem_shared>>
        %dma_wait3A_221 = arith.constant 0 : i32
        %dma_wait3A_222 = arith.constant 0 : i32
        %dma_wait3A_223 = tpu.memref_slice %arg10[%dma_wait3A_221, %dma_wait3A_222] : memref<64x128xf32, #tpu.memory_space<vmem>> -> memref<16x128xf32, #tpu.memory_space<vmem>>
        tpu.wait_dma2 semaphore(%run_scoped3A : memref<!tpu.dma_semaphore, #tpu.memory_space<semaphore_mem>>) src(%dma_wait3A_223 : memref<16x128xf32, #tpu.memory_space<vmem>>) dst(%dma_wait3A_220 : memref<16x128xf32, #tpu.memory_space<vmem_shared>>)
        tpu.yield
      }) : () -> ()
    } else {
    }
    %add3A_174 = arith.constant 576 : i32
    %add3A_175 = arith.addi %mul3A_8, %add3A_174 : i32
    %add3A_176 = arith.constant 64 : i32
    %add3A_177 = arith.addi %add3A_175, %add3A_176 : i32
    %le3A_178 = arith.constant 10000 : i32
    %le3A_179 = arith.cmpi sle, %add3A_177, %le3A_178 : i32
    %convert_element_type3A_180 = arith.extui %le3A_179 : i1 to i32
    %cond3A_181 = arith.constant 0 : i32
    %cond3A_182 = arith.cmpi ne, %convert_element_type3A_180, %cond3A_181 : i32
    scf.if %cond3A_182 {
      "tpu.region"() ({
        %run_scoped3A = tpu.sem_alloc : memref<!tpu.dma_semaphore, #tpu.memory_space<semaphore_mem>>
        %dma_start3A = arith.constant 0 : i32
        %dma_start3A_206 = tpu.memref_slice %arg11[%add3A_175, %dma_start3A] : memref<10016x128xf32, #tpu.memory_space<vmem_shared>> -> memref<64x128xf32, #tpu.memory_space<vmem_shared>>
        %dma_start3A_207 = arith.constant 0 : i32
        %dma_start3A_208 = tpu.memref_slice %arg11[%add3A_175, %dma_start3A_207] : memref<10016x128xf32, #tpu.memory_space<vmem_shared>> -> memref<64x128xf32, #tpu.memory_space<vmem_shared>>
        tpu.enqueue_dma source(%arg10 : memref<64x128xf32, #tpu.memory_space<vmem>>) target(%dma_start3A_208 : memref<64x128xf32, #tpu.memory_space<vmem_shared>>) target_semaphore(%run_scoped3A : memref<!tpu.dma_semaphore, #tpu.memory_space<semaphore_mem>>)
        %dma_wait3A = arith.constant 0 : i32
        %dma_wait3A_209 = tpu.memref_slice %arg11[%add3A_175, %dma_wait3A] : memref<10016x128xf32, #tpu.memory_space<vmem_shared>> -> memref<64x128xf32, #tpu.memory_space<vmem_shared>>
        %dma_wait3A_210 = arith.constant 0 : i32
        %dma_wait3A_211 = tpu.memref_slice %arg11[%add3A_175, %dma_wait3A_210] : memref<10016x128xf32, #tpu.memory_space<vmem_shared>> -> memref<64x128xf32, #tpu.memory_space<vmem_shared>>
        tpu.wait_dma2 semaphore(%run_scoped3A : memref<!tpu.dma_semaphore, #tpu.memory_space<semaphore_mem>>) src(%arg10 : memref<64x128xf32, #tpu.memory_space<vmem>>) dst(%dma_wait3A_211 : memref<64x128xf32, #tpu.memory_space<vmem_shared>>)
        tpu.yield
      }) : () -> ()
    } else {
    }
    %lt3A_183 = arith.constant 10000 : i32
    %lt3A_184 = arith.cmpi slt, %add3A_175, %lt3A_183 : i32
    %add3A_185 = arith.constant 64 : i32
    %add3A_186 = arith.addi %add3A_175, %add3A_185 : i32
    %gt3A_187 = arith.constant 10000 : i32
    %gt3A_188 = arith.cmpi sgt, %add3A_186, %gt3A_187 : i32
    %and3A_189 = arith.andi %lt3A_184, %gt3A_188 : i1
    %convert_element_type3A_190 = arith.extui %and3A_189 : i1 to i32
    %cond3A_191 = arith.constant 0 : i32
    %cond3A_192 = arith.cmpi ne, %convert_element_type3A_190, %cond3A_191 : i32
    scf.if %cond3A_192 {
      "tpu.region"() ({
        %run_scoped3A = tpu.sem_alloc : memref<!tpu.dma_semaphore, #tpu.memory_space<semaphore_mem>>
        %dma_start3A = arith.constant 0 : i32
        %dma_start3A_206 = arith.constant 0 : i32
        %dma_start3A_207 = tpu.memref_slice %arg10[%dma_start3A, %dma_start3A_206] : memref<64x128xf32, #tpu.memory_space<vmem>> -> memref<16x128xf32, #tpu.memory_space<vmem>>
        %dma_start3A_208 = arith.constant 0 : i32
        %dma_start3A_209 = tpu.memref_slice %arg11[%add3A_175, %dma_start3A_208] : memref<10016x128xf32, #tpu.memory_space<vmem_shared>> -> memref<16x128xf32, #tpu.memory_space<vmem_shared>>
        %dma_start3A_210 = arith.constant 0 : i32
        %dma_start3A_211 = tpu.memref_slice %arg11[%add3A_175, %dma_start3A_210] : memref<10016x128xf32, #tpu.memory_space<vmem_shared>> -> memref<16x128xf32, #tpu.memory_space<vmem_shared>>
        %dma_start3A_212 = arith.constant 0 : i32
        %dma_start3A_213 = arith.constant 0 : i32
        %dma_start3A_214 = tpu.memref_slice %arg10[%dma_start3A_212, %dma_start3A_213] : memref<64x128xf32, #tpu.memory_space<vmem>> -> memref<16x128xf32, #tpu.memory_space<vmem>>
        tpu.enqueue_dma source(%dma_start3A_214 : memref<16x128xf32, #tpu.memory_space<vmem>>) target(%dma_start3A_211 : memref<16x128xf32, #tpu.memory_space<vmem_shared>>) target_semaphore(%run_scoped3A : memref<!tpu.dma_semaphore, #tpu.memory_space<semaphore_mem>>)
        %dma_wait3A = arith.constant 0 : i32
        %dma_wait3A_215 = arith.constant 0 : i32
        %dma_wait3A_216 = tpu.memref_slice %arg10[%dma_wait3A, %dma_wait3A_215] : memref<64x128xf32, #tpu.memory_space<vmem>> -> memref<16x128xf32, #tpu.memory_space<vmem>>
        %dma_wait3A_217 = arith.constant 0 : i32
        %dma_wait3A_218 = tpu.memref_slice %arg11[%add3A_175, %dma_wait3A_217] : memref<10016x128xf32, #tpu.memory_space<vmem_shared>> -> memref<16x128xf32, #tpu.memory_space<vmem_shared>>
        %dma_wait3A_219 = arith.constant 0 : i32
        %dma_wait3A_220 = tpu.memref_slice %arg11[%add3A_175, %dma_wait3A_219] : memref<10016x128xf32, #tpu.memory_space<vmem_shared>> -> memref<16x128xf32, #tpu.memory_space<vmem_shared>>
        %dma_wait3A_221 = arith.constant 0 : i32
        %dma_wait3A_222 = arith.constant 0 : i32
        %dma_wait3A_223 = tpu.memref_slice %arg10[%dma_wait3A_221, %dma_wait3A_222] : memref<64x128xf32, #tpu.memory_space<vmem>> -> memref<16x128xf32, #tpu.memory_space<vmem>>
        tpu.wait_dma2 semaphore(%run_scoped3A : memref<!tpu.dma_semaphore, #tpu.memory_space<semaphore_mem>>) src(%dma_wait3A_223 : memref<16x128xf32, #tpu.memory_space<vmem>>) dst(%dma_wait3A_220 : memref<16x128xf32, #tpu.memory_space<vmem_shared>>)
        tpu.yield
      }) : () -> ()
    } else {
    }
    %barrier3A = arith.constant 0 : index
    tpu.barrier barrier_id(%barrier3A)
    %scan3A_193 = arith.constant 0 : i32
    %scan3A_194 = arith.constant 0 : i32
    %scan3A_195 = arith.constant 5 : i32
    %scan3A_196 = arith.addi %scan3A_194, %scan3A_195 : i32
    %scan3A_197 = arith.constant 1 : i32
    scf.for %scan3A_206 = %scan3A_194 to %scan3A_196 step %scan3A_197  : i32 {
      "tpu.region"() ({
        %run_scoped3A_225 = tpu.sem_alloc : memref<!tpu.dma_semaphore, #tpu.memory_space<semaphore_mem>>
        %dma_start3A_226 = arith.constant 0 : i32
        %dma_start3A_227 = arith.constant 0 : i32
        %dma_start3A_228 = tpu.memref_slice %arg3[%add3A, %scan3A_206, %dma_start3A_226, %dma_start3A_227] : memref<32x5x25x80xi32, #tpu.memory_space<hbm>> -> memref<1x1x25x80xi32, #tpu.memory_space<hbm>>
        %dma_start3A_229 = tpu.memref_squeeze %dma_start3A_228 : memref<1x1x25x80xi32, #tpu.memory_space<hbm>> -> memref<25x80xi32, #tpu.memory_space<hbm>>
        %dma_start3A_230 = arith.constant 0 : i32
        %dma_start3A_231 = arith.constant 0 : i32
        %dma_start3A_232 = tpu.memref_slice %arg3[%add3A, %scan3A_206, %dma_start3A_230, %dma_start3A_231] : memref<32x5x25x80xi32, #tpu.memory_space<hbm>> -> memref<1x1x25x80xi32, #tpu.memory_space<hbm>>
        %dma_start3A_233 = tpu.memref_squeeze %dma_start3A_232 : memref<1x1x25x80xi32, #tpu.memory_space<hbm>> -> memref<25x80xi32, #tpu.memory_space<hbm>>
        tpu.enqueue_dma source(%dma_start3A_233 : memref<25x80xi32, #tpu.memory_space<hbm>>) target(%arg6 : memref<25x80xi32, #tpu.memory_space<vmem>>) target_semaphore(%run_scoped3A_225 : memref<!tpu.dma_semaphore, #tpu.memory_space<semaphore_mem>>)
        %dma_wait3A_234 = arith.constant 0 : i32
        %dma_wait3A_235 = arith.constant 0 : i32
        %dma_wait3A_236 = tpu.memref_slice %arg3[%add3A, %scan3A_206, %dma_wait3A_234, %dma_wait3A_235] : memref<32x5x25x80xi32, #tpu.memory_space<hbm>> -> memref<1x1x25x80xi32, #tpu.memory_space<hbm>>
        %dma_wait3A_237 = tpu.memref_squeeze %dma_wait3A_236 : memref<1x1x25x80xi32, #tpu.memory_space<hbm>> -> memref<25x80xi32, #tpu.memory_space<hbm>>
        %dma_wait3A_238 = arith.constant 0 : i32
        %dma_wait3A_239 = arith.constant 0 : i32
        %dma_wait3A_240 = tpu.memref_slice %arg3[%add3A, %scan3A_206, %dma_wait3A_238, %dma_wait3A_239] : memref<32x5x25x80xi32, #tpu.memory_space<hbm>> -> memref<1x1x25x80xi32, #tpu.memory_space<hbm>>
        %dma_wait3A_241 = tpu.memref_squeeze %dma_wait3A_240 : memref<1x1x25x80xi32, #tpu.memory_space<hbm>> -> memref<25x80xi32, #tpu.memory_space<hbm>>
        tpu.wait_dma2 semaphore(%run_scoped3A_225 : memref<!tpu.dma_semaphore, #tpu.memory_space<semaphore_mem>>) src(%dma_wait3A_241 : memref<25x80xi32, #tpu.memory_space<hbm>>) dst(%arg6 : memref<25x80xi32, #tpu.memory_space<vmem>>)
        tpu.yield
      }) : () -> ()
      "tpu.region"() ({
        %run_scoped3A_225 = tpu.sem_alloc : memref<!tpu.dma_semaphore, #tpu.memory_space<semaphore_mem>>
        %dma_start3A_226 = arith.constant 0 : i32
        %dma_start3A_227 = arith.constant 0 : i32
        %dma_start3A_228 = tpu.memref_slice %arg4[%add3A, %scan3A_206, %dma_start3A_226, %dma_start3A_227] : memref<32x5x25x80xi32, #tpu.memory_space<hbm>> -> memref<1x1x25x80xi32, #tpu.memory_space<hbm>>
        %dma_start3A_229 = tpu.memref_squeeze %dma_start3A_228 : memref<1x1x25x80xi32, #tpu.memory_space<hbm>> -> memref<25x80xi32, #tpu.memory_space<hbm>>
        %dma_start3A_230 = arith.constant 0 : i32
        %dma_start3A_231 = arith.constant 0 : i32
        %dma_start3A_232 = tpu.memref_slice %arg4[%add3A, %scan3A_206, %dma_start3A_230, %dma_start3A_231] : memref<32x5x25x80xi32, #tpu.memory_space<hbm>> -> memref<1x1x25x80xi32, #tpu.memory_space<hbm>>
        %dma_start3A_233 = tpu.memref_squeeze %dma_start3A_232 : memref<1x1x25x80xi32, #tpu.memory_space<hbm>> -> memref<25x80xi32, #tpu.memory_space<hbm>>
        tpu.enqueue_dma source(%dma_start3A_233 : memref<25x80xi32, #tpu.memory_space<hbm>>) target(%arg7 : memref<25x80xi32, #tpu.memory_space<vmem>>) target_semaphore(%run_scoped3A_225 : memref<!tpu.dma_semaphore, #tpu.memory_space<semaphore_mem>>)
        %dma_wait3A_234 = arith.constant 0 : i32
        %dma_wait3A_235 = arith.constant 0 : i32
        %dma_wait3A_236 = tpu.memref_slice %arg4[%add3A, %scan3A_206, %dma_wait3A_234, %dma_wait3A_235] : memref<32x5x25x80xi32, #tpu.memory_space<hbm>> -> memref<1x1x25x80xi32, #tpu.memory_space<hbm>>
        %dma_wait3A_237 = tpu.memref_squeeze %dma_wait3A_236 : memref<1x1x25x80xi32, #tpu.memory_space<hbm>> -> memref<25x80xi32, #tpu.memory_space<hbm>>
        %dma_wait3A_238 = arith.constant 0 : i32
        %dma_wait3A_239 = arith.constant 0 : i32
        %dma_wait3A_240 = tpu.memref_slice %arg4[%add3A, %scan3A_206, %dma_wait3A_238, %dma_wait3A_239] : memref<32x5x25x80xi32, #tpu.memory_space<hbm>> -> memref<1x1x25x80xi32, #tpu.memory_space<hbm>>
        %dma_wait3A_241 = tpu.memref_squeeze %dma_wait3A_240 : memref<1x1x25x80xi32, #tpu.memory_space<hbm>> -> memref<25x80xi32, #tpu.memory_space<hbm>>
        tpu.wait_dma2 semaphore(%run_scoped3A_225 : memref<!tpu.dma_semaphore, #tpu.memory_space<semaphore_mem>>) src(%dma_wait3A_241 : memref<25x80xi32, #tpu.memory_space<hbm>>) dst(%arg7 : memref<25x80xi32, #tpu.memory_space<vmem>>)
        tpu.yield
      }) : () -> ()
      %dma_start3A = arith.constant 0 : i32
      %dma_start3A_207 = arith.constant 0 : i32
      %dma_start3A_208 = tpu.memref_slice %arg6[%dma_start3A, %dma_start3A_207] : memref<25x80xi32, #tpu.memory_space<vmem>> -> memref<1x80xi32, #tpu.memory_space<vmem>>
      %dma_start3A_209 = tpu.memref_squeeze %dma_start3A_208 : memref<1x80xi32, #tpu.memory_space<vmem>> -> memref<80xi32, #tpu.memory_space<vmem>>
      %dma_start3A_210 = arith.constant 0 : i32
      %dma_start3A_211 = arith.constant 0 : i32
      %dma_start3A_212 = tpu.memref_slice %arg2[%dma_start3A_210, %dma_start3A_211] : memref<10000x128xf32, #tpu.memory_space<hbm>> -> memref<10000x128xf32, #tpu.memory_space<hbm>>
      tpu.enqueue_indirect_dma source(%dma_start3A_212 : memref<10000x128xf32, #tpu.memory_space<hbm>>) target(%arg8 : memref<80x128xf32, #tpu.memory_space<vmem>>) offsets(%dma_start3A_209 : memref<80xi32, #tpu.memory_space<vmem>>) semaphore(%arg12 : memref<!tpu.dma_semaphore, #tpu.memory_space<semaphore_mem>>)
      %scan3A_213 = arith.constant 0 : i32
      %scan3A_214 = arith.constant 0 : i32
      %scan3A_215 = arith.constant 12 : i32
      %scan3A_216 = arith.addi %scan3A_214, %scan3A_215 : i32
      %scan3A_217 = arith.constant 1 : i32
      scf.for %scan3A_225 = %scan3A_214 to %scan3A_216 step %scan3A_217  : i32 {
        %mul3A_226 = arith.constant 2 : i32
        %mul3A_227 = arith.muli %mul3A_226, %scan3A_225 : i32
        %add3A_228 = arith.constant 1 : i32
        %add3A_229 = arith.addi %mul3A_227, %add3A_228 : i32
        %dma_start3A_230 = arith.constant 0 : i32
        %dma_start3A_231 = tpu.memref_slice %arg6[%add3A_229, %dma_start3A_230] : memref<25x80xi32, #tpu.memory_space<vmem>> -> memref<1x80xi32, #tpu.memory_space<vmem>>
        %dma_start3A_232 = tpu.memref_squeeze %dma_start3A_231 : memref<1x80xi32, #tpu.memory_space<vmem>> -> memref<80xi32, #tpu.memory_space<vmem>>
        %dma_start3A_233 = arith.constant 0 : i32
        %dma_start3A_234 = arith.constant 0 : i32
        %dma_start3A_235 = tpu.memref_slice %arg2[%dma_start3A_233, %dma_start3A_234] : memref<10000x128xf32, #tpu.memory_space<hbm>> -> memref<10000x128xf32, #tpu.memory_space<hbm>>
        tpu.enqueue_indirect_dma source(%dma_start3A_235 : memref<10000x128xf32, #tpu.memory_space<hbm>>) target(%arg9 : memref<80x128xf32, #tpu.memory_space<vmem>>) offsets(%dma_start3A_232 : memref<80xi32, #tpu.memory_space<vmem>>) semaphore(%arg13 : memref<!tpu.dma_semaphore, #tpu.memory_space<semaphore_mem>>)
        %dma_wait3A_236 = arith.constant 0 : i32
        %dma_wait3A_237 = tpu.memref_slice %arg6[%mul3A_227, %dma_wait3A_236] : memref<25x80xi32, #tpu.memory_space<vmem>> -> memref<1x80xi32, #tpu.memory_space<vmem>>
        %dma_wait3A_238 = tpu.memref_squeeze %dma_wait3A_237 : memref<1x80xi32, #tpu.memory_space<vmem>> -> memref<80xi32, #tpu.memory_space<vmem>>
        %dma_wait3A_239 = arith.constant 0 : i32
        %dma_wait3A_240 = arith.constant 0 : i32
        %dma_wait3A_241 = tpu.memref_slice %arg2[%dma_wait3A_239, %dma_wait3A_240] : memref<10000x128xf32, #tpu.memory_space<hbm>> -> memref<10000x128xf32, #tpu.memory_space<hbm>>
        tpu.wait_indirect_dma semaphore(%arg12 : memref<!tpu.dma_semaphore, #tpu.memory_space<semaphore_mem>>) src(%dma_wait3A_241 : memref<10000x128xf32, #tpu.memory_space<hbm>>) dst(%arg8 : memref<80x128xf32, #tpu.memory_space<vmem>>)
        "tpu.region"() ({
          %run_scoped3A_260 = tpu.sem_alloc : memref<!tpu.dma_semaphore, #tpu.memory_space<semaphore_mem>>
          %dma_start3A_261 = arith.constant 0 : i32
          %dma_start3A_262 = tpu.memref_slice %arg7[%mul3A_227, %dma_start3A_261] : memref<25x80xi32, #tpu.memory_space<vmem>> -> memref<1x80xi32, #tpu.memory_space<vmem>>
          %dma_start3A_263 = tpu.memref_squeeze %dma_start3A_262 : memref<1x80xi32, #tpu.memory_space<vmem>> -> memref<80xi32, #tpu.memory_space<vmem>>
          %dma_start3A_264 = arith.constant 0 : i32
          %dma_start3A_265 = arith.constant 0 : i32
          %dma_start3A_266 = tpu.memref_slice %arg11[%dma_start3A_264, %dma_start3A_265] : memref<10016x128xf32, #tpu.memory_space<vmem_shared>> -> memref<10016x128xf32, #tpu.memory_space<vmem_shared>>
          tpu.enqueue_indirect_dma source(%arg8 : memref<80x128xf32, #tpu.memory_space<vmem>>) target(%dma_start3A_266 : memref<10016x128xf32, #tpu.memory_space<vmem_shared>>) offsets(%dma_start3A_263 : memref<80xi32, #tpu.memory_space<vmem>>) semaphore(%run_scoped3A_260 : memref<!tpu.dma_semaphore, #tpu.memory_space<semaphore_mem>>) {add = true}
          %dma_wait3A_267 = arith.constant 0 : i32
          %dma_wait3A_268 = tpu.memref_slice %arg7[%mul3A_227, %dma_wait3A_267] : memref<25x80xi32, #tpu.memory_space<vmem>> -> memref<1x80xi32, #tpu.memory_space<vmem>>
          %dma_wait3A_269 = tpu.memref_squeeze %dma_wait3A_268 : memref<1x80xi32, #tpu.memory_space<vmem>> -> memref<80xi32, #tpu.memory_space<vmem>>
          %dma_wait3A_270 = arith.constant 0 : i32
          %dma_wait3A_271 = arith.constant 0 : i32
          %dma_wait3A_272 = tpu.memref_slice %arg11[%dma_wait3A_270, %dma_wait3A_271] : memref<10016x128xf32, #tpu.memory_space<vmem_shared>> -> memref<10016x128xf32, #tpu.memory_space<vmem_shared>>
          tpu.wait_indirect_dma semaphore(%run_scoped3A_260 : memref<!tpu.dma_semaphore, #tpu.memory_space<semaphore_mem>>) src(%arg8 : memref<80x128xf32, #tpu.memory_space<vmem>>) dst(%dma_wait3A_272 : memref<10016x128xf32, #tpu.memory_space<vmem_shared>>)
          tpu.yield
        }) : () -> ()
        %add3A_242 = arith.constant 2 : i32
        %add3A_243 = arith.addi %mul3A_227, %add3A_242 : i32
        %dma_start3A_244 = arith.constant 0 : i32
        %dma_start3A_245 = tpu.memref_slice %arg6[%add3A_243, %dma_start3A_244] : memref<25x80xi32, #tpu.memory_space<vmem>> -> memref<1x80xi32, #tpu.memory_space<vmem>>
        %dma_start3A_246 = tpu.memref_squeeze %dma_start3A_245 : memref<1x80xi32, #tpu.memory_space<vmem>> -> memref<80xi32, #tpu.memory_space<vmem>>
        %dma_start3A_247 = arith.constant 0 : i32
        %dma_start3A_248 = arith.constant 0 : i32
        %dma_start3A_249 = tpu.memref_slice %arg2[%dma_start3A_247, %dma_start3A_248] : memref<10000x128xf32, #tpu.memory_space<hbm>> -> memref<10000x128xf32, #tpu.memory_space<hbm>>
        tpu.enqueue_indirect_dma source(%dma_start3A_249 : memref<10000x128xf32, #tpu.memory_space<hbm>>) target(%arg8 : memref<80x128xf32, #tpu.memory_space<vmem>>) offsets(%dma_start3A_246 : memref<80xi32, #tpu.memory_space<vmem>>) semaphore(%arg12 : memref<!tpu.dma_semaphore, #tpu.memory_space<semaphore_mem>>)
        %add3A_250 = arith.constant 1 : i32
        %add3A_251 = arith.addi %mul3A_227, %add3A_250 : i32
        %dma_wait3A_252 = arith.constant 0 : i32
        %dma_wait3A_253 = tpu.memref_slice %arg6[%add3A_251, %dma_wait3A_252] : memref<25x80xi32, #tpu.memory_space<vmem>> -> memref<1x80xi32, #tpu.memory_space<vmem>>
        %dma_wait3A_254 = tpu.memref_squeeze %dma_wait3A_253 : memref<1x80xi32, #tpu.memory_space<vmem>> -> memref<80xi32, #tpu.memory_space<vmem>>
        %dma_wait3A_255 = arith.constant 0 : i32
        %dma_wait3A_256 = arith.constant 0 : i32
        %dma_wait3A_257 = tpu.memref_slice %arg2[%dma_wait3A_255, %dma_wait3A_256] : memref<10000x128xf32, #tpu.memory_space<hbm>> -> memref<10000x128xf32, #tpu.memory_space<hbm>>
        tpu.wait_indirect_dma semaphore(%arg13 : memref<!tpu.dma_semaphore, #tpu.memory_space<semaphore_mem>>) src(%dma_wait3A_257 : memref<10000x128xf32, #tpu.memory_space<hbm>>) dst(%arg9 : memref<80x128xf32, #tpu.memory_space<vmem>>)
        %add3A_258 = arith.constant 1 : i32
        %add3A_259 = arith.addi %mul3A_227, %add3A_258 : i32
        "tpu.region"() ({
          %run_scoped3A_260 = tpu.sem_alloc : memref<!tpu.dma_semaphore, #tpu.memory_space<semaphore_mem>>
          %dma_start3A_261 = arith.constant 0 : i32
          %dma_start3A_262 = tpu.memref_slice %arg7[%add3A_259, %dma_start3A_261] : memref<25x80xi32, #tpu.memory_space<vmem>> -> memref<1x80xi32, #tpu.memory_space<vmem>>
          %dma_start3A_263 = tpu.memref_squeeze %dma_start3A_262 : memref<1x80xi32, #tpu.memory_space<vmem>> -> memref<80xi32, #tpu.memory_space<vmem>>
          %dma_start3A_264 = arith.constant 0 : i32
          %dma_start3A_265 = arith.constant 0 : i32
          %dma_start3A_266 = tpu.memref_slice %arg11[%dma_start3A_264, %dma_start3A_265] : memref<10016x128xf32, #tpu.memory_space<vmem_shared>> -> memref<10016x128xf32, #tpu.memory_space<vmem_shared>>
          tpu.enqueue_indirect_dma source(%arg9 : memref<80x128xf32, #tpu.memory_space<vmem>>) target(%dma_start3A_266 : memref<10016x128xf32, #tpu.memory_space<vmem_shared>>) offsets(%dma_start3A_263 : memref<80xi32, #tpu.memory_space<vmem>>) semaphore(%run_scoped3A_260 : memref<!tpu.dma_semaphore, #tpu.memory_space<semaphore_mem>>) {add = true}
          %dma_wait3A_267 = arith.constant 0 : i32
          %dma_wait3A_268 = tpu.memref_slice %arg7[%add3A_259, %dma_wait3A_267] : memref<25x80xi32, #tpu.memory_space<vmem>> -> memref<1x80xi32, #tpu.memory_space<vmem>>
          %dma_wait3A_269 = tpu.memref_squeeze %dma_wait3A_268 : memref<1x80xi32, #tpu.memory_space<vmem>> -> memref<80xi32, #tpu.memory_space<vmem>>
          %dma_wait3A_270 = arith.constant 0 : i32
          %dma_wait3A_271 = arith.constant 0 : i32
          %dma_wait3A_272 = tpu.memref_slice %arg11[%dma_wait3A_270, %dma_wait3A_271] : memref<10016x128xf32, #tpu.memory_space<vmem_shared>> -> memref<10016x128xf32, #tpu.memory_space<vmem_shared>>
          tpu.wait_indirect_dma semaphore(%run_scoped3A_260 : memref<!tpu.dma_semaphore, #tpu.memory_space<semaphore_mem>>) src(%arg9 : memref<80x128xf32, #tpu.memory_space<vmem>>) dst(%dma_wait3A_272 : memref<10016x128xf32, #tpu.memory_space<vmem_shared>>)
          tpu.yield
        }) : () -> ()
      }
      %scan3A_218 = arith.constant 12 : i32
      %dma_wait3A = arith.constant 24 : i32
      %dma_wait3A_219 = arith.constant 0 : i32
      %dma_wait3A_220 = tpu.memref_slice %arg6[%dma_wait3A, %dma_wait3A_219] : memref<25x80xi32, #tpu.memory_space<vmem>> -> memref<1x80xi32, #tpu.memory_space<vmem>>
      %dma_wait3A_221 = tpu.memref_squeeze %dma_wait3A_220 : memref<1x80xi32, #tpu.memory_space<vmem>> -> memref<80xi32, #tpu.memory_space<vmem>>
      %dma_wait3A_222 = arith.constant 0 : i32
      %dma_wait3A_223 = arith.constant 0 : i32
      %dma_wait3A_224 = tpu.memref_slice %arg2[%dma_wait3A_222, %dma_wait3A_223] : memref<10000x128xf32, #tpu.memory_space<hbm>> -> memref<10000x128xf32, #tpu.memory_space<hbm>>
      tpu.wait_indirect_dma semaphore(%arg12 : memref<!tpu.dma_semaphore, #tpu.memory_space<semaphore_mem>>) src(%dma_wait3A_224 : memref<10000x128xf32, #tpu.memory_space<hbm>>) dst(%arg8 : memref<80x128xf32, #tpu.memory_space<vmem>>)
      %run_scoped3A = arith.constant 24 : i32
      "tpu.region"() ({
        %run_scoped3A_225 = tpu.sem_alloc : memref<!tpu.dma_semaphore, #tpu.memory_space<semaphore_mem>>
        %dma_start3A_226 = arith.constant 0 : i32
        %dma_start3A_227 = tpu.memref_slice %arg7[%run_scoped3A, %dma_start3A_226] : memref<25x80xi32, #tpu.memory_space<vmem>> -> memref<1x80xi32, #tpu.memory_space<vmem>>
        %dma_start3A_228 = tpu.memref_squeeze %dma_start3A_227 : memref<1x80xi32, #tpu.memory_space<vmem>> -> memref<80xi32, #tpu.memory_space<vmem>>
        %dma_start3A_229 = arith.constant 0 : i32
        %dma_start3A_230 = arith.constant 0 : i32
        %dma_start3A_231 = tpu.memref_slice %arg11[%dma_start3A_229, %dma_start3A_230] : memref<10016x128xf32, #tpu.memory_space<vmem_shared>> -> memref<10016x128xf32, #tpu.memory_space<vmem_shared>>
        tpu.enqueue_indirect_dma source(%arg8 : memref<80x128xf32, #tpu.memory_space<vmem>>) target(%dma_start3A_231 : memref<10016x128xf32, #tpu.memory_space<vmem_shared>>) offsets(%dma_start3A_228 : memref<80xi32, #tpu.memory_space<vmem>>) semaphore(%run_scoped3A_225 : memref<!tpu.dma_semaphore, #tpu.memory_space<semaphore_mem>>) {add = true}
        %dma_wait3A_232 = arith.constant 0 : i32
        %dma_wait3A_233 = tpu.memref_slice %arg7[%run_scoped3A, %dma_wait3A_232] : memref<25x80xi32, #tpu.memory_space<vmem>> -> memref<1x80xi32, #tpu.memory_space<vmem>>
        %dma_wait3A_234 = tpu.memref_squeeze %dma_wait3A_233 : memref<1x80xi32, #tpu.memory_space<vmem>> -> memref<80xi32, #tpu.memory_space<vmem>>
        %dma_wait3A_235 = arith.constant 0 : i32
        %dma_wait3A_236 = arith.constant 0 : i32
        %dma_wait3A_237 = tpu.memref_slice %arg11[%dma_wait3A_235, %dma_wait3A_236] : memref<10016x128xf32, #tpu.memory_space<vmem_shared>> -> memref<10016x128xf32, #tpu.memory_space<vmem_shared>>
        tpu.wait_indirect_dma semaphore(%run_scoped3A_225 : memref<!tpu.dma_semaphore, #tpu.memory_space<semaphore_mem>>) src(%arg8 : memref<80x128xf32, #tpu.memory_space<vmem>>) dst(%dma_wait3A_237 : memref<10016x128xf32, #tpu.memory_space<vmem_shared>>)
        tpu.yield
      }) : () -> ()
    }
    %scan3A_198 = arith.constant 5 : i32
    %barrier3A_199 = arith.constant 0 : index
    tpu.barrier barrier_id(%barrier3A_199)
    %scan3A_200 = arith.constant 0 : i32
    %scan3A_201 = arith.constant 0 : i32
    %scan3A_202 = arith.constant 8 : i32
    %scan3A_203 = arith.addi %scan3A_201, %scan3A_202 : i32
    %scan3A_204 = arith.constant 1 : i32
    scf.for %scan3A_206 = %scan3A_201 to %scan3A_203 step %scan3A_204  : i32 {
      %mul3A_207 = arith.constant 80 : i32
      %mul3A_208 = arith.muli %scan3A_206, %mul3A_207 : i32
      %add3A_209 = arith.addi %mul3A_8, %mul3A_208 : i32
      %lt3A_210 = arith.constant 10000 : i32
      %lt3A_211 = arith.cmpi slt, %add3A_209, %lt3A_210 : i32
      %convert_element_type3A_212 = arith.extui %lt3A_211 : i1 to i32
      %cond3A_213 = arith.constant 0 : i32
      %cond3A_214 = arith.cmpi ne, %convert_element_type3A_212, %cond3A_213 : i32
      scf.if %cond3A_214 {
        "tpu.region"() ({
          %run_scoped3A = tpu.sem_alloc : memref<!tpu.dma_semaphore, #tpu.memory_space<semaphore_mem>>
          %dma_start3A = arith.constant 0 : i32
          %dma_start3A_215 = tpu.memref_slice %arg5[%arg0, %add3A_209, %dma_start3A] : memref<2x10000x128xf32, #tpu.memory_space<hbm>> -> memref<1x80x128xf32, #tpu.memory_space<hbm>>
          %dma_start3A_216 = tpu.memref_squeeze %dma_start3A_215 : memref<1x80x128xf32, #tpu.memory_space<hbm>> -> memref<80x128xf32, #tpu.memory_space<hbm>>
          %dma_start3A_217 = arith.constant 0 : i32
          %dma_start3A_218 = tpu.memref_slice %arg11[%add3A_209, %dma_start3A_217] : memref<10016x128xf32, #tpu.memory_space<vmem_shared>> -> memref<80x128xf32, #tpu.memory_space<vmem_shared>>
          tpu.enqueue_dma source(%dma_start3A_218 : memref<80x128xf32, #tpu.memory_space<vmem_shared>>) target(%dma_start3A_216 : memref<80x128xf32, #tpu.memory_space<hbm>>) target_semaphore(%run_scoped3A : memref<!tpu.dma_semaphore, #tpu.memory_space<semaphore_mem>>)
          %dma_wait3A = arith.constant 0 : i32
          %dma_wait3A_219 = tpu.memref_slice %arg5[%arg0, %add3A_209, %dma_wait3A] : memref<2x10000x128xf32, #tpu.memory_space<hbm>> -> memref<1x80x128xf32, #tpu.memory_space<hbm>>
          %dma_wait3A_220 = tpu.memref_squeeze %dma_wait3A_219 : memref<1x80x128xf32, #tpu.memory_space<hbm>> -> memref<80x128xf32, #tpu.memory_space<hbm>>
          %dma_wait3A_221 = arith.constant 0 : i32
          %dma_wait3A_222 = tpu.memref_slice %arg11[%add3A_209, %dma_wait3A_221] : memref<10016x128xf32, #tpu.memory_space<vmem_shared>> -> memref<80x128xf32, #tpu.memory_space<vmem_shared>>
          tpu.wait_dma2 semaphore(%run_scoped3A : memref<!tpu.dma_semaphore, #tpu.memory_space<semaphore_mem>>) src(%dma_wait3A_222 : memref<80x128xf32, #tpu.memory_space<vmem_shared>>) dst(%dma_wait3A_220 : memref<80x128xf32, #tpu.memory_space<hbm>>)
          tpu.yield
        }) : () -> ()
      } else {
      }
    }
    %scan3A_205 = arith.constant 8 : i32
    return
  }
}

module attributes {stable_mosaic.version = 14 : i64} {
  func.func @_layer_body(%arg0: i32, %arg1: memref<1x1000x128xf32, #tpu.memory_space<vmem>>, %arg2: memref<1x1000x128xf32, #tpu.memory_space<vmem>>, %arg3: memref<1000x32xf32, #tpu.memory_space<vmem>>, %arg4: memref<1000x128xf32, #tpu.memory_space<vmem>>, %arg5: memref<128x128xf32, #tpu.memory_space<vmem>>, %arg6: memref<128x128xf32, #tpu.memory_space<vmem>>, %arg7: memref<1x128xf32, #tpu.memory_space<vmem>>, %arg8: memref<1000x128xf32, #tpu.memory_space<vmem>>) attributes {dimension_semantics = [#tpu.dimension_semantics<arbitrary>], iteration_bounds = array<i64: 10>, scalar_prefetch = 0 : i64, scratch_operands = 0 : i64, tpu.core_type = #tpu.core_type<tc>, window_params = [{transform_indices = @transform_0, window_bounds = array<i64: 1, 1000, 128>}, {transform_indices = @transform_1, window_bounds = array<i64: 1, 1000, 128>}, {transform_indices = @transform_2, window_bounds = array<i64: 1000, 32>}, {transform_indices = @transform_3, window_bounds = array<i64: 1000, 128>}, {pipeline_mode = #tpu.pipeline_mode<synchronous>, transform_indices = @transform_4, window_bounds = array<i64: 128, 128>}, {pipeline_mode = #tpu.pipeline_mode<synchronous>, transform_indices = @transform_5, window_bounds = array<i64: 128, 128>}, {pipeline_mode = #tpu.pipeline_mode<synchronous>, transform_indices = @transform_6, window_bounds = array<i64: 1, 128>}, {transform_indices = @transform_7, window_bounds = array<i64: 1000, 128>}]} {
    %get3A = arith.constant 0 : index
    %get3A_0 = arith.constant 0 : index
    %get3A_1 = arith.constant 0 : index
    %get3A_2 = vector.load %arg1[%get3A, %get3A_0, %get3A_1] : memref<1x1000x128xf32, #tpu.memory_space<vmem>>, vector<1x1000x128xf32>
    %get3A_3 = vector.shape_cast %get3A_2 : vector<1x1000x128xf32> to vector<1000x128xf32>
    %get3A_4 = arith.constant 0 : index
    %get3A_5 = arith.constant 0 : index
    %get3A_6 = arith.constant 0 : index
    %get3A_7 = vector.load %arg2[%get3A_4, %get3A_5, %get3A_6] : memref<1x1000x128xf32, #tpu.memory_space<vmem>>, vector<1x1000x128xf32>
    %get3A_8 = vector.shape_cast %get3A_7 : vector<1x1000x128xf32> to vector<1000x128xf32>
    %add3A = arith.addf %get3A_3, %get3A_8 : vector<1000x128xf32>
    %get3A_9 = arith.constant 0 : index
    %get3A_10 = arith.constant 0 : index
    %get3A_11 = vector.load %arg3[%get3A_9, %get3A_10] : memref<1000x32xf32, #tpu.memory_space<vmem>>, vector<1000x32xf32>
    %reduce_sum3A = arith.constant dense<0.000000e+00> : vector<1000xf32>
    %reduce_sum3A_12 = vector.multi_reduction <add>, %get3A_11, %reduce_sum3A [1] : vector<1000x32xf32> to vector<1000xf32>
    %broadcast_in_dim3A = vector.shape_cast %reduce_sum3A_12 : vector<1000xf32> to vector<1000x1xf32>
    %mul3A = arith.constant 6.250000e-02 : f32
    %mul3A_13 = vector.broadcast %mul3A : f32 to vector<1000x1xf32>
    %mul3A_14 = arith.mulf %broadcast_in_dim3A, %mul3A_13 : vector<1000x1xf32>
    %max3A = arith.constant 1.000000e+00 : f32
    %max3A_15 = vector.broadcast %max3A : f32 to vector<1000x1xf32>
    %max3A_16 = arith.maximumf %mul3A_14, %max3A_15 : vector<1000x1xf32>
    %div3A = arith.constant 1.000000e+00 : f32
    %div3A_17 = vector.broadcast %div3A : f32 to vector<1000x1xf32>
    %div3A_18 = arith.divf %div3A_17, %max3A_16 : vector<1000x1xf32>
    %mul3A_19 = vector.broadcast %div3A_18 : vector<1000x1xf32> to vector<1000x128xf32>
    %mul3A_20 = arith.mulf %add3A, %mul3A_19 : vector<1000x128xf32>
    %get3A_21 = arith.constant 0 : index
    %get3A_22 = arith.constant 0 : index
    %get3A_23 = vector.load %arg5[%get3A_21, %get3A_22] : memref<128x128xf32, #tpu.memory_space<vmem>>, vector<128x128xf32>
    %dot_general3A = arith.constant dense<0.000000e+00> : vector<1000x128xf32>
    %dot_general3A_24 = tpu.matmul %mul3A_20, %get3A_23, %dot_general3A {dimension_numbers = #tpu.dot_dimension_numbers<[1], [0], [0], [1], [0, 0, 1, 1], [], []>, transpose_lhs_hint = false} : vector<1000x128xf32>, vector<128x128xf32>, vector<1000x128xf32> -> vector<1000x128xf32>
    %get3A_25 = arith.constant 0 : index
    %get3A_26 = arith.constant 0 : index
    %get3A_27 = vector.load %arg4[%get3A_25, %get3A_26] : memref<1000x128xf32, #tpu.memory_space<vmem>>, vector<1000x128xf32>
    %get3A_28 = arith.constant 0 : index
    %get3A_29 = arith.constant 0 : index
    %get3A_30 = vector.load %arg6[%get3A_28, %get3A_29] : memref<128x128xf32, #tpu.memory_space<vmem>>, vector<128x128xf32>
    %dot_general3A_31 = arith.constant dense<0.000000e+00> : vector<1000x128xf32>
    %dot_general3A_32 = tpu.matmul %get3A_27, %get3A_30, %dot_general3A_31 {dimension_numbers = #tpu.dot_dimension_numbers<[1], [0], [0], [1], [0, 0, 1, 1], [], []>, transpose_lhs_hint = false} : vector<1000x128xf32>, vector<128x128xf32>, vector<1000x128xf32> -> vector<1000x128xf32>
    %add3A_33 = arith.addf %dot_general3A_24, %dot_general3A_32 : vector<1000x128xf32>
    %get3A_34 = arith.constant 0 : index
    %get3A_35 = arith.constant 0 : index
    %get3A_36 = vector.load %arg7[%get3A_34, %get3A_35] : memref<1x128xf32, #tpu.memory_space<vmem>>, vector<1x128xf32>
    %add3A_37 = vector.broadcast %get3A_36 : vector<1x128xf32> to vector<1000x128xf32>
    %add3A_38 = arith.addf %add3A_33, %add3A_37 : vector<1000x128xf32>
    %max3A_39 = arith.constant 0.000000e+00 : f32
    %max3A_40 = vector.broadcast %max3A_39 : f32 to vector<1000x128xf32>
    %max3A_41 = arith.maximumf %add3A_38, %max3A_40 : vector<1000x128xf32>
    %swap3A = arith.constant 0 : index
    %swap3A_42 = arith.constant 0 : index
    %swap3A_43 = vector.load %arg8[%swap3A, %swap3A_42] : memref<1000x128xf32, #tpu.memory_space<vmem>>, vector<1000x128xf32>
    tpu.vector_store %arg8[%swap3A, %swap3A_42], %max3A_41 {strides = array<i32>} : memref<1000x128xf32, #tpu.memory_space<vmem>>, vector<1000x128xf32>,
    return
  }
  func.func @transform_0(%arg0: i32) -> (i32, i32, i32) {
    %c0_i32 = arith.constant 0 : i32
    %c0_i32_0 = arith.constant 0 : i32
    %c0_i32_1 = arith.constant 0 : i32
    return %c0_i32, %arg0, %c0_i32_0 : i32, i32, i32
  }
  func.func @transform_1(%arg0: i32) -> (i32, i32, i32) {
    %c1_i32 = arith.constant 1 : i32
    %c0_i32 = arith.constant 0 : i32
    %c0_i32_0 = arith.constant 0 : i32
    return %c1_i32, %arg0, %c0_i32 : i32, i32, i32
  }
  func.func @transform_2(%arg0: i32) -> (i32, i32) {
    %c0_i32 = arith.constant 0 : i32
    %c0_i32_0 = arith.constant 0 : i32
    return %arg0, %c0_i32 : i32, i32
  }
  func.func @transform_3(%arg0: i32) -> (i32, i32) {
    %c0_i32 = arith.constant 0 : i32
    %c0_i32_0 = arith.constant 0 : i32
    return %arg0, %c0_i32 : i32, i32
  }
  func.func @transform_4(%arg0: i32) -> (i32, i32) {
    %c0_i32 = arith.constant 0 : i32
    %c0_i32_0 = arith.constant 0 : i32
    %c0_i32_1 = arith.constant 0 : i32
    return %c0_i32, %c0_i32_0 : i32, i32
  }
  func.func @transform_5(%arg0: i32) -> (i32, i32) {
    %c0_i32 = arith.constant 0 : i32
    %c0_i32_0 = arith.constant 0 : i32
    %c0_i32_1 = arith.constant 0 : i32
    return %c0_i32, %c0_i32_0 : i32, i32
  }
  func.func @transform_6(%arg0: i32) -> (i32, i32) {
    %c0_i32 = arith.constant 0 : i32
    %c0_i32_0 = arith.constant 0 : i32
    %c0_i32_1 = arith.constant 0 : i32
    return %c0_i32, %c0_i32_0 : i32, i32
  }
  func.func @transform_7(%arg0: i32) -> (i32, i32) {
    %c0_i32 = arith.constant 0 : i32
    %c0_i32_0 = arith.constant 0 : i32
    return %arg0, %c0_i32 : i32, i32
  }
}

module attributes {stable_mosaic.version = 14 : i64} {
  func.func @_layer2_body(%arg0: i32, %arg1: memref<1x1000x128xf32, #tpu.memory_space<vmem>>, %arg2: memref<1x1000x128xf32, #tpu.memory_space<vmem>>, %arg3: memref<1000x32xf32, #tpu.memory_space<vmem>>, %arg4: memref<1000x128xf32, #tpu.memory_space<vmem>>, %arg5: memref<128x128xf32, #tpu.memory_space<vmem>>, %arg6: memref<128x128xf32, #tpu.memory_space<vmem>>, %arg7: memref<1x128xf32, #tpu.memory_space<vmem>>, %arg8: memref<128x128xf32, #tpu.memory_space<vmem>>, %arg9: memref<1x128xf32, #tpu.memory_space<vmem>>, %arg10: memref<1000x128xf32, #tpu.memory_space<vmem>>, %arg11: memref<1000x128xf32, #tpu.memory_space<vmem>>) attributes {dimension_semantics = [#tpu.dimension_semantics<arbitrary>], iteration_bounds = array<i64: 10>, scalar_prefetch = 0 : i64, scratch_operands = 0 : i64, tpu.core_type = #tpu.core_type<tc>, window_params = [{transform_indices = @transform_0, window_bounds = array<i64: 1, 1000, 128>}, {transform_indices = @transform_1, window_bounds = array<i64: 1, 1000, 128>}, {transform_indices = @transform_2, window_bounds = array<i64: 1000, 32>}, {transform_indices = @transform_3, window_bounds = array<i64: 1000, 128>}, {pipeline_mode = #tpu.pipeline_mode<synchronous>, transform_indices = @transform_4, window_bounds = array<i64: 128, 128>}, {pipeline_mode = #tpu.pipeline_mode<synchronous>, transform_indices = @transform_5, window_bounds = array<i64: 128, 128>}, {pipeline_mode = #tpu.pipeline_mode<synchronous>, transform_indices = @transform_6, window_bounds = array<i64: 1, 128>}, {pipeline_mode = #tpu.pipeline_mode<synchronous>, transform_indices = @transform_7, window_bounds = array<i64: 128, 128>}, {pipeline_mode = #tpu.pipeline_mode<synchronous>, transform_indices = @transform_8, window_bounds = array<i64: 1, 128>}, {transform_indices = @transform_9, window_bounds = array<i64: 1000, 128>}, {transform_indices = @transform_10, window_bounds = array<i64: 1000, 128>}]} {
    %get3A = arith.constant 0 : index
    %get3A_0 = arith.constant 0 : index
    %get3A_1 = arith.constant 0 : index
    %get3A_2 = vector.load %arg1[%get3A, %get3A_0, %get3A_1] : memref<1x1000x128xf32, #tpu.memory_space<vmem>>, vector<1x1000x128xf32>
    %get3A_3 = vector.shape_cast %get3A_2 : vector<1x1000x128xf32> to vector<1000x128xf32>
    %get3A_4 = arith.constant 0 : index
    %get3A_5 = arith.constant 0 : index
    %get3A_6 = arith.constant 0 : index
    %get3A_7 = vector.load %arg2[%get3A_4, %get3A_5, %get3A_6] : memref<1x1000x128xf32, #tpu.memory_space<vmem>>, vector<1x1000x128xf32>
    %get3A_8 = vector.shape_cast %get3A_7 : vector<1x1000x128xf32> to vector<1000x128xf32>
    %add3A = arith.addf %get3A_3, %get3A_8 : vector<1000x128xf32>
    %get3A_9 = arith.constant 0 : index
    %get3A_10 = arith.constant 0 : index
    %get3A_11 = vector.load %arg3[%get3A_9, %get3A_10] : memref<1000x32xf32, #tpu.memory_space<vmem>>, vector<1000x32xf32>
    %reduce_sum3A = arith.constant dense<0.000000e+00> : vector<1000xf32>
    %reduce_sum3A_12 = vector.multi_reduction <add>, %get3A_11, %reduce_sum3A [1] : vector<1000x32xf32> to vector<1000xf32>
    %broadcast_in_dim3A = vector.shape_cast %reduce_sum3A_12 : vector<1000xf32> to vector<1000x1xf32>
    %mul3A = arith.constant 6.250000e-02 : f32
    %mul3A_13 = vector.broadcast %mul3A : f32 to vector<1000x1xf32>
    %mul3A_14 = arith.mulf %broadcast_in_dim3A, %mul3A_13 : vector<1000x1xf32>
    %max3A = arith.constant 1.000000e+00 : f32
    %max3A_15 = vector.broadcast %max3A : f32 to vector<1000x1xf32>
    %max3A_16 = arith.maximumf %mul3A_14, %max3A_15 : vector<1000x1xf32>
    %div3A = arith.constant 1.000000e+00 : f32
    %div3A_17 = vector.broadcast %div3A : f32 to vector<1000x1xf32>
    %div3A_18 = arith.divf %div3A_17, %max3A_16 : vector<1000x1xf32>
    %mul3A_19 = vector.broadcast %div3A_18 : vector<1000x1xf32> to vector<1000x128xf32>
    %mul3A_20 = arith.mulf %add3A, %mul3A_19 : vector<1000x128xf32>
    %get3A_21 = arith.constant 0 : index
    %get3A_22 = arith.constant 0 : index
    %get3A_23 = vector.load %arg5[%get3A_21, %get3A_22] : memref<128x128xf32, #tpu.memory_space<vmem>>, vector<128x128xf32>
    %dot_general3A = arith.constant dense<0.000000e+00> : vector<1000x128xf32>
    %dot_general3A_24 = tpu.matmul %mul3A_20, %get3A_23, %dot_general3A {dimension_numbers = #tpu.dot_dimension_numbers<[1], [0], [0], [1], [0, 0, 1, 1], [], []>, transpose_lhs_hint = false} : vector<1000x128xf32>, vector<128x128xf32>, vector<1000x128xf32> -> vector<1000x128xf32>
    %get3A_25 = arith.constant 0 : index
    %get3A_26 = arith.constant 0 : index
    %get3A_27 = vector.load %arg4[%get3A_25, %get3A_26] : memref<1000x128xf32, #tpu.memory_space<vmem>>, vector<1000x128xf32>
    %get3A_28 = arith.constant 0 : index
    %get3A_29 = arith.constant 0 : index
    %get3A_30 = vector.load %arg6[%get3A_28, %get3A_29] : memref<128x128xf32, #tpu.memory_space<vmem>>, vector<128x128xf32>
    %dot_general3A_31 = arith.constant dense<0.000000e+00> : vector<1000x128xf32>
    %dot_general3A_32 = tpu.matmul %get3A_27, %get3A_30, %dot_general3A_31 {dimension_numbers = #tpu.dot_dimension_numbers<[1], [0], [0], [1], [0, 0, 1, 1], [], []>, transpose_lhs_hint = false} : vector<1000x128xf32>, vector<128x128xf32>, vector<1000x128xf32> -> vector<1000x128xf32>
    %add3A_33 = arith.addf %dot_general3A_24, %dot_general3A_32 : vector<1000x128xf32>
    %get3A_34 = arith.constant 0 : index
    %get3A_35 = arith.constant 0 : index
    %get3A_36 = vector.load %arg7[%get3A_34, %get3A_35] : memref<1x128xf32, #tpu.memory_space<vmem>>, vector<1x128xf32>
    %add3A_37 = vector.broadcast %get3A_36 : vector<1x128xf32> to vector<1000x128xf32>
    %add3A_38 = arith.addf %add3A_33, %add3A_37 : vector<1000x128xf32>
    %swap3A = arith.constant 0 : index
    %swap3A_39 = arith.constant 0 : index
    %swap3A_40 = vector.load %arg10[%swap3A, %swap3A_39] : memref<1000x128xf32, #tpu.memory_space<vmem>>, vector<1000x128xf32>
    tpu.vector_store %arg10[%swap3A, %swap3A_39], %add3A_38 {strides = array<i32>} : memref<1000x128xf32, #tpu.memory_space<vmem>>, vector<1000x128xf32>,
    %get3A_41 = arith.constant 0 : index
    %get3A_42 = arith.constant 0 : index
    %get3A_43 = vector.load %arg8[%get3A_41, %get3A_42] : memref<128x128xf32, #tpu.memory_space<vmem>>, vector<128x128xf32>
    %dot_general3A_44 = arith.constant dense<0.000000e+00> : vector<1000x128xf32>
    %dot_general3A_45 = tpu.matmul %add3A_38, %get3A_43, %dot_general3A_44 {dimension_numbers = #tpu.dot_dimension_numbers<[1], [0], [0], [1], [0, 0, 1, 1], [], []>, transpose_lhs_hint = false} : vector<1000x128xf32>, vector<128x128xf32>, vector<1000x128xf32> -> vector<1000x128xf32>
    %get3A_46 = arith.constant 0 : index
    %get3A_47 = arith.constant 0 : index
    %get3A_48 = vector.load %arg9[%get3A_46, %get3A_47] : memref<1x128xf32, #tpu.memory_space<vmem>>, vector<1x128xf32>
    %add3A_49 = vector.broadcast %get3A_48 : vector<1x128xf32> to vector<1000x128xf32>
    %add3A_50 = arith.addf %dot_general3A_45, %add3A_49 : vector<1000x128xf32>
    %swap3A_51 = arith.constant 0 : index
    %swap3A_52 = arith.constant 0 : index
    %swap3A_53 = vector.load %arg11[%swap3A_51, %swap3A_52] : memref<1000x128xf32, #tpu.memory_space<vmem>>, vector<1000x128xf32>
    tpu.vector_store %arg11[%swap3A_51, %swap3A_52], %add3A_50 {strides = array<i32>} : memref<1000x128xf32, #tpu.memory_space<vmem>>, vector<1000x128xf32>,
    return
  }
  func.func @transform_0(%arg0: i32) -> (i32, i32, i32) {
    %c0_i32 = arith.constant 0 : i32
    %c0_i32_0 = arith.constant 0 : i32
    %c0_i32_1 = arith.constant 0 : i32
    return %c0_i32, %arg0, %c0_i32_0 : i32, i32, i32
  }
  func.func @transform_1(%arg0: i32) -> (i32, i32, i32) {
    %c1_i32 = arith.constant 1 : i32
    %c0_i32 = arith.constant 0 : i32
    %c0_i32_0 = arith.constant 0 : i32
    return %c1_i32, %arg0, %c0_i32 : i32, i32, i32
  }
  func.func @transform_2(%arg0: i32) -> (i32, i32) {
    %c0_i32 = arith.constant 0 : i32
    %c0_i32_0 = arith.constant 0 : i32
    return %arg0, %c0_i32 : i32, i32
  }
  func.func @transform_3(%arg0: i32) -> (i32, i32) {
    %c0_i32 = arith.constant 0 : i32
    %c0_i32_0 = arith.constant 0 : i32
    return %arg0, %c0_i32 : i32, i32
  }
  func.func @transform_4(%arg0: i32) -> (i32, i32) {
    %c0_i32 = arith.constant 0 : i32
    %c0_i32_0 = arith.constant 0 : i32
    %c0_i32_1 = arith.constant 0 : i32
    return %c0_i32, %c0_i32_0 : i32, i32
  }
  func.func @transform_5(%arg0: i32) -> (i32, i32) {
    %c0_i32 = arith.constant 0 : i32
    %c0_i32_0 = arith.constant 0 : i32
    %c0_i32_1 = arith.constant 0 : i32
    return %c0_i32, %c0_i32_0 : i32, i32
  }
  func.func @transform_6(%arg0: i32) -> (i32, i32) {
    %c0_i32 = arith.constant 0 : i32
    %c0_i32_0 = arith.constant 0 : i32
    %c0_i32_1 = arith.constant 0 : i32
    return %c0_i32, %c0_i32_0 : i32, i32
  }
  func.func @transform_7(%arg0: i32) -> (i32, i32) {
    %c0_i32 = arith.constant 0 : i32
    %c0_i32_0 = arith.constant 0 : i32
    %c0_i32_1 = arith.constant 0 : i32
    return %c0_i32, %c0_i32_0 : i32, i32
  }
  func.func @transform_8(%arg0: i32) -> (i32, i32) {
    %c0_i32 = arith.constant 0 : i32
    %c0_i32_0 = arith.constant 0 : i32
    %c0_i32_1 = arith.constant 0 : i32
    return %c0_i32, %c0_i32_0 : i32, i32
  }
  func.func @transform_9(%arg0: i32) -> (i32, i32) {
    %c0_i32 = arith.constant 0 : i32
    %c0_i32_0 = arith.constant 0 : i32
    return %arg0, %c0_i32 : i32, i32
  }
  func.func @transform_10(%arg0: i32) -> (i32, i32) {
    %c0_i32 = arith.constant 0 : i32
    %c0_i32_0 = arith.constant 0 : i32
    return %arg0, %c0_i32 : i32, i32
  }
}

</mosaic_0001>

<sc_bundles>
// kernel: kernel.12.cloned.1.call-start
scs
__scs_entry_jumppad:
0x0: {  	(pc) =	sbr.rel $0x88, $3  }
0x1: {  	(tag) =	ssettag $0x0;
	lr =	simm.s32 $0x1  }
0x2: {  	[smem:$0x3F8E] =	sst lr;
	_ =	strace $0xD0000000  }
0x3: {  	_ = 	snop  }
0x4: {  	_ = 	snop  }
0x5: {  	_ = 	snop  }
0x6: {  	_ = 	snop  }
0x7: {  	_ = 	snop  }
__scs_overlays_trampoline_lowered:
0x8: {  	[smem:$0x3F9D] =	sst s0  }
0x9: {  	[smem:$0x3F9E] =	sst s1  }
0xa: {  	[smem:$0x3F9F] =	sst s2  }
0xb: {  	[smem:$0x3FA0] =	sst s3  }
0xc: {  	[smem:$0x3FA1] =	sst s4  }
0xd: {  	[smem:$0x3FA2] =	sst s5  }
0xe: {  	[smem:$0x3FA3] =	sst s6  }
0xf: {  	[smem:$0x3FA4] =	sst s7  }
0x10: {  	[smem:$0x3FA5] =	sst s8  }
0x11: {  	[smem:$0x3FA6] =	sst s9;
	s0 =	simm.s32 @!p0 $0x0  }
0x12: {  	s1 =	sld [smem:$0x3F8C];
	s0 =	simm.s32 @p0 $0x1  }
0x13: {  	[smem:$0x3FA7] =	sst s0;
	s0 =	simm.s32 @!p1 $0x0  }
0x14: {  	s2 =	sld [smem:$0x3F8B];
	s0 =	simm.s32 @p1 $0x1  }
0x15: {  	[smem:$0x3FA8] =	sst s0;
	s0 =	simm.s32 @!p2 $0x0  }
0x16: {  	s3 =	sld [smem:$0x3FDB];
	s0 =	simm.s32 @p2 $0x1  }
0x17: {  	s4 =	simm.s32 $0x1BF5;
	[smem:$0x3FAA] =	sst s0  }
0x18: {  	s0 =	sld [smem:$0x3F8D];
	_ =	swait.ge [sflag:s4], $0x0  }
0x19: {  	s7 =	sld [smem:$0x3F8E]  }
0x1a: {  	s8 =	sadd.s32 $0xFFFFE003, lr  }
0x1b: {  	s9 =	sadd.s32 $0xFFFFFEF7, lr;
	s5 =	simm.s32 $0xFFFFFFFF;
	p2 =	slt.u32 s8, $0xFFFFF086  }
0x1c: {  	p1 =	slt.u32 s9, $0xF7A;
	s5 =	simm.s32 @!p2 $0x0  }
0x1d: {  	s5 =	simm.s32 @p1 $0x1;
	p0 =	seq.s32 s7, s2  }
0x1e: {  	s7 =	smul.u32 @!p0 $0xF7A, s2;
	p2 =	seq.s32 @!p0 s5, $0x0  }
0x1f: {  	s9 =	smul.u32 $0xF7A, s1;
	s8 =	simm.s32 @!p0 $0x1BF5;
	p2 =	por !p2, p0  }
0x20: {  	[sflag:s8] =	ssyncset.s32 @!p0 $0xFFFFF086;
	s6 =	sadd.s32 @!p0 s3, s7;
	s7 =	simm.s32 @!p0 $0x108  }
0x21: {  	s3 =	sadd.s32 s3, s9;
	s6 =	sadd.s32 @!p0 $0x88, s6;
	s7 =	simm.s32 @p2 $0x1082  }
0x22: {  	[simem:s7], [sflag:s8] =	dma.local @!p0 [hbm:s6], $0xF7A  }
0x23: {  	s9 =	sor.u32 $0xD0000000, s2;
	s6 =	simm.s32 $0x108;
	_ =	swait.ge @!p0 [sflag:s8], $0x0  }
0x24: {  	s3 =	sadd.s32 $0x88, s3;
	s6 =	simm.s32 @!p1 $0x1082;
	[sflag:s4] =	ssyncset.s32 $0xFFFFF086  }
0x25: {  	[simem:s6], [sflag:s4] =	dma.local [hbm:s3], $0xF7A  }
0x26: {  	[smem:$0x3F8E] =	sst s1;
	(tag) =	ssettag s2;
	_ =	strace s9  }
0x27: {  	s1 =	sld [smem:$0x3F9E]  }
0x28: {  	s2 =	sld [smem:$0x3F9F]  }
0x29: {  	s4 =	sld [smem:$0x3FA1]  }
0x2a: {  	p0 =	seq.s32 s5, $0x0;
	s5 =	sld [smem:$0x3FA2]  }
0x2b: {  	s6 =	sld [smem:$0x3FA3]  }
0x2c: {  	s7 =	sld [smem:$0x3FA4]  }
0x2d: {  	s3 =	simm.s32 $0x108;
	s8 =	sld [smem:$0x3FA5]  }
0x2e: {  	s3 =	simm.s32 @!p0 $0x1082;
	s9 =	sld [smem:$0x3FA6]  }
0x2f: {  	lr =	sadd.s32 s0, s3;
	s0 =	sld [smem:$0x3F9D]  }
0x30: {  	s3 =	sld [smem:$0x3FA0]  }
0x31: {  	[smem:$0x3FA9] =	sst s10  }
0x32: {  	s10 =	sld [smem:$0x3FA7];
	_ =	sdelay $0x3  }
0x33: {  	p0 =	seq.s32 s10, $0x1;
	s10 =	sld [smem:$0x3FA9];
	_ =	sdelay $0x3  }
0x34: {  	[smem:$0x3FA9] =	sst s10  }
0x35: {  	s10 =	sld [smem:$0x3FA8];
	_ =	sdelay $0x3  }
0x36: {  	p1 =	seq.s32 s10, $0x1;
	s10 =	sld [smem:$0x3FA9];
	_ =	sdelay $0x3  }
0x37: {  	[smem:$0x3FA9] =	sst s10  }
0x38: {  	s10 =	sld [smem:$0x3FAA]  }
0x39: {  	_ = 	snop;
	(pc) =	sbr.ind lr, $3  }
0x3a: {  	_ = 	snop  }
0x3b: {  	_ = 	snop  }
0x3c: {  	p2 =	seq.s32 s10, $0x1;
	s10 =	sld [smem:$0x3FA9]  }
0x3d: {  	_ =	shalt  }
0x3e: {  	_ =	shalt  }
0x3f: {  	_ =	shalt  }
0x40: {  	_ =	shalt  }
0x41: {  	_ =	shalt  }
0x42: {  	_ =	shalt  }
0x43: {  	_ =	shalt  }
0x44: {  	_ =	shalt  }
0x45: {  	_ =	shalt  }
0x46: {  	_ =	shalt  }
0x47: {  	_ =	shalt  }
0x48: {  	_ =	shalt  }
0x49: {  	_ =	shalt  }
0x4a: {  	_ =	shalt  }
0x4b: {  	_ =	shalt  }
0x4c: {  	_ =	shalt  }
0x4d: {  	_ =	shalt  }
0x4e: {  	_ =	shalt  }
0x4f: {  	_ =	shalt  }
0x50: {  	_ =	shalt  }
0x51: {  	_ =	shalt  }
0x52: {  	_ =	shalt  }
0x53: {  	_ =	shalt  }
0x54: {  	_ =	shalt  }
0x55: {  	_ =	shalt  }
0x56: {  	_ =	shalt  }
0x57: {  	_ =	shalt  }
0x58: {  	_ =	shalt  }
0x59: {  	_ =	shalt  }
0x5a: {  	_ =	shalt  }
0x5b: {  	_ =	shalt  }
0x5c: {  	_ =	shalt  }
0x5d: {  	_ =	shalt  }
0x5e: {  	_ =	shalt  }
0x5f: {  	_ =	shalt  }
0x60: {  	_ =	shalt  }
0x61: {  	_ =	shalt  }
0x62: {  	_ =	shalt  }
0x63: {  	_ =	shalt  }
0x64: {  	_ =	shalt  }
0x65: {  	_ =	shalt  }
0x66: {  	_ =	shalt  }
0x67: {  	_ =	shalt  }
0x68: {  	_ =	shalt  }
0x69: {  	_ =	shalt  }
0x6a: {  	_ =	shalt  }
0x6b: {  	_ =	shalt  }
0x6c: {  	_ =	shalt  }
0x6d: {  	_ =	shalt  }
0x6e: {  	_ =	shalt  }
0x6f: {  	_ =	shalt  }
0x70: {  	_ =	shalt  }
0x71: {  	_ =	shalt  }
0x72: {  	_ =	shalt  }
0x73: {  	_ =	shalt  }
0x74: {  	_ =	shalt  }
0x75: {  	_ =	shalt  }
0x76: {  	_ =	shalt  }
0x77: {  	_ =	shalt  }
0x78: {  	_ =	shalt  }
0x79: {  	_ =	shalt  }
0x7a: {  	_ =	shalt  }
0x7b: {  	_ =	shalt  }
0x7c: {  	_ =	shalt  }
0x7d: {  	_ =	shalt  }
0x7e: {  	_ =	shalt  }
0x7f: {  	_ =	shalt  }
0x80: {  	_ =	shalt  }
0x81: {  	_ =	shalt  }
0x82: {  	_ =	shalt  }
0x83: {  	_ =	shalt  }
0x84: {  	_ =	shalt  }
0x85: {  	_ =	shalt  }
0x86: {  	_ =	shalt  }
0x87: {  	_ =	shalt  }
.Lfunc_end0:
.L_simem_size_0:
called_computation.1_lowered:
.L_overlay_start_0:
0x88: {  	s2 =	sld [smem:$0x3FD9]  }
0x89: {  	s3 =	sld [smem:$0x3FFE];
	_ =	sdelay $0x1  }
0x8a: {  	s1 =	srdreg.scid  }
0x8b: {  	s0 =	sand.u32 $0x1, s1  }
0x8c: {  	s17 =	sshll.u32 s0, $0xA;
	s2 =	sadd.s32 s3, s2  }
0x8d: {  	s2 =	sadd.s32 s2, s17  }
0x8e: {  	[smem:$0x3FB5] =	sst s2  }
0x8f: {  	_ = 	snop  }
0x90: {  	s18 =	sld [smem:$0x3FC9];
	(tm) =	ssettm $0x1  }
0x91: {  	s19 =	sld [smem:$0x3FFB];
	_ =	sdelay $0x3  }
0x92: {  	_ =	strace s19  }
0x93: {  	s2 =	sld [smem:$0x3FFC];
	_ =	sdelay $0x3  }
0x94: {  	_ =	strace s2  }
0x95: {  	s2 =	sld [smem:$0x3FFD];
	_ =	sdelay $0x3  }
0x96: {  	_ =	strace s2  }
0x97: {  	_ =	strace $0x8FFFFFFF  }
0x98: {  	s20 =	sld [smem:$0x3FDB];
	_ =	sdelay $0x1  }
0x99: {  	s4 =	simm.s32 $_scs_section_size  }
0x9a: {  	s5 =	simm.s32 $_size__tile_overlayer_lowered;
	s6 =	simm.s32 $_tile_overlayer_lowered  }
0x9b: {  	s7 =	simm.s32 $0x1BFF;
	s21 =	sshll.u32 s6, $0x1;
	s4 =	sadd.s32 s4, s20  }
0x9c: {  	s22 =	simm.s32 $0x0;
	s5 =	sshll.u32 s5, $0x1;
	s6 =	sadd.s32 s21, s4  }
0x9d: {  	[timem:s22], [sflag:s7] =	dma.local [hbm:s6], s5  }
0x9e: {  	_ =	swait.ge [sflag:s7], s5  }
0x9f: {  	s5 =	ssub.s32 $0x0, s5;
	[sflag:s7] =	ssyncset.done $0x0  }
0xa0: {  	[sflag:s7] =	ssyncadd.s32 s5;
	_ =	sdelay $0x1  }
0xa1: {  	s23 =	simm.s32 $0x1B8B  }
0xa2: {  	_ =	swait.ge [sflag:s23], $0x1  }
0xa3: {  	[sflag:s23] =	ssyncset.done $0x0  }
0xa4: {  	[sflag:s23] =	ssyncadd.s32 $0xFFFFFFFF  }
0xa5: {  	s5 =	sld [smem:$0x0]  }
0xa6: {  	s6 =	sand.u32 $0xFFFFFFFE, s1  }
0xa7: {  	p0 =	sne.s32 s1, s6  }
0xa8: {  	s6 =	sshll.u32 @p0 s6, $0xE  }
0xa9: {  	s6 =	sadd.s32 @p0 $0x11B8D, s6;
	s7 =	sshll.u32 @p0 s5, $0x11  }
0xaa: {  	s6 =	sor.u32 @p0 s7, s6  }
0xab: {  	[sflag:s6] =	ssyncadd.remote.s32 @p0 $0x1;
	_ =	sdelay $0x1  }
0xac: {  	s6 =	simm.s32 @p0 $0x1B8D  }
0xad: {  	_ =	swait.eq @p0 [sflag:s6], $0x1  }
0xae: {  	[sflag:s6] =	ssyncadd.s32 @p0 $0xFFFFFFFF  }
0xaf: {  	s7 =	sshll.u32 @!p0 s1, $0xE  }
0xb0: {  	s7 =	sor.u32 @!p0 $0x4000, s7;
	s6 =	simm.s32 @!p0 $0x1B8D  }
0xb1: {  	s5 =	sshll.u32 @!p0 s5, $0x11;
	s7 =	sadd.s32 @!p0 $0x11B8D, s7;
	_ =	swait.eq @!p0 [sflag:s6], $0x1  }
0xb2: {  	s5 =	sor.u32 @!p0 s5, s7;
	[sflag:s6] =	ssyncadd.s32 @!p0 $0xFFFFFFFF  }
0xb3: {  	s25 =	simm.s32 $0x1B8E;
	s24 =	sld [smem:$0x3FFE];
	[sflag:s5] =	ssyncadd.remote.s32 @!p0 $0x1  }
0xb4: {  	s26 =	simm.s32 $execute0_lowered;
	[smem:$0x3FD2] =	sst s25  }
0xb5: {  	s6 =	sshll.u32 s26, $0x1;
	_ =	strace $0x80000049;
	[dreg:$0x1] =	wrdreg $0xFFFFFFFF  }
0xb6: {  	s28 =	simm.s32 $_size_execute0_lowered;
	s4 =	sadd.s32 s4, s6;
	[dreg:$0x0] =	wrdreg $0x0  }
0xb7: {  	s6 =	sshll.u32 s28, $0x1;
	[dreg:$0x2] =	wrdreg s4  }
0xb8: {  	[dreg:$0x3] =	wrdreg s6  }
0xb9: {  	[dreg:$0x4] =	wrdreg $0xC0  }
0xba: {  	_ =	task [dreg:s22], $0x5FFFF  }
0xbb: {  	[dreg:$0x1] =	wrdreg $0xFFFFFFFF  }
0xbc: {  	[dreg:$0x0] =	wrdreg $0x60  }
0xbd: {  	[dreg:$0x2] =	wrdreg s18  }
0xbe: {  	[dreg:$0x3] =	wrdreg s24  }
0xbf: {  	[dreg:$0x4] =	wrdreg $0x90000  }
0xc0: {  	[dreg:$0x5] =	wrdreg $0xA  }
0xc1: {  	_ =	task.clear_ibuf [dreg:s22], $0x6FFFF;
	_ =	strace $0x90000049  }
0xc2: {  	s29 =	simm.s32 $0xA;
	_ =	strace $0x8000004B  }
0xc3: {  	_ =	swait.ge [sflag:s29], $0x1  }
0xc4: {  	[sflag:s29] =	ssyncadd.s32 $0xFFFFFFFF  }
0xc5: {  	_ =	strace $0x9000004B  }
0xc6: {  	_ =	sfence  }
0xc7: {  	s30 =	sld [smem:$0x0];
	_ =	sdelay $0x2  }
0xc8: {  	s31 =	sshll.u32 s1, $0xD;
	s1 =	sshrl.u32 s1, $0x2  }
0xc9: {  	s4 =	sand.u32 $0x4000, s31;
	s1 =	sadd.s32 s1, s30  }
0xca: {  	s0 =	sor.u32 s4, s0;
	s1 =	sshll.u32 s1, $0x11  }
0xcb: {  	s0 =	sor.u32 s1, s0  }
0xcc: {  	s0 =	sadd.s32 $0x8F2B, s0  }
0xcd: {  	[sflag:s0] =	ssyncadd.remote.s32 $0x1  }
0xce: {  	_ =	sfence.sel $0xFFFF  }
0xcf: {  	[dreg:$0x0] =	wrdreg $0xFFFFFFFF;
	(pc) =	sbr.abs _section_cstart, $3  }
0xd0: {  	[dreg:$0x1] =	wrdreg $0xFFFFFFFF  }
0xd1: {  	_ =	task.clear_ibuf [dreg:s22], $0x2FFFF;
	_ =	strace $0x9FFFFFFF  }
0xd2: {  	(tm) =	ssettm $0x7FFFFFFF  }
0xd3: {  	_ =	shalt  }
tec
execute0_lowered:
.L_overlay_start_1:
0x0: {  	(tag) =	ssettag $0x1  }
0x1: {  	s1 =	rddreg [dreg:$0x0]  }
0x2: {  	s0 =	rddreg [dreg:$0x1]  }
0x3: {  	s2 =	srdreg.scid;
	s20 =	stileid.u32  }
0x4: {  	s5 =	simm.s32 $0x0;
	s31 =	simm.s32 $0x1000;
	s4 =	smul.u32 $0x280, s20  }
0x5: {  	s2 =	sand.u32 $0x1, s2;
	[smem:$0x7FF] =	sst s5;
	s6 =	smul.u32 $0x14000, s20  }
0x6: {  	s8 =	sadd.s32 $0x7AC00, s0;
	s26 =	smul.u32 $0x50000, s20;
	p1 =	seq.s32 s20, $0xF  }
0x7: {  	s3 =	rddreg [dreg:$0x2];
	s24 =	smul.u32 $0x138800, s2;
	_ =	strace $0x8000004A  }
0x8: {  	s9 =	ssub.s32 $0x2, s2;
	s2 =	sshll.u32 s2, $0x4;
	s7 =	sshll.u32 s4, $0x7  }
0x9: {  	s11 =	sshrl.u32 s9, $0x1;
	s2 =	sor.u32 s20, s2;
	s10 =	sor.u32 $0x2800, s7  }
0xa: {  	s6 =	sadd.s32 s24, s6;
	s9 =	ssub.s32 s9, s11;
	s11 =	sadd.s32 $0x7800, s7  }
0xb: {  	s16 =	sadd.s32 $0xA000, s7;
	s12 =	sadd.s32 s24, s10;
	s6 =	sshrl.u32 s6, $0x3  }
0xc: {  	s14 =	sadd.s32 s24, s11;
	s15 =	sadd.s32 s24, s16;
	s25 =	sshrl.u32 s12, $0x3  }
0xd: {  	s6 =	sadd.s32 s8, s6;
	s14 =	sshrl.u32 s14, $0x3;
	s15 =	sshrl.u32 s15, $0x3  }
0xe: {  	[dreg:$0x4] =	wrdreg s6;
	s17 =	sadd.s32 s8, s25;
	s6 =	sadd.s32 $0x5000, s7  }
0xf: {  	s18 =	sadd.s32 s8, s14;
	s19 =	sadd.s32 s8, s15;
	[dreg:$0x5] =	wrdreg s17  }
0x10: {  	s25 =	sadd.s32 $0xFFFFDB2F, s4;
	s4 =	smax.u32 s9, $0x1;
	[dreg:$0x7] =	wrdreg s18  }
0x11: {  	s13 =	sadd.s32 s24, s6;
	[dreg:$0x8] =	wrdreg s19;
	s18 =	sadd.s32 $0xC800, s7  }
0x12: {  	s19 =	sadd.s32 $0xF000, s7;
	s7 =	sadd.s32 $0x11800, s7;
	p0 =	sgt.u32 s25, $0x3E  }
0x13: {  	s17 =	smul.u32 $0x5000, s2;
	[dreg:$0xd] =	wrdreg s4;
	s9 =	sadd.s32 s6, s3  }
0x14: {  	s2 =	simm.s32 $0x3;
	s13 =	sshrl.u32 s13, $0x3;
	s21 =	sadd.s32 s24, s18  }
0x15: {  	s22 =	sadd.s32 s24, s19;
	s5 =	sadd.s32 s24, s7;
	s24 =	sshrl.u32 s26, $0x2  }
0x16: {  	s6 =	sadd.s32 s18, s3;
	s7 =	sadd.s32 s7, s3;
	s12 =	sshrl.u32 s9, $0x3  }
0x17: {  	s9 =	simm.s32 $0x2;
	s13 =	sadd.s32 s8, s13;
	s14 =	sshrl.u32 s22, $0x3  }
0x18: {  	s5 =	sshrl.u32 s5, $0x3;
	s15 =	sadd.s32 s24, s3;
	[dreg:$0xf] =	wrdreg s12  }
0x19: {  	s25 =	sshrl.u32 @!p1 s7, $0x3;
	s22 =	sadd.s32 $0x138000, s3;
	s7 =	simm.s32 $0x4800  }
0x1a: {  	[dreg:$0x6] =	wrdreg s13;
	s13 =	sshrl.u32 s21, $0x3;
	s23 =	sadd.s32 s8, s14  }
0x1b: {  	s5 =	sadd.s32 s8, s5;
	s14 =	sadd.s32 $0x4A00, s0;
	s26 =	sadd.s32 $0x2000, s15  }
0x1c: {  	s28 =	sadd.s32 $0x6000, s15;
	s29 =	sadd.s32 $0x8000, s15;
	[dreg:$0x15] =	wrdreg s22  }
0x1d: {  	s30 =	sadd.s32 $0xA000, s15;
	s20 =	sadd.s32 $0xE000, s15;
	[dreg:$0xa] =	wrdreg s23  }
0x1e: {  	s4 =	sadd.s32 $0x10000, s15;
	s21 =	sadd.s32 $0x12000, s15;
	[dreg:$0xb] =	wrdreg s5  }
0x1f: {  	s13 =	sadd.s32 s8, s13;
	[dreg:$0xc] =	wrdreg s26;
	s5 =	sadd.s32 s10, s3  }
0x20: {  	s10 =	sadd.s32 s11, s3;
	s11 =	sadd.s32 s16, s3;
	s8 =	sadd.s32 s19, s3  }
0x21: {  	s23 =	sshrl.u32 @!p1 s6, $0x3;
	s26 =	sadd.s32 $0x4000, s15;
	[dreg:$0x13] =	wrdreg s20  }
0x22: {  	s19 =	sadd.s32 $0xC000, s15;
	[dreg:$0x14] =	wrdreg s21;
	s6 =	simm.s32 $0x2000  }
0x23: {  	[dreg:$0x9] =	wrdreg s13;
	s13 =	sadd.s32 $0x66C00, s0;
	s0 =	sshrl.u32 s5, $0x3  }
0x24: {  	s16 =	sshrl.u32 s10, $0x3;
	s18 =	sshrl.u32 s11, $0x3;
	[dreg:$0x12] =	wrdreg s19  }
0x25: {  	s24 =	sshrl.u32 @!p1 s8, $0x3;
	s5 =	simm.s32 $0x50;
	[dreg:$0xe] =	wrdreg s0  }
0x26: {  	s8 =	simm.s32 $0x1;
	s10 =	simm.s32 $0x1C00;
	[dreg:$0x10] =	wrdreg s16  }
0x27: {  	v0 =	vimm.f32 $0.0e+00;
	s11 =	simm.s32 $0x0;
	[dreg:$0x11] =	wrdreg s18;
	s0 =	simm.s32 $0x7000  }
.LBB2_1:
0x28: {  	s12 =	simm.s32 $0x0  }
0x29: {  	s16 =	sand.u32 $0xFFFFFF80, s12  }
0x2a: {  	s16 =	ssub.s32 $0x0, s16  }
0x2b: {  	s18 =	simm.s32 $0x0;
	s12 =	sand.u32 $0x3FFFFF80, s12;
	s16 =	sand.u32 $0xFFFFFF80, s16  }
0x2c: {  	s18 =	sand.u32 $0x70, s18;
	s16 =	sadd.s32 s16, s12  }
0x2d: {  	s12 =	simm.s32 $0x1;
	s18 =	sor.u32 s18, s16;
	s16 =	simm.s32 $0x0  }
.LBB2_2:
0x2e: {  	s19 =	sshll.u32 s12, $0x4;
	p2 =	sne.s32 s12, $0x1FF;
	s12 =	sadd.s32 $0x1, s12;
	[tilespmem:s18+$0x7000] =	vst v0  }
.Ltmp0:
0x2f: {  	s16 =	sadd.s32 $0x10, s16;
	s18 =	sand.u32 $0xFFFFFF80, s19;
	(pc) =	sbr.rel @p2 .LBB2_2-.Ltmp0, $4  }
0x30: {  	s18 =	ssub.s32 s16, s18  }
0x31: {  	s19 =	sand.u32 $0x3FFFFF80, s19;
	s18 =	sand.u32 $0xFFFFFF80, s18  }
0x32: {  	s20 =	sand.u32 $0x70, s16;
	s18 =	sadd.s32 s18, s19  }
0x33: {  	s18 =	sor.u32 s20, s18  }
0x34: {  	[tilespmem:s18+$0x7000] =	vst v0  }
0x35: {  	[spmem:s15] =	stream.linear.scatter [tilespmem:s0], [sflag:$0x3], $0x2000, $0x38;
	[tilespmem:$0x1C900] =	vst v63  }
0x36: {  	_ =	swait.ge [sflag:s2], $0x2000  }
0x37: {  	[sflag:s2] =	ssyncset.done $0x0  }
0x38: {  	s12 =	rddreg [dreg:$0xc];
	[sflag:s2] =	ssyncadd.s32 $0xFFFFE000  }
0x39: {  	[spmem:s12] =	stream.linear.scatter [tilespmem:s0], [sflag:$0x3], $0x2000, $0x38;
	[tilespmem:$0x1C900] =	vst v63  }
0x3a: {  	_ =	swait.ge [sflag:s2], $0x2000  }
0x3b: {  	[sflag:s2] =	ssyncset.done $0x0  }
0x3c: {  	[sflag:s2] =	ssyncadd.s32 $0xFFFFE000  }
0x3d: {  	[spmem:s26] =	stream.linear.scatter [tilespmem:s0], [sflag:$0x3], $0x2000, $0x38;
	[tilespmem:$0x1C900] =	vst v63  }
0x3e: {  	_ =	swait.ge [sflag:s2], $0x2000  }
0x3f: {  	[sflag:s2] =	ssyncset.done $0x0  }
0x40: {  	[sflag:s2] =	ssyncadd.s32 $0xFFFFE000  }
0x41: {  	[spmem:s28] =	stream.linear.scatter [tilespmem:s0], [sflag:$0x3], $0x2000, $0x38;
	[tilespmem:$0x1C900] =	vst v63  }
0x42: {  	_ =	swait.ge [sflag:s2], $0x2000  }
0x43: {  	[sflag:s2] =	ssyncset.done $0x0  }
0x44: {  	[sflag:s2] =	ssyncadd.s32 $0xFFFFE000  }
0x45: {  	[spmem:s29] =	stream.linear.scatter [tilespmem:s0], [sflag:$0x3], $0x2000, $0x38;
	[tilespmem:$0x1C900] =	vst v63  }
0x46: {  	_ =	swait.ge [sflag:s2], $0x2000  }
0x47: {  	[sflag:s2] =	ssyncset.done $0x0  }
.Ltmp1:
0x48: {  	[sflag:s2] =	ssyncadd.s32 $0xFFFFE000;
	(pc) =	sbr.rel @!p1 .LBB2_4-.Ltmp1, $4  }
0x49: {  	[spmem:s30] =	stream.linear.scatter [tilespmem:s0], [sflag:$0x3], $0x2000, $0x38;
	[tilespmem:$0x1C900] =	vst v63  }
0x4a: {  	_ =	swait.ge [sflag:s2], $0x2000  }
0x4b: {  	[sflag:s2] =	ssyncset.done $0x0  }
0x4c: {  	[sflag:s2] =	ssyncadd.s32 $0xFFFFE000  }
.Ltmp2:
0x4d: {  	s12 =	rddreg [dreg:$0x15];
	(pc) =	sbr.rel .LBB2_5-.Ltmp2, $4  }
0x4e: {  	[spmem:s12] =	stream.linear.scatter [tilespmem:s0], [sflag:$0x3], $0x800, $0x38;
	[tilespmem:$0x1C900] =	vst v63  }
0x4f: {  	_ =	swait.ge [sflag:s2], $0x800  }
0x50: {  	[sflag:s2] =	ssyncset.done $0x0  }
0x51: {  	[sflag:s2] =	ssyncadd.s32 $0xFFFFF800  }
.LBB2_4:
0x52: {  	s12 =	rddreg [dreg:$0x12]  }
0x53: {  	[spmem:s12] =	stream.linear.scatter [tilespmem:s0], [sflag:$0x3], $0x2000, $0x38;
	[tilespmem:$0x1C900] =	vst v63  }
0x54: {  	_ =	swait.ge [sflag:s2], $0x2000  }
0x55: {  	[sflag:s2] =	ssyncset.done $0x0  }
0x56: {  	s21 =	rddreg [dreg:$0x13];
	[sflag:s2] =	ssyncadd.s32 $0xFFFFE000  }
0x57: {  	[spmem:s21] =	stream.linear.scatter [tilespmem:s0], [sflag:$0x3], $0x2000, $0x38;
	[tilespmem:$0x1C900] =	vst v63  }
0x58: {  	_ =	swait.ge [sflag:s2], $0x2000  }
0x59: {  	[sflag:s2] =	ssyncset.done $0x0  }
0x5a: {  	[sflag:s2] =	ssyncadd.s32 $0xFFFFE000  }
0x5b: {  	[spmem:s4] =	stream.linear.scatter [tilespmem:s0], [sflag:$0x3], $0x2000, $0x38;
	[tilespmem:$0x1C900] =	vst v63  }
0x5c: {  	_ =	swait.ge [sflag:s2], $0x2000  }
0x5d: {  	[sflag:s2] =	ssyncset.done $0x0  }
0x5e: {  	s12 =	simm.s32 @!p0 $0x7000;
	[sflag:s2] =	ssyncadd.s32 $0xFFFFE000  }
0x5f: {  	[spmem:s4] =	stream.linear.scatter @!p0 [tilespmem:s12], [sflag:$0x3], $0x800, $0x38;
	[tilespmem:$0x1C900] =	vst v63  }
0x60: {  	s12 =	simm.s32 @!p0 $0x3  }
0x61: {  	_ =	swait.ge @!p0 [sflag:s12], $0x800  }
0x62: {  	[sflag:s12] =	ssyncset.done @!p0 $0x0  }
0x63: {  	s22 =	rddreg [dreg:$0x14];
	[sflag:s12] =	ssyncadd.s32 @!p0 $0xFFFFF800  }
0x64: {  	[spmem:s22] =	stream.linear.scatter [tilespmem:s0], [sflag:$0x3], $0x2000, $0x38;
	[tilespmem:$0x1C900] =	vst v63  }
0x65: {  	_ =	swait.ge [sflag:s2], $0x2000  }
0x66: {  	[sflag:s2] =	ssyncset.done $0x0  }
0x67: {  	[sflag:s2] =	ssyncadd.s32 $0xFFFFE000  }
.LBB2_5:
0x68: {  	[bflag:$0x0] =	sbarrier.arrive $0xFFFF;
	s12 =	simm.s32 $0x0;
	s16 =	simm.s32 $0x0  }
.LBB2_6:
0x69: {  	s18 =	sshll.u32 s16, $0xC  }
0x6a: {  	s18 =	sadd.s32 s17, s18  }
0x6b: {  	s18 =	sshrl.u32 s18, $0x3  }
0x6c: {  	s19 =	sadd.s32 s13, s18  }
0x6d: {  	[tilespmem:s12], [sflag:$0x3] =	stream.linear.gather [hbm4b:s19+s12], $0xC80, $0x38;
	[tilespmem:$0x1C900] =	vst v63  }
0x6e: {  	_ =	swait.ge [sflag:s2], $0xC80  }
0x6f: {  	[sflag:s2] =	ssyncset.done $0x0  }
0x70: {  	s18 =	sadd.s32 s14, s18;
	[sflag:s2] =	ssyncadd.s32 $0xFFFFF380  }
0x71: {  	[tilespmem:s31], [sflag:$0x3] =	stream.linear.gather [hbm4b:s18+s12], $0xC80, $0x38;
	[tilespmem:$0x1C900] =	vst v63  }
0x72: {  	_ =	swait.ge [sflag:s2], $0xC80  }
0x73: {  	[sflag:s2] =	ssyncset.done $0x0  }
0x74: {  	[sflag:s2] =	ssyncadd.s32 $0xFFFFF380  }
0x75: {  	[tilespmem:s6], [sflag:$0x1] =	stream.indirect.gather [hbm4b:s1+s5], $0x80, s12, s5, $0xb8;
	[tilespmem:$0x1C900] =	vst v63  }
0x76: {  	s19 =	simm.s32 $0x80  }
0x77: {  	[tilespmem:s7], [sflag:$0x2] =	stream.indirect.gather [hbm4b:s1+s5], $0x80, s19, s5, $0xb8;
	[tilespmem:$0x1C900] =	vst v63  }
0x78: {  	_ =	swait.ge [sflag:s8], $0x2800  }
0x79: {  	[sflag:s8] =	ssyncset.done $0x0  }
0x7a: {  	s20 =	simm.s32 $0x1000;
	[sflag:s8] =	ssyncadd.s32 $0xFFFFD800  }
0x7b: {  	[spmem:s3] =	stream.indirect.scatter.add.f32 [tilespmem:s6], [sflag:$0x3], $0x80, s20, s5, $0xb8;
	[tilespmem:$0x1C900] =	vst v63  }
0x7c: {  	_ =	swait.ge [sflag:s2], $0x2800  }
0x7d: {  	[sflag:s2] =	ssyncset.done $0x0  }
0x7e: {  	s21 =	simm.s32 $0x100;
	[sflag:s2] =	ssyncadd.s32 $0xFFFFD800  }
0x7f: {  	[tilespmem:s6], [sflag:$0x1] =	stream.indirect.gather [hbm4b:s1+s5], $0x80, s21, s5, $0xb8;
	[tilespmem:$0x1C900] =	vst v63  }
0x80: {  	_ =	swait.ge [sflag:s9], $0x2800  }
0x81: {  	[sflag:s9] =	ssyncset.done $0x0  }
0x82: {  	s22 =	simm.s32 $0x1080;
	[sflag:s9] =	ssyncadd.s32 $0xFFFFD800  }
0x83: {  	[spmem:s3] =	stream.indirect.scatter.add.f32 [tilespmem:s7], [sflag:$0x3], $0x80, s22, s5, $0xb8;
	[tilespmem:$0x1C900] =	vst v63  }
0x84: {  	_ =	swait.ge [sflag:s2], $0x2800  }
0x85: {  	s18 =	simm.s32 $0x100;
	s19 =	simm.s32 $0x800;
	[sflag:s2] =	ssyncset.done $0x0  }
.LBB2_7:
0x86: {  	s20 =	sadd.s32 $0x80, s18  }
0x87: {  	[sflag:s2] =	ssyncadd.s32 $0xFFFFD800;
	s21 =	smov.u32 s19;
	s22 =	sadd.s32 $0x400, s19  }
0x88: {  	[tilespmem:s7], [sflag:$0x2] =	stream.indirect.gather [hbm4b:s1+s5], $0x80, s20, s5, $0xb8;
	[tilespmem:$0x1C900] =	vst v63  }
0x89: {  	p2 =	sne.s32 s19, $0x2C00;
	_ =	swait.ge [sflag:s8], $0x2800  }
0x8a: {  	[sflag:s8] =	ssyncset.done $0x0  }
0x8b: {  	s19 =	sadd.s32 $0x1000, s18;
	[sflag:s8] =	ssyncadd.s32 $0xFFFFD800  }
0x8c: {  	[spmem:s3] =	stream.indirect.scatter.add.f32 [tilespmem:s6], [sflag:$0x3], $0x80, s19, s5, $0xb8;
	[tilespmem:$0x1C900] =	vst v63  }
0x8d: {  	_ =	swait.ge [sflag:s2], $0x2800  }
0x8e: {  	[sflag:s2] =	ssyncset.done $0x0  }
0x8f: {  	s19 =	sadd.s32 $0x100, s18;
	[sflag:s2] =	ssyncadd.s32 $0xFFFFD800  }
0x90: {  	[tilespmem:s6], [sflag:$0x1] =	stream.indirect.gather [hbm4b:s1+s5], $0x80, s19, s5, $0xb8;
	[tilespmem:$0x1C900] =	vst v63  }
0x91: {  	_ =	swait.ge [sflag:s9], $0x2800  }
.Ltmp3:
0x92: {  	[sflag:s9] =	ssyncset.done $0x0;
	(pc) =	sbr.rel @p2 .LBB2_7-.Ltmp3, $4  }
0x93: {  	s18 =	sadd.s32 $0x1080, s18;
	[sflag:s9] =	ssyncadd.s32 $0xFFFFD800  }
0x94: {  	[spmem:s3] =	stream.indirect.scatter.add.f32 [tilespmem:s7], [sflag:$0x3], $0x80, s18, s5, $0xb8;
	[tilespmem:$0x1C900] =	vst v63  }
0x95: {  	_ =	swait.ge [sflag:s2], $0x2800  }
0x96: {  	s19 =	smov.u32 s22;
	s18 =	sshra.s32 s21, $0x2;
	[sflag:s2] =	ssyncset.done $0x0  }
0x97: {  	s19 =	sadd.s32 $0x80, s18;
	[sflag:s2] =	ssyncadd.s32 $0xFFFFD800  }
0x98: {  	[tilespmem:s7], [sflag:$0x2] =	stream.indirect.gather [hbm4b:s1+s5], $0x80, s19, s5, $0xb8;
	[tilespmem:$0x1C900] =	vst v63  }
0x99: {  	_ =	swait.ge [sflag:s8], $0x2800  }
0x9a: {  	[sflag:s8] =	ssyncset.done $0x0  }
0x9b: {  	s20 =	sadd.s32 $0x1000, s18;
	[sflag:s8] =	ssyncadd.s32 $0xFFFFD800  }
0x9c: {  	[spmem:s3] =	stream.indirect.scatter.add.f32 [tilespmem:s6], [sflag:$0x3], $0x80, s20, s5, $0xb8;
	[tilespmem:$0x1C900] =	vst v63  }
0x9d: {  	_ =	swait.ge [sflag:s2], $0x2800  }
0x9e: {  	[sflag:s2] =	ssyncset.done $0x0  }
0x9f: {  	s21 =	sadd.s32 $0x100, s18;
	[sflag:s2] =	ssyncadd.s32 $0xFFFFD800  }
0xa0: {  	[tilespmem:s6], [sflag:$0x1] =	stream.indirect.gather [hbm4b:s1+s5], $0x80, s21, s5, $0xb8;
	[tilespmem:$0x1C900] =	vst v63  }
0xa1: {  	_ =	swait.ge [sflag:s9], $0x2800  }
0xa2: {  	[sflag:s9] =	ssyncset.done $0x0  }
0xa3: {  	s22 =	sadd.s32 $0x1080, s18;
	[sflag:s9] =	ssyncadd.s32 $0xFFFFD800  }
0xa4: {  	[spmem:s3] =	stream.indirect.scatter.add.f32 [tilespmem:s7], [sflag:$0x3], $0x80, s22, s5, $0xb8;
	[tilespmem:$0x1C900] =	vst v63  }
0xa5: {  	_ =	swait.ge [sflag:s2], $0x2800  }
0xa6: {  	[sflag:s2] =	ssyncset.done $0x0  }
0xa7: {  	[sflag:s2] =	ssyncadd.s32 $0xFFFFD800  }
0xa8: {  	s16 =	sadd.s32 $0x1, s16;
	_ =	swait.ge [sflag:s8], $0x2800  }
0xa9: {  	p2 =	sne.s32 s16, $0x5;
	[sflag:s8] =	ssyncset.done $0x0  }
.Ltmp4:
0xaa: {  	[sflag:s8] =	ssyncadd.s32 $0xFFFFD800;
	(pc) =	sbr.rel @p2 .LBB2_6-.Ltmp4, $4  }
0xab: {  	[spmem:s3] =	stream.indirect.scatter.add.f32 [tilespmem:s6], [sflag:$0x3], $0x80, s10, s5, $0xb8;
	[tilespmem:$0x1C900] =	vst v63  }
0xac: {  	_ =	swait.ge [sflag:s2], $0x2800  }
0xad: {  	[sflag:s2] =	ssyncset.done $0x0  }
0xae: {  	[sflag:s2] =	ssyncadd.s32 $0xFFFFD800  }
0xaf: {  	s12 =	stileid.u32  }
0xb0: {  	[bflag:$0x0] =	sbarrier.arrive $0xFFFF;
	s12 =	sshll.u32 s12, $0x6  }
0xb1: {  	s16 =	sshrl.u32 s15, $0x3;
	s18 =	rddreg [dreg:$0x4];
	s12 =	sor.u32 $0x1C03, s12  }
0xb2: {  	[hbm:s18], [sflag:s12] =	dma.local [spmem:s16], $0x500  }
0xb3: {  	_ =	swait.ge [sflag:s2], $0x500  }
0xb4: {  	[sflag:s2] =	ssyncset.done $0x0;
	s19 =	rddreg [dreg:$0x5]  }
0xb5: {  	s20 =	rddreg [dreg:$0xe];
	[sflag:s2] =	ssyncadd.s32 $0xFFFFFB00  }
0xb6: {  	[hbm:s19], [sflag:s12] =	dma.local [spmem:s20], $0x500  }
0xb7: {  	_ =	swait.ge [sflag:s2], $0x500  }
0xb8: {  	[sflag:s2] =	ssyncset.done $0x0;
	s21 =	rddreg [dreg:$0x6]  }
0xb9: {  	s22 =	rddreg [dreg:$0xf];
	[sflag:s2] =	ssyncadd.s32 $0xFFFFFB00  }
0xba: {  	[hbm:s21], [sflag:s12] =	dma.local [spmem:s22], $0x500  }
0xbb: {  	_ =	swait.ge [sflag:s2], $0x500  }
0xbc: {  	[sflag:s2] =	ssyncset.done $0x0;
	s18 =	rddreg [dreg:$0x7]  }
0xbd: {  	s19 =	rddreg [dreg:$0x10];
	[sflag:s2] =	ssyncadd.s32 $0xFFFFFB00  }
0xbe: {  	[hbm:s18], [sflag:s12] =	dma.local [spmem:s19], $0x500  }
0xbf: {  	_ =	swait.ge [sflag:s2], $0x500  }
0xc0: {  	[sflag:s2] =	ssyncset.done $0x0;
	s20 =	rddreg [dreg:$0x8]  }
0xc1: {  	s21 =	rddreg [dreg:$0x11];
	[sflag:s2] =	ssyncadd.s32 $0xFFFFFB00  }
0xc2: {  	[hbm:s20], [sflag:s12] =	dma.local [spmem:s21], $0x500  }
0xc3: {  	_ =	swait.ge [sflag:s2], $0x500  }
0xc4: {  	[sflag:s2] =	ssyncset.done $0x0  }
0xc5: {  	s16 =	rddreg [dreg:$0x9];
	[sflag:s2] =	ssyncadd.s32 $0xFFFFFB00  }
0xc6: {  	[hbm:s16], [sflag:s12] =	dma.local @!p1 [spmem:s23], $0x500  }
0xc7: {  	s16 =	simm.s32 @!p1 $0x3  }
0xc8: {  	_ =	swait.ge @!p1 [sflag:s16], $0x500  }
0xc9: {  	[sflag:s16] =	ssyncset.done @!p1 $0x0  }
0xca: {  	s18 =	rddreg [dreg:$0xa];
	[sflag:s16] =	ssyncadd.s32 @!p1 $0xFFFFFB00  }
0xcb: {  	[hbm:s18], [sflag:s12] =	dma.local @!p1 [spmem:s24], $0x500  }
0xcc: {  	_ =	swait.ge @!p1 [sflag:s16], $0x500  }
0xcd: {  	[sflag:s16] =	ssyncset.done @!p1 $0x0  }
0xce: {  	s18 =	rddreg [dreg:$0xb];
	[sflag:s16] =	ssyncadd.s32 @!p1 $0xFFFFFB00  }
0xcf: {  	[hbm:s18], [sflag:s12] =	dma.local @!p1 [spmem:s25], $0x500  }
0xd0: {  	_ =	swait.ge @!p1 [sflag:s16], $0x500  }
0xd1: {  	s11 =	sadd.s32 $0x1, s11;
	s22 =	rddreg [dreg:$0xd]  }
0xd2: {  	p2 =	sne.s32 s11, s22  }
.Ltmp5:
0xd3: {  	_ = 	snop;
	(pc) =	sbr.rel @p2 .LBB2_1-.Ltmp5, $3  }
0xd4: {  	_ =	sdelay $0x1  }
0xd5: {  	[sflag:s16] =	ssyncset.done @!p1 $0x0  }
0xd6: {  	[sflag:s16] =	ssyncadd.s32 @!p1 $0xFFFFFB00  }
0xd7: {  	_ =	sfence.sel $0x180000  }
0xd8: {  	[bflag:$0x0] =	sbarrier.arrive $0xFFFF  }
0xd9: {  	_ =	strace $0x9000004A  }
0xda: {  	s0 =	stileid.u32;
	[bflag:$0x2] =	sbarrier.arrive $0xFFFF  }
0xdb: {  	p0 =	sne.s32 s0, $0x0;
	s0 =	rddreg [dreg:$0x3]  }
0xdc: {  	s0 =	sadd.s32 @!p0 $0x100000, s0  }
0xdd: {  	[sflag:s0] =	ssyncadd.tile.s32 @!p0 $0x1;
	_ =	shalt  }
.Lfunc_end2:
_tile_overlayer_lowered:
.L_overlay_start_2:
0xde: {  	(tag) =	ssettag $0x2  }
0xdf: {  	s0 =	rddreg [dreg:$0x0];
	s2 =	stileid.u32  }
0xe0: {  	s1 =	rddreg [dreg:$0x1];
	p0 =	sne.s32 s2, $0x0  }
0xe1: {  	s3 =	rddreg [dreg:$0x2];
	[bflag:$0x3] =	sbarrier.arrive $0xFFFF;
	s2 =	simm.s32 @!p0 $0x1C03  }
0xe2: {  	[timem:s3], [sflag:s2] =	dma.local @!p0 [hbm:s0], s1  }
0xe3: {  	s0 =	simm.s32 @!p0 $0x3  }
0xe4: {  	_ =	swait.ge @!p0 [sflag:s0], s1  }
0xe5: {  	s1 =	ssub.s32 @!p0 $0x0, s1;
	[sflag:s0] =	ssyncset.done @!p0 $0x0  }
0xe6: {  	[sflag:s0] =	ssyncadd.s32 @!p0 s1  }
0xe7: {  	[bflag:$0x3] =	sbarrier.arrive $0xFFFF  }
0xe8: {  	_ =	shalt  }

// kernel: kernel.15.cloned.1.call-start
scs
__scs_entry_jumppad:
0x0: {  	(pc) =	sbr.rel $0x88, $3  }
0x1: {  	(tag) =	ssettag $0x0;
	lr =	simm.s32 $0x1  }
0x2: {  	[smem:$0x3F8E] =	sst lr;
	_ =	strace $0xD0000000  }
0x3: {  	_ = 	snop  }
0x4: {  	_ = 	snop  }
0x5: {  	_ = 	snop  }
0x6: {  	_ = 	snop  }
0x7: {  	_ = 	snop  }
__scs_overlays_trampoline_lowered:
0x8: {  	[smem:$0x3F9D] =	sst s0  }
0x9: {  	[smem:$0x3F9E] =	sst s1  }
0xa: {  	[smem:$0x3F9F] =	sst s2  }
0xb: {  	[smem:$0x3FA0] =	sst s3  }
0xc: {  	[smem:$0x3FA1] =	sst s4  }
0xd: {  	[smem:$0x3FA2] =	sst s5  }
0xe: {  	[smem:$0x3FA3] =	sst s6  }
0xf: {  	[smem:$0x3FA4] =	sst s7  }
0x10: {  	[smem:$0x3FA5] =	sst s8  }
0x11: {  	[smem:$0x3FA6] =	sst s9;
	s0 =	simm.s32 @!p0 $0x0  }
0x12: {  	s1 =	sld [smem:$0x3F8C];
	s0 =	simm.s32 @p0 $0x1  }
0x13: {  	[smem:$0x3FA7] =	sst s0;
	s0 =	simm.s32 @!p1 $0x0  }
0x14: {  	s2 =	sld [smem:$0x3F8B];
	s0 =	simm.s32 @p1 $0x1  }
0x15: {  	[smem:$0x3FA8] =	sst s0;
	s0 =	simm.s32 @!p2 $0x0  }
0x16: {  	s3 =	sld [smem:$0x3FDB];
	s0 =	simm.s32 @p2 $0x1  }
0x17: {  	s4 =	simm.s32 $0x1BF5;
	[smem:$0x3FAA] =	sst s0  }
0x18: {  	s0 =	sld [smem:$0x3F8D];
	_ =	swait.ge [sflag:s4], $0x0  }
0x19: {  	s7 =	sld [smem:$0x3F8E]  }
0x1a: {  	s8 =	sadd.s32 $0xFFFFE003, lr  }
0x1b: {  	s9 =	sadd.s32 $0xFFFFFEF7, lr;
	s5 =	simm.s32 $0xFFFFFFFF;
	p2 =	slt.u32 s8, $0xFFFFF086  }
0x1c: {  	p1 =	slt.u32 s9, $0xF7A;
	s5 =	simm.s32 @!p2 $0x0  }
0x1d: {  	s5 =	simm.s32 @p1 $0x1;
	p0 =	seq.s32 s7, s2  }
0x1e: {  	s7 =	smul.u32 @!p0 $0xF7A, s2;
	p2 =	seq.s32 @!p0 s5, $0x0  }
0x1f: {  	s9 =	smul.u32 $0xF7A, s1;
	s8 =	simm.s32 @!p0 $0x1BF5;
	p2 =	por !p2, p0  }
0x20: {  	[sflag:s8] =	ssyncset.s32 @!p0 $0xFFFFF086;
	s6 =	sadd.s32 @!p0 s3, s7;
	s7 =	simm.s32 @!p0 $0x108  }
0x21: {  	s3 =	sadd.s32 s3, s9;
	s6 =	sadd.s32 @!p0 $0x88, s6;
	s7 =	simm.s32 @p2 $0x1082  }
0x22: {  	[simem:s7], [sflag:s8] =	dma.local @!p0 [hbm:s6], $0xF7A  }
0x23: {  	s9 =	sor.u32 $0xD0000000, s2;
	s6 =	simm.s32 $0x108;
	_ =	swait.ge @!p0 [sflag:s8], $0x0  }
0x24: {  	s3 =	sadd.s32 $0x88, s3;
	s6 =	simm.s32 @!p1 $0x1082;
	[sflag:s4] =	ssyncset.s32 $0xFFFFF086  }
0x25: {  	[simem:s6], [sflag:s4] =	dma.local [hbm:s3], $0xF7A  }
0x26: {  	[smem:$0x3F8E] =	sst s1;
	(tag) =	ssettag s2;
	_ =	strace s9  }
0x27: {  	s1 =	sld [smem:$0x3F9E]  }
0x28: {  	s2 =	sld [smem:$0x3F9F]  }
0x29: {  	s4 =	sld [smem:$0x3FA1]  }
0x2a: {  	p0 =	seq.s32 s5, $0x0;
	s5 =	sld [smem:$0x3FA2]  }
0x2b: {  	s6 =	sld [smem:$0x3FA3]  }
0x2c: {  	s7 =	sld [smem:$0x3FA4]  }
0x2d: {  	s3 =	simm.s32 $0x108;
	s8 =	sld [smem:$0x3FA5]  }
0x2e: {  	s3 =	simm.s32 @!p0 $0x1082;
	s9 =	sld [smem:$0x3FA6]  }
0x2f: {  	lr =	sadd.s32 s0, s3;
	s0 =	sld [smem:$0x3F9D]  }
0x30: {  	s3 =	sld [smem:$0x3FA0]  }
0x31: {  	[smem:$0x3FA9] =	sst s10  }
0x32: {  	s10 =	sld [smem:$0x3FA7];
	_ =	sdelay $0x3  }
0x33: {  	p0 =	seq.s32 s10, $0x1;
	s10 =	sld [smem:$0x3FA9];
	_ =	sdelay $0x3  }
0x34: {  	[smem:$0x3FA9] =	sst s10  }
0x35: {  	s10 =	sld [smem:$0x3FA8];
	_ =	sdelay $0x3  }
0x36: {  	p1 =	seq.s32 s10, $0x1;
	s10 =	sld [smem:$0x3FA9];
	_ =	sdelay $0x3  }
0x37: {  	[smem:$0x3FA9] =	sst s10  }
0x38: {  	s10 =	sld [smem:$0x3FAA]  }
0x39: {  	_ = 	snop;
	(pc) =	sbr.ind lr, $3  }
0x3a: {  	_ = 	snop  }
0x3b: {  	_ = 	snop  }
0x3c: {  	p2 =	seq.s32 s10, $0x1;
	s10 =	sld [smem:$0x3FA9]  }
0x3d: {  	_ =	shalt  }
0x3e: {  	_ =	shalt  }
0x3f: {  	_ =	shalt  }
0x40: {  	_ =	shalt  }
0x41: {  	_ =	shalt  }
0x42: {  	_ =	shalt  }
0x43: {  	_ =	shalt  }
0x44: {  	_ =	shalt  }
0x45: {  	_ =	shalt  }
0x46: {  	_ =	shalt  }
0x47: {  	_ =	shalt  }
0x48: {  	_ =	shalt  }
0x49: {  	_ =	shalt  }
0x4a: {  	_ =	shalt  }
0x4b: {  	_ =	shalt  }
0x4c: {  	_ =	shalt  }
0x4d: {  	_ =	shalt  }
0x4e: {  	_ =	shalt  }
0x4f: {  	_ =	shalt  }
0x50: {  	_ =	shalt  }
0x51: {  	_ =	shalt  }
0x52: {  	_ =	shalt  }
0x53: {  	_ =	shalt  }
0x54: {  	_ =	shalt  }
0x55: {  	_ =	shalt  }
0x56: {  	_ =	shalt  }
0x57: {  	_ =	shalt  }
0x58: {  	_ =	shalt  }
0x59: {  	_ =	shalt  }
0x5a: {  	_ =	shalt  }
0x5b: {  	_ =	shalt  }
0x5c: {  	_ =	shalt  }
0x5d: {  	_ =	shalt  }
0x5e: {  	_ =	shalt  }
0x5f: {  	_ =	shalt  }
0x60: {  	_ =	shalt  }
0x61: {  	_ =	shalt  }
0x62: {  	_ =	shalt  }
0x63: {  	_ =	shalt  }
0x64: {  	_ =	shalt  }
0x65: {  	_ =	shalt  }
0x66: {  	_ =	shalt  }
0x67: {  	_ =	shalt  }
0x68: {  	_ =	shalt  }
0x69: {  	_ =	shalt  }
0x6a: {  	_ =	shalt  }
0x6b: {  	_ =	shalt  }
0x6c: {  	_ =	shalt  }
0x6d: {  	_ =	shalt  }
0x6e: {  	_ =	shalt  }
0x6f: {  	_ =	shalt  }
0x70: {  	_ =	shalt  }
0x71: {  	_ =	shalt  }
0x72: {  	_ =	shalt  }
0x73: {  	_ =	shalt  }
0x74: {  	_ =	shalt  }
0x75: {  	_ =	shalt  }
0x76: {  	_ =	shalt  }
0x77: {  	_ =	shalt  }
0x78: {  	_ =	shalt  }
0x79: {  	_ =	shalt  }
0x7a: {  	_ =	shalt  }
0x7b: {  	_ =	shalt  }
0x7c: {  	_ =	shalt  }
0x7d: {  	_ =	shalt  }
0x7e: {  	_ =	shalt  }
0x7f: {  	_ =	shalt  }
0x80: {  	_ =	shalt  }
0x81: {  	_ =	shalt  }
0x82: {  	_ =	shalt  }
0x83: {  	_ =	shalt  }
0x84: {  	_ =	shalt  }
0x85: {  	_ =	shalt  }
0x86: {  	_ =	shalt  }
0x87: {  	_ =	shalt  }
.Lfunc_end0:
.L_simem_size_0:
called_computation.2_lowered:
.L_overlay_start_0:
0x88: {  	s2 =	sld [smem:$0x3FD9]  }
0x89: {  	s3 =	sld [smem:$0x3FFE];
	_ =	sdelay $0x1  }
0x8a: {  	s1 =	srdreg.scid  }
0x8b: {  	s0 =	sand.u32 $0x1, s1  }
0x8c: {  	s14 =	sshll.u32 s0, $0xA;
	s2 =	sadd.s32 s3, s2  }
0x8d: {  	s2 =	sadd.s32 s2, s14  }
0x8e: {  	[smem:$0x3FB5] =	sst s2  }
0x8f: {  	_ = 	snop  }
0x90: {  	s2 =	sld [smem:$0x3FD0];
	_ =	sdelay $0x2  }
0x91: {  	s15 =	simm.s32 $0xB;
	s4 =	simm.s32 $0x10  }
0x92: {  	[smem:s4], [sflag:s15] =	dma.local [hbm:s2], $0x1  }
0x93: {  	_ =	swait.eq [sflag:s15], $0x1  }
0x94: {  	[sflag:s15] =	ssyncset.done $0x0  }
0x95: {  	[sflag:s15] =	ssyncadd.s32 $0xFFFFFFFF  }
0x96: {  	s16 =	sld [smem:$0x11];
	(tm) =	ssettm $0x1  }
0x97: {  	s17 =	sld [smem:$0x3FFB];
	_ =	sdelay $0x3  }
0x98: {  	_ =	strace s17  }
0x99: {  	s3 =	sld [smem:$0x3FFC];
	_ =	sdelay $0x3  }
0x9a: {  	_ =	strace s3  }
0x9b: {  	s3 =	sld [smem:$0x3FFD];
	_ =	sdelay $0x3  }
0x9c: {  	_ =	strace s3  }
0x9d: {  	_ =	strace $0x8FFFFFFF  }
0x9e: {  	s18 =	sld [smem:$0x3FDB];
	_ =	sdelay $0x1  }
0x9f: {  	s19 =	simm.s32 $_scs_section_size  }
0xa0: {  	s5 =	simm.s32 $_size__tile_overlayer_lowered;
	s6 =	simm.s32 $_tile_overlayer_lowered  }
0xa1: {  	s22 =	simm.s32 $0x1BFF;
	s21 =	sshll.u32 s6, $0x1;
	s3 =	sadd.s32 s19, s18  }
0xa2: {  	s7 =	simm.s32 $0x0;
	s20 =	sshll.u32 s5, $0x1;
	s5 =	sadd.s32 s21, s3  }
0xa3: {  	[timem:s7], [sflag:s22] =	dma.local [hbm:s5], s20  }
0xa4: {  	_ =	swait.ge [sflag:s22], s20  }
0xa5: {  	s4 =	ssub.s32 $0x0, s20;
	[sflag:s22] =	ssyncset.done $0x0  }
0xa6: {  	[sflag:s22] =	ssyncadd.s32 s4;
	_ =	sdelay $0x1  }
0xa7: {  	s23 =	simm.s32 $0x1B8B  }
0xa8: {  	_ =	swait.ge [sflag:s23], $0x1  }
0xa9: {  	[sflag:s23] =	ssyncset.done $0x0  }
0xaa: {  	s25 =	simm.s32 $0x1B8E;
	s24 =	sld [smem:$0x3FFE];
	[sflag:s23] =	ssyncadd.s32 $0xFFFFFFFF  }
0xab: {  	s26 =	simm.s32 $execute0_lowered;
	[smem:$0x3FD2] =	sst s25  }
0xac: {  	s5 =	sshll.u32 s26, $0x1;
	_ =	strace $0x8000004C;
	[dreg:$0x1] =	wrdreg $0xFFFFFFFF  }
0xad: {  	s28 =	simm.s32 $_size_execute0_lowered;
	s3 =	sadd.s32 s3, s5;
	[dreg:$0x0] =	wrdreg $0x0  }
0xae: {  	s5 =	sshll.u32 s28, $0x1;
	[dreg:$0x2] =	wrdreg s3  }
0xaf: {  	[dreg:$0x3] =	wrdreg s5  }
0xb0: {  	[dreg:$0x4] =	wrdreg $0xC0  }
0xb1: {  	_ =	task [dreg:s7], $0x5FFFF  }
0xb2: {  	[dreg:$0x1] =	wrdreg $0xFFFFFFFF  }
0xb3: {  	[dreg:$0x0] =	wrdreg $0x60  }
0xb4: {  	[dreg:$0x2] =	wrdreg s16  }
0xb5: {  	[dreg:$0x3] =	wrdreg s24  }
0xb6: {  	[dreg:$0x4] =	wrdreg $0x90000  }
0xb7: {  	[dreg:$0x5] =	wrdreg $0x9  }
0xb8: {  	_ =	task.clear_ibuf [dreg:s7], $0x6FFFF;
	_ =	strace $0x9000004C  }
0xb9: {  	s29 =	simm.s32 $0x9;
	_ =	strace $0x8000004E  }
0xba: {  	_ =	swait.ge [sflag:s29], $0x1  }
0xbb: {  	[sflag:s29] =	ssyncadd.s32 $0xFFFFFFFF  }
0xbc: {  	_ =	strace $0x9000004E  }
0xbd: {  	_ =	sfence  }
0xbe: {  	s30 =	sld [smem:$0x0];
	_ =	sdelay $0x2  }
0xbf: {  	s31 =	sshll.u32 s1, $0xD;
	s1 =	sshrl.u32 s1, $0x2  }
0xc0: {  	s3 =	sand.u32 $0x4000, s31;
	s1 =	sadd.s32 s1, s30  }
0xc1: {  	s0 =	sor.u32 s3, s0;
	s1 =	sshll.u32 s1, $0x11  }
0xc2: {  	s0 =	sor.u32 s1, s0  }
0xc3: {  	s0 =	sadd.s32 $0x8F2B, s0  }
0xc4: {  	[sflag:s0] =	ssyncadd.remote.s32 $0x1  }
0xc5: {  	_ =	sfence.sel $0xFFFF  }
0xc6: {  	[dreg:$0x0] =	wrdreg $0xFFFFFFFF;
	(pc) =	sbr.abs _section_cstart, $3  }
0xc7: {  	[dreg:$0x1] =	wrdreg $0xFFFFFFFF  }
0xc8: {  	_ =	task.clear_ibuf [dreg:s7], $0x2FFFF;
	_ =	strace $0x9FFFFFFF  }
0xc9: {  	(tm) =	ssettm $0x7FFFFFFF  }
tec
execute0_lowered:
.L_overlay_start_1:
0x0: {  	(tag) =	ssettag $0x1  }
0x1: {  	s1 =	rddreg [dreg:$0x0]  }
0x2: {  	s0 =	rddreg [dreg:$0x1]  }
0x3: {  	s2 =	srdreg.scid;
	s20 =	stileid.u32  }
0x4: {  	s5 =	simm.s32 $0x0;
	s31 =	simm.s32 $0x1000;
	s4 =	smul.u32 $0x280, s20  }
0x5: {  	s2 =	sand.u32 $0x1, s2;
	[smem:$0x7FF] =	sst s5;
	s6 =	smul.u32 $0x14000, s20  }
0x6: {  	s8 =	sadd.s32 $0x18A00, s0;
	s26 =	smul.u32 $0x50000, s20;
	p1 =	seq.s32 s20, $0xF  }
0x7: {  	s3 =	rddreg [dreg:$0x2];
	s24 =	smul.u32 $0x138800, s2;
	_ =	strace $0x8000004D  }
0x8: {  	s9 =	ssub.s32 $0x2, s2;
	s2 =	sshll.u32 s2, $0x4;
	s7 =	sshll.u32 s4, $0x7  }
0x9: {  	s11 =	sshrl.u32 s9, $0x1;
	s2 =	sor.u32 s20, s2;
	s10 =	sor.u32 $0x2800, s7  }
0xa: {  	s6 =	sadd.s32 s24, s6;
	s9 =	ssub.s32 s9, s11;
	s11 =	sadd.s32 $0x7800, s7  }
0xb: {  	s16 =	sadd.s32 $0xA000, s7;
	s12 =	sadd.s32 s24, s10;
	s6 =	sshrl.u32 s6, $0x3  }
0xc: {  	s14 =	sadd.s32 s24, s11;
	s15 =	sadd.s32 s24, s16;
	s25 =	sshrl.u32 s12, $0x3  }
0xd: {  	s6 =	sadd.s32 s8, s6;
	s14 =	sshrl.u32 s14, $0x3;
	s15 =	sshrl.u32 s15, $0x3  }
0xe: {  	[dreg:$0x4] =	wrdreg s6;
	s17 =	sadd.s32 s8, s25;
	s6 =	sadd.s32 $0x5000, s7  }
0xf: {  	s18 =	sadd.s32 s8, s14;
	s19 =	sadd.s32 s8, s15;
	[dreg:$0x5] =	wrdreg s17  }
0x10: {  	s25 =	sadd.s32 $0xFFFFDB2F, s4;
	s4 =	smax.u32 s9, $0x1;
	[dreg:$0x7] =	wrdreg s18  }
0x11: {  	s13 =	sadd.s32 s24, s6;
	[dreg:$0x8] =	wrdreg s19;
	s18 =	sadd.s32 $0xC800, s7  }
0x12: {  	s19 =	sadd.s32 $0xF000, s7;
	s7 =	sadd.s32 $0x11800, s7;
	p0 =	sgt.u32 s25, $0x3E  }
0x13: {  	s17 =	smul.u32 $0x5000, s2;
	[dreg:$0xd] =	wrdreg s4;
	s9 =	sadd.s32 s6, s3  }
0x14: {  	s2 =	simm.s32 $0x3;
	s13 =	sshrl.u32 s13, $0x3;
	s21 =	sadd.s32 s24, s18  }
0x15: {  	s22 =	sadd.s32 s24, s19;
	s5 =	sadd.s32 s24, s7;
	s24 =	sshrl.u32 s26, $0x2  }
0x16: {  	s6 =	sadd.s32 s18, s3;
	s7 =	sadd.s32 s7, s3;
	s12 =	sshrl.u32 s9, $0x3  }
0x17: {  	s9 =	simm.s32 $0x2;
	s13 =	sadd.s32 s8, s13;
	s14 =	sshrl.u32 s22, $0x3  }
0x18: {  	s5 =	sshrl.u32 s5, $0x3;
	s15 =	sadd.s32 s24, s3;
	[dreg:$0xf] =	wrdreg s12  }
0x19: {  	s25 =	sshrl.u32 @!p1 s7, $0x3;
	s22 =	sadd.s32 $0x138000, s3;
	s7 =	simm.s32 $0x4800  }
0x1a: {  	[dreg:$0x6] =	wrdreg s13;
	s13 =	sshrl.u32 s21, $0x3;
	s23 =	sadd.s32 s8, s14  }
0x1b: {  	s5 =	sadd.s32 s8, s5;
	s14 =	sadd.s32 $0x4A00, s0;
	s26 =	sadd.s32 $0x2000, s15  }
0x1c: {  	s28 =	sadd.s32 $0x6000, s15;
	s29 =	sadd.s32 $0x8000, s15;
	[dreg:$0x15] =	wrdreg s22  }
0x1d: {  	s30 =	sadd.s32 $0xA000, s15;
	s20 =	sadd.s32 $0xE000, s15;
	[dreg:$0xa] =	wrdreg s23  }
0x1e: {  	s4 =	sadd.s32 $0x10000, s15;
	s21 =	sadd.s32 $0x12000, s15;
	[dreg:$0xb] =	wrdreg s5  }
0x1f: {  	s13 =	sadd.s32 s8, s13;
	[dreg:$0xc] =	wrdreg s26;
	s5 =	sadd.s32 s10, s3  }
0x20: {  	s10 =	sadd.s32 s11, s3;
	s11 =	sadd.s32 s16, s3;
	s8 =	sadd.s32 s19, s3  }
0x21: {  	s23 =	sshrl.u32 @!p1 s6, $0x3;
	s26 =	sadd.s32 $0x4000, s15;
	[dreg:$0x13] =	wrdreg s20  }
0x22: {  	s19 =	sadd.s32 $0xC000, s15;
	[dreg:$0x14] =	wrdreg s21;
	s6 =	simm.s32 $0x2000  }
0x23: {  	[dreg:$0x9] =	wrdreg s13;
	s13 =	sadd.s32 $0x66C00, s0;
	s0 =	sshrl.u32 s5, $0x3  }
0x24: {  	s16 =	sshrl.u32 s10, $0x3;
	s18 =	sshrl.u32 s11, $0x3;
	[dreg:$0x12] =	wrdreg s19  }
0x25: {  	s24 =	sshrl.u32 @!p1 s8, $0x3;
	s5 =	simm.s32 $0x50;
	[dreg:$0xe] =	wrdreg s0  }
0x26: {  	s8 =	simm.s32 $0x1;
	s10 =	simm.s32 $0x1C00;
	[dreg:$0x10] =	wrdreg s16  }
0x27: {  	v0 =	vimm.f32 $0.0e+00;
	s11 =	simm.s32 $0x0;
	[dreg:$0x11] =	wrdreg s18;
	s0 =	simm.s32 $0x7000  }
.LBB2_1:
0x28: {  	s12 =	simm.s32 $0x0  }
0x29: {  	s16 =	sand.u32 $0xFFFFFF80, s12  }
0x2a: {  	s16 =	ssub.s32 $0x0, s16  }
0x2b: {  	s18 =	simm.s32 $0x0;
	s12 =	sand.u32 $0x3FFFFF80, s12;
	s16 =	sand.u32 $0xFFFFFF80, s16  }
0x2c: {  	s18 =	sand.u32 $0x70, s18;
	s16 =	sadd.s32 s16, s12  }
0x2d: {  	s12 =	simm.s32 $0x1;
	s18 =	sor.u32 s18, s16;
	s16 =	simm.s32 $0x0  }
.LBB2_2:
0x2e: {  	s19 =	sshll.u32 s12, $0x4;
	p2 =	sne.s32 s12, $0x1FF;
	s12 =	sadd.s32 $0x1, s12;
	[tilespmem:s18+$0x7000] =	vst v0  }
.Ltmp0:
0x2f: {  	s16 =	sadd.s32 $0x10, s16;
	s18 =	sand.u32 $0xFFFFFF80, s19;
	(pc) =	sbr.rel @p2 .LBB2_2-.Ltmp0, $4  }
0x30: {  	s18 =	ssub.s32 s16, s18  }
0x31: {  	s19 =	sand.u32 $0x3FFFFF80, s19;
	s18 =	sand.u32 $0xFFFFFF80, s18  }
0x32: {  	s20 =	sand.u32 $0x70, s16;
	s18 =	sadd.s32 s18, s19  }
0x33: {  	s18 =	sor.u32 s20, s18  }
0x34: {  	[tilespmem:s18+$0x7000] =	vst v0  }
0x35: {  	[spmem:s15] =	stream.linear.scatter [tilespmem:s0], [sflag:$0x3], $0x2000, $0x38;
	[tilespmem:$0x1C900] =	vst v63  }
0x36: {  	_ =	swait.ge [sflag:s2], $0x2000  }
0x37: {  	[sflag:s2] =	ssyncset.done $0x0  }
0x38: {  	s12 =	rddreg [dreg:$0xc];
	[sflag:s2] =	ssyncadd.s32 $0xFFFFE000  }
0x39: {  	[spmem:s12] =	stream.linear.scatter [tilespmem:s0], [sflag:$0x3], $0x2000, $0x38;
	[tilespmem:$0x1C900] =	vst v63  }
0x3a: {  	_ =	swait.ge [sflag:s2], $0x2000  }
0x3b: {  	[sflag:s2] =	ssyncset.done $0x0  }
0x3c: {  	[sflag:s2] =	ssyncadd.s32 $0xFFFFE000  }
0x3d: {  	[spmem:s26] =	stream.linear.scatter [tilespmem:s0], [sflag:$0x3], $0x2000, $0x38;
	[tilespmem:$0x1C900] =	vst v63  }
0x3e: {  	_ =	swait.ge [sflag:s2], $0x2000  }
0x3f: {  	[sflag:s2] =	ssyncset.done $0x0  }
0x40: {  	[sflag:s2] =	ssyncadd.s32 $0xFFFFE000  }
0x41: {  	[spmem:s28] =	stream.linear.scatter [tilespmem:s0], [sflag:$0x3], $0x2000, $0x38;
	[tilespmem:$0x1C900] =	vst v63  }
0x42: {  	_ =	swait.ge [sflag:s2], $0x2000  }
0x43: {  	[sflag:s2] =	ssyncset.done $0x0  }
0x44: {  	[sflag:s2] =	ssyncadd.s32 $0xFFFFE000  }
0x45: {  	[spmem:s29] =	stream.linear.scatter [tilespmem:s0], [sflag:$0x3], $0x2000, $0x38;
	[tilespmem:$0x1C900] =	vst v63  }
0x46: {  	_ =	swait.ge [sflag:s2], $0x2000  }
0x47: {  	[sflag:s2] =	ssyncset.done $0x0  }
.Ltmp1:
0x48: {  	[sflag:s2] =	ssyncadd.s32 $0xFFFFE000;
	(pc) =	sbr.rel @!p1 .LBB2_4-.Ltmp1, $4  }
0x49: {  	[spmem:s30] =	stream.linear.scatter [tilespmem:s0], [sflag:$0x3], $0x2000, $0x38;
	[tilespmem:$0x1C900] =	vst v63  }
0x4a: {  	_ =	swait.ge [sflag:s2], $0x2000  }
0x4b: {  	[sflag:s2] =	ssyncset.done $0x0  }
0x4c: {  	[sflag:s2] =	ssyncadd.s32 $0xFFFFE000  }
.Ltmp2:
0x4d: {  	s12 =	rddreg [dreg:$0x15];
	(pc) =	sbr.rel .LBB2_5-.Ltmp2, $4  }
0x4e: {  	[spmem:s12] =	stream.linear.scatter [tilespmem:s0], [sflag:$0x3], $0x800, $0x38;
	[tilespmem:$0x1C900] =	vst v63  }
0x4f: {  	_ =	swait.ge [sflag:s2], $0x800  }
0x50: {  	[sflag:s2] =	ssyncset.done $0x0  }
0x51: {  	[sflag:s2] =	ssyncadd.s32 $0xFFFFF800  }
.LBB2_4:
0x52: {  	s12 =	rddreg [dreg:$0x12]  }
0x53: {  	[spmem:s12] =	stream.linear.scatter [tilespmem:s0], [sflag:$0x3], $0x2000, $0x38;
	[tilespmem:$0x1C900] =	vst v63  }
0x54: {  	_ =	swait.ge [sflag:s2], $0x2000  }
0x55: {  	[sflag:s2] =	ssyncset.done $0x0  }
0x56: {  	s21 =	rddreg [dreg:$0x13];
	[sflag:s2] =	ssyncadd.s32 $0xFFFFE000  }
0x57: {  	[spmem:s21] =	stream.linear.scatter [tilespmem:s0], [sflag:$0x3], $0x2000, $0x38;
	[tilespmem:$0x1C900] =	vst v63  }
0x58: {  	_ =	swait.ge [sflag:s2], $0x2000  }
0x59: {  	[sflag:s2] =	ssyncset.done $0x0  }
0x5a: {  	[sflag:s2] =	ssyncadd.s32 $0xFFFFE000  }
0x5b: {  	[spmem:s4] =	stream.linear.scatter [tilespmem:s0], [sflag:$0x3], $0x2000, $0x38;
	[tilespmem:$0x1C900] =	vst v63  }
0x5c: {  	_ =	swait.ge [sflag:s2], $0x2000  }
0x5d: {  	[sflag:s2] =	ssyncset.done $0x0  }
0x5e: {  	s12 =	simm.s32 @!p0 $0x7000;
	[sflag:s2] =	ssyncadd.s32 $0xFFFFE000  }
0x5f: {  	[spmem:s4] =	stream.linear.scatter @!p0 [tilespmem:s12], [sflag:$0x3], $0x800, $0x38;
	[tilespmem:$0x1C900] =	vst v63  }
0x60: {  	s12 =	simm.s32 @!p0 $0x3  }
0x61: {  	_ =	swait.ge @!p0 [sflag:s12], $0x800  }
0x62: {  	[sflag:s12] =	ssyncset.done @!p0 $0x0  }
0x63: {  	s22 =	rddreg [dreg:$0x14];
	[sflag:s12] =	ssyncadd.s32 @!p0 $0xFFFFF800  }
0x64: {  	[spmem:s22] =	stream.linear.scatter [tilespmem:s0], [sflag:$0x3], $0x2000, $0x38;
	[tilespmem:$0x1C900] =	vst v63  }
0x65: {  	_ =	swait.ge [sflag:s2], $0x2000  }
0x66: {  	[sflag:s2] =	ssyncset.done $0x0  }
0x67: {  	[sflag:s2] =	ssyncadd.s32 $0xFFFFE000  }
.LBB2_5:
0x68: {  	[bflag:$0x0] =	sbarrier.arrive $0xFFFF;
	s12 =	simm.s32 $0x0;
	s16 =	simm.s32 $0x0  }
.LBB2_6:
0x69: {  	s18 =	sshll.u32 s16, $0xC  }
0x6a: {  	s18 =	sadd.s32 s17, s18  }
0x6b: {  	s18 =	sshrl.u32 s18, $0x3  }
0x6c: {  	s19 =	sadd.s32 s13, s18  }
0x6d: {  	[tilespmem:s12], [sflag:$0x3] =	stream.linear.gather [hbm4b:s19+s12], $0xC80, $0x38;
	[tilespmem:$0x1C900] =	vst v63  }
0x6e: {  	_ =	swait.ge [sflag:s2], $0xC80  }
0x6f: {  	[sflag:s2] =	ssyncset.done $0x0  }
0x70: {  	s18 =	sadd.s32 s14, s18;
	[sflag:s2] =	ssyncadd.s32 $0xFFFFF380  }
0x71: {  	[tilespmem:s31], [sflag:$0x3] =	stream.linear.gather [hbm4b:s18+s12], $0xC80, $0x38;
	[tilespmem:$0x1C900] =	vst v63  }
0x72: {  	_ =	swait.ge [sflag:s2], $0xC80  }
0x73: {  	[sflag:s2] =	ssyncset.done $0x0  }
0x74: {  	[sflag:s2] =	ssyncadd.s32 $0xFFFFF380  }
0x75: {  	[tilespmem:s6], [sflag:$0x1] =	stream.indirect.gather [hbm4b:s1+s5], $0x80, s12, s5, $0xb8;
	[tilespmem:$0x1C900] =	vst v63  }
0x76: {  	s19 =	simm.s32 $0x80  }
0x77: {  	[tilespmem:s7], [sflag:$0x2] =	stream.indirect.gather [hbm4b:s1+s5], $0x80, s19, s5, $0xb8;
	[tilespmem:$0x1C900] =	vst v63  }
0x78: {  	_ =	swait.ge [sflag:s8], $0x2800  }
0x79: {  	[sflag:s8] =	ssyncset.done $0x0  }
0x7a: {  	s20 =	simm.s32 $0x1000;
	[sflag:s8] =	ssyncadd.s32 $0xFFFFD800  }
0x7b: {  	[spmem:s3] =	stream.indirect.scatter.add.f32 [tilespmem:s6], [sflag:$0x3], $0x80, s20, s5, $0xb8;
	[tilespmem:$0x1C900] =	vst v63  }
0x7c: {  	_ =	swait.ge [sflag:s2], $0x2800  }
0x7d: {  	[sflag:s2] =	ssyncset.done $0x0  }
0x7e: {  	s21 =	simm.s32 $0x100;
	[sflag:s2] =	ssyncadd.s32 $0xFFFFD800  }
0x7f: {  	[tilespmem:s6], [sflag:$0x1] =	stream.indirect.gather [hbm4b:s1+s5], $0x80, s21, s5, $0xb8;
	[tilespmem:$0x1C900] =	vst v63  }
0x80: {  	_ =	swait.ge [sflag:s9], $0x2800  }
0x81: {  	[sflag:s9] =	ssyncset.done $0x0  }
0x82: {  	s22 =	simm.s32 $0x1080;
	[sflag:s9] =	ssyncadd.s32 $0xFFFFD800  }
0x83: {  	[spmem:s3] =	stream.indirect.scatter.add.f32 [tilespmem:s7], [sflag:$0x3], $0x80, s22, s5, $0xb8;
	[tilespmem:$0x1C900] =	vst v63  }
0x84: {  	_ =	swait.ge [sflag:s2], $0x2800  }
0x85: {  	s18 =	simm.s32 $0x100;
	s19 =	simm.s32 $0x800;
	[sflag:s2] =	ssyncset.done $0x0  }
.LBB2_7:
0x86: {  	s20 =	sadd.s32 $0x80, s18  }
0x87: {  	[sflag:s2] =	ssyncadd.s32 $0xFFFFD800;
	s21 =	smov.u32 s19;
	s22 =	sadd.s32 $0x400, s19  }
0x88: {  	[tilespmem:s7], [sflag:$0x2] =	stream.indirect.gather [hbm4b:s1+s5], $0x80, s20, s5, $0xb8;
	[tilespmem:$0x1C900] =	vst v63  }
0x89: {  	p2 =	sne.s32 s19, $0x2C00;
	_ =	swait.ge [sflag:s8], $0x2800  }
0x8a: {  	[sflag:s8] =	ssyncset.done $0x0  }
0x8b: {  	s19 =	sadd.s32 $0x1000, s18;
	[sflag:s8] =	ssyncadd.s32 $0xFFFFD800  }
0x8c: {  	[spmem:s3] =	stream.indirect.scatter.add.f32 [tilespmem:s6], [sflag:$0x3], $0x80, s19, s5, $0xb8;
	[tilespmem:$0x1C900] =	vst v63  }
0x8d: {  	_ =	swait.ge [sflag:s2], $0x2800  }
0x8e: {  	[sflag:s2] =	ssyncset.done $0x0  }
0x8f: {  	s19 =	sadd.s32 $0x100, s18;
	[sflag:s2] =	ssyncadd.s32 $0xFFFFD800  }
0x90: {  	[tilespmem:s6], [sflag:$0x1] =	stream.indirect.gather [hbm4b:s1+s5], $0x80, s19, s5, $0xb8;
	[tilespmem:$0x1C900] =	vst v63  }
0x91: {  	_ =	swait.ge [sflag:s9], $0x2800  }
.Ltmp3:
0x92: {  	[sflag:s9] =	ssyncset.done $0x0;
	(pc) =	sbr.rel @p2 .LBB2_7-.Ltmp3, $4  }
0x93: {  	s18 =	sadd.s32 $0x1080, s18;
	[sflag:s9] =	ssyncadd.s32 $0xFFFFD800  }
0x94: {  	[spmem:s3] =	stream.indirect.scatter.add.f32 [tilespmem:s7], [sflag:$0x3], $0x80, s18, s5, $0xb8;
	[tilespmem:$0x1C900] =	vst v63  }
0x95: {  	_ =	swait.ge [sflag:s2], $0x2800  }
0x96: {  	s19 =	smov.u32 s22;
	s18 =	sshra.s32 s21, $0x2;
	[sflag:s2] =	ssyncset.done $0x0  }
0x97: {  	s19 =	sadd.s32 $0x80, s18;
	[sflag:s2] =	ssyncadd.s32 $0xFFFFD800  }
0x98: {  	[tilespmem:s7], [sflag:$0x2] =	stream.indirect.gather [hbm4b:s1+s5], $0x80, s19, s5, $0xb8;
	[tilespmem:$0x1C900] =	vst v63  }
0x99: {  	_ =	swait.ge [sflag:s8], $0x2800  }
0x9a: {  	[sflag:s8] =	ssyncset.done $0x0  }
0x9b: {  	s20 =	sadd.s32 $0x1000, s18;
	[sflag:s8] =	ssyncadd.s32 $0xFFFFD800  }
0x9c: {  	[spmem:s3] =	stream.indirect.scatter.add.f32 [tilespmem:s6], [sflag:$0x3], $0x80, s20, s5, $0xb8;
	[tilespmem:$0x1C900] =	vst v63  }
0x9d: {  	_ =	swait.ge [sflag:s2], $0x2800  }
0x9e: {  	[sflag:s2] =	ssyncset.done $0x0  }
0x9f: {  	s21 =	sadd.s32 $0x100, s18;
	[sflag:s2] =	ssyncadd.s32 $0xFFFFD800  }
0xa0: {  	[tilespmem:s6], [sflag:$0x1] =	stream.indirect.gather [hbm4b:s1+s5], $0x80, s21, s5, $0xb8;
	[tilespmem:$0x1C900] =	vst v63  }
0xa1: {  	_ =	swait.ge [sflag:s9], $0x2800  }
0xa2: {  	[sflag:s9] =	ssyncset.done $0x0  }
0xa3: {  	s22 =	sadd.s32 $0x1080, s18;
	[sflag:s9] =	ssyncadd.s32 $0xFFFFD800  }
0xa4: {  	[spmem:s3] =	stream.indirect.scatter.add.f32 [tilespmem:s7], [sflag:$0x3], $0x80, s22, s5, $0xb8;
	[tilespmem:$0x1C900] =	vst v63  }
0xa5: {  	_ =	swait.ge [sflag:s2], $0x2800  }
0xa6: {  	[sflag:s2] =	ssyncset.done $0x0  }
0xa7: {  	[sflag:s2] =	ssyncadd.s32 $0xFFFFD800  }
0xa8: {  	s16 =	sadd.s32 $0x1, s16;
	_ =	swait.ge [sflag:s8], $0x2800  }
0xa9: {  	p2 =	sne.s32 s16, $0x5;
	[sflag:s8] =	ssyncset.done $0x0  }
.Ltmp4:
0xaa: {  	[sflag:s8] =	ssyncadd.s32 $0xFFFFD800;
	(pc) =	sbr.rel @p2 .LBB2_6-.Ltmp4, $4  }
0xab: {  	[spmem:s3] =	stream.indirect.scatter.add.f32 [tilespmem:s6], [sflag:$0x3], $0x80, s10, s5, $0xb8;
	[tilespmem:$0x1C900] =	vst v63  }
0xac: {  	_ =	swait.ge [sflag:s2], $0x2800  }
0xad: {  	[sflag:s2] =	ssyncset.done $0x0  }
0xae: {  	[sflag:s2] =	ssyncadd.s32 $0xFFFFD800  }
0xaf: {  	s12 =	stileid.u32  }
0xb0: {  	[bflag:$0x0] =	sbarrier.arrive $0xFFFF;
	s12 =	sshll.u32 s12, $0x6  }
0xb1: {  	s16 =	sshrl.u32 s15, $0x3;
	s18 =	rddreg [dreg:$0x4];
	s12 =	sor.u32 $0x1C03, s12  }
0xb2: {  	[hbm:s18], [sflag:s12] =	dma.local [spmem:s16], $0x500  }
0xb3: {  	_ =	swait.ge [sflag:s2], $0x500  }
0xb4: {  	[sflag:s2] =	ssyncset.done $0x0;
	s19 =	rddreg [dreg:$0x5]  }
0xb5: {  	s20 =	rddreg [dreg:$0xe];
	[sflag:s2] =	ssyncadd.s32 $0xFFFFFB00  }
0xb6: {  	[hbm:s19], [sflag:s12] =	dma.local [spmem:s20], $0x500  }
0xb7: {  	_ =	swait.ge [sflag:s2], $0x500  }
0xb8: {  	[sflag:s2] =	ssyncset.done $0x0;
	s21 =	rddreg [dreg:$0x6]  }
0xb9: {  	s22 =	rddreg [dreg:$0xf];
	[sflag:s2] =	ssyncadd.s32 $0xFFFFFB00  }
0xba: {  	[hbm:s21], [sflag:s12] =	dma.local [spmem:s22], $0x500  }
0xbb: {  	_ =	swait.ge [sflag:s2], $0x500  }
0xbc: {  	[sflag:s2] =	ssyncset.done $0x0;
	s18 =	rddreg [dreg:$0x7]  }
0xbd: {  	s19 =	rddreg [dreg:$0x10];
	[sflag:s2] =	ssyncadd.s32 $0xFFFFFB00  }
0xbe: {  	[hbm:s18], [sflag:s12] =	dma.local [spmem:s19], $0x500  }
0xbf: {  	_ =	swait.ge [sflag:s2], $0x500  }
0xc0: {  	[sflag:s2] =	ssyncset.done $0x0;
	s20 =	rddreg [dreg:$0x8]  }
0xc1: {  	s21 =	rddreg [dreg:$0x11];
	[sflag:s2] =	ssyncadd.s32 $0xFFFFFB00  }
0xc2: {  	[hbm:s20], [sflag:s12] =	dma.local [spmem:s21], $0x500  }
0xc3: {  	_ =	swait.ge [sflag:s2], $0x500  }
0xc4: {  	[sflag:s2] =	ssyncset.done $0x0  }
0xc5: {  	s16 =	rddreg [dreg:$0x9];
	[sflag:s2] =	ssyncadd.s32 $0xFFFFFB00  }
0xc6: {  	[hbm:s16], [sflag:s12] =	dma.local @!p1 [spmem:s23], $0x500  }
0xc7: {  	s16 =	simm.s32 @!p1 $0x3  }
0xc8: {  	_ =	swait.ge @!p1 [sflag:s16], $0x500  }
0xc9: {  	[sflag:s16] =	ssyncset.done @!p1 $0x0  }
0xca: {  	s18 =	rddreg [dreg:$0xa];
	[sflag:s16] =	ssyncadd.s32 @!p1 $0xFFFFFB00  }
0xcb: {  	[hbm:s18], [sflag:s12] =	dma.local @!p1 [spmem:s24], $0x500  }
0xcc: {  	_ =	swait.ge @!p1 [sflag:s16], $0x500  }
0xcd: {  	[sflag:s16] =	ssyncset.done @!p1 $0x0  }
0xce: {  	s18 =	rddreg [dreg:$0xb];
	[sflag:s16] =	ssyncadd.s32 @!p1 $0xFFFFFB00  }
0xcf: {  	[hbm:s18], [sflag:s12] =	dma.local @!p1 [spmem:s25], $0x500  }
0xd0: {  	_ =	swait.ge @!p1 [sflag:s16], $0x500  }
0xd1: {  	s11 =	sadd.s32 $0x1, s11;
	s22 =	rddreg [dreg:$0xd]  }
0xd2: {  	p2 =	sne.s32 s11, s22  }
.Ltmp5:
0xd3: {  	_ = 	snop;
	(pc) =	sbr.rel @p2 .LBB2_1-.Ltmp5, $3  }
0xd4: {  	_ =	sdelay $0x1  }
0xd5: {  	[sflag:s16] =	ssyncset.done @!p1 $0x0  }
0xd6: {  	[sflag:s16] =	ssyncadd.s32 @!p1 $0xFFFFFB00  }
0xd7: {  	_ =	sfence.sel $0x180000  }
0xd8: {  	[bflag:$0x0] =	sbarrier.arrive $0xFFFF  }
0xd9: {  	_ =	strace $0x9000004D  }
0xda: {  	s0 =	stileid.u32;
	[bflag:$0x2] =	sbarrier.arrive $0xFFFF  }
0xdb: {  	p0 =	sne.s32 s0, $0x0;
	s0 =	rddreg [dreg:$0x3]  }
0xdc: {  	s0 =	sadd.s32 @!p0 $0x100000, s0  }
0xdd: {  	[sflag:s0] =	ssyncadd.tile.s32 @!p0 $0x1;
	_ =	shalt  }
.Lfunc_end2:
_tile_overlayer_lowered:
.L_overlay_start_2:
0xde: {  	(tag) =	ssettag $0x2  }
0xdf: {  	s0 =	rddreg [dreg:$0x0];
	s2 =	stileid.u32  }
0xe0: {  	s1 =	rddreg [dreg:$0x1];
	p0 =	sne.s32 s2, $0x0  }
0xe1: {  	s3 =	rddreg [dreg:$0x2];
	[bflag:$0x3] =	sbarrier.arrive $0xFFFF;
	s2 =	simm.s32 @!p0 $0x1C03  }
0xe2: {  	[timem:s3], [sflag:s2] =	dma.local @!p0 [hbm:s0], s1  }
0xe3: {  	s0 =	simm.s32 @!p0 $0x3  }
0xe4: {  	_ =	swait.ge @!p0 [sflag:s0], s1  }
0xe5: {  	s1 =	ssub.s32 @!p0 $0x0, s1;
	[sflag:s0] =	ssyncset.done @!p0 $0x0  }
0xe6: {  	[sflag:s0] =	ssyncadd.s32 @!p0 s1  }
0xe7: {  	[bflag:$0x3] =	sbarrier.arrive $0xFFFF  }
0xe8: {  	_ =	shalt  }

// kernel: kernel.18.cloned.1.call-start
scs
__scs_entry_jumppad:
0x0: {  	(pc) =	sbr.rel $0x88, $3  }
0x1: {  	(tag) =	ssettag $0x0;
	lr =	simm.s32 $0x1  }
0x2: {  	[smem:$0x3F8E] =	sst lr;
	_ =	strace $0xD0000000  }
0x3: {  	_ = 	snop  }
0x4: {  	_ = 	snop  }
0x5: {  	_ = 	snop  }
0x6: {  	_ = 	snop  }
0x7: {  	_ = 	snop  }
__scs_overlays_trampoline_lowered:
0x8: {  	[smem:$0x3F9D] =	sst s0  }
0x9: {  	[smem:$0x3F9E] =	sst s1  }
0xa: {  	[smem:$0x3F9F] =	sst s2  }
0xb: {  	[smem:$0x3FA0] =	sst s3  }
0xc: {  	[smem:$0x3FA1] =	sst s4  }
0xd: {  	[smem:$0x3FA2] =	sst s5  }
0xe: {  	[smem:$0x3FA3] =	sst s6  }
0xf: {  	[smem:$0x3FA4] =	sst s7  }
0x10: {  	[smem:$0x3FA5] =	sst s8  }
0x11: {  	[smem:$0x3FA6] =	sst s9;
	s0 =	simm.s32 @!p0 $0x0  }
0x12: {  	s1 =	sld [smem:$0x3F8C];
	s0 =	simm.s32 @p0 $0x1  }
0x13: {  	[smem:$0x3FA7] =	sst s0;
	s0 =	simm.s32 @!p1 $0x0  }
0x14: {  	s2 =	sld [smem:$0x3F8B];
	s0 =	simm.s32 @p1 $0x1  }
0x15: {  	[smem:$0x3FA8] =	sst s0;
	s0 =	simm.s32 @!p2 $0x0  }
0x16: {  	s3 =	sld [smem:$0x3FDB];
	s0 =	simm.s32 @p2 $0x1  }
0x17: {  	s4 =	simm.s32 $0x1BF5;
	[smem:$0x3FAA] =	sst s0  }
0x18: {  	s0 =	sld [smem:$0x3F8D];
	_ =	swait.ge [sflag:s4], $0x0  }
0x19: {  	s7 =	sld [smem:$0x3F8E]  }
0x1a: {  	s8 =	sadd.s32 $0xFFFFE003, lr  }
0x1b: {  	s9 =	sadd.s32 $0xFFFFFEF7, lr;
	s5 =	simm.s32 $0xFFFFFFFF;
	p2 =	slt.u32 s8, $0xFFFFF086  }
0x1c: {  	p1 =	slt.u32 s9, $0xF7A;
	s5 =	simm.s32 @!p2 $0x0  }
0x1d: {  	s5 =	simm.s32 @p1 $0x1;
	p0 =	seq.s32 s7, s2  }
0x1e: {  	s7 =	smul.u32 @!p0 $0xF7A, s2;
	p2 =	seq.s32 @!p0 s5, $0x0  }
0x1f: {  	s9 =	smul.u32 $0xF7A, s1;
	s8 =	simm.s32 @!p0 $0x1BF5;
	p2 =	por !p2, p0  }
0x20: {  	[sflag:s8] =	ssyncset.s32 @!p0 $0xFFFFF086;
	s6 =	sadd.s32 @!p0 s3, s7;
	s7 =	simm.s32 @!p0 $0x108  }
0x21: {  	s3 =	sadd.s32 s3, s9;
	s6 =	sadd.s32 @!p0 $0x88, s6;
	s7 =	simm.s32 @p2 $0x1082  }
0x22: {  	[simem:s7], [sflag:s8] =	dma.local @!p0 [hbm:s6], $0xF7A  }
0x23: {  	s9 =	sor.u32 $0xD0000000, s2;
	s6 =	simm.s32 $0x108;
	_ =	swait.ge @!p0 [sflag:s8], $0x0  }
0x24: {  	s3 =	sadd.s32 $0x88, s3;
	s6 =	simm.s32 @!p1 $0x1082;
	[sflag:s4] =	ssyncset.s32 $0xFFFFF086  }
0x25: {  	[simem:s6], [sflag:s4] =	dma.local [hbm:s3], $0xF7A  }
0x26: {  	[smem:$0x3F8E] =	sst s1;
	(tag) =	ssettag s2;
	_ =	strace s9  }
0x27: {  	s1 =	sld [smem:$0x3F9E]  }
0x28: {  	s2 =	sld [smem:$0x3F9F]  }
0x29: {  	s4 =	sld [smem:$0x3FA1]  }
0x2a: {  	p0 =	seq.s32 s5, $0x0;
	s5 =	sld [smem:$0x3FA2]  }
0x2b: {  	s6 =	sld [smem:$0x3FA3]  }
0x2c: {  	s7 =	sld [smem:$0x3FA4]  }
0x2d: {  	s3 =	simm.s32 $0x108;
	s8 =	sld [smem:$0x3FA5]  }
0x2e: {  	s3 =	simm.s32 @!p0 $0x1082;
	s9 =	sld [smem:$0x3FA6]  }
0x2f: {  	lr =	sadd.s32 s0, s3;
	s0 =	sld [smem:$0x3F9D]  }
0x30: {  	s3 =	sld [smem:$0x3FA0]  }
0x31: {  	[smem:$0x3FA9] =	sst s10  }
0x32: {  	s10 =	sld [smem:$0x3FA7];
	_ =	sdelay $0x3  }
0x33: {  	p0 =	seq.s32 s10, $0x1;
	s10 =	sld [smem:$0x3FA9];
	_ =	sdelay $0x3  }
0x34: {  	[smem:$0x3FA9] =	sst s10  }
0x35: {  	s10 =	sld [smem:$0x3FA8];
	_ =	sdelay $0x3  }
0x36: {  	p1 =	seq.s32 s10, $0x1;
	s10 =	sld [smem:$0x3FA9];
	_ =	sdelay $0x3  }
0x37: {  	[smem:$0x3FA9] =	sst s10  }
0x38: {  	s10 =	sld [smem:$0x3FAA]  }
0x39: {  	_ = 	snop;
	(pc) =	sbr.ind lr, $3  }
0x3a: {  	_ = 	snop  }
0x3b: {  	_ = 	snop  }
0x3c: {  	p2 =	seq.s32 s10, $0x1;
	s10 =	sld [smem:$0x3FA9]  }
0x3d: {  	_ =	shalt  }
0x3e: {  	_ =	shalt  }
0x3f: {  	_ =	shalt  }
0x40: {  	_ =	shalt  }
0x41: {  	_ =	shalt  }
0x42: {  	_ =	shalt  }
0x43: {  	_ =	shalt  }
0x44: {  	_ =	shalt  }
0x45: {  	_ =	shalt  }
0x46: {  	_ =	shalt  }
0x47: {  	_ =	shalt  }
0x48: {  	_ =	shalt  }
0x49: {  	_ =	shalt  }
0x4a: {  	_ =	shalt  }
0x4b: {  	_ =	shalt  }
0x4c: {  	_ =	shalt  }
0x4d: {  	_ =	shalt  }
0x4e: {  	_ =	shalt  }
0x4f: {  	_ =	shalt  }
0x50: {  	_ =	shalt  }
0x51: {  	_ =	shalt  }
0x52: {  	_ =	shalt  }
0x53: {  	_ =	shalt  }
0x54: {  	_ =	shalt  }
0x55: {  	_ =	shalt  }
0x56: {  	_ =	shalt  }
0x57: {  	_ =	shalt  }
0x58: {  	_ =	shalt  }
0x59: {  	_ =	shalt  }
0x5a: {  	_ =	shalt  }
0x5b: {  	_ =	shalt  }
0x5c: {  	_ =	shalt  }
0x5d: {  	_ =	shalt  }
0x5e: {  	_ =	shalt  }
0x5f: {  	_ =	shalt  }
0x60: {  	_ =	shalt  }
0x61: {  	_ =	shalt  }
0x62: {  	_ =	shalt  }
0x63: {  	_ =	shalt  }
0x64: {  	_ =	shalt  }
0x65: {  	_ =	shalt  }
0x66: {  	_ =	shalt  }
0x67: {  	_ =	shalt  }
0x68: {  	_ =	shalt  }
0x69: {  	_ =	shalt  }
0x6a: {  	_ =	shalt  }
0x6b: {  	_ =	shalt  }
0x6c: {  	_ =	shalt  }
0x6d: {  	_ =	shalt  }
0x6e: {  	_ =	shalt  }
0x6f: {  	_ =	shalt  }
0x70: {  	_ =	shalt  }
0x71: {  	_ =	shalt  }
0x72: {  	_ =	shalt  }
0x73: {  	_ =	shalt  }
0x74: {  	_ =	shalt  }
0x75: {  	_ =	shalt  }
0x76: {  	_ =	shalt  }
0x77: {  	_ =	shalt  }
0x78: {  	_ =	shalt  }
0x79: {  	_ =	shalt  }
0x7a: {  	_ =	shalt  }
0x7b: {  	_ =	shalt  }
0x7c: {  	_ =	shalt  }
0x7d: {  	_ =	shalt  }
0x7e: {  	_ =	shalt  }
0x7f: {  	_ =	shalt  }
0x80: {  	_ =	shalt  }
0x81: {  	_ =	shalt  }
0x82: {  	_ =	shalt  }
0x83: {  	_ =	shalt  }
0x84: {  	_ =	shalt  }
0x85: {  	_ =	shalt  }
0x86: {  	_ =	shalt  }
0x87: {  	_ =	shalt  }
.Lfunc_end0:
.L_simem_size_0:
called_computation.3_lowered:
.L_overlay_start_0:
0x88: {  	s2 =	sld [smem:$0x3FD9]  }
0x89: {  	s3 =	sld [smem:$0x3FFE];
	_ =	sdelay $0x1  }
0x8a: {  	s1 =	srdreg.scid  }
0x8b: {  	s0 =	sand.u32 $0x1, s1  }
0x8c: {  	s14 =	sshll.u32 s0, $0xA;
	s2 =	sadd.s32 s3, s2  }
0x8d: {  	s2 =	sadd.s32 s2, s14  }
0x8e: {  	[smem:$0x3FB5] =	sst s2  }
0x8f: {  	_ = 	snop  }
0x90: {  	s2 =	sld [smem:$0x3FD0];
	_ =	sdelay $0x2  }
0x91: {  	s15 =	simm.s32 $0xB;
	s4 =	simm.s32 $0x10  }
0x92: {  	[smem:s4], [sflag:s15] =	dma.local [hbm:s2], $0x1  }
0x93: {  	_ =	swait.eq [sflag:s15], $0x1  }
0x94: {  	[sflag:s15] =	ssyncset.done $0x0  }
0x95: {  	[sflag:s15] =	ssyncadd.s32 $0xFFFFFFFF  }
0x96: {  	s16 =	sld [smem:$0x11];
	(tm) =	ssettm $0x1  }
0x97: {  	s17 =	sld [smem:$0x3FFB];
	_ =	sdelay $0x3  }
0x98: {  	_ =	strace s17  }
0x99: {  	s3 =	sld [smem:$0x3FFC];
	_ =	sdelay $0x3  }
0x9a: {  	_ =	strace s3  }
0x9b: {  	s3 =	sld [smem:$0x3FFD];
	_ =	sdelay $0x3  }
0x9c: {  	_ =	strace s3  }
0x9d: {  	_ =	strace $0x8FFFFFFF  }
0x9e: {  	s18 =	sld [smem:$0x3FDB];
	_ =	sdelay $0x1  }
0x9f: {  	s19 =	simm.s32 $_scs_section_size  }
0xa0: {  	s5 =	simm.s32 $_size__tile_overlayer_lowered;
	s6 =	simm.s32 $_tile_overlayer_lowered  }
0xa1: {  	s22 =	simm.s32 $0x1BFF;
	s21 =	sshll.u32 s6, $0x1;
	s3 =	sadd.s32 s19, s18  }
0xa2: {  	s7 =	simm.s32 $0x0;
	s20 =	sshll.u32 s5, $0x1;
	s5 =	sadd.s32 s21, s3  }
0xa3: {  	[timem:s7], [sflag:s22] =	dma.local [hbm:s5], s20  }
0xa4: {  	_ =	swait.ge [sflag:s22], s20  }
0xa5: {  	s4 =	ssub.s32 $0x0, s20;
	[sflag:s22] =	ssyncset.done $0x0  }
0xa6: {  	[sflag:s22] =	ssyncadd.s32 s4;
	_ =	sdelay $0x1  }
0xa7: {  	s23 =	simm.s32 $0x1B8B  }
0xa8: {  	_ =	swait.ge [sflag:s23], $0x1  }
0xa9: {  	[sflag:s23] =	ssyncset.done $0x0  }
0xaa: {  	s25 =	simm.s32 $0x1B8E;
	s24 =	sld [smem:$0x3FFE];
	[sflag:s23] =	ssyncadd.s32 $0xFFFFFFFF  }
0xab: {  	s26 =	simm.s32 $execute0_lowered;
	[smem:$0x3FD2] =	sst s25  }
0xac: {  	s5 =	sshll.u32 s26, $0x1;
	_ =	strace $0x8000004F;
	[dreg:$0x1] =	wrdreg $0xFFFFFFFF  }
0xad: {  	s28 =	simm.s32 $_size_execute0_lowered;
	s3 =	sadd.s32 s3, s5;
	[dreg:$0x0] =	wrdreg $0x0  }
0xae: {  	s5 =	sshll.u32 s28, $0x1;
	[dreg:$0x2] =	wrdreg s3  }
0xaf: {  	[dreg:$0x3] =	wrdreg s5  }
0xb0: {  	[dreg:$0x4] =	wrdreg $0xC0  }
0xb1: {  	_ =	task [dreg:s7], $0x5FFFF  }
0xb2: {  	[dreg:$0x1] =	wrdreg $0xFFFFFFFF  }
0xb3: {  	[dreg:$0x0] =	wrdreg $0x60  }
0xb4: {  	[dreg:$0x2] =	wrdreg s16  }
0xb5: {  	[dreg:$0x3] =	wrdreg s24  }
0xb6: {  	[dreg:$0x4] =	wrdreg $0x90000  }
0xb7: {  	[dreg:$0x5] =	wrdreg $0x9  }
0xb8: {  	_ =	task.clear_ibuf [dreg:s7], $0x6FFFF;
	_ =	strace $0x9000004F  }
0xb9: {  	s29 =	simm.s32 $0x9;
	_ =	strace $0x80000051  }
0xba: {  	_ =	swait.ge [sflag:s29], $0x1  }
0xbb: {  	[sflag:s29] =	ssyncadd.s32 $0xFFFFFFFF  }
0xbc: {  	_ =	strace $0x90000051  }
0xbd: {  	_ =	sfence  }
0xbe: {  	s30 =	sld [smem:$0x0];
	_ =	sdelay $0x2  }
0xbf: {  	s31 =	sshll.u32 s1, $0xD;
	s1 =	sshrl.u32 s1, $0x2  }
0xc0: {  	s3 =	sand.u32 $0x4000, s31;
	s1 =	sadd.s32 s1, s30  }
0xc1: {  	s0 =	sor.u32 s3, s0;
	s1 =	sshll.u32 s1, $0x11  }
0xc2: {  	s0 =	sor.u32 s1, s0  }
0xc3: {  	s0 =	sadd.s32 $0x8F2B, s0  }
0xc4: {  	[sflag:s0] =	ssyncadd.remote.s32 $0x1  }
0xc5: {  	_ =	sfence.sel $0xFFFF  }
0xc6: {  	[dreg:$0x0] =	wrdreg $0xFFFFFFFF;
	(pc) =	sbr.abs _section_cstart, $3  }
0xc7: {  	[dreg:$0x1] =	wrdreg $0xFFFFFFFF  }
0xc8: {  	_ =	task.clear_ibuf [dreg:s7], $0x2FFFF;
	_ =	strace $0x9FFFFFFF  }
0xc9: {  	(tm) =	ssettm $0x7FFFFFFF  }
tec
execute0_lowered:
.L_overlay_start_1:
0x0: {  	(tag) =	ssettag $0x1  }
0x1: {  	s1 =	rddreg [dreg:$0x0]  }
0x2: {  	s0 =	rddreg [dreg:$0x1]  }
0x3: {  	s2 =	srdreg.scid;
	s20 =	stileid.u32  }
0x4: {  	s5 =	simm.s32 $0x0;
	s31 =	simm.s32 $0x1000;
	s4 =	smul.u32 $0x280, s20  }
0x5: {  	s2 =	sand.u32 $0x1, s2;
	[smem:$0x7FF] =	sst s5;
	s6 =	smul.u32 $0x14000, s20  }
0x6: {  	s8 =	sadd.s32 $0x18A00, s0;
	s26 =	smul.u32 $0x50000, s20;
	p1 =	seq.s32 s20, $0xF  }
0x7: {  	s3 =	rddreg [dreg:$0x2];
	s24 =	smul.u32 $0x138800, s2;
	_ =	strace $0x80000050  }
0x8: {  	s9 =	ssub.s32 $0x2, s2;
	s2 =	sshll.u32 s2, $0x4;
	s7 =	sshll.u32 s4, $0x7  }
0x9: {  	s11 =	sshrl.u32 s9, $0x1;
	s2 =	sor.u32 s20, s2;
	s10 =	sor.u32 $0x2800, s7  }
0xa: {  	s6 =	sadd.s32 s24, s6;
	s9 =	ssub.s32 s9, s11;
	s11 =	sadd.s32 $0x7800, s7  }
0xb: {  	s16 =	sadd.s32 $0xA000, s7;
	s12 =	sadd.s32 s24, s10;
	s6 =	sshrl.u32 s6, $0x3  }
0xc: {  	s14 =	sadd.s32 s24, s11;
	s15 =	sadd.s32 s24, s16;
	s25 =	sshrl.u32 s12, $0x3  }
0xd: {  	s6 =	sadd.s32 s8, s6;
	s14 =	sshrl.u32 s14, $0x3;
	s15 =	sshrl.u32 s15, $0x3  }
0xe: {  	[dreg:$0x4] =	wrdreg s6;
	s17 =	sadd.s32 s8, s25;
	s6 =	sadd.s32 $0x5000, s7  }
0xf: {  	s18 =	sadd.s32 s8, s14;
	s19 =	sadd.s32 s8, s15;
	[dreg:$0x5] =	wrdreg s17  }
0x10: {  	s25 =	sadd.s32 $0xFFFFDB2F, s4;
	s4 =	smax.u32 s9, $0x1;
	[dreg:$0x7] =	wrdreg s18  }
0x11: {  	s13 =	sadd.s32 s24, s6;
	[dreg:$0x8] =	wrdreg s19;
	s18 =	sadd.s32 $0xC800, s7  }
0x12: {  	s19 =	sadd.s32 $0xF000, s7;
	s7 =	sadd.s32 $0x11800, s7;
	p0 =	sgt.u32 s25, $0x3E  }
0x13: {  	s17 =	smul.u32 $0x5000, s2;
	[dreg:$0xd] =	wrdreg s4;
	s9 =	sadd.s32 s6, s3  }
0x14: {  	s2 =	simm.s32 $0x3;
	s13 =	sshrl.u32 s13, $0x3;
	s21 =	sadd.s32 s24, s18  }
0x15: {  	s22 =	sadd.s32 s24, s19;
	s5 =	sadd.s32 s24, s7;
	s24 =	sshrl.u32 s26, $0x2  }
0x16: {  	s6 =	sadd.s32 s18, s3;
	s7 =	sadd.s32 s7, s3;
	s12 =	sshrl.u32 s9, $0x3  }
0x17: {  	s9 =	simm.s32 $0x2;
	s13 =	sadd.s32 s8, s13;
	s14 =	sshrl.u32 s22, $0x3  }
0x18: {  	s5 =	sshrl.u32 s5, $0x3;
	s15 =	sadd.s32 s24, s3;
	[dreg:$0xf] =	wrdreg s12  }
0x19: {  	s25 =	sshrl.u32 @!p1 s7, $0x3;
	s22 =	sadd.s32 $0x138000, s3;
	s7 =	simm.s32 $0x4800  }
0x1a: {  	[dreg:$0x6] =	wrdreg s13;
	s13 =	sshrl.u32 s21, $0x3;
	s23 =	sadd.s32 s8, s14  }
0x1b: {  	s5 =	sadd.s32 s8, s5;
	s14 =	sadd.s32 $0x4A00, s0;
	s26 =	sadd.s32 $0x2000, s15  }
0x1c: {  	s28 =	sadd.s32 $0x6000, s15;
	s29 =	sadd.s32 $0x8000, s15;
	[dreg:$0x15] =	wrdreg s22  }
0x1d: {  	s30 =	sadd.s32 $0xA000, s15;
	s20 =	sadd.s32 $0xE000, s15;
	[dreg:$0xa] =	wrdreg s23  }
0x1e: {  	s4 =	sadd.s32 $0x10000, s15;
	s21 =	sadd.s32 $0x12000, s15;
	[dreg:$0xb] =	wrdreg s5  }
0x1f: {  	s13 =	sadd.s32 s8, s13;
	[dreg:$0xc] =	wrdreg s26;
	s5 =	sadd.s32 s10, s3  }
0x20: {  	s10 =	sadd.s32 s11, s3;
	s11 =	sadd.s32 s16, s3;
	s8 =	sadd.s32 s19, s3  }
0x21: {  	s23 =	sshrl.u32 @!p1 s6, $0x3;
	s26 =	sadd.s32 $0x4000, s15;
	[dreg:$0x13] =	wrdreg s20  }
0x22: {  	s19 =	sadd.s32 $0xC000, s15;
	[dreg:$0x14] =	wrdreg s21;
	s6 =	simm.s32 $0x2000  }
0x23: {  	[dreg:$0x9] =	wrdreg s13;
	s13 =	sadd.s32 $0x66C00, s0;
	s0 =	sshrl.u32 s5, $0x3  }
0x24: {  	s16 =	sshrl.u32 s10, $0x3;
	s18 =	sshrl.u32 s11, $0x3;
	[dreg:$0x12] =	wrdreg s19  }
0x25: {  	s24 =	sshrl.u32 @!p1 s8, $0x3;
	s5 =	simm.s32 $0x50;
	[dreg:$0xe] =	wrdreg s0  }
0x26: {  	s8 =	simm.s32 $0x1;
	s10 =	simm.s32 $0x1C00;
	[dreg:$0x10] =	wrdreg s16  }
0x27: {  	v0 =	vimm.f32 $0.0e+00;
	s11 =	simm.s32 $0x0;
	[dreg:$0x11] =	wrdreg s18;
	s0 =	simm.s32 $0x7000  }
.LBB2_1:
0x28: {  	s12 =	simm.s32 $0x0  }
0x29: {  	s16 =	sand.u32 $0xFFFFFF80, s12  }
0x2a: {  	s16 =	ssub.s32 $0x0, s16  }
0x2b: {  	s18 =	simm.s32 $0x0;
	s12 =	sand.u32 $0x3FFFFF80, s12;
	s16 =	sand.u32 $0xFFFFFF80, s16  }
0x2c: {  	s18 =	sand.u32 $0x70, s18;
	s16 =	sadd.s32 s16, s12  }
0x2d: {  	s12 =	simm.s32 $0x1;
	s18 =	sor.u32 s18, s16;
	s16 =	simm.s32 $0x0  }
.LBB2_2:
0x2e: {  	s19 =	sshll.u32 s12, $0x4;
	p2 =	sne.s32 s12, $0x1FF;
	s12 =	sadd.s32 $0x1, s12;
	[tilespmem:s18+$0x7000] =	vst v0  }
.Ltmp0:
0x2f: {  	s16 =	sadd.s32 $0x10, s16;
	s18 =	sand.u32 $0xFFFFFF80, s19;
	(pc) =	sbr.rel @p2 .LBB2_2-.Ltmp0, $4  }
0x30: {  	s18 =	ssub.s32 s16, s18  }
0x31: {  	s19 =	sand.u32 $0x3FFFFF80, s19;
	s18 =	sand.u32 $0xFFFFFF80, s18  }
0x32: {  	s20 =	sand.u32 $0x70, s16;
	s18 =	sadd.s32 s18, s19  }
0x33: {  	s18 =	sor.u32 s20, s18  }
0x34: {  	[tilespmem:s18+$0x7000] =	vst v0  }
0x35: {  	[spmem:s15] =	stream.linear.scatter [tilespmem:s0], [sflag:$0x3], $0x2000, $0x38;
	[tilespmem:$0x1C900] =	vst v63  }
0x36: {  	_ =	swait.ge [sflag:s2], $0x2000  }
0x37: {  	[sflag:s2] =	ssyncset.done $0x0  }
0x38: {  	s12 =	rddreg [dreg:$0xc];
	[sflag:s2] =	ssyncadd.s32 $0xFFFFE000  }
0x39: {  	[spmem:s12] =	stream.linear.scatter [tilespmem:s0], [sflag:$0x3], $0x2000, $0x38;
	[tilespmem:$0x1C900] =	vst v63  }
0x3a: {  	_ =	swait.ge [sflag:s2], $0x2000  }
0x3b: {  	[sflag:s2] =	ssyncset.done $0x0  }
0x3c: {  	[sflag:s2] =	ssyncadd.s32 $0xFFFFE000  }
0x3d: {  	[spmem:s26] =	stream.linear.scatter [tilespmem:s0], [sflag:$0x3], $0x2000, $0x38;
	[tilespmem:$0x1C900] =	vst v63  }
0x3e: {  	_ =	swait.ge [sflag:s2], $0x2000  }
0x3f: {  	[sflag:s2] =	ssyncset.done $0x0  }
0x40: {  	[sflag:s2] =	ssyncadd.s32 $0xFFFFE000  }
0x41: {  	[spmem:s28] =	stream.linear.scatter [tilespmem:s0], [sflag:$0x3], $0x2000, $0x38;
	[tilespmem:$0x1C900] =	vst v63  }
0x42: {  	_ =	swait.ge [sflag:s2], $0x2000  }
0x43: {  	[sflag:s2] =	ssyncset.done $0x0  }
0x44: {  	[sflag:s2] =	ssyncadd.s32 $0xFFFFE000  }
0x45: {  	[spmem:s29] =	stream.linear.scatter [tilespmem:s0], [sflag:$0x3], $0x2000, $0x38;
	[tilespmem:$0x1C900] =	vst v63  }
0x46: {  	_ =	swait.ge [sflag:s2], $0x2000  }
0x47: {  	[sflag:s2] =	ssyncset.done $0x0  }
.Ltmp1:
0x48: {  	[sflag:s2] =	ssyncadd.s32 $0xFFFFE000;
	(pc) =	sbr.rel @!p1 .LBB2_4-.Ltmp1, $4  }
0x49: {  	[spmem:s30] =	stream.linear.scatter [tilespmem:s0], [sflag:$0x3], $0x2000, $0x38;
	[tilespmem:$0x1C900] =	vst v63  }
0x4a: {  	_ =	swait.ge [sflag:s2], $0x2000  }
0x4b: {  	[sflag:s2] =	ssyncset.done $0x0  }
0x4c: {  	[sflag:s2] =	ssyncadd.s32 $0xFFFFE000  }
.Ltmp2:
0x4d: {  	s12 =	rddreg [dreg:$0x15];
	(pc) =	sbr.rel .LBB2_5-.Ltmp2, $4  }
0x4e: {  	[spmem:s12] =	stream.linear.scatter [tilespmem:s0], [sflag:$0x3], $0x800, $0x38;
	[tilespmem:$0x1C900] =	vst v63  }
0x4f: {  	_ =	swait.ge [sflag:s2], $0x800  }
0x50: {  	[sflag:s2] =	ssyncset.done $0x0  }
0x51: {  	[sflag:s2] =	ssyncadd.s32 $0xFFFFF800  }
.LBB2_4:
0x52: {  	s12 =	rddreg [dreg:$0x12]  }
0x53: {  	[spmem:s12] =	stream.linear.scatter [tilespmem:s0], [sflag:$0x3], $0x2000, $0x38;
	[tilespmem:$0x1C900] =	vst v63  }
0x54: {  	_ =	swait.ge [sflag:s2], $0x2000  }
0x55: {  	[sflag:s2] =	ssyncset.done $0x0  }
0x56: {  	s21 =	rddreg [dreg:$0x13];
	[sflag:s2] =	ssyncadd.s32 $0xFFFFE000  }
0x57: {  	[spmem:s21] =	stream.linear.scatter [tilespmem:s0], [sflag:$0x3], $0x2000, $0x38;
	[tilespmem:$0x1C900] =	vst v63  }
0x58: {  	_ =	swait.ge [sflag:s2], $0x2000  }
0x59: {  	[sflag:s2] =	ssyncset.done $0x0  }
0x5a: {  	[sflag:s2] =	ssyncadd.s32 $0xFFFFE000  }
0x5b: {  	[spmem:s4] =	stream.linear.scatter [tilespmem:s0], [sflag:$0x3], $0x2000, $0x38;
	[tilespmem:$0x1C900] =	vst v63  }
0x5c: {  	_ =	swait.ge [sflag:s2], $0x2000  }
0x5d: {  	[sflag:s2] =	ssyncset.done $0x0  }
0x5e: {  	s12 =	simm.s32 @!p0 $0x7000;
	[sflag:s2] =	ssyncadd.s32 $0xFFFFE000  }
0x5f: {  	[spmem:s4] =	stream.linear.scatter @!p0 [tilespmem:s12], [sflag:$0x3], $0x800, $0x38;
	[tilespmem:$0x1C900] =	vst v63  }
0x60: {  	s12 =	simm.s32 @!p0 $0x3  }
0x61: {  	_ =	swait.ge @!p0 [sflag:s12], $0x800  }
0x62: {  	[sflag:s12] =	ssyncset.done @!p0 $0x0  }
0x63: {  	s22 =	rddreg [dreg:$0x14];
	[sflag:s12] =	ssyncadd.s32 @!p0 $0xFFFFF800  }
0x64: {  	[spmem:s22] =	stream.linear.scatter [tilespmem:s0], [sflag:$0x3], $0x2000, $0x38;
	[tilespmem:$0x1C900] =	vst v63  }
0x65: {  	_ =	swait.ge [sflag:s2], $0x2000  }
0x66: {  	[sflag:s2] =	ssyncset.done $0x0  }
0x67: {  	[sflag:s2] =	ssyncadd.s32 $0xFFFFE000  }
.LBB2_5:
0x68: {  	[bflag:$0x0] =	sbarrier.arrive $0xFFFF;
	s12 =	simm.s32 $0x0;
	s16 =	simm.s32 $0x0  }
.LBB2_6:
0x69: {  	s18 =	sshll.u32 s16, $0xC  }
0x6a: {  	s18 =	sadd.s32 s17, s18  }
0x6b: {  	s18 =	sshrl.u32 s18, $0x3  }
0x6c: {  	s19 =	sadd.s32 s13, s18  }
0x6d: {  	[tilespmem:s12], [sflag:$0x3] =	stream.linear.gather [hbm4b:s19+s12], $0xC80, $0x38;
	[tilespmem:$0x1C900] =	vst v63  }
0x6e: {  	_ =	swait.ge [sflag:s2], $0xC80  }
0x6f: {  	[sflag:s2] =	ssyncset.done $0x0  }
0x70: {  	s18 =	sadd.s32 s14, s18;
	[sflag:s2] =	ssyncadd.s32 $0xFFFFF380  }
0x71: {  	[tilespmem:s31], [sflag:$0x3] =	stream.linear.gather [hbm4b:s18+s12], $0xC80, $0x38;
	[tilespmem:$0x1C900] =	vst v63  }
0x72: {  	_ =	swait.ge [sflag:s2], $0xC80  }
0x73: {  	[sflag:s2] =	ssyncset.done $0x0  }
0x74: {  	[sflag:s2] =	ssyncadd.s32 $0xFFFFF380  }
0x75: {  	[tilespmem:s6], [sflag:$0x1] =	stream.indirect.gather [hbm4b:s1+s5], $0x80, s12, s5, $0xb8;
	[tilespmem:$0x1C900] =	vst v63  }
0x76: {  	s19 =	simm.s32 $0x80  }
0x77: {  	[tilespmem:s7], [sflag:$0x2] =	stream.indirect.gather [hbm4b:s1+s5], $0x80, s19, s5, $0xb8;
	[tilespmem:$0x1C900] =	vst v63  }
0x78: {  	_ =	swait.ge [sflag:s8], $0x2800  }
0x79: {  	[sflag:s8] =	ssyncset.done $0x0  }
0x7a: {  	s20 =	simm.s32 $0x1000;
	[sflag:s8] =	ssyncadd.s32 $0xFFFFD800  }
0x7b: {  	[spmem:s3] =	stream.indirect.scatter.add.f32 [tilespmem:s6], [sflag:$0x3], $0x80, s20, s5, $0xb8;
	[tilespmem:$0x1C900] =	vst v63  }
0x7c: {  	_ =	swait.ge [sflag:s2], $0x2800  }
0x7d: {  	[sflag:s2] =	ssyncset.done $0x0  }
0x7e: {  	s21 =	simm.s32 $0x100;
	[sflag:s2] =	ssyncadd.s32 $0xFFFFD800  }
0x7f: {  	[tilespmem:s6], [sflag:$0x1] =	stream.indirect.gather [hbm4b:s1+s5], $0x80, s21, s5, $0xb8;
	[tilespmem:$0x1C900] =	vst v63  }
0x80: {  	_ =	swait.ge [sflag:s9], $0x2800  }
0x81: {  	[sflag:s9] =	ssyncset.done $0x0  }
0x82: {  	s22 =	simm.s32 $0x1080;
	[sflag:s9] =	ssyncadd.s32 $0xFFFFD800  }
0x83: {  	[spmem:s3] =	stream.indirect.scatter.add.f32 [tilespmem:s7], [sflag:$0x3], $0x80, s22, s5, $0xb8;
	[tilespmem:$0x1C900] =	vst v63  }
0x84: {  	_ =	swait.ge [sflag:s2], $0x2800  }
0x85: {  	s18 =	simm.s32 $0x100;
	s19 =	simm.s32 $0x800;
	[sflag:s2] =	ssyncset.done $0x0  }
.LBB2_7:
0x86: {  	s20 =	sadd.s32 $0x80, s18  }
0x87: {  	[sflag:s2] =	ssyncadd.s32 $0xFFFFD800;
	s21 =	smov.u32 s19;
	s22 =	sadd.s32 $0x400, s19  }
0x88: {  	[tilespmem:s7], [sflag:$0x2] =	stream.indirect.gather [hbm4b:s1+s5], $0x80, s20, s5, $0xb8;
	[tilespmem:$0x1C900] =	vst v63  }
0x89: {  	p2 =	sne.s32 s19, $0x2C00;
	_ =	swait.ge [sflag:s8], $0x2800  }
0x8a: {  	[sflag:s8] =	ssyncset.done $0x0  }
0x8b: {  	s19 =	sadd.s32 $0x1000, s18;
	[sflag:s8] =	ssyncadd.s32 $0xFFFFD800  }
0x8c: {  	[spmem:s3] =	stream.indirect.scatter.add.f32 [tilespmem:s6], [sflag:$0x3], $0x80, s19, s5, $0xb8;
	[tilespmem:$0x1C900] =	vst v63  }
0x8d: {  	_ =	swait.ge [sflag:s2], $0x2800  }
0x8e: {  	[sflag:s2] =	ssyncset.done $0x0  }
0x8f: {  	s19 =	sadd.s32 $0x100, s18;
	[sflag:s2] =	ssyncadd.s32 $0xFFFFD800  }
0x90: {  	[tilespmem:s6], [sflag:$0x1] =	stream.indirect.gather [hbm4b:s1+s5], $0x80, s19, s5, $0xb8;
	[tilespmem:$0x1C900] =	vst v63  }
0x91: {  	_ =	swait.ge [sflag:s9], $0x2800  }
.Ltmp3:
0x92: {  	[sflag:s9] =	ssyncset.done $0x0;
	(pc) =	sbr.rel @p2 .LBB2_7-.Ltmp3, $4  }
0x93: {  	s18 =	sadd.s32 $0x1080, s18;
	[sflag:s9] =	ssyncadd.s32 $0xFFFFD800  }
0x94: {  	[spmem:s3] =	stream.indirect.scatter.add.f32 [tilespmem:s7], [sflag:$0x3], $0x80, s18, s5, $0xb8;
	[tilespmem:$0x1C900] =	vst v63  }
0x95: {  	_ =	swait.ge [sflag:s2], $0x2800  }
0x96: {  	s19 =	smov.u32 s22;
	s18 =	sshra.s32 s21, $0x2;
	[sflag:s2] =	ssyncset.done $0x0  }
0x97: {  	s19 =	sadd.s32 $0x80, s18;
	[sflag:s2] =	ssyncadd.s32 $0xFFFFD800  }
0x98: {  	[tilespmem:s7], [sflag:$0x2] =	stream.indirect.gather [hbm4b:s1+s5], $0x80, s19, s5, $0xb8;
	[tilespmem:$0x1C900] =	vst v63  }
0x99: {  	_ =	swait.ge [sflag:s8], $0x2800  }
0x9a: {  	[sflag:s8] =	ssyncset.done $0x0  }
0x9b: {  	s20 =	sadd.s32 $0x1000, s18;
	[sflag:s8] =	ssyncadd.s32 $0xFFFFD800  }
0x9c: {  	[spmem:s3] =	stream.indirect.scatter.add.f32 [tilespmem:s6], [sflag:$0x3], $0x80, s20, s5, $0xb8;
	[tilespmem:$0x1C900] =	vst v63  }
0x9d: {  	_ =	swait.ge [sflag:s2], $0x2800  }
0x9e: {  	[sflag:s2] =	ssyncset.done $0x0  }
0x9f: {  	s21 =	sadd.s32 $0x100, s18;
	[sflag:s2] =	ssyncadd.s32 $0xFFFFD800  }
0xa0: {  	[tilespmem:s6], [sflag:$0x1] =	stream.indirect.gather [hbm4b:s1+s5], $0x80, s21, s5, $0xb8;
	[tilespmem:$0x1C900] =	vst v63  }
0xa1: {  	_ =	swait.ge [sflag:s9], $0x2800  }
0xa2: {  	[sflag:s9] =	ssyncset.done $0x0  }
0xa3: {  	s22 =	sadd.s32 $0x1080, s18;
	[sflag:s9] =	ssyncadd.s32 $0xFFFFD800  }
0xa4: {  	[spmem:s3] =	stream.indirect.scatter.add.f32 [tilespmem:s7], [sflag:$0x3], $0x80, s22, s5, $0xb8;
	[tilespmem:$0x1C900] =	vst v63  }
0xa5: {  	_ =	swait.ge [sflag:s2], $0x2800  }
0xa6: {  	[sflag:s2] =	ssyncset.done $0x0  }
0xa7: {  	[sflag:s2] =	ssyncadd.s32 $0xFFFFD800  }
0xa8: {  	s16 =	sadd.s32 $0x1, s16;
	_ =	swait.ge [sflag:s8], $0x2800  }
0xa9: {  	p2 =	sne.s32 s16, $0x5;
	[sflag:s8] =	ssyncset.done $0x0  }
.Ltmp4:
0xaa: {  	[sflag:s8] =	ssyncadd.s32 $0xFFFFD800;
	(pc) =	sbr.rel @p2 .LBB2_6-.Ltmp4, $4  }
0xab: {  	[spmem:s3] =	stream.indirect.scatter.add.f32 [tilespmem:s6], [sflag:$0x3], $0x80, s10, s5, $0xb8;
	[tilespmem:$0x1C900] =	vst v63  }
0xac: {  	_ =	swait.ge [sflag:s2], $0x2800  }
0xad: {  	[sflag:s2] =	ssyncset.done $0x0  }
0xae: {  	[sflag:s2] =	ssyncadd.s32 $0xFFFFD800  }
0xaf: {  	s12 =	stileid.u32  }
0xb0: {  	[bflag:$0x0] =	sbarrier.arrive $0xFFFF;
	s12 =	sshll.u32 s12, $0x6  }
0xb1: {  	s16 =	sshrl.u32 s15, $0x3;
	s18 =	rddreg [dreg:$0x4];
	s12 =	sor.u32 $0x1C03, s12  }
0xb2: {  	[hbm:s18], [sflag:s12] =	dma.local [spmem:s16], $0x500  }
0xb3: {  	_ =	swait.ge [sflag:s2], $0x500  }
0xb4: {  	[sflag:s2] =	ssyncset.done $0x0;
	s19 =	rddreg [dreg:$0x5]  }
0xb5: {  	s20 =	rddreg [dreg:$0xe];
	[sflag:s2] =	ssyncadd.s32 $0xFFFFFB00  }
0xb6: {  	[hbm:s19], [sflag:s12] =	dma.local [spmem:s20], $0x500  }
0xb7: {  	_ =	swait.ge [sflag:s2], $0x500  }
0xb8: {  	[sflag:s2] =	ssyncset.done $0x0;
	s21 =	rddreg [dreg:$0x6]  }
0xb9: {  	s22 =	rddreg [dreg:$0xf];
	[sflag:s2] =	ssyncadd.s32 $0xFFFFFB00  }
0xba: {  	[hbm:s21], [sflag:s12] =	dma.local [spmem:s22], $0x500  }
0xbb: {  	_ =	swait.ge [sflag:s2], $0x500  }
0xbc: {  	[sflag:s2] =	ssyncset.done $0x0;
	s18 =	rddreg [dreg:$0x7]  }
0xbd: {  	s19 =	rddreg [dreg:$0x10];
	[sflag:s2] =	ssyncadd.s32 $0xFFFFFB00  }
0xbe: {  	[hbm:s18], [sflag:s12] =	dma.local [spmem:s19], $0x500  }
0xbf: {  	_ =	swait.ge [sflag:s2], $0x500  }
0xc0: {  	[sflag:s2] =	ssyncset.done $0x0;
	s20 =	rddreg [dreg:$0x8]  }
0xc1: {  	s21 =	rddreg [dreg:$0x11];
	[sflag:s2] =	ssyncadd.s32 $0xFFFFFB00  }
0xc2: {  	[hbm:s20], [sflag:s12] =	dma.local [spmem:s21], $0x500  }
0xc3: {  	_ =	swait.ge [sflag:s2], $0x500  }
0xc4: {  	[sflag:s2] =	ssyncset.done $0x0  }
0xc5: {  	s16 =	rddreg [dreg:$0x9];
	[sflag:s2] =	ssyncadd.s32 $0xFFFFFB00  }
0xc6: {  	[hbm:s16], [sflag:s12] =	dma.local @!p1 [spmem:s23], $0x500  }
0xc7: {  	s16 =	simm.s32 @!p1 $0x3  }
0xc8: {  	_ =	swait.ge @!p1 [sflag:s16], $0x500  }
0xc9: {  	[sflag:s16] =	ssyncset.done @!p1 $0x0  }
0xca: {  	s18 =	rddreg [dreg:$0xa];
	[sflag:s16] =	ssyncadd.s32 @!p1 $0xFFFFFB00  }
0xcb: {  	[hbm:s18], [sflag:s12] =	dma.local @!p1 [spmem:s24], $0x500  }
0xcc: {  	_ =	swait.ge @!p1 [sflag:s16], $0x500  }
0xcd: {  	[sflag:s16] =	ssyncset.done @!p1 $0x0  }
0xce: {  	s18 =	rddreg [dreg:$0xb];
	[sflag:s16] =	ssyncadd.s32 @!p1 $0xFFFFFB00  }
0xcf: {  	[hbm:s18], [sflag:s12] =	dma.local @!p1 [spmem:s25], $0x500  }
0xd0: {  	_ =	swait.ge @!p1 [sflag:s16], $0x500  }
0xd1: {  	s11 =	sadd.s32 $0x1, s11;
	s22 =	rddreg [dreg:$0xd]  }
0xd2: {  	p2 =	sne.s32 s11, s22  }
.Ltmp5:
0xd3: {  	_ = 	snop;
	(pc) =	sbr.rel @p2 .LBB2_1-.Ltmp5, $3  }
0xd4: {  	_ =	sdelay $0x1  }
0xd5: {  	[sflag:s16] =	ssyncset.done @!p1 $0x0  }
0xd6: {  	[sflag:s16] =	ssyncadd.s32 @!p1 $0xFFFFFB00  }
0xd7: {  	_ =	sfence.sel $0x180000  }
0xd8: {  	[bflag:$0x0] =	sbarrier.arrive $0xFFFF  }
0xd9: {  	_ =	strace $0x90000050  }
0xda: {  	s0 =	stileid.u32;
	[bflag:$0x2] =	sbarrier.arrive $0xFFFF  }
0xdb: {  	p0 =	sne.s32 s0, $0x0;
	s0 =	rddreg [dreg:$0x3]  }
0xdc: {  	s0 =	sadd.s32 @!p0 $0x100000, s0  }
0xdd: {  	[sflag:s0] =	ssyncadd.tile.s32 @!p0 $0x1;
	_ =	shalt  }
.Lfunc_end2:
_tile_overlayer_lowered:
.L_overlay_start_2:
0xde: {  	(tag) =	ssettag $0x2  }
0xdf: {  	s0 =	rddreg [dreg:$0x0];
	s2 =	stileid.u32  }
0xe0: {  	s1 =	rddreg [dreg:$0x1];
	p0 =	sne.s32 s2, $0x0  }
0xe1: {  	s3 =	rddreg [dreg:$0x2];
	[bflag:$0x3] =	sbarrier.arrive $0xFFFF;
	s2 =	simm.s32 @!p0 $0x1C03  }
0xe2: {  	[timem:s3], [sflag:s2] =	dma.local @!p0 [hbm:s0], s1  }
0xe3: {  	s0 =	simm.s32 @!p0 $0x3  }
0xe4: {  	_ =	swait.ge @!p0 [sflag:s0], s1  }
0xe5: {  	s1 =	ssub.s32 @!p0 $0x0, s1;
	[sflag:s0] =	ssyncset.done @!p0 $0x0  }
0xe6: {  	[sflag:s0] =	ssyncadd.s32 @!p0 s1  }
0xe7: {  	[bflag:$0x3] =	sbarrier.arrive $0xFFFF  }
0xe8: {  	_ =	shalt  }

// kernel: kernel.9.cloned.1.call-start
scs
__scs_entry_jumppad:
0x0: {  	(pc) =	sbr.rel $0x88, $3  }
0x1: {  	(tag) =	ssettag $0x0;
	lr =	simm.s32 $0x1  }
0x2: {  	[smem:$0x3F8E] =	sst lr;
	_ =	strace $0xD0000000  }
0x3: {  	_ = 	snop  }
0x4: {  	_ = 	snop  }
0x5: {  	_ = 	snop  }
0x6: {  	_ = 	snop  }
0x7: {  	_ = 	snop  }
__scs_overlays_trampoline_lowered:
0x8: {  	[smem:$0x3F9D] =	sst s0  }
0x9: {  	[smem:$0x3F9E] =	sst s1  }
0xa: {  	[smem:$0x3F9F] =	sst s2  }
0xb: {  	[smem:$0x3FA0] =	sst s3  }
0xc: {  	[smem:$0x3FA1] =	sst s4  }
0xd: {  	[smem:$0x3FA2] =	sst s5  }
0xe: {  	[smem:$0x3FA3] =	sst s6  }
0xf: {  	[smem:$0x3FA4] =	sst s7  }
0x10: {  	[smem:$0x3FA5] =	sst s8  }
0x11: {  	[smem:$0x3FA6] =	sst s9;
	s0 =	simm.s32 @!p0 $0x0  }
0x12: {  	s1 =	sld [smem:$0x3F8C];
	s0 =	simm.s32 @p0 $0x1  }
0x13: {  	[smem:$0x3FA7] =	sst s0;
	s0 =	simm.s32 @!p1 $0x0  }
0x14: {  	s2 =	sld [smem:$0x3F8B];
	s0 =	simm.s32 @p1 $0x1  }
0x15: {  	[smem:$0x3FA8] =	sst s0;
	s0 =	simm.s32 @!p2 $0x0  }
0x16: {  	s3 =	sld [smem:$0x3FDB];
	s0 =	simm.s32 @p2 $0x1  }
0x17: {  	s4 =	simm.s32 $0x1BF5;
	[smem:$0x3FAA] =	sst s0  }
0x18: {  	s0 =	sld [smem:$0x3F8D];
	_ =	swait.ge [sflag:s4], $0x0  }
0x19: {  	s7 =	sld [smem:$0x3F8E]  }
0x1a: {  	s8 =	sadd.s32 $0xFFFFE003, lr  }
0x1b: {  	s9 =	sadd.s32 $0xFFFFFEF7, lr;
	s5 =	simm.s32 $0xFFFFFFFF;
	p2 =	slt.u32 s8, $0xFFFFF086  }
0x1c: {  	p1 =	slt.u32 s9, $0xF7A;
	s5 =	simm.s32 @!p2 $0x0  }
0x1d: {  	s5 =	simm.s32 @p1 $0x1;
	p0 =	seq.s32 s7, s2  }
0x1e: {  	s7 =	smul.u32 @!p0 $0xF7A, s2;
	p2 =	seq.s32 @!p0 s5, $0x0  }
0x1f: {  	s9 =	smul.u32 $0xF7A, s1;
	s8 =	simm.s32 @!p0 $0x1BF5;
	p2 =	por !p2, p0  }
0x20: {  	[sflag:s8] =	ssyncset.s32 @!p0 $0xFFFFF086;
	s6 =	sadd.s32 @!p0 s3, s7;
	s7 =	simm.s32 @!p0 $0x108  }
0x21: {  	s3 =	sadd.s32 s3, s9;
	s6 =	sadd.s32 @!p0 $0x88, s6;
	s7 =	simm.s32 @p2 $0x1082  }
0x22: {  	[simem:s7], [sflag:s8] =	dma.local @!p0 [hbm:s6], $0xF7A  }
0x23: {  	s9 =	sor.u32 $0xD0000000, s2;
	s6 =	simm.s32 $0x108;
	_ =	swait.ge @!p0 [sflag:s8], $0x0  }
0x24: {  	s3 =	sadd.s32 $0x88, s3;
	s6 =	simm.s32 @!p1 $0x1082;
	[sflag:s4] =	ssyncset.s32 $0xFFFFF086  }
0x25: {  	[simem:s6], [sflag:s4] =	dma.local [hbm:s3], $0xF7A  }
0x26: {  	[smem:$0x3F8E] =	sst s1;
	(tag) =	ssettag s2;
	_ =	strace s9  }
0x27: {  	s1 =	sld [smem:$0x3F9E]  }
0x28: {  	s2 =	sld [smem:$0x3F9F]  }
0x29: {  	s4 =	sld [smem:$0x3FA1]  }
0x2a: {  	p0 =	seq.s32 s5, $0x0;
	s5 =	sld [smem:$0x3FA2]  }
0x2b: {  	s6 =	sld [smem:$0x3FA3]  }
0x2c: {  	s7 =	sld [smem:$0x3FA4]  }
0x2d: {  	s3 =	simm.s32 $0x108;
	s8 =	sld [smem:$0x3FA5]  }
0x2e: {  	s3 =	simm.s32 @!p0 $0x1082;
	s9 =	sld [smem:$0x3FA6]  }
0x2f: {  	lr =	sadd.s32 s0, s3;
	s0 =	sld [smem:$0x3F9D]  }
0x30: {  	s3 =	sld [smem:$0x3FA0]  }
0x31: {  	[smem:$0x3FA9] =	sst s10  }
0x32: {  	s10 =	sld [smem:$0x3FA7];
	_ =	sdelay $0x3  }
0x33: {  	p0 =	seq.s32 s10, $0x1;
	s10 =	sld [smem:$0x3FA9];
	_ =	sdelay $0x3  }
0x34: {  	[smem:$0x3FA9] =	sst s10  }
0x35: {  	s10 =	sld [smem:$0x3FA8];
	_ =	sdelay $0x3  }
0x36: {  	p1 =	seq.s32 s10, $0x1;
	s10 =	sld [smem:$0x3FA9];
	_ =	sdelay $0x3  }
0x37: {  	[smem:$0x3FA9] =	sst s10  }
0x38: {  	s10 =	sld [smem:$0x3FAA]  }
0x39: {  	_ = 	snop;
	(pc) =	sbr.ind lr, $3  }
0x3a: {  	_ = 	snop  }
0x3b: {  	_ = 	snop  }
0x3c: {  	p2 =	seq.s32 s10, $0x1;
	s10 =	sld [smem:$0x3FA9]  }
0x3d: {  	_ =	shalt  }
0x3e: {  	_ =	shalt  }
0x3f: {  	_ =	shalt  }
0x40: {  	_ =	shalt  }
0x41: {  	_ =	shalt  }
0x42: {  	_ =	shalt  }
0x43: {  	_ =	shalt  }
0x44: {  	_ =	shalt  }
0x45: {  	_ =	shalt  }
0x46: {  	_ =	shalt  }
0x47: {  	_ =	shalt  }
0x48: {  	_ =	shalt  }
0x49: {  	_ =	shalt  }
0x4a: {  	_ =	shalt  }
0x4b: {  	_ =	shalt  }
0x4c: {  	_ =	shalt  }
0x4d: {  	_ =	shalt  }
0x4e: {  	_ =	shalt  }
0x4f: {  	_ =	shalt  }
0x50: {  	_ =	shalt  }
0x51: {  	_ =	shalt  }
0x52: {  	_ =	shalt  }
0x53: {  	_ =	shalt  }
0x54: {  	_ =	shalt  }
0x55: {  	_ =	shalt  }
0x56: {  	_ =	shalt  }
0x57: {  	_ =	shalt  }
0x58: {  	_ =	shalt  }
0x59: {  	_ =	shalt  }
0x5a: {  	_ =	shalt  }
0x5b: {  	_ =	shalt  }
0x5c: {  	_ =	shalt  }
0x5d: {  	_ =	shalt  }
0x5e: {  	_ =	shalt  }
0x5f: {  	_ =	shalt  }
0x60: {  	_ =	shalt  }
0x61: {  	_ =	shalt  }
0x62: {  	_ =	shalt  }
0x63: {  	_ =	shalt  }
0x64: {  	_ =	shalt  }
0x65: {  	_ =	shalt  }
0x66: {  	_ =	shalt  }
0x67: {  	_ =	shalt  }
0x68: {  	_ =	shalt  }
0x69: {  	_ =	shalt  }
0x6a: {  	_ =	shalt  }
0x6b: {  	_ =	shalt  }
0x6c: {  	_ =	shalt  }
0x6d: {  	_ =	shalt  }
0x6e: {  	_ =	shalt  }
0x6f: {  	_ =	shalt  }
0x70: {  	_ =	shalt  }
0x71: {  	_ =	shalt  }
0x72: {  	_ =	shalt  }
0x73: {  	_ =	shalt  }
0x74: {  	_ =	shalt  }
0x75: {  	_ =	shalt  }
0x76: {  	_ =	shalt  }
0x77: {  	_ =	shalt  }
0x78: {  	_ =	shalt  }
0x79: {  	_ =	shalt  }
0x7a: {  	_ =	shalt  }
0x7b: {  	_ =	shalt  }
0x7c: {  	_ =	shalt  }
0x7d: {  	_ =	shalt  }
0x7e: {  	_ =	shalt  }
0x7f: {  	_ =	shalt  }
0x80: {  	_ =	shalt  }
0x81: {  	_ =	shalt  }
0x82: {  	_ =	shalt  }
0x83: {  	_ =	shalt  }
0x84: {  	_ =	shalt  }
0x85: {  	_ =	shalt  }
0x86: {  	_ =	shalt  }
0x87: {  	_ =	shalt  }
.Lfunc_end0:
.L_simem_size_0:
called_computation_lowered:
.L_overlay_start_0:
0x88: {  	s2 =	sld [smem:$0x3FD9]  }
0x89: {  	s3 =	sld [smem:$0x3FFE];
	_ =	sdelay $0x1  }
0x8a: {  	s1 =	srdreg.scid  }
0x8b: {  	s0 =	sand.u32 $0x1, s1  }
0x8c: {  	s16 =	sshll.u32 s0, $0xA;
	s2 =	sadd.s32 s3, s2  }
0x8d: {  	s2 =	sadd.s32 s2, s16  }
0x8e: {  	[smem:$0x3FB5] =	sst s2  }
0x8f: {  	_ = 	snop  }
0x90: {  	(tm) =	ssettm $0x1  }
0x91: {  	s17 =	sld [smem:$0x3FFB];
	_ =	sdelay $0x3  }
0x92: {  	_ =	strace s17  }
0x93: {  	s2 =	sld [smem:$0x3FFC];
	_ =	sdelay $0x3  }
0x94: {  	_ =	strace s2  }
0x95: {  	s2 =	sld [smem:$0x3FFD];
	_ =	sdelay $0x3  }
0x96: {  	_ =	strace s2  }
0x97: {  	_ =	strace $0x8FFFFFFF  }
0x98: {  	s18 =	sld [smem:$0x3FDB];
	_ =	sdelay $0x1  }
0x99: {  	s19 =	simm.s32 $_scs_section_size  }
0x9a: {  	s4 =	simm.s32 $_size__tile_overlayer_lowered;
	s5 =	simm.s32 $_tile_overlayer_lowered  }
0x9b: {  	s22 =	simm.s32 $0x1BFF;
	s21 =	sshll.u32 s5, $0x1;
	s2 =	sadd.s32 s19, s18  }
0x9c: {  	s6 =	simm.s32 $0x0;
	s20 =	sshll.u32 s4, $0x1;
	s4 =	sadd.s32 s21, s2  }
0x9d: {  	[timem:s6], [sflag:s22] =	dma.local [hbm:s4], s20  }
0x9e: {  	_ =	swait.ge [sflag:s22], s20  }
0x9f: {  	s3 =	ssub.s32 $0x0, s20;
	[sflag:s22] =	ssyncset.done $0x0  }
0xa0: {  	[sflag:s22] =	ssyncadd.s32 s3;
	_ =	sdelay $0x1  }
0xa1: {  	s23 =	simm.s32 $0x1B8B  }
0xa2: {  	_ =	swait.ge [sflag:s23], $0x1  }
0xa3: {  	[sflag:s23] =	ssyncset.done $0x0  }
0xa4: {  	s25 =	simm.s32 $0x1B8E;
	s24 =	sld [smem:$0x3FFE];
	[sflag:s23] =	ssyncadd.s32 $0xFFFFFFFF  }
0xa5: {  	s26 =	simm.s32 $execute0_lowered;
	[smem:$0x3FD2] =	sst s25  }
0xa6: {  	s4 =	sshll.u32 s26, $0x1;
	_ =	strace $0x80000046;
	[dreg:$0x1] =	wrdreg $0xFFFFFFFF  }
0xa7: {  	s28 =	simm.s32 $_size_execute0_lowered;
	s2 =	sadd.s32 s2, s4;
	[dreg:$0x0] =	wrdreg $0x0  }
0xa8: {  	s4 =	sshll.u32 s28, $0x1;
	[dreg:$0x2] =	wrdreg s2  }
0xa9: {  	[dreg:$0x3] =	wrdreg s4  }
0xaa: {  	[dreg:$0x4] =	wrdreg $0xC0  }
0xab: {  	_ =	task [dreg:s6], $0x5FFFF  }
0xac: {  	[dreg:$0x1] =	wrdreg $0xFFFFFFFF  }
0xad: {  	[dreg:$0x0] =	wrdreg $0x60  }
0xae: {  	[dreg:$0x2] =	wrdreg s24  }
0xaf: {  	[dreg:$0x3] =	wrdreg $0x58000  }
0xb0: {  	[dreg:$0x4] =	wrdreg $0x9  }
0xb1: {  	_ =	task.clear_ibuf [dreg:s6], $0x5FFFF;
	_ =	strace $0x90000046  }
0xb2: {  	s29 =	simm.s32 $0x9;
	_ =	strace $0x80000048  }
0xb3: {  	_ =	swait.ge [sflag:s29], $0x1  }
0xb4: {  	[sflag:s29] =	ssyncadd.s32 $0xFFFFFFFF  }
0xb5: {  	_ =	strace $0x90000048  }
0xb6: {  	_ =	sfence  }
0xb7: {  	s30 =	sld [smem:$0x0];
	_ =	sdelay $0x2  }
0xb8: {  	s31 =	sshll.u32 s1, $0xD;
	s1 =	sshrl.u32 s1, $0x2  }
0xb9: {  	s3 =	sand.u32 $0x4000, s31;
	s1 =	sadd.s32 s1, s30  }
0xba: {  	s0 =	sor.u32 s3, s0;
	s1 =	sshll.u32 s1, $0x11  }
0xbb: {  	s0 =	sor.u32 s1, s0  }
0xbc: {  	s0 =	sadd.s32 $0x8F2B, s0  }
0xbd: {  	[sflag:s0] =	ssyncadd.remote.s32 $0x1  }
0xbe: {  	_ =	sfence.sel $0xFFFF  }
0xbf: {  	[dreg:$0x0] =	wrdreg $0xFFFFFFFF;
	(pc) =	sbr.abs _section_cstart, $3  }
0xc0: {  	[dreg:$0x1] =	wrdreg $0xFFFFFFFF  }
0xc1: {  	_ =	task.clear_ibuf [dreg:s6], $0x2FFFF;
	_ =	strace $0x9FFFFFFF  }
0xc2: {  	(tm) =	ssettm $0x7FFFFFFF  }
0xc3: {  	_ =	shalt  }
tec
execute0_lowered:
.L_overlay_start_1:
0x0: {  	(tag) =	ssettag $0x1  }
0x1: {  	s0 =	srdreg.scid  }
0x2: {  	s1 =	rddreg [dreg:$0x0];
	s21 =	stileid.u32  }
0x3: {  	s2 =	rddreg [dreg:$0x1];
	s4 =	simm.s32 $0x0;
	s5 =	smul.u32 $0x50000, s21  }
0x4: {  	s0 =	sand.u32 $0x1, s0;
	[smem:$0x7FF] =	sst s4;
	s7 =	smul.u32 $0x280, s21  }
0x5: {  	s20 =	smul.u32 $0x14000, s21;
	p1 =	seq.s32 s21, $0xF;
	s3 =	sshll.u32 s0, $0x4  }
0x6: {  	_ =	strace $0x80000047;
	s18 =	ssub.s32 $0x2, s0;
	s0 =	smul.u32 $0x138800, s0  }
0x7: {  	s3 =	sor.u32 s21, s3;
	s6 =	sshrl.u32 s18, $0x1;
	s19 =	sshrl.u32 s5, $0x2  }
0x8: {  	s8 =	sshll.u32 s7, $0x7;
	s7 =	sadd.s32 $0xFFFFDB2F, s7;
	s3 =	smul.u32 $0x5000, s3  }
0x9: {  	s6 =	ssub.s32 s18, s6;
	s4 =	sadd.s32 s19, s2;
	s5 =	sadd.s32 s0, s20  }
0xa: {  	s24 =	sadd.s32 $0x5000, s8;
	s26 =	sadd.s32 $0x7800, s8;
	s19 =	sadd.s32 $0xA000, s8  }
0xb: {  	p0 =	sgt.u32 s7, $0x3E;
	s6 =	smax.u32 s6, $0x1;
	s5 =	sshrl.u32 s5, $0x3  }
0xc: {  	s25 =	sadd.s32 s0, s24;
	s11 =	sadd.s32 s0, s26;
	s12 =	sadd.s32 s0, s19  }
0xd: {  	s24 =	sadd.s32 s24, s2;
	s28 =	sadd.s32 $0x4000, s4;
	s29 =	sadd.s32 $0x6000, s4  }
0xe: {  	s30 =	sadd.s32 $0x8000, s4;
	s31 =	sadd.s32 $0xA000, s4;
	s3 =	sshrl.u32 s3, $0x3  }
0xf: {  	[dreg:$0x3] =	wrdreg s6;
	s6 =	sor.u32 $0x2800, s8;
	s18 =	sshrl.u32 s11, $0x3  }
0x10: {  	s12 =	sshrl.u32 s12, $0x3;
	s11 =	sadd.s32 $0x12000, s4;
	s3 =	sadd.s32 s3, s1  }
0x11: {  	s1 =	sadd.s32 $0x18A00, s1;
	[dreg:$0xd] =	wrdreg s11;
	s9 =	sadd.s32 $0x4A00, s3  }
0x12: {  	s22 =	sadd.s32 s0, s6;
	s10 =	sadd.s32 $0x4C00, s3;
	[dreg:$0x4] =	wrdreg s9  }
0x13: {  	s5 =	sadd.s32 s1, s5;
	s20 =	sadd.s32 s1, s12;
	[dreg:$0x5] =	wrdreg s10  }
0x14: {  	s16 =	sadd.s32 $0x4E00, s3;
	s17 =	sadd.s32 $0x5000, s3;
	[dreg:$0x6] =	wrdreg s5  }
0x15: {  	s12 =	sadd.s32 $0x138000, s2;
	s9 =	sshrl.u32 s22, $0x3;
	[dreg:$0xa] =	wrdreg s20  }
0x16: {  	s22 =	sadd.s32 $0xC800, s8;
	s20 =	sadd.s32 $0xF000, s8;
	s8 =	sadd.s32 $0x11800, s8  }
0x17: {  	s10 =	sadd.s32 $0xE000, s4;
	[dreg:$0xe] =	wrdreg s12;
	s5 =	simm.s32 $0x50  }
0x18: {  	s23 =	sadd.s32 s1, s9;
	s9 =	sshrl.u32 s25, $0x3;
	s13 =	sadd.s32 s0, s22  }
0x19: {  	s14 =	sadd.s32 s0, s20;
	s0 =	sadd.s32 s0, s8;
	s25 =	sadd.s32 s26, s2  }
0x1a: {  	s26 =	sadd.s32 s19, s2;
	s7 =	sadd.s32 s20, s2;
	[dreg:$0xc] =	wrdreg s10  }
0x1b: {  	s8 =	sadd.s32 s8, s2;
	s20 =	sshrl.u32 s24, $0x3;
	[dreg:$0x7] =	wrdreg s23  }
0x1c: {  	s9 =	sadd.s32 s1, s9;
	s13 =	sshrl.u32 s13, $0x3;
	s14 =	sshrl.u32 s14, $0x3  }
0x1d: {  	s0 =	sshrl.u32 s0, $0x3;
	s23 =	sadd.s32 s6, s2;
	s6 =	sadd.s32 s22, s2  }
0x1e: {  	s21 =	sshrl.u32 s25, $0x3;
	s22 =	sshrl.u32 s26, $0x3;
	s24 =	sshrl.u32 @!p1 s7, $0x3  }
0x1f: {  	s25 =	sshrl.u32 @!p1 s8, $0x3;
	s26 =	sadd.s32 $0x2000, s4;
	s7 =	simm.s32 $0x0  }
0x20: {  	[dreg:$0x8] =	wrdreg s9;
	s9 =	sadd.s32 s1, s18;
	s13 =	sadd.s32 s1, s13  }
0x21: {  	s14 =	sadd.s32 s1, s14;
	s15 =	sadd.s32 s1, s0;
	s18 =	sadd.s32 $0x5200, s3  }
0x22: {  	s19 =	sshrl.u32 s23, $0x3;
	s23 =	sshrl.u32 @!p1 s6, $0x3;
	s0 =	sadd.s32 $0x10000, s4  }
0x23: {  	s1 =	simm.s32 $0x3800;
	[dreg:$0x9] =	wrdreg s9;
	s9 =	sadd.s32 $0xC000, s4  }
0x24: {  	v0 =	vimm.f32 $1.000000000e+00;
	v1 =	vimm.f32 $0.0e+00;
	s3 =	simm.s32 $0x1;
	s6 =	simm.s32 $0x1000;
	[dreg:$0xb] =	wrdreg s9  }
.LBB2_1:
0x25: {  	s8 =	simm.s32 $0x0  }
0x26: {  	s9 =	sand.u32 $0xFFFFFF80, s8  }
0x27: {  	s9 =	ssub.s32 $0x0, s9  }
0x28: {  	s10 =	simm.s32 $0x0;
	s8 =	sand.u32 $0x3FFFFF80, s8;
	s9 =	sand.u32 $0xFFFFFF80, s9  }
0x29: {  	s10 =	sand.u32 $0x70, s10;
	s9 =	sadd.s32 s9, s8  }
0x2a: {  	s8 =	simm.s32 $0x1;
	s10 =	sor.u32 s10, s9;
	s9 =	simm.s32 $0x0  }
.LBB2_2:
0x2b: {  	s11 =	sshll.u32 s8, $0x4;
	p2 =	sne.s32 s8, $0x27F;
	s8 =	sadd.s32 $0x1, s8;
	[tilespmem:s10+$0x1000] =	vst v0  }
.Ltmp0:
0x2c: {  	s9 =	sadd.s32 $0x10, s9;
	s10 =	sand.u32 $0xFFFFFF80, s11;
	(pc) =	sbr.rel @p2 .LBB2_2-.Ltmp0, $4  }
0x2d: {  	s10 =	ssub.s32 s9, s10  }
0x2e: {  	s11 =	sand.u32 $0x3FFFFF80, s11;
	s10 =	sand.u32 $0xFFFFFF80, s10  }
0x2f: {  	s12 =	sand.u32 $0x70, s9;
	s10 =	sadd.s32 s10, s11  }
0x30: {  	s10 =	sor.u32 s12, s10  }
0x31: {  	s9 =	simm.s32 $0x0  }
0x32: {  	s8 =	sand.u32 $0xFFFFFF80, s9  }
0x33: {  	s11 =	ssub.s32 $0x0, s8  }
0x34: {  	s9 =	sand.u32 $0x3FFFFF80, s9;
	s8 =	simm.s32 $0x0;
	s11 =	sand.u32 $0xFFFFFF80, s11  }
0x35: {  	s12 =	sand.u32 $0x70, s8;
	s11 =	sadd.s32 s11, s9  }
0x36: {  	[tilespmem:s10+$0x1000] =	vst v0;
	s9 =	simm.s32 $0x1;
	s10 =	sor.u32 s12, s11  }
.LBB2_4:
0x37: {  	s11 =	sshll.u32 s9, $0x4;
	p2 =	sne.s32 s9, $0x1FF;
	s9 =	sadd.s32 $0x1, s9;
	[tilespmem:s10+$0x3800] =	vst v1  }
.Ltmp1:
0x38: {  	s8 =	sadd.s32 $0x10, s8;
	s10 =	sand.u32 $0xFFFFFF80, s11;
	(pc) =	sbr.rel @p2 .LBB2_4-.Ltmp1, $4  }
0x39: {  	s10 =	ssub.s32 s8, s10  }
0x3a: {  	s11 =	sand.u32 $0x3FFFFF80, s11;
	s10 =	sand.u32 $0xFFFFFF80, s10  }
0x3b: {  	s12 =	sand.u32 $0x70, s8;
	s10 =	sadd.s32 s10, s11  }
0x3c: {  	s10 =	sor.u32 s12, s10  }
0x3d: {  	[tilespmem:s10+$0x3800] =	vst v1  }
0x3e: {  	[spmem:s4] =	stream.linear.scatter [tilespmem:s1], [sflag:$0x1], $0x2000, $0x38;
	[tilespmem:$0x19100] =	vst v63  }
0x3f: {  	_ =	swait.ge [sflag:s3], $0x2000  }
0x40: {  	[sflag:s3] =	ssyncset.done $0x0  }
0x41: {  	[sflag:s3] =	ssyncadd.s32 $0xFFFFE000  }
0x42: {  	[spmem:s26] =	stream.linear.scatter [tilespmem:s1], [sflag:$0x1], $0x2000, $0x38;
	[tilespmem:$0x19100] =	vst v63  }
0x43: {  	_ =	swait.ge [sflag:s3], $0x2000  }
0x44: {  	[sflag:s3] =	ssyncset.done $0x0  }
0x45: {  	[sflag:s3] =	ssyncadd.s32 $0xFFFFE000  }
0x46: {  	[spmem:s28] =	stream.linear.scatter [tilespmem:s1], [sflag:$0x1], $0x2000, $0x38;
	[tilespmem:$0x19100] =	vst v63  }
0x47: {  	_ =	swait.ge [sflag:s3], $0x2000  }
0x48: {  	[sflag:s3] =	ssyncset.done $0x0  }
0x49: {  	[sflag:s3] =	ssyncadd.s32 $0xFFFFE000  }
0x4a: {  	[spmem:s29] =	stream.linear.scatter [tilespmem:s1], [sflag:$0x1], $0x2000, $0x38;
	[tilespmem:$0x19100] =	vst v63  }
0x4b: {  	_ =	swait.ge [sflag:s3], $0x2000  }
0x4c: {  	[sflag:s3] =	ssyncset.done $0x0  }
0x4d: {  	[sflag:s3] =	ssyncadd.s32 $0xFFFFE000  }
0x4e: {  	[spmem:s30] =	stream.linear.scatter [tilespmem:s1], [sflag:$0x1], $0x2000, $0x38;
	[tilespmem:$0x19100] =	vst v63  }
0x4f: {  	_ =	swait.ge [sflag:s3], $0x2000  }
0x50: {  	[sflag:s3] =	ssyncset.done $0x0  }
.Ltmp2:
0x51: {  	[sflag:s3] =	ssyncadd.s32 $0xFFFFE000;
	(pc) =	sbr.rel @!p1 .LBB2_6-.Ltmp2, $4  }
0x52: {  	[spmem:s31] =	stream.linear.scatter [tilespmem:s1], [sflag:$0x1], $0x2000, $0x38;
	[tilespmem:$0x19100] =	vst v63  }
0x53: {  	_ =	swait.ge [sflag:s3], $0x2000  }
0x54: {  	[sflag:s3] =	ssyncset.done $0x0  }
0x55: {  	[sflag:s3] =	ssyncadd.s32 $0xFFFFE000  }
.Ltmp3:
0x56: {  	s8 =	rddreg [dreg:$0xe];
	(pc) =	sbr.rel .LBB2_7-.Ltmp3, $4  }
0x57: {  	[spmem:s8] =	stream.linear.scatter [tilespmem:s1], [sflag:$0x1], $0x800, $0x38;
	[tilespmem:$0x19100] =	vst v63  }
0x58: {  	_ =	swait.ge [sflag:s3], $0x800  }
0x59: {  	[sflag:s3] =	ssyncset.done $0x0  }
0x5a: {  	[sflag:s3] =	ssyncadd.s32 $0xFFFFF800  }
.LBB2_6:
0x5b: {  	s8 =	rddreg [dreg:$0xb]  }
0x5c: {  	[spmem:s8] =	stream.linear.scatter [tilespmem:s1], [sflag:$0x1], $0x2000, $0x38;
	[tilespmem:$0x19100] =	vst v63  }
0x5d: {  	_ =	swait.ge [sflag:s3], $0x2000  }
0x5e: {  	[sflag:s3] =	ssyncset.done $0x0  }
0x5f: {  	s11 =	rddreg [dreg:$0xc];
	[sflag:s3] =	ssyncadd.s32 $0xFFFFE000  }
0x60: {  	[spmem:s11] =	stream.linear.scatter [tilespmem:s1], [sflag:$0x1], $0x2000, $0x38;
	[tilespmem:$0x19100] =	vst v63  }
0x61: {  	_ =	swait.ge [sflag:s3], $0x2000  }
0x62: {  	[sflag:s3] =	ssyncset.done $0x0  }
0x63: {  	[sflag:s3] =	ssyncadd.s32 $0xFFFFE000  }
0x64: {  	[spmem:s0] =	stream.linear.scatter [tilespmem:s1], [sflag:$0x1], $0x2000, $0x38;
	[tilespmem:$0x19100] =	vst v63  }
0x65: {  	_ =	swait.ge [sflag:s3], $0x2000  }
0x66: {  	[sflag:s3] =	ssyncset.done $0x0  }
0x67: {  	s8 =	simm.s32 @!p0 $0x3800;
	[sflag:s3] =	ssyncadd.s32 $0xFFFFE000  }
0x68: {  	[spmem:s0] =	stream.linear.scatter @!p0 [tilespmem:s8], [sflag:$0x1], $0x800, $0x38;
	[tilespmem:$0x19100] =	vst v63  }
0x69: {  	s8 =	simm.s32 @!p0 $0x1  }
0x6a: {  	_ =	swait.ge @!p0 [sflag:s8], $0x800  }
0x6b: {  	[sflag:s8] =	ssyncset.done @!p0 $0x0  }
0x6c: {  	s12 =	rddreg [dreg:$0xd];
	[sflag:s8] =	ssyncadd.s32 @!p0 $0xFFFFF800  }
0x6d: {  	[spmem:s12] =	stream.linear.scatter [tilespmem:s1], [sflag:$0x1], $0x2000, $0x38;
	[tilespmem:$0x19100] =	vst v63  }
0x6e: {  	_ =	swait.ge [sflag:s3], $0x2000  }
0x6f: {  	[sflag:s3] =	ssyncset.done $0x0  }
0x70: {  	[sflag:s3] =	ssyncadd.s32 $0xFFFFE000  }
.LBB2_7:
0x71: {  	[bflag:$0x0] =	sbarrier.arrive $0xFFFF  }
0x72: {  	s8 =	simm.s32 $0x0;
	s9 =	rddreg [dreg:$0x4]  }
0x73: {  	[tilespmem:s8], [sflag:$0x1] =	stream.linear.gather [hbm4b:s9+s8], $0xC80, $0x38;
	[tilespmem:$0x19100] =	vst v63  }
0x74: {  	_ =	swait.ge [sflag:s3], $0xC80  }
0x75: {  	[sflag:s3] =	ssyncset.done $0x0  }
0x76: {  	s12 =	simm.s32 $0x0;
	[sflag:s3] =	ssyncadd.s32 $0xFFFFF380  }
0x77: {  	[spmem:s2] =	stream.indirect.scatter.add.f32 [tilespmem:s6], [sflag:$0x1], $0x80, s12, s5, $0xb8;
	[tilespmem:$0x19100] =	vst v63  }
0x78: {  	_ =	swait.ge [sflag:s3], $0x2800  }
0x79: {  	s8 =	simm.s32 $0x200;
	[sflag:s3] =	ssyncset.done $0x0  }
.LBB2_8:
0x7a: {  	s9 =	sshra.s32 s8, $0x2;
	[sflag:s3] =	ssyncadd.s32 $0xFFFFD800;
	p2 =	sne.s32 s8, $0x3000  }
0x7b: {  	[spmem:s2] =	stream.indirect.scatter.add.f32 [tilespmem:s6], [sflag:$0x1], $0x80, s9, s5, $0xb8;
	[tilespmem:$0x19100] =	vst v63  }
.Ltmp4:
0x7c: {  	_ = 	snop;
	(pc) =	sbr.rel @p2 .LBB2_8-.Ltmp4, $4  }
0x7d: {  	_ = 	snop  }
0x7e: {  	s8 =	sadd.s32 $0x200, s8  }
0x7f: {  	_ =	swait.ge [sflag:s3], $0x2800  }
0x80: {  	[sflag:s3] =	ssyncset.done $0x0  }
0x81: {  	[sflag:s3] =	ssyncadd.s32 $0xFFFFD800;
	s8 =	simm.s32 $0x0;
	s9 =	rddreg [dreg:$0x5]  }
0x82: {  	[tilespmem:s8], [sflag:$0x1] =	stream.linear.gather [hbm4b:s9+s8], $0xC80, $0x38;
	[tilespmem:$0x19100] =	vst v63  }
0x83: {  	_ =	swait.ge [sflag:s3], $0xC80  }
0x84: {  	[sflag:s3] =	ssyncset.done $0x0  }
0x85: {  	s12 =	simm.s32 $0x0;
	[sflag:s3] =	ssyncadd.s32 $0xFFFFF380  }
0x86: {  	[spmem:s2] =	stream.indirect.scatter.add.f32 [tilespmem:s6], [sflag:$0x1], $0x80, s12, s5, $0xb8;
	[tilespmem:$0x19100] =	vst v63  }
0x87: {  	_ =	swait.ge [sflag:s3], $0x2800  }
0x88: {  	s8 =	simm.s32 $0x200;
	[sflag:s3] =	ssyncset.done $0x0  }
.LBB2_10:
0x89: {  	s9 =	sshra.s32 s8, $0x2;
	[sflag:s3] =	ssyncadd.s32 $0xFFFFD800;
	p2 =	sne.s32 s8, $0x3000  }
0x8a: {  	[spmem:s2] =	stream.indirect.scatter.add.f32 [tilespmem:s6], [sflag:$0x1], $0x80, s9, s5, $0xb8;
	[tilespmem:$0x19100] =	vst v63  }
.Ltmp5:
0x8b: {  	_ = 	snop;
	(pc) =	sbr.rel @p2 .LBB2_10-.Ltmp5, $4  }
0x8c: {  	_ = 	snop  }
0x8d: {  	s8 =	sadd.s32 $0x200, s8  }
0x8e: {  	_ =	swait.ge [sflag:s3], $0x2800  }
0x8f: {  	[sflag:s3] =	ssyncset.done $0x0  }
0x90: {  	[sflag:s3] =	ssyncadd.s32 $0xFFFFD800;
	s8 =	simm.s32 $0x0  }
0x91: {  	[tilespmem:s8], [sflag:$0x1] =	stream.linear.gather [hbm4b:s16+s8], $0xC80, $0x38;
	[tilespmem:$0x19100] =	vst v63  }
0x92: {  	_ =	swait.ge [sflag:s3], $0xC80  }
0x93: {  	[sflag:s3] =	ssyncset.done $0x0  }
0x94: {  	s12 =	simm.s32 $0x0;
	[sflag:s3] =	ssyncadd.s32 $0xFFFFF380  }
0x95: {  	[spmem:s2] =	stream.indirect.scatter.add.f32 [tilespmem:s6], [sflag:$0x1], $0x80, s12, s5, $0xb8;
	[tilespmem:$0x19100] =	vst v63  }
0x96: {  	_ =	swait.ge [sflag:s3], $0x2800  }
0x97: {  	s8 =	simm.s32 $0x200;
	[sflag:s3] =	ssyncset.done $0x0  }
.LBB2_12:
0x98: {  	s9 =	sshra.s32 s8, $0x2;
	[sflag:s3] =	ssyncadd.s32 $0xFFFFD800;
	p2 =	sne.s32 s8, $0x3000  }
0x99: {  	[spmem:s2] =	stream.indirect.scatter.add.f32 [tilespmem:s6], [sflag:$0x1], $0x80, s9, s5, $0xb8;
	[tilespmem:$0x19100] =	vst v63  }
.Ltmp6:
0x9a: {  	_ = 	snop;
	(pc) =	sbr.rel @p2 .LBB2_12-.Ltmp6, $4  }
0x9b: {  	_ = 	snop  }
0x9c: {  	s8 =	sadd.s32 $0x200, s8  }
0x9d: {  	_ =	swait.ge [sflag:s3], $0x2800  }
0x9e: {  	[sflag:s3] =	ssyncset.done $0x0  }
0x9f: {  	[sflag:s3] =	ssyncadd.s32 $0xFFFFD800;
	s8 =	simm.s32 $0x0  }
0xa0: {  	[tilespmem:s8], [sflag:$0x1] =	stream.linear.gather [hbm4b:s17+s8], $0xC80, $0x38;
	[tilespmem:$0x19100] =	vst v63  }
0xa1: {  	_ =	swait.ge [sflag:s3], $0xC80  }
0xa2: {  	[sflag:s3] =	ssyncset.done $0x0  }
0xa3: {  	s12 =	simm.s32 $0x0;
	[sflag:s3] =	ssyncadd.s32 $0xFFFFF380  }
0xa4: {  	[spmem:s2] =	stream.indirect.scatter.add.f32 [tilespmem:s6], [sflag:$0x1], $0x80, s12, s5, $0xb8;
	[tilespmem:$0x19100] =	vst v63  }
0xa5: {  	_ =	swait.ge [sflag:s3], $0x2800  }
0xa6: {  	s8 =	simm.s32 $0x200;
	[sflag:s3] =	ssyncset.done $0x0  }
.LBB2_14:
0xa7: {  	s9 =	sshra.s32 s8, $0x2;
	[sflag:s3] =	ssyncadd.s32 $0xFFFFD800;
	p2 =	sne.s32 s8, $0x3000  }
0xa8: {  	[spmem:s2] =	stream.indirect.scatter.add.f32 [tilespmem:s6], [sflag:$0x1], $0x80, s9, s5, $0xb8;
	[tilespmem:$0x19100] =	vst v63  }
.Ltmp7:
0xa9: {  	_ = 	snop;
	(pc) =	sbr.rel @p2 .LBB2_14-.Ltmp7, $4  }
0xaa: {  	_ = 	snop  }
0xab: {  	s8 =	sadd.s32 $0x200, s8  }
0xac: {  	_ =	swait.ge [sflag:s3], $0x2800  }
0xad: {  	[sflag:s3] =	ssyncset.done $0x0  }
0xae: {  	[sflag:s3] =	ssyncadd.s32 $0xFFFFD800;
	s8 =	simm.s32 $0x0  }
0xaf: {  	[tilespmem:s8], [sflag:$0x1] =	stream.linear.gather [hbm4b:s18+s8], $0xC80, $0x38;
	[tilespmem:$0x19100] =	vst v63  }
0xb0: {  	_ =	swait.ge [sflag:s3], $0xC80  }
0xb1: {  	[sflag:s3] =	ssyncset.done $0x0  }
0xb2: {  	s12 =	simm.s32 $0x0;
	[sflag:s3] =	ssyncadd.s32 $0xFFFFF380  }
0xb3: {  	[spmem:s2] =	stream.indirect.scatter.add.f32 [tilespmem:s6], [sflag:$0x1], $0x80, s12, s5, $0xb8;
	[tilespmem:$0x19100] =	vst v63  }
0xb4: {  	_ =	swait.ge [sflag:s3], $0x2800  }
0xb5: {  	s8 =	simm.s32 $0x200;
	[sflag:s3] =	ssyncset.done $0x0  }
.LBB2_16:
0xb6: {  	s9 =	sshra.s32 s8, $0x2;
	[sflag:s3] =	ssyncadd.s32 $0xFFFFD800;
	p2 =	sne.s32 s8, $0x3000  }
0xb7: {  	[spmem:s2] =	stream.indirect.scatter.add.f32 [tilespmem:s6], [sflag:$0x1], $0x80, s9, s5, $0xb8;
	[tilespmem:$0x19100] =	vst v63  }
.Ltmp8:
0xb8: {  	_ = 	snop;
	(pc) =	sbr.rel @p2 .LBB2_16-.Ltmp8, $4  }
0xb9: {  	_ = 	snop  }
0xba: {  	s8 =	sadd.s32 $0x200, s8  }
0xbb: {  	_ =	swait.ge [sflag:s3], $0x2800  }
0xbc: {  	[sflag:s3] =	ssyncset.done $0x0  }
0xbd: {  	[sflag:s3] =	ssyncadd.s32 $0xFFFFD800;
	s8 =	stileid.u32  }
0xbe: {  	s8 =	sshll.u32 s8, $0x6;
	[bflag:$0x0] =	sbarrier.arrive $0xFFFF  }
0xbf: {  	s9 =	sshrl.u32 s4, $0x3;
	s8 =	sor.u32 $0x1C01, s8;
	s10 =	rddreg [dreg:$0x6]  }
0xc0: {  	[hbm:s10], [sflag:s8] =	dma.local [spmem:s9], $0x500  }
0xc1: {  	_ =	swait.ge [sflag:s3], $0x500  }
0xc2: {  	[sflag:s3] =	ssyncset.done $0x0  }
0xc3: {  	s11 =	rddreg [dreg:$0x7];
	[sflag:s3] =	ssyncadd.s32 $0xFFFFFB00  }
0xc4: {  	[hbm:s11], [sflag:s8] =	dma.local [spmem:s19], $0x500  }
0xc5: {  	_ =	swait.ge [sflag:s3], $0x500  }
0xc6: {  	[sflag:s3] =	ssyncset.done $0x0  }
0xc7: {  	s12 =	rddreg [dreg:$0x8];
	[sflag:s3] =	ssyncadd.s32 $0xFFFFFB00  }
0xc8: {  	[hbm:s12], [sflag:s8] =	dma.local [spmem:s20], $0x500  }
0xc9: {  	_ =	swait.ge [sflag:s3], $0x500  }
0xca: {  	[sflag:s3] =	ssyncset.done $0x0  }
0xcb: {  	s10 =	rddreg [dreg:$0x9];
	[sflag:s3] =	ssyncadd.s32 $0xFFFFFB00  }
0xcc: {  	[hbm:s10], [sflag:s8] =	dma.local [spmem:s21], $0x500  }
0xcd: {  	_ =	swait.ge [sflag:s3], $0x500  }
0xce: {  	[sflag:s3] =	ssyncset.done $0x0  }
0xcf: {  	s11 =	rddreg [dreg:$0xa];
	[sflag:s3] =	ssyncadd.s32 $0xFFFFFB00  }
0xd0: {  	[hbm:s11], [sflag:s8] =	dma.local [spmem:s22], $0x500  }
0xd1: {  	_ =	swait.ge [sflag:s3], $0x500  }
0xd2: {  	[sflag:s3] =	ssyncset.done $0x0  }
0xd3: {  	s9 =	simm.s32 @!p1 $0x1;
	[sflag:s3] =	ssyncadd.s32 $0xFFFFFB00  }
0xd4: {  	[hbm:s13], [sflag:s8] =	dma.local @!p1 [spmem:s23], $0x500  }
0xd5: {  	_ =	swait.ge @!p1 [sflag:s9], $0x500  }
0xd6: {  	[sflag:s9] =	ssyncset.done @!p1 $0x0  }
0xd7: {  	[sflag:s9] =	ssyncadd.s32 @!p1 $0xFFFFFB00  }
0xd8: {  	[hbm:s14], [sflag:s8] =	dma.local @!p1 [spmem:s24], $0x500  }
0xd9: {  	_ =	swait.ge @!p1 [sflag:s9], $0x500  }
0xda: {  	[sflag:s9] =	ssyncset.done @!p1 $0x0  }
0xdb: {  	[sflag:s9] =	ssyncadd.s32 @!p1 $0xFFFFFB00  }
0xdc: {  	[hbm:s15], [sflag:s8] =	dma.local @!p1 [spmem:s25], $0x500  }
0xdd: {  	_ =	swait.ge @!p1 [sflag:s9], $0x500  }
0xde: {  	s7 =	sadd.s32 $0x1, s7;
	s12 =	rddreg [dreg:$0x3]  }
0xdf: {  	p2 =	sne.s32 s7, s12  }
.Ltmp9:
0xe0: {  	_ = 	snop;
	(pc) =	sbr.rel @p2 .LBB2_1-.Ltmp9, $3  }
0xe1: {  	_ =	sdelay $0x1  }
0xe2: {  	[sflag:s9] =	ssyncset.done @!p1 $0x0  }
0xe3: {  	[sflag:s9] =	ssyncadd.s32 @!p1 $0xFFFFFB00  }
0xe4: {  	_ =	sfence.sel $0x180000  }
0xe5: {  	[bflag:$0x0] =	sbarrier.arrive $0xFFFF  }
0xe6: {  	_ =	strace $0x90000047  }
0xe7: {  	s0 =	stileid.u32;
	[bflag:$0x2] =	sbarrier.arrive $0xFFFF  }
0xe8: {  	p0 =	sne.s32 s0, $0x0;
	s0 =	rddreg [dreg:$0x2]  }
0xe9: {  	s0 =	sadd.s32 @!p0 $0x100000, s0  }
0xea: {  	[sflag:s0] =	ssyncadd.tile.s32 @!p0 $0x1;
	_ =	shalt  }
.Lfunc_end2:
_tile_overlayer_lowered:
.L_overlay_start_2:
0xeb: {  	(tag) =	ssettag $0x2  }
0xec: {  	s0 =	rddreg [dreg:$0x0];
	s2 =	stileid.u32  }
0xed: {  	s1 =	rddreg [dreg:$0x1];
	p0 =	sne.s32 s2, $0x0  }
0xee: {  	s3 =	rddreg [dreg:$0x2];
	[bflag:$0x3] =	sbarrier.arrive $0xFFFF;
	s2 =	simm.s32 @!p0 $0x1C01  }
0xef: {  	[timem:s3], [sflag:s2] =	dma.local @!p0 [hbm:s0], s1  }
0xf0: {  	s0 =	simm.s32 @!p0 $0x1  }
0xf1: {  	_ =	swait.ge @!p0 [sflag:s0], s1  }
0xf2: {  	s1 =	ssub.s32 @!p0 $0x0, s1;
	[sflag:s0] =	ssyncset.done @!p0 $0x0  }
0xf3: {  	[sflag:s0] =	ssyncadd.s32 @!p0 s1  }
0xf4: {  	[bflag:$0x3] =	sbarrier.arrive $0xFFFF  }
0xf5: {  	_ =	shalt  }

</sc_bundles>
